<compile_context>
chip_gen: v7x
topology: tpu7x:2x2x1
jax: 0.10.2.dev20260603
libtpu: 0.0.44.dev20260713+nightly
codegen_flags: <defaults>
</compile_context>

<pallas_src>
import functools

import jax
import jax.numpy as jnp
from jax import lax
from jax.experimental import pallas as pl
from jax.experimental.pallas import tpu as pltpu
from jax.experimental.pallas import tpu_sc as plsc

N = 10000
E = 320000
D = 128
B = 100000
BPAD = 102400
NC, NS = 2, 16
EPT = E // NS
G = 100
NG = EPT // G
RPT = 624
RPT_LAST = N - 15 * RPT
CW = 16
LG = 80
LPW = BPAD // (NC * NS)
LNG = LPW // LG
RB = 2000
SB = 4096

_mesh = plsc.VectorSubcoreMesh(core_axis_name="c", subcore_axis_name="s")



NCH = 5
CHG = NG // NCH

_sc_params = pltpu.CompilerParams(use_tc_tiling_on_sc=False)


def _make_spmm(with_counts):
  out_type = [jax.ShapeDtypeStruct((2, N, D), jnp.float32)]
  scratch = [
      pltpu.VMEM((CHG, G), jnp.int32),
      pltpu.VMEM((CHG, G), jnp.int32),
      pltpu.VMEM((G, D), jnp.float32),
      pltpu.VMEM((G, D), jnp.float32),
      pltpu.VMEM_SHARED((N, D), jnp.float32),
      pltpu.SemaphoreType.DMA,
      pltpu.SemaphoreType.DMA,
  ]
  if with_counts:
    out_type.append(jax.ShapeDtypeStruct((2, N, CW), jnp.float32))
    scratch += [
        pltpu.VMEM((G, CW), jnp.float32),
        pltpu.VMEM_SHARED((N, CW), jnp.float32),
    ]

  @functools.partial(pl.kernel, out_type=out_type, mesh=_mesh,
                     scratch_types=scratch, compiler_params=_sc_params)
  def spmm(*refs):
    if with_counts:
      (t_cat, e_src, e_dst, zrow, zcnt, ones_h,
       agg_out, cnt_out, src_v, dst_v, rows0, rows1, acc,
       sem0, sem1, ones_v, cacc) = refs
    else:
      (t_cat, e_src, e_dst, zrow,
       agg_out, src_v, dst_v, rows0, rows1, acc, sem0, sem1) = refs
    c = lax.axis_index("c")
    s = lax.axis_index("s")
    row0 = s * RPT

    def per_tile(fn):
      @pl.when(s < NS - 1)
      def _():
        fn(row0, RPT)

      @pl.when(s == NS - 1)
      def _():
        fn((NS - 1) * RPT, RPT_LAST)

    per_tile(lambda o, n: pltpu.sync_copy(zrow.at[pl.ds(0, n)],
                                          acc.at[pl.ds(o, n)]))
    if with_counts:
      per_tile(lambda o, n: pltpu.sync_copy(zcnt.at[pl.ds(0, n)],
                                            cacc.at[pl.ds(o, n)]))
      pltpu.sync_copy(ones_h, ones_v)
    plsc.subcore_barrier()

    def accum(dst_v, rows, g):
      pltpu.sync_copy(rows, acc.at[dst_v.at[g]], add=True)
      if with_counts:
        pltpu.sync_copy(ones_v, cacc.at[dst_v.at[g]], add=True)

    def body(j, carry):
      g0 = 2 * j
      h1 = pltpu.async_copy(t_cat.at[src_v.at[g0 + 1]], rows1, sem1)
      pltpu.make_async_copy(t_cat.at[src_v.at[g0]], rows0, sem0).wait()
      accum(dst_v, rows0, g0)

      @pl.when(j < CHG // 2 - 1)
      def _():
        pltpu.async_copy(t_cat.at[src_v.at[g0 + 2]], rows0, sem0)
      h1.wait()
      accum(dst_v, rows1, g0 + 1)
      return carry

    for ci in range(NCH):
      pltpu.sync_copy(e_src.at[c, s, pl.ds(ci * CHG, CHG)], src_v)
      pltpu.sync_copy(e_dst.at[c, s, pl.ds(ci * CHG, CHG)], dst_v)
      pltpu.async_copy(t_cat.at[src_v.at[0]], rows0, sem0)
      lax.fori_loop(0, CHG // 2, body, 0)

    plsc.subcore_barrier()
    per_tile(lambda o, n: pltpu.sync_copy(acc.at[pl.ds(o, n)],
                                          agg_out.at[c, pl.ds(o, n)]))
    if with_counts:
      per_tile(lambda o, n: pltpu.sync_copy(cacc.at[pl.ds(o, n)],
                                            cnt_out.at[c, pl.ds(o, n)]))

  return spmm


_spmm_counts = _make_spmm(True)
_spmm_plain = _make_spmm(False)



@functools.partial(
    pl.kernel,
    out_type=jax.ShapeDtypeStruct((2, BPAD, D), jnp.float32),
    mesh=_mesh,
    scratch_types=[
        pltpu.VMEM((LNG, LG), jnp.int32),
        pltpu.VMEM((LG, D), jnp.float32),
        pltpu.VMEM((LG, D), jnp.float32),
        pltpu.SemaphoreType.DMA,
        pltpu.SemaphoreType.DMA,
    ])
def _link_gather(u_cat, idx, z_out, idx_v, rows0, rows1, sem0, sem1):
  c = lax.axis_index("c")
  s = lax.axis_index("s")
  w = s * NC + c
  for t in range(2):
    pltpu.sync_copy(idx.at[t, w], idx_v)
    pltpu.async_copy(u_cat.at[idx_v.at[0]], rows0, sem0)

    def body(j, carry):
      g0 = 2 * j
      h1 = pltpu.async_copy(u_cat.at[idx_v.at[g0 + 1]], rows1, sem1)
      pltpu.make_async_copy(u_cat.at[idx_v.at[g0]], rows0, sem0).wait()
      pltpu.sync_copy(rows0, z_out.at[t, pl.ds(w * LPW + g0 * LG, LG)])

      @pl.when(j < LNG // 2 - 1)
      def _():
        pltpu.async_copy(u_cat.at[idx_v.at[g0 + 2]], rows0, sem0)
      h1.wait()
      pltpu.sync_copy(rows1, z_out.at[t, pl.ds(w * LPW + (g0 + 1) * LG, LG)])
      return carry
    lax.fori_loop(0, LNG // 2, body, 0)



def _pre0_body(xd, xs, w0, w1, t_ref):
  t_ref[0] = jnp.dot(xd[...], w0[...], preferred_element_type=jnp.float32)
  t_ref[1] = jnp.dot(xs[...], w1[...], preferred_element_type=jnp.float32)


def _finish(agg, cnt, rt):
  mean = agg / jnp.maximum(cnt[:, 0:1], 1.0)
  o = mean + rt
  nrm = jnp.sqrt(jnp.sum(o * o, axis=-1, keepdims=True))
  return o / jnp.maximum(nrm, 1e-12)


def _post0_body(agg, cnt, xd, xs, wr0a, wr0b, b0a, b0b,
                wn1a, wn1b, wr1a, wr1b, b1a, b1b, t1_ref, r1_ref):
  f32 = jnp.float32
  di1 = _finish(agg[0], cnt[0],
                jnp.dot(xs[...], wr0a[...], preferred_element_type=f32)
                + b0a[...])
  dr1 = _finish(agg[1], cnt[1],
                jnp.dot(xd[...], wr0b[...], preferred_element_type=f32)
                + b0b[...])
  di1 = jnp.maximum(di1, 0.0)
  dr1 = jnp.maximum(dr1, 0.0)
  t1_ref[0] = jnp.dot(dr1, wn1a[...], preferred_element_type=f32)
  t1_ref[1] = jnp.dot(di1, wn1b[...], preferred_element_type=f32)
  r1_ref[0] = jnp.dot(di1, wr1a[...], preferred_element_type=f32) + b1a[...]
  r1_ref[1] = jnp.dot(dr1, wr1b[...], preferred_element_type=f32) + b1b[...]


def _post1_body(agg, cnt, r1, wt, wb, bl, u_ref):
  f32 = jnp.float32
  di2 = _finish(agg[0], cnt[0], r1[0])
  dr2 = _finish(agg[1], cnt[1], r1[1])
  u_ref[0] = jnp.dot(dr2, wt[...], preferred_element_type=f32) + bl[...]
  u_ref[1] = jnp.dot(di2, wb[...], preferred_element_type=f32)


def _score_body(z, w2, b2, o_ref):
  sc = jnp.sum(jnp.maximum(z[0] + z[1], 0.0) * w2[...], axis=-1)
  o_ref[...] = sc.reshape(SB // D, D) + b2[...]


def _node_spec(stacked):
  if stacked:
    return pl.BlockSpec((2, RB, D), lambda i: (0, i, 0))
  return pl.BlockSpec((RB, D), lambda i: (i, 0))


def _full_spec(shape):
  return pl.BlockSpec(shape, lambda i: tuple(0 for _ in shape))



def kernel(x_drug, x_disease, edge_d2s, edge_s2d, edge_label_index,
           W_nb_0_d2s, b_nb_0_d2s, W_rt_0_d2s,
           W_nb_0_s2d, b_nb_0_s2d, W_rt_0_s2d,
           W_nb_1_d2s, b_nb_1_d2s, W_rt_1_d2s,
           W_nb_1_s2d, b_nb_1_s2d, W_rt_1_s2d,
           W_lin1, b_lin1, W_lin2, b_lin2):
  f32 = jnp.float32
  grid_n = N // RB

  t0 = pl.pallas_call(
      _pre0_body,
      grid=(grid_n,),
      in_specs=[_node_spec(False), _node_spec(False),
                _full_spec((D, D)), _full_spec((D, D))],
      out_specs=_node_spec(True),
      out_shape=jax.ShapeDtypeStruct((2, N, D), f32),
  )(x_drug, x_disease, W_nb_0_d2s, W_nb_0_s2d)

  src_cat = jnp.stack([edge_d2s[0], edge_s2d[0] + N]).reshape(2, NS, NG, G)
  dst_all = jnp.stack([edge_d2s[1], edge_s2d[1]]).reshape(2, NS, NG, G)
  zrow = jnp.zeros((RPT_LAST, D), f32)
  zcnt = jnp.zeros((RPT_LAST, CW), f32)
  ones_g = jnp.ones((G, CW), f32)

  agg0, cnt = _spmm_counts(t0.reshape(2 * N, D), src_cat, dst_all,
                           zrow, zcnt, ones_g)

  b_shapes = lambda b: b.reshape(1, D)
  t1, r1 = pl.pallas_call(
      _post0_body,
      grid=(grid_n,),
      in_specs=[_node_spec(True),
                pl.BlockSpec((2, RB, CW), lambda i: (0, i, 0)),
                _node_spec(False), _node_spec(False),
                _full_spec((D, D)), _full_spec((D, D)),
                _full_spec((1, D)), _full_spec((1, D)),
                _full_spec((D, D)), _full_spec((D, D)),
                _full_spec((D, D)), _full_spec((D, D)),
                _full_spec((1, D)), _full_spec((1, D))],
      out_specs=[_node_spec(True), _node_spec(True)],
      out_shape=[jax.ShapeDtypeStruct((2, N, D), f32),
                 jax.ShapeDtypeStruct((2, N, D), f32)],
  )(agg0, cnt, x_drug, x_disease,
    W_rt_0_d2s, W_rt_0_s2d, b_shapes(b_nb_0_d2s), b_shapes(b_nb_0_s2d),
    W_nb_1_d2s, W_nb_1_s2d, W_rt_1_d2s, W_rt_1_s2d,
    b_shapes(b_nb_1_d2s), b_shapes(b_nb_1_s2d))

  agg1, = _spmm_plain(t1.reshape(2 * N, D), src_cat, dst_all, zrow)

  u = pl.pallas_call(
      _post1_body,
      grid=(grid_n,),
      in_specs=[_node_spec(True),
                pl.BlockSpec((2, RB, CW), lambda i: (0, i, 0)),
                _node_spec(True),
                _full_spec((D, D)), _full_spec((D, D)), _full_spec((1, D))],
      out_specs=_node_spec(True),
      out_shape=jax.ShapeDtypeStruct((2, N, D), f32),
  )(agg1, cnt, r1, W_lin1[:D], W_lin1[D:], b_lin1.reshape(1, D))

  npad = BPAD - B
  row_pad = jnp.concatenate([edge_label_index[0],
                             jnp.arange(npad, dtype=jnp.int32)])
  col_pad = jnp.concatenate([edge_label_index[1],
                             jnp.arange(npad, dtype=jnp.int32)])
  idx_link = jnp.stack([row_pad, col_pad + N]).reshape(2, NC * NS, LNG, LG)
  z = _link_gather(u.reshape(2 * N, D), idx_link)

  scores = pl.pallas_call(
      _score_body,
      grid=(BPAD // SB,),
      in_specs=[pl.BlockSpec((2, SB, D), lambda i: (0, i, 0)),
                _full_spec((1, D)), _full_spec((1, D))],
      out_specs=pl.BlockSpec((SB // D, D), lambda i: (i, 0)),
      out_shape=jax.ShapeDtypeStruct((BPAD // D, D), f32),
  )(z, W_lin2.reshape(1, D), jnp.broadcast_to(b_lin2.reshape(1, 1), (1, D)))

  return scores.reshape(-1)[:B]

# --- scband reference (transcript-rebuilt; emitter-appended) ---
"""Pipeline reference for scband-model-9294309228758 (READ-ONLY COPY).

The authoritative reference and input builder live on the scoring server;
editing this copy changes nothing except your own understanding.
"""

import jax, jax.numpy as jnp
import numpy as np

N_DRUG = 10000
N_DIS = 10000
E = 320000
D = 128
B = 100000


def setup_inputs(seed: int = 0) -> dict:
    key = jax.random.key(seed)
    ks = jax.random.split(key, 32)
    inp = {}
    inp["x_drug"] = jax.random.normal(ks[0], (N_DRUG, D), jnp.float32)
    inp["x_disease"] = jax.random.normal(ks[1], (N_DIS, D), jnp.float32)
    inp["edge_d2s"] = jax.random.randint(ks[2], (2, E), 0, N_DRUG, dtype=jnp.int32)
    inp["edge_s2d"] = jax.random.randint(ks[3], (2, E), 0, N_DIS, dtype=jnp.int32)
    inp["edge_label_index"] = jax.random.randint(ks[4], (2, B), 0, N_DRUG, dtype=jnp.int32)
    i = 5
    for l in range(2):
        for et in ("d2s", "s2d"):
            inp[f"W_nb_{l}_{et}"] = jax.random.normal(ks[i], (D, D), jnp.float32) * 0.05; i += 1
            inp[f"b_nb_{l}_{et}"] = jnp.zeros((D,), jnp.float32)
            inp[f"W_rt_{l}_{et}"] = jax.random.normal(ks[i], (D, D), jnp.float32) * 0.05; i += 1
    inp["W_lin1"] = jax.random.normal(ks[i], (2 * D, D), jnp.float32) * 0.05; i += 1
    inp["b_lin1"] = jnp.zeros((D,), jnp.float32)
    inp["W_lin2"] = jax.random.normal(ks[i], (D, 1), jnp.float32) * 0.05; i += 1
    inp["b_lin2"] = jnp.zeros((1,), jnp.float32)
    return inp


def _sage(x_src, x_dst, edge, W_nb, b_nb, W_rt):
    # PyG SAGEConv(aggr=mean, normalize=True): lin_l(mean_j x_j) + lin_r(x_i), then L2-normalize
    src, dst = edge[0], edge[1]
    n_dst = x_dst.shape[0]
    msgs = jnp.take(x_src, src, axis=0)
    summed = jax.ops.segment_sum(msgs, dst, num_segments=n_dst)
    cnt = jax.ops.segment_sum(jnp.ones((edge.shape[1],), x_src.dtype), dst, num_segments=n_dst)
    mean = summed / jnp.clip(cnt, 1.0)[:, None]
    out = mean @ W_nb + b_nb + x_dst @ W_rt
    nrm = jnp.sqrt(jnp.sum(out * out, axis=-1, keepdims=True))
    return out / jnp.clip(nrm, 1e-12)


def reference(x_drug, x_disease, edge_d2s, edge_s2d, edge_label_index,
              W_nb_0_d2s, b_nb_0_d2s, W_rt_0_d2s,
              W_nb_0_s2d, b_nb_0_s2d, W_rt_0_s2d,
              W_nb_1_d2s, b_nb_1_d2s, W_rt_1_d2s,
              W_nb_1_s2d, b_nb_1_s2d, W_rt_1_s2d,
              W_lin1, b_lin1, W_lin2, b_lin2):
    # layer 0 (to_hetero: each node type aggregated from its single incoming edge type)
    di1 = _sage(x_drug, x_disease, edge_d2s, W_nb_0_d2s, b_nb_0_d2s, W_rt_0_d2s)
    dr1 = _sage(x_disease, x_drug, edge_s2d, W_nb_0_s2d, b_nb_0_s2d, W_rt_0_s2d)
    di1 = jax.nn.relu(di1)
    dr1 = jax.nn.relu(dr1)
    # layer 1 (last layer, no relu)
    di2 = _sage(dr1, di1, edge_d2s, W_nb_1_d2s, b_nb_1_d2s, W_rt_1_d2s)
    dr2 = _sage(di1, dr1, edge_s2d, W_nb_1_s2d, b_nb_1_s2d, W_rt_1_s2d)
    # link predictor: concatenate aggregator
    row, col = edge_label_index[0], edge_label_index[1]
    z = jnp.concatenate([jnp.take(dr2, row, axis=0), jnp.take(di2, col, axis=0)], axis=-1)
    z = jax.nn.relu(z @ W_lin1 + b_lin1) @ W_lin2 + b_lin2
    return z.reshape(-1)

if __name__ == "__main__":
    import jax
    _d = setup_inputs()
    print(jax.jit(kernel)(*tuple(_d.values())))

</pallas_src>

<mosaic_0001>
#map = affine_map<(d0, d1) -> (0, 0)>
#map1 = affine_map<(d0, d1) -> (0, 0, 0, 0)>
#map2 = affine_map<(d0, d1) -> (0, 0, 0)>
module attributes {stable_mosaic.version = 14 : i64} {
  func.func @spmm(%arg0: i32, %arg1: i32, %arg2: memref<20000x128xf32, #tpu.memory_space<hbm>>, %arg3: memref<2x16x200x100xi32, #tpu.memory_space<hbm>>, %arg4: memref<2x16x200x100xi32, #tpu.memory_space<hbm>>, %arg5: memref<640x128xf32, #tpu.memory_space<hbm>>, %arg6: memref<640x16xf32, #tpu.memory_space<hbm>>, %arg7: memref<100x16xf32, #tpu.memory_space<hbm>>, %arg8: memref<2x10000x128xf32, #tpu.memory_space<hbm>>, %arg9: memref<2x10000x16xf32, #tpu.memory_space<hbm>>, %arg10: memref<40x100xi32, #tpu.memory_space<vmem>>, %arg11: memref<40x100xi32, #tpu.memory_space<vmem>>, %arg12: memref<100x128xf32, #tpu.memory_space<vmem>>, %arg13: memref<100x128xf32, #tpu.memory_space<vmem>>, %arg14: memref<10000x128xf32, #tpu.memory_space<vmem_shared>>, %arg15: memref<!tpu.dma_semaphore, #tpu.memory_space<semaphore_mem>>, %arg16: memref<!tpu.dma_semaphore, #tpu.memory_space<semaphore_mem>>, %arg17: memref<100x16xf32, #tpu.memory_space<vmem>>, %arg18: memref<10000x16xf32, #tpu.memory_space<vmem_shared>>) attributes {dimension_semantics = [#tpu.dimension_semantics<core_parallel>, #tpu.dimension_semantics<subcore_parallel>], iteration_bounds = array<i64: 2, 16>, scalar_prefetch = 0 : i64, scratch_operands = 9 : i64, tpu.core_type = #tpu.core_type<sc_vector_subcore>, window_params = [{transform_indices = #map}, {transform_indices = #map1}, {transform_indices = #map1}, {transform_indices = #map}, {transform_indices = #map}, {transform_indices = #map}, {transform_indices = #map2}, {transform_indices = #map2}]} {
    %mul3A = arith.constant 624 : i32
    %mul3A_0 = arith.muli %arg1, %mul3A : i32
    %lt3A = arith.constant 15 : i32
    %lt3A_1 = arith.cmpi slt, %arg1, %lt3A : i32
    %convert_element_type3A = arith.extui %lt3A_1 : i1 to i32
    %cond3A = arith.constant 0 : i32
    %cond3A_2 = arith.cmpi ne, %convert_element_type3A, %cond3A : i32
    scf.if %cond3A_2 {
      "tpu.region"() ({
        %run_scoped3A = tpu.sem_alloc : memref<!tpu.dma_semaphore, #tpu.memory_space<semaphore_mem>>
        %dma_start3A_101 = arith.constant 0 : i32
        %dma_start3A_102 = tpu.memref_slice %arg14[%mul3A_0, %dma_start3A_101] : memref<10000x128xf32, #tpu.memory_space<vmem_shared>> -> memref<624x128xf32, #tpu.memory_space<vmem_shared>>
        %dma_start3A_103 = arith.constant 0 : i32
        %dma_start3A_104 = arith.constant 0 : i32
        %dma_start3A_105 = tpu.memref_slice %arg5[%dma_start3A_103, %dma_start3A_104] : memref<640x128xf32, #tpu.memory_space<hbm>> -> memref<624x128xf32, #tpu.memory_space<hbm>>
        tpu.enqueue_dma source(%dma_start3A_105 : memref<624x128xf32, #tpu.memory_space<hbm>>) target(%dma_start3A_102 : memref<624x128xf32, #tpu.memory_space<vmem_shared>>) target_semaphore(%run_scoped3A : memref<!tpu.dma_semaphore, #tpu.memory_space<semaphore_mem>>)
        %dma_wait3A = arith.constant 0 : i32
        %dma_wait3A_106 = tpu.memref_slice %arg14[%mul3A_0, %dma_wait3A] : memref<10000x128xf32, #tpu.memory_space<vmem_shared>> -> memref<624x128xf32, #tpu.memory_space<vmem_shared>>
        %dma_wait3A_107 = arith.constant 0 : i32
        %dma_wait3A_108 = arith.constant 0 : i32
        %dma_wait3A_109 = tpu.memref_slice %arg5[%dma_wait3A_107, %dma_wait3A_108] : memref<640x128xf32, #tpu.memory_space<hbm>> -> memref<624x128xf32, #tpu.memory_space<hbm>>
        tpu.wait_dma2 semaphore(%run_scoped3A : memref<!tpu.dma_semaphore, #tpu.memory_space<semaphore_mem>>) src(%dma_wait3A_109 : memref<624x128xf32, #tpu.memory_space<hbm>>) dst(%dma_wait3A_106 : memref<624x128xf32, #tpu.memory_space<vmem_shared>>)
        tpu.yield
      }) : () -> ()
    } else {
    }
    %eq3A = arith.constant 15 : i32
    %eq3A_3 = arith.cmpi eq, %arg1, %eq3A : i32
    %convert_element_type3A_4 = arith.extui %eq3A_3 : i1 to i32
    %cond3A_5 = arith.constant 0 : i32
    %cond3A_6 = arith.cmpi ne, %convert_element_type3A_4, %cond3A_5 : i32
    scf.if %cond3A_6 {
      "tpu.region"() ({
        %run_scoped3A = tpu.sem_alloc : memref<!tpu.dma_semaphore, #tpu.memory_space<semaphore_mem>>
        %dma_start3A_101 = arith.constant 9360 : i32
        %dma_start3A_102 = arith.constant 0 : i32
        %dma_start3A_103 = tpu.memref_slice %arg14[%dma_start3A_101, %dma_start3A_102] : memref<10000x128xf32, #tpu.memory_space<vmem_shared>> -> memref<640x128xf32, #tpu.memory_space<vmem_shared>>
        %dma_start3A_104 = arith.constant 0 : i32
        %dma_start3A_105 = arith.constant 0 : i32
        %dma_start3A_106 = tpu.memref_slice %arg5[%dma_start3A_104, %dma_start3A_105] : memref<640x128xf32, #tpu.memory_space<hbm>> -> memref<640x128xf32, #tpu.memory_space<hbm>>
        tpu.enqueue_dma source(%dma_start3A_106 : memref<640x128xf32, #tpu.memory_space<hbm>>) target(%dma_start3A_103 : memref<640x128xf32, #tpu.memory_space<vmem_shared>>) target_semaphore(%run_scoped3A : memref<!tpu.dma_semaphore, #tpu.memory_space<semaphore_mem>>)
        %dma_wait3A = arith.constant 9360 : i32
        %dma_wait3A_107 = arith.constant 0 : i32
        %dma_wait3A_108 = tpu.memref_slice %arg14[%dma_wait3A, %dma_wait3A_107] : memref<10000x128xf32, #tpu.memory_space<vmem_shared>> -> memref<640x128xf32, #tpu.memory_space<vmem_shared>>
        %dma_wait3A_109 = arith.constant 0 : i32
        %dma_wait3A_110 = arith.constant 0 : i32
        %dma_wait3A_111 = tpu.memref_slice %arg5[%dma_wait3A_109, %dma_wait3A_110] : memref<640x128xf32, #tpu.memory_space<hbm>> -> memref<640x128xf32, #tpu.memory_space<hbm>>
        tpu.wait_dma2 semaphore(%run_scoped3A : memref<!tpu.dma_semaphore, #tpu.memory_space<semaphore_mem>>) src(%dma_wait3A_111 : memref<640x128xf32, #tpu.memory_space<hbm>>) dst(%dma_wait3A_108 : memref<640x128xf32, #tpu.memory_space<vmem_shared>>)
        tpu.yield
      }) : () -> ()
    } else {
    }
    %lt3A_7 = arith.constant 15 : i32
    %lt3A_8 = arith.cmpi slt, %arg1, %lt3A_7 : i32
    %convert_element_type3A_9 = arith.extui %lt3A_8 : i1 to i32
    %cond3A_10 = arith.constant 0 : i32
    %cond3A_11 = arith.cmpi ne, %convert_element_type3A_9, %cond3A_10 : i32
    scf.if %cond3A_11 {
      "tpu.region"() ({
        %run_scoped3A = tpu.sem_alloc : memref<!tpu.dma_semaphore, #tpu.memory_space<semaphore_mem>>
        %dma_start3A_101 = arith.constant 0 : i32
        %dma_start3A_102 = tpu.memref_slice %arg18[%mul3A_0, %dma_start3A_101] : memref<10000x16xf32, #tpu.memory_space<vmem_shared>> -> memref<624x16xf32, #tpu.memory_space<vmem_shared>>
        %dma_start3A_103 = arith.constant 0 : i32
        %dma_start3A_104 = arith.constant 0 : i32
        %dma_start3A_105 = tpu.memref_slice %arg6[%dma_start3A_103, %dma_start3A_104] : memref<640x16xf32, #tpu.memory_space<hbm>> -> memref<624x16xf32, #tpu.memory_space<hbm>>
        tpu.enqueue_dma source(%dma_start3A_105 : memref<624x16xf32, #tpu.memory_space<hbm>>) target(%dma_start3A_102 : memref<624x16xf32, #tpu.memory_space<vmem_shared>>) target_semaphore(%run_scoped3A : memref<!tpu.dma_semaphore, #tpu.memory_space<semaphore_mem>>)
        %dma_wait3A = arith.constant 0 : i32
        %dma_wait3A_106 = tpu.memref_slice %arg18[%mul3A_0, %dma_wait3A] : memref<10000x16xf32, #tpu.memory_space<vmem_shared>> -> memref<624x16xf32, #tpu.memory_space<vmem_shared>>
        %dma_wait3A_107 = arith.constant 0 : i32
        %dma_wait3A_108 = arith.constant 0 : i32
        %dma_wait3A_109 = tpu.memref_slice %arg6[%dma_wait3A_107, %dma_wait3A_108] : memref<640x16xf32, #tpu.memory_space<hbm>> -> memref<624x16xf32, #tpu.memory_space<hbm>>
        tpu.wait_dma2 semaphore(%run_scoped3A : memref<!tpu.dma_semaphore, #tpu.memory_space<semaphore_mem>>) src(%dma_wait3A_109 : memref<624x16xf32, #tpu.memory_space<hbm>>) dst(%dma_wait3A_106 : memref<624x16xf32, #tpu.memory_space<vmem_shared>>)
        tpu.yield
      }) : () -> ()
    } else {
    }
    %eq3A_12 = arith.constant 15 : i32
    %eq3A_13 = arith.cmpi eq, %arg1, %eq3A_12 : i32
    %convert_element_type3A_14 = arith.extui %eq3A_13 : i1 to i32
    %cond3A_15 = arith.constant 0 : i32
    %cond3A_16 = arith.cmpi ne, %convert_element_type3A_14, %cond3A_15 : i32
    scf.if %cond3A_16 {
      "tpu.region"() ({
        %run_scoped3A = tpu.sem_alloc : memref<!tpu.dma_semaphore, #tpu.memory_space<semaphore_mem>>
        %dma_start3A_101 = arith.constant 9360 : i32
        %dma_start3A_102 = arith.constant 0 : i32
        %dma_start3A_103 = tpu.memref_slice %arg18[%dma_start3A_101, %dma_start3A_102] : memref<10000x16xf32, #tpu.memory_space<vmem_shared>> -> memref<640x16xf32, #tpu.memory_space<vmem_shared>>
        %dma_start3A_104 = arith.constant 0 : i32
        %dma_start3A_105 = arith.constant 0 : i32
        %dma_start3A_106 = tpu.memref_slice %arg6[%dma_start3A_104, %dma_start3A_105] : memref<640x16xf32, #tpu.memory_space<hbm>> -> memref<640x16xf32, #tpu.memory_space<hbm>>
        tpu.enqueue_dma source(%dma_start3A_106 : memref<640x16xf32, #tpu.memory_space<hbm>>) target(%dma_start3A_103 : memref<640x16xf32, #tpu.memory_space<vmem_shared>>) target_semaphore(%run_scoped3A : memref<!tpu.dma_semaphore, #tpu.memory_space<semaphore_mem>>)
        %dma_wait3A = arith.constant 9360 : i32
        %dma_wait3A_107 = arith.constant 0 : i32
        %dma_wait3A_108 = tpu.memref_slice %arg18[%dma_wait3A, %dma_wait3A_107] : memref<10000x16xf32, #tpu.memory_space<vmem_shared>> -> memref<640x16xf32, #tpu.memory_space<vmem_shared>>
        %dma_wait3A_109 = arith.constant 0 : i32
        %dma_wait3A_110 = arith.constant 0 : i32
        %dma_wait3A_111 = tpu.memref_slice %arg6[%dma_wait3A_109, %dma_wait3A_110] : memref<640x16xf32, #tpu.memory_space<hbm>> -> memref<640x16xf32, #tpu.memory_space<hbm>>
        tpu.wait_dma2 semaphore(%run_scoped3A : memref<!tpu.dma_semaphore, #tpu.memory_space<semaphore_mem>>) src(%dma_wait3A_111 : memref<640x16xf32, #tpu.memory_space<hbm>>) dst(%dma_wait3A_108 : memref<640x16xf32, #tpu.memory_space<vmem_shared>>)
        tpu.yield
      }) : () -> ()
    } else {
    }
    "tpu.region"() ({
      %run_scoped3A = tpu.sem_alloc : memref<!tpu.dma_semaphore, #tpu.memory_space<semaphore_mem>>
      tpu.enqueue_dma source(%arg7 : memref<100x16xf32, #tpu.memory_space<hbm>>) target(%arg17 : memref<100x16xf32, #tpu.memory_space<vmem>>) target_semaphore(%run_scoped3A : memref<!tpu.dma_semaphore, #tpu.memory_space<semaphore_mem>>)
      tpu.wait_dma2 semaphore(%run_scoped3A : memref<!tpu.dma_semaphore, #tpu.memory_space<semaphore_mem>>) src(%arg7 : memref<100x16xf32, #tpu.memory_space<hbm>>) dst(%arg17 : memref<100x16xf32, #tpu.memory_space<vmem>>)
      tpu.yield
    }) : () -> ()
    %barrier3A = arith.constant 0 : index
    tpu.barrier barrier_id(%barrier3A)
    "tpu.region"() ({
      %run_scoped3A = tpu.sem_alloc : memref<!tpu.dma_semaphore, #tpu.memory_space<semaphore_mem>>
      %dma_start3A_101 = arith.constant 0 : i32
      %dma_start3A_102 = arith.constant 0 : i32
      %dma_start3A_103 = tpu.memref_slice %arg3[%arg0, %arg1, %dma_start3A_101, %dma_start3A_102] : memref<2x16x200x100xi32, #tpu.memory_space<hbm>> -> memref<1x1x40x100xi32, #tpu.memory_space<hbm>>
      %dma_start3A_104 = tpu.memref_squeeze %dma_start3A_103 : memref<1x1x40x100xi32, #tpu.memory_space<hbm>> -> memref<40x100xi32, #tpu.memory_space<hbm>>
      %dma_start3A_105 = arith.constant 0 : i32
      %dma_start3A_106 = arith.constant 0 : i32
      %dma_start3A_107 = tpu.memref_slice %arg3[%arg0, %arg1, %dma_start3A_105, %dma_start3A_106] : memref<2x16x200x100xi32, #tpu.memory_space<hbm>> -> memref<1x1x40x100xi32, #tpu.memory_space<hbm>>
      %dma_start3A_108 = tpu.memref_squeeze %dma_start3A_107 : memref<1x1x40x100xi32, #tpu.memory_space<hbm>> -> memref<40x100xi32, #tpu.memory_space<hbm>>
      tpu.enqueue_dma source(%dma_start3A_108 : memref<40x100xi32, #tpu.memory_space<hbm>>) target(%arg10 : memref<40x100xi32, #tpu.memory_space<vmem>>) target_semaphore(%run_scoped3A : memref<!tpu.dma_semaphore, #tpu.memory_space<semaphore_mem>>)
      %dma_wait3A = arith.constant 0 : i32
      %dma_wait3A_109 = arith.constant 0 : i32
      %dma_wait3A_110 = tpu.memref_slice %arg3[%arg0, %arg1, %dma_wait3A, %dma_wait3A_109] : memref<2x16x200x100xi32, #tpu.memory_space<hbm>> -> memref<1x1x40x100xi32, #tpu.memory_space<hbm>>
      %dma_wait3A_111 = tpu.memref_squeeze %dma_wait3A_110 : memref<1x1x40x100xi32, #tpu.memory_space<hbm>> -> memref<40x100xi32, #tpu.memory_space<hbm>>
      %dma_wait3A_112 = arith.constant 0 : i32
      %dma_wait3A_113 = arith.constant 0 : i32
      %dma_wait3A_114 = tpu.memref_slice %arg3[%arg0, %arg1, %dma_wait3A_112, %dma_wait3A_113] : memref<2x16x200x100xi32, #tpu.memory_space<hbm>> -> memref<1x1x40x100xi32, #tpu.memory_space<hbm>>
      %dma_wait3A_115 = tpu.memref_squeeze %dma_wait3A_114 : memref<1x1x40x100xi32, #tpu.memory_space<hbm>> -> memref<40x100xi32, #tpu.memory_space<hbm>>
      tpu.wait_dma2 semaphore(%run_scoped3A : memref<!tpu.dma_semaphore, #tpu.memory_space<semaphore_mem>>) src(%dma_wait3A_115 : memref<40x100xi32, #tpu.memory_space<hbm>>) dst(%arg10 : memref<40x100xi32, #tpu.memory_space<vmem>>)
      tpu.yield
    }) : () -> ()
    "tpu.region"() ({
      %run_scoped3A = tpu.sem_alloc : memref<!tpu.dma_semaphore, #tpu.memory_space<semaphore_mem>>
      %dma_start3A_101 = arith.constant 0 : i32
      %dma_start3A_102 = arith.constant 0 : i32
      %dma_start3A_103 = tpu.memref_slice %arg4[%arg0, %arg1, %dma_start3A_101, %dma_start3A_102] : memref<2x16x200x100xi32, #tpu.memory_space<hbm>> -> memref<1x1x40x100xi32, #tpu.memory_space<hbm>>
      %dma_start3A_104 = tpu.memref_squeeze %dma_start3A_103 : memref<1x1x40x100xi32, #tpu.memory_space<hbm>> -> memref<40x100xi32, #tpu.memory_space<hbm>>
      %dma_start3A_105 = arith.constant 0 : i32
      %dma_start3A_106 = arith.constant 0 : i32
      %dma_start3A_107 = tpu.memref_slice %arg4[%arg0, %arg1, %dma_start3A_105, %dma_start3A_106] : memref<2x16x200x100xi32, #tpu.memory_space<hbm>> -> memref<1x1x40x100xi32, #tpu.memory_space<hbm>>
      %dma_start3A_108 = tpu.memref_squeeze %dma_start3A_107 : memref<1x1x40x100xi32, #tpu.memory_space<hbm>> -> memref<40x100xi32, #tpu.memory_space<hbm>>
      tpu.enqueue_dma source(%dma_start3A_108 : memref<40x100xi32, #tpu.memory_space<hbm>>) target(%arg11 : memref<40x100xi32, #tpu.memory_space<vmem>>) target_semaphore(%run_scoped3A : memref<!tpu.dma_semaphore, #tpu.memory_space<semaphore_mem>>)
      %dma_wait3A = arith.constant 0 : i32
      %dma_wait3A_109 = arith.constant 0 : i32
      %dma_wait3A_110 = tpu.memref_slice %arg4[%arg0, %arg1, %dma_wait3A, %dma_wait3A_109] : memref<2x16x200x100xi32, #tpu.memory_space<hbm>> -> memref<1x1x40x100xi32, #tpu.memory_space<hbm>>
      %dma_wait3A_111 = tpu.memref_squeeze %dma_wait3A_110 : memref<1x1x40x100xi32, #tpu.memory_space<hbm>> -> memref<40x100xi32, #tpu.memory_space<hbm>>
      %dma_wait3A_112 = arith.constant 0 : i32
      %dma_wait3A_113 = arith.constant 0 : i32
      %dma_wait3A_114 = tpu.memref_slice %arg4[%arg0, %arg1, %dma_wait3A_112, %dma_wait3A_113] : memref<2x16x200x100xi32, #tpu.memory_space<hbm>> -> memref<1x1x40x100xi32, #tpu.memory_space<hbm>>
      %dma_wait3A_115 = tpu.memref_squeeze %dma_wait3A_114 : memref<1x1x40x100xi32, #tpu.memory_space<hbm>> -> memref<40x100xi32, #tpu.memory_space<hbm>>
      tpu.wait_dma2 semaphore(%run_scoped3A : memref<!tpu.dma_semaphore, #tpu.memory_space<semaphore_mem>>) src(%dma_wait3A_115 : memref<40x100xi32, #tpu.memory_space<hbm>>) dst(%arg11 : memref<40x100xi32, #tpu.memory_space<vmem>>)
      tpu.yield
    }) : () -> ()
    %dma_start3A = arith.constant 0 : i32
    %dma_start3A_17 = arith.constant 0 : i32
    %dma_start3A_18 = tpu.memref_slice %arg10[%dma_start3A, %dma_start3A_17] : memref<40x100xi32, #tpu.memory_space<vmem>> -> memref<1x100xi32, #tpu.memory_space<vmem>>
    %dma_start3A_19 = tpu.memref_squeeze %dma_start3A_18 : memref<1x100xi32, #tpu.memory_space<vmem>> -> memref<100xi32, #tpu.memory_space<vmem>>
    %dma_start3A_20 = arith.constant 0 : i32
    %dma_start3A_21 = arith.constant 0 : i32
    %dma_start3A_22 = tpu.memref_slice %arg2[%dma_start3A_20, %dma_start3A_21] : memref<20000x128xf32, #tpu.memory_space<hbm>> -> memref<20000x128xf32, #tpu.memory_space<hbm>>
    tpu.enqueue_indirect_dma source(%dma_start3A_22 : memref<20000x128xf32, #tpu.memory_space<hbm>>) target(%arg12 : memref<100x128xf32, #tpu.memory_space<vmem>>) offsets(%dma_start3A_19 : memref<100xi32, #tpu.memory_space<vmem>>) semaphore(%arg15 : memref<!tpu.dma_semaphore, #tpu.memory_space<semaphore_mem>>)
    %scan3A = arith.constant 0 : i32
    %scan3A_23 = arith.constant 0 : i32
    %scan3A_24 = arith.constant 20 : i32
    %scan3A_25 = arith.addi %scan3A_23, %scan3A_24 : i32
    %scan3A_26 = arith.constant 1 : i32
    scf.for %scan3A_101 = %scan3A_23 to %scan3A_25 step %scan3A_26  : i32 {
      %mul3A_102 = arith.constant 2 : i32
      %mul3A_103 = arith.muli %mul3A_102, %scan3A_101 : i32
      %add3A = arith.constant 1 : i32
      %add3A_104 = arith.addi %mul3A_103, %add3A : i32
      %dma_start3A_105 = arith.constant 0 : i32
      %dma_start3A_106 = tpu.memref_slice %arg10[%add3A_104, %dma_start3A_105] : memref<40x100xi32, #tpu.memory_space<vmem>> -> memref<1x100xi32, #tpu.memory_space<vmem>>
      %dma_start3A_107 = tpu.memref_squeeze %dma_start3A_106 : memref<1x100xi32, #tpu.memory_space<vmem>> -> memref<100xi32, #tpu.memory_space<vmem>>
      %dma_start3A_108 = arith.constant 0 : i32
      %dma_start3A_109 = arith.constant 0 : i32
      %dma_start3A_110 = tpu.memref_slice %arg2[%dma_start3A_108, %dma_start3A_109] : memref<20000x128xf32, #tpu.memory_space<hbm>> -> memref<20000x128xf32, #tpu.memory_space<hbm>>
      tpu.enqueue_indirect_dma source(%dma_start3A_110 : memref<20000x128xf32, #tpu.memory_space<hbm>>) target(%arg13 : memref<100x128xf32, #tpu.memory_space<vmem>>) offsets(%dma_start3A_107 : memref<100xi32, #tpu.memory_space<vmem>>) semaphore(%arg16 : memref<!tpu.dma_semaphore, #tpu.memory_space<semaphore_mem>>)
      %dma_wait3A = arith.constant 0 : i32
      %dma_wait3A_111 = tpu.memref_slice %arg10[%mul3A_103, %dma_wait3A] : memref<40x100xi32, #tpu.memory_space<vmem>> -> memref<1x100xi32, #tpu.memory_space<vmem>>
      %dma_wait3A_112 = tpu.memref_squeeze %dma_wait3A_111 : memref<1x100xi32, #tpu.memory_space<vmem>> -> memref<100xi32, #tpu.memory_space<vmem>>
      %dma_wait3A_113 = arith.constant 0 : i32
      %dma_wait3A_114 = arith.constant 0 : i32
      %dma_wait3A_115 = tpu.memref_slice %arg2[%dma_wait3A_113, %dma_wait3A_114] : memref<20000x128xf32, #tpu.memory_space<hbm>> -> memref<20000x128xf32, #tpu.memory_space<hbm>>
      tpu.wait_indirect_dma semaphore(%arg15 : memref<!tpu.dma_semaphore, #tpu.memory_space<semaphore_mem>>) src(%dma_wait3A_115 : memref<20000x128xf32, #tpu.memory_space<hbm>>) dst(%arg12 : memref<100x128xf32, #tpu.memory_space<vmem>>)
      "tpu.region"() ({
        %run_scoped3A = tpu.sem_alloc : memref<!tpu.dma_semaphore, #tpu.memory_space<semaphore_mem>>
        %dma_start3A_129 = arith.constant 0 : i32
        %dma_start3A_130 = tpu.memref_slice %arg11[%mul3A_103, %dma_start3A_129] : memref<40x100xi32, #tpu.memory_space<vmem>> -> memref<1x100xi32, #tpu.memory_space<vmem>>
        %dma_start3A_131 = tpu.memref_squeeze %dma_start3A_130 : memref<1x100xi32, #tpu.memory_space<vmem>> -> memref<100xi32, #tpu.memory_space<vmem>>
        %dma_start3A_132 = arith.constant 0 : i32
        %dma_start3A_133 = arith.constant 0 : i32
        %dma_start3A_134 = tpu.memref_slice %arg14[%dma_start3A_132, %dma_start3A_133] : memref<10000x128xf32, #tpu.memory_space<vmem_shared>> -> memref<10000x128xf32, #tpu.memory_space<vmem_shared>>
        tpu.enqueue_indirect_dma source(%arg12 : memref<100x128xf32, #tpu.memory_space<vmem>>) target(%dma_start3A_134 : memref<10000x128xf32, #tpu.memory_space<vmem_shared>>) offsets(%dma_start3A_131 : memref<100xi32, #tpu.memory_space<vmem>>) semaphore(%run_scoped3A : memref<!tpu.dma_semaphore, #tpu.memory_space<semaphore_mem>>) {add = true}
        %dma_wait3A_135 = arith.constant 0 : i32
        %dma_wait3A_136 = tpu.memref_slice %arg11[%mul3A_103, %dma_wait3A_135] : memref<40x100xi32, #tpu.memory_space<vmem>> -> memref<1x100xi32, #tpu.memory_space<vmem>>
        %dma_wait3A_137 = tpu.memref_squeeze %dma_wait3A_136 : memref<1x100xi32, #tpu.memory_space<vmem>> -> memref<100xi32, #tpu.memory_space<vmem>>
        %dma_wait3A_138 = arith.constant 0 : i32
        %dma_wait3A_139 = arith.constant 0 : i32
        %dma_wait3A_140 = tpu.memref_slice %arg14[%dma_wait3A_138, %dma_wait3A_139] : memref<10000x128xf32, #tpu.memory_space<vmem_shared>> -> memref<10000x128xf32, #tpu.memory_space<vmem_shared>>
        tpu.wait_indirect_dma semaphore(%run_scoped3A : memref<!tpu.dma_semaphore, #tpu.memory_space<semaphore_mem>>) src(%arg12 : memref<100x128xf32, #tpu.memory_space<vmem>>) dst(%dma_wait3A_140 : memref<10000x128xf32, #tpu.memory_space<vmem_shared>>)
        tpu.yield
      }) : () -> ()
      "tpu.region"() ({
        %run_scoped3A = tpu.sem_alloc : memref<!tpu.dma_semaphore, #tpu.memory_space<semaphore_mem>>
        %dma_start3A_129 = arith.constant 0 : i32
        %dma_start3A_130 = tpu.memref_slice %arg11[%mul3A_103, %dma_start3A_129] : memref<40x100xi32, #tpu.memory_space<vmem>> -> memref<1x100xi32, #tpu.memory_space<vmem>>
        %dma_start3A_131 = tpu.memref_squeeze %dma_start3A_130 : memref<1x100xi32, #tpu.memory_space<vmem>> -> memref<100xi32, #tpu.memory_space<vmem>>
        %dma_start3A_132 = arith.constant 0 : i32
        %dma_start3A_133 = arith.constant 0 : i32
        %dma_start3A_134 = tpu.memref_slice %arg18[%dma_start3A_132, %dma_start3A_133] : memref<10000x16xf32, #tpu.memory_space<vmem_shared>> -> memref<10000x16xf32, #tpu.memory_space<vmem_shared>>
        tpu.enqueue_indirect_dma source(%arg17 : memref<100x16xf32, #tpu.memory_space<vmem>>) target(%dma_start3A_134 : memref<10000x16xf32, #tpu.memory_space<vmem_shared>>) offsets(%dma_start3A_131 : memref<100xi32, #tpu.memory_space<vmem>>) semaphore(%run_scoped3A : memref<!tpu.dma_semaphore, #tpu.memory_space<semaphore_mem>>) {add = true}
        %dma_wait3A_135 = arith.constant 0 : i32
        %dma_wait3A_136 = tpu.memref_slice %arg11[%mul3A_103, %dma_wait3A_135] : memref<40x100xi32, #tpu.memory_space<vmem>> -> memref<1x100xi32, #tpu.memory_space<vmem>>
        %dma_wait3A_137 = tpu.memref_squeeze %dma_wait3A_136 : memref<1x100xi32, #tpu.memory_space<vmem>> -> memref<100xi32, #tpu.memory_space<vmem>>
        %dma_wait3A_138 = arith.constant 0 : i32
        %dma_wait3A_139 = arith.constant 0 : i32
        %dma_wait3A_140 = tpu.memref_slice %arg18[%dma_wait3A_138, %dma_wait3A_139] : memref<10000x16xf32, #tpu.memory_space<vmem_shared>> -> memref<10000x16xf32, #tpu.memory_space<vmem_shared>>
        tpu.wait_indirect_dma semaphore(%run_scoped3A : memref<!tpu.dma_semaphore, #tpu.memory_space<semaphore_mem>>) src(%arg17 : memref<100x16xf32, #tpu.memory_space<vmem>>) dst(%dma_wait3A_140 : memref<10000x16xf32, #tpu.memory_space<vmem_shared>>)
        tpu.yield
      }) : () -> ()
      %lt3A_116 = arith.constant 19 : i32
      %lt3A_117 = arith.cmpi slt, %scan3A_101, %lt3A_116 : i32
      %convert_element_type3A_118 = arith.extui %lt3A_117 : i1 to i32
      %cond3A_119 = arith.constant 0 : i32
      %cond3A_120 = arith.cmpi ne, %convert_element_type3A_118, %cond3A_119 : i32
      scf.if %cond3A_120 {
        %add3A_129 = arith.constant 2 : i32
        %add3A_130 = arith.addi %mul3A_103, %add3A_129 : i32
        %dma_start3A_131 = arith.constant 0 : i32
        %dma_start3A_132 = tpu.memref_slice %arg10[%add3A_130, %dma_start3A_131] : memref<40x100xi32, #tpu.memory_space<vmem>> -> memref<1x100xi32, #tpu.memory_space<vmem>>
        %dma_start3A_133 = tpu.memref_squeeze %dma_start3A_132 : memref<1x100xi32, #tpu.memory_space<vmem>> -> memref<100xi32, #tpu.memory_space<vmem>>
        %dma_start3A_134 = arith.constant 0 : i32
        %dma_start3A_135 = arith.constant 0 : i32
        %dma_start3A_136 = tpu.memref_slice %arg2[%dma_start3A_134, %dma_start3A_135] : memref<20000x128xf32, #tpu.memory_space<hbm>> -> memref<20000x128xf32, #tpu.memory_space<hbm>>
        tpu.enqueue_indirect_dma source(%dma_start3A_136 : memref<20000x128xf32, #tpu.memory_space<hbm>>) target(%arg12 : memref<100x128xf32, #tpu.memory_space<vmem>>) offsets(%dma_start3A_133 : memref<100xi32, #tpu.memory_space<vmem>>) semaphore(%arg15 : memref<!tpu.dma_semaphore, #tpu.memory_space<semaphore_mem>>)
      } else {
      }
      %dma_wait3A_121 = arith.constant 0 : i32
      %dma_wait3A_122 = tpu.memref_slice %arg10[%add3A_104, %dma_wait3A_121] : memref<40x100xi32, #tpu.memory_space<vmem>> -> memref<1x100xi32, #tpu.memory_space<vmem>>
      %dma_wait3A_123 = tpu.memref_squeeze %dma_wait3A_122 : memref<1x100xi32, #tpu.memory_space<vmem>> -> memref<100xi32, #tpu.memory_space<vmem>>
      %dma_wait3A_124 = arith.constant 0 : i32
      %dma_wait3A_125 = arith.constant 0 : i32
      %dma_wait3A_126 = tpu.memref_slice %arg2[%dma_wait3A_124, %dma_wait3A_125] : memref<20000x128xf32, #tpu.memory_space<hbm>> -> memref<20000x128xf32, #tpu.memory_space<hbm>>
      tpu.wait_indirect_dma semaphore(%arg16 : memref<!tpu.dma_semaphore, #tpu.memory_space<semaphore_mem>>) src(%dma_wait3A_126 : memref<20000x128xf32, #tpu.memory_space<hbm>>) dst(%arg13 : memref<100x128xf32, #tpu.memory_space<vmem>>)
      %add3A_127 = arith.constant 1 : i32
      %add3A_128 = arith.addi %mul3A_103, %add3A_127 : i32
      "tpu.region"() ({
        %run_scoped3A = tpu.sem_alloc : memref<!tpu.dma_semaphore, #tpu.memory_space<semaphore_mem>>
        %dma_start3A_129 = arith.constant 0 : i32
        %dma_start3A_130 = tpu.memref_slice %arg11[%add3A_128, %dma_start3A_129] : memref<40x100xi32, #tpu.memory_space<vmem>> -> memref<1x100xi32, #tpu.memory_space<vmem>>
        %dma_start3A_131 = tpu.memref_squeeze %dma_start3A_130 : memref<1x100xi32, #tpu.memory_space<vmem>> -> memref<100xi32, #tpu.memory_space<vmem>>
        %dma_start3A_132 = arith.constant 0 : i32
        %dma_start3A_133 = arith.constant 0 : i32
        %dma_start3A_134 = tpu.memref_slice %arg14[%dma_start3A_132, %dma_start3A_133] : memref<10000x128xf32, #tpu.memory_space<vmem_shared>> -> memref<10000x128xf32, #tpu.memory_space<vmem_shared>>
        tpu.enqueue_indirect_dma source(%arg13 : memref<100x128xf32, #tpu.memory_space<vmem>>) target(%dma_start3A_134 : memref<10000x128xf32, #tpu.memory_space<vmem_shared>>) offsets(%dma_start3A_131 : memref<100xi32, #tpu.memory_space<vmem>>) semaphore(%run_scoped3A : memref<!tpu.dma_semaphore, #tpu.memory_space<semaphore_mem>>) {add = true}
        %dma_wait3A_135 = arith.constant 0 : i32
        %dma_wait3A_136 = tpu.memref_slice %arg11[%add3A_128, %dma_wait3A_135] : memref<40x100xi32, #tpu.memory_space<vmem>> -> memref<1x100xi32, #tpu.memory_space<vmem>>
        %dma_wait3A_137 = tpu.memref_squeeze %dma_wait3A_136 : memref<1x100xi32, #tpu.memory_space<vmem>> -> memref<100xi32, #tpu.memory_space<vmem>>
        %dma_wait3A_138 = arith.constant 0 : i32
        %dma_wait3A_139 = arith.constant 0 : i32
        %dma_wait3A_140 = tpu.memref_slice %arg14[%dma_wait3A_138, %dma_wait3A_139] : memref<10000x128xf32, #tpu.memory_space<vmem_shared>> -> memref<10000x128xf32, #tpu.memory_space<vmem_shared>>
        tpu.wait_indirect_dma semaphore(%run_scoped3A : memref<!tpu.dma_semaphore, #tpu.memory_space<semaphore_mem>>) src(%arg13 : memref<100x128xf32, #tpu.memory_space<vmem>>) dst(%dma_wait3A_140 : memref<10000x128xf32, #tpu.memory_space<vmem_shared>>)
        tpu.yield
      }) : () -> ()
      "tpu.region"() ({
        %run_scoped3A = tpu.sem_alloc : memref<!tpu.dma_semaphore, #tpu.memory_space<semaphore_mem>>
        %dma_start3A_129 = arith.constant 0 : i32
        %dma_start3A_130 = tpu.memref_slice %arg11[%add3A_128, %dma_start3A_129] : memref<40x100xi32, #tpu.memory_space<vmem>> -> memref<1x100xi32, #tpu.memory_space<vmem>>
        %dma_start3A_131 = tpu.memref_squeeze %dma_start3A_130 : memref<1x100xi32, #tpu.memory_space<vmem>> -> memref<100xi32, #tpu.memory_space<vmem>>
        %dma_start3A_132 = arith.constant 0 : i32
        %dma_start3A_133 = arith.constant 0 : i32
        %dma_start3A_134 = tpu.memref_slice %arg18[%dma_start3A_132, %dma_start3A_133] : memref<10000x16xf32, #tpu.memory_space<vmem_shared>> -> memref<10000x16xf32, #tpu.memory_space<vmem_shared>>
        tpu.enqueue_indirect_dma source(%arg17 : memref<100x16xf32, #tpu.memory_space<vmem>>) target(%dma_start3A_134 : memref<10000x16xf32, #tpu.memory_space<vmem_shared>>) offsets(%dma_start3A_131 : memref<100xi32, #tpu.memory_space<vmem>>) semaphore(%run_scoped3A : memref<!tpu.dma_semaphore, #tpu.memory_space<semaphore_mem>>) {add = true}
        %dma_wait3A_135 = arith.constant 0 : i32
        %dma_wait3A_136 = tpu.memref_slice %arg11[%add3A_128, %dma_wait3A_135] : memref<40x100xi32, #tpu.memory_space<vmem>> -> memref<1x100xi32, #tpu.memory_space<vmem>>
        %dma_wait3A_137 = tpu.memref_squeeze %dma_wait3A_136 : memref<1x100xi32, #tpu.memory_space<vmem>> -> memref<100xi32, #tpu.memory_space<vmem>>
        %dma_wait3A_138 = arith.constant 0 : i32
        %dma_wait3A_139 = arith.constant 0 : i32
        %dma_wait3A_140 = tpu.memref_slice %arg18[%dma_wait3A_138, %dma_wait3A_139] : memref<10000x16xf32, #tpu.memory_space<vmem_shared>> -> memref<10000x16xf32, #tpu.memory_space<vmem_shared>>
        tpu.wait_indirect_dma semaphore(%run_scoped3A : memref<!tpu.dma_semaphore, #tpu.memory_space<semaphore_mem>>) src(%arg17 : memref<100x16xf32, #tpu.memory_space<vmem>>) dst(%dma_wait3A_140 : memref<10000x16xf32, #tpu.memory_space<vmem_shared>>)
        tpu.yield
      }) : () -> ()
    }
    %scan3A_27 = arith.constant 20 : i32
    "tpu.region"() ({
      %run_scoped3A = tpu.sem_alloc : memref<!tpu.dma_semaphore, #tpu.memory_space<semaphore_mem>>
      %dma_start3A_101 = arith.constant 40 : i32
      %dma_start3A_102 = arith.constant 0 : i32
      %dma_start3A_103 = tpu.memref_slice %arg3[%arg0, %arg1, %dma_start3A_101, %dma_start3A_102] : memref<2x16x200x100xi32, #tpu.memory_space<hbm>> -> memref<1x1x40x100xi32, #tpu.memory_space<hbm>>
      %dma_start3A_104 = tpu.memref_squeeze %dma_start3A_103 : memref<1x1x40x100xi32, #tpu.memory_space<hbm>> -> memref<40x100xi32, #tpu.memory_space<hbm>>
      %dma_start3A_105 = arith.constant 40 : i32
      %dma_start3A_106 = arith.constant 0 : i32
      %dma_start3A_107 = tpu.memref_slice %arg3[%arg0, %arg1, %dma_start3A_105, %dma_start3A_106] : memref<2x16x200x100xi32, #tpu.memory_space<hbm>> -> memref<1x1x40x100xi32, #tpu.memory_space<hbm>>
      %dma_start3A_108 = tpu.memref_squeeze %dma_start3A_107 : memref<1x1x40x100xi32, #tpu.memory_space<hbm>> -> memref<40x100xi32, #tpu.memory_space<hbm>>
      tpu.enqueue_dma source(%dma_start3A_108 : memref<40x100xi32, #tpu.memory_space<hbm>>) target(%arg10 : memref<40x100xi32, #tpu.memory_space<vmem>>) target_semaphore(%run_scoped3A : memref<!tpu.dma_semaphore, #tpu.memory_space<semaphore_mem>>)
      %dma_wait3A = arith.constant 40 : i32
      %dma_wait3A_109 = arith.constant 0 : i32
      %dma_wait3A_110 = tpu.memref_slice %arg3[%arg0, %arg1, %dma_wait3A, %dma_wait3A_109] : memref<2x16x200x100xi32, #tpu.memory_space<hbm>> -> memref<1x1x40x100xi32, #tpu.memory_space<hbm>>
      %dma_wait3A_111 = tpu.memref_squeeze %dma_wait3A_110 : memref<1x1x40x100xi32, #tpu.memory_space<hbm>> -> memref<40x100xi32, #tpu.memory_space<hbm>>
      %dma_wait3A_112 = arith.constant 40 : i32
      %dma_wait3A_113 = arith.constant 0 : i32
      %dma_wait3A_114 = tpu.memref_slice %arg3[%arg0, %arg1, %dma_wait3A_112, %dma_wait3A_113] : memref<2x16x200x100xi32, #tpu.memory_space<hbm>> -> memref<1x1x40x100xi32, #tpu.memory_space<hbm>>
      %dma_wait3A_115 = tpu.memref_squeeze %dma_wait3A_114 : memref<1x1x40x100xi32, #tpu.memory_space<hbm>> -> memref<40x100xi32, #tpu.memory_space<hbm>>
      tpu.wait_dma2 semaphore(%run_scoped3A : memref<!tpu.dma_semaphore, #tpu.memory_space<semaphore_mem>>) src(%dma_wait3A_115 : memref<40x100xi32, #tpu.memory_space<hbm>>) dst(%arg10 : memref<40x100xi32, #tpu.memory_space<vmem>>)
      tpu.yield
    }) : () -> ()
    "tpu.region"() ({
      %run_scoped3A = tpu.sem_alloc : memref<!tpu.dma_semaphore, #tpu.memory_space<semaphore_mem>>
      %dma_start3A_101 = arith.constant 40 : i32
      %dma_start3A_102 = arith.constant 0 : i32
      %dma_start3A_103 = tpu.memref_slice %arg4[%arg0, %arg1, %dma_start3A_101, %dma_start3A_102] : memref<2x16x200x100xi32, #tpu.memory_space<hbm>> -> memref<1x1x40x100xi32, #tpu.memory_space<hbm>>
      %dma_start3A_104 = tpu.memref_squeeze %dma_start3A_103 : memref<1x1x40x100xi32, #tpu.memory_space<hbm>> -> memref<40x100xi32, #tpu.memory_space<hbm>>
      %dma_start3A_105 = arith.constant 40 : i32
      %dma_start3A_106 = arith.constant 0 : i32
      %dma_start3A_107 = tpu.memref_slice %arg4[%arg0, %arg1, %dma_start3A_105, %dma_start3A_106] : memref<2x16x200x100xi32, #tpu.memory_space<hbm>> -> memref<1x1x40x100xi32, #tpu.memory_space<hbm>>
      %dma_start3A_108 = tpu.memref_squeeze %dma_start3A_107 : memref<1x1x40x100xi32, #tpu.memory_space<hbm>> -> memref<40x100xi32, #tpu.memory_space<hbm>>
      tpu.enqueue_dma source(%dma_start3A_108 : memref<40x100xi32, #tpu.memory_space<hbm>>) target(%arg11 : memref<40x100xi32, #tpu.memory_space<vmem>>) target_semaphore(%run_scoped3A : memref<!tpu.dma_semaphore, #tpu.memory_space<semaphore_mem>>)
      %dma_wait3A = arith.constant 40 : i32
      %dma_wait3A_109 = arith.constant 0 : i32
      %dma_wait3A_110 = tpu.memref_slice %arg4[%arg0, %arg1, %dma_wait3A, %dma_wait3A_109] : memref<2x16x200x100xi32, #tpu.memory_space<hbm>> -> memref<1x1x40x100xi32, #tpu.memory_space<hbm>>
      %dma_wait3A_111 = tpu.memref_squeeze %dma_wait3A_110 : memref<1x1x40x100xi32, #tpu.memory_space<hbm>> -> memref<40x100xi32, #tpu.memory_space<hbm>>
      %dma_wait3A_112 = arith.constant 40 : i32
      %dma_wait3A_113 = arith.constant 0 : i32
      %dma_wait3A_114 = tpu.memref_slice %arg4[%arg0, %arg1, %dma_wait3A_112, %dma_wait3A_113] : memref<2x16x200x100xi32, #tpu.memory_space<hbm>> -> memref<1x1x40x100xi32, #tpu.memory_space<hbm>>
      %dma_wait3A_115 = tpu.memref_squeeze %dma_wait3A_114 : memref<1x1x40x100xi32, #tpu.memory_space<hbm>> -> memref<40x100xi32, #tpu.memory_space<hbm>>
      tpu.wait_dma2 semaphore(%run_scoped3A : memref<!tpu.dma_semaphore, #tpu.memory_space<semaphore_mem>>) src(%dma_wait3A_115 : memref<40x100xi32, #tpu.memory_space<hbm>>) dst(%arg11 : memref<40x100xi32, #tpu.memory_space<vmem>>)
      tpu.yield
    }) : () -> ()
    %dma_start3A_28 = arith.constant 0 : i32
    %dma_start3A_29 = arith.constant 0 : i32
    %dma_start3A_30 = tpu.memref_slice %arg10[%dma_start3A_28, %dma_start3A_29] : memref<40x100xi32, #tpu.memory_space<vmem>> -> memref<1x100xi32, #tpu.memory_space<vmem>>
    %dma_start3A_31 = tpu.memref_squeeze %dma_start3A_30 : memref<1x100xi32, #tpu.memory_space<vmem>> -> memref<100xi32, #tpu.memory_space<vmem>>
    %dma_start3A_32 = arith.constant 0 : i32
    %dma_start3A_33 = arith.constant 0 : i32
    %dma_start3A_34 = tpu.memref_slice %arg2[%dma_start3A_32, %dma_start3A_33] : memref<20000x128xf32, #tpu.memory_space<hbm>> -> memref<20000x128xf32, #tpu.memory_space<hbm>>
    tpu.enqueue_indirect_dma source(%dma_start3A_34 : memref<20000x128xf32, #tpu.memory_space<hbm>>) target(%arg12 : memref<100x128xf32, #tpu.memory_space<vmem>>) offsets(%dma_start3A_31 : memref<100xi32, #tpu.memory_space<vmem>>) semaphore(%arg15 : memref<!tpu.dma_semaphore, #tpu.memory_space<semaphore_mem>>)
    %scan3A_35 = arith.constant 0 : i32
    %scan3A_36 = arith.constant 0 : i32
    %scan3A_37 = arith.constant 20 : i32
    %scan3A_38 = arith.addi %scan3A_36, %scan3A_37 : i32
    %scan3A_39 = arith.constant 1 : i32
    scf.for %scan3A_101 = %scan3A_36 to %scan3A_38 step %scan3A_39  : i32 {
      %mul3A_102 = arith.constant 2 : i32
      %mul3A_103 = arith.muli %mul3A_102, %scan3A_101 : i32
      %add3A = arith.constant 1 : i32
      %add3A_104 = arith.addi %mul3A_103, %add3A : i32
      %dma_start3A_105 = arith.constant 0 : i32
      %dma_start3A_106 = tpu.memref_slice %arg10[%add3A_104, %dma_start3A_105] : memref<40x100xi32, #tpu.memory_space<vmem>> -> memref<1x100xi32, #tpu.memory_space<vmem>>
      %dma_start3A_107 = tpu.memref_squeeze %dma_start3A_106 : memref<1x100xi32, #tpu.memory_space<vmem>> -> memref<100xi32, #tpu.memory_space<vmem>>
      %dma_start3A_108 = arith.constant 0 : i32
      %dma_start3A_109 = arith.constant 0 : i32
      %dma_start3A_110 = tpu.memref_slice %arg2[%dma_start3A_108, %dma_start3A_109] : memref<20000x128xf32, #tpu.memory_space<hbm>> -> memref<20000x128xf32, #tpu.memory_space<hbm>>
      tpu.enqueue_indirect_dma source(%dma_start3A_110 : memref<20000x128xf32, #tpu.memory_space<hbm>>) target(%arg13 : memref<100x128xf32, #tpu.memory_space<vmem>>) offsets(%dma_start3A_107 : memref<100xi32, #tpu.memory_space<vmem>>) semaphore(%arg16 : memref<!tpu.dma_semaphore, #tpu.memory_space<semaphore_mem>>)
      %dma_wait3A = arith.constant 0 : i32
      %dma_wait3A_111 = tpu.memref_slice %arg10[%mul3A_103, %dma_wait3A] : memref<40x100xi32, #tpu.memory_space<vmem>> -> memref<1x100xi32, #tpu.memory_space<vmem>>
      %dma_wait3A_112 = tpu.memref_squeeze %dma_wait3A_111 : memref<1x100xi32, #tpu.memory_space<vmem>> -> memref<100xi32, #tpu.memory_space<vmem>>
      %dma_wait3A_113 = arith.constant 0 : i32
      %dma_wait3A_114 = arith.constant 0 : i32
      %dma_wait3A_115 = tpu.memref_slice %arg2[%dma_wait3A_113, %dma_wait3A_114] : memref<20000x128xf32, #tpu.memory_space<hbm>> -> memref<20000x128xf32, #tpu.memory_space<hbm>>
      tpu.wait_indirect_dma semaphore(%arg15 : memref<!tpu.dma_semaphore, #tpu.memory_space<semaphore_mem>>) src(%dma_wait3A_115 : memref<20000x128xf32, #tpu.memory_space<hbm>>) dst(%arg12 : memref<100x128xf32, #tpu.memory_space<vmem>>)
      "tpu.region"() ({
        %run_scoped3A = tpu.sem_alloc : memref<!tpu.dma_semaphore, #tpu.memory_space<semaphore_mem>>
        %dma_start3A_129 = arith.constant 0 : i32
        %dma_start3A_130 = tpu.memref_slice %arg11[%mul3A_103, %dma_start3A_129] : memref<40x100xi32, #tpu.memory_space<vmem>> -> memref<1x100xi32, #tpu.memory_space<vmem>>
        %dma_start3A_131 = tpu.memref_squeeze %dma_start3A_130 : memref<1x100xi32, #tpu.memory_space<vmem>> -> memref<100xi32, #tpu.memory_space<vmem>>
        %dma_start3A_132 = arith.constant 0 : i32
        %dma_start3A_133 = arith.constant 0 : i32
        %dma_start3A_134 = tpu.memref_slice %arg14[%dma_start3A_132, %dma_start3A_133] : memref<10000x128xf32, #tpu.memory_space<vmem_shared>> -> memref<10000x128xf32, #tpu.memory_space<vmem_shared>>
        tpu.enqueue_indirect_dma source(%arg12 : memref<100x128xf32, #tpu.memory_space<vmem>>) target(%dma_start3A_134 : memref<10000x128xf32, #tpu.memory_space<vmem_shared>>) offsets(%dma_start3A_131 : memref<100xi32, #tpu.memory_space<vmem>>) semaphore(%run_scoped3A : memref<!tpu.dma_semaphore, #tpu.memory_space<semaphore_mem>>) {add = true}
        %dma_wait3A_135 = arith.constant 0 : i32
        %dma_wait3A_136 = tpu.memref_slice %arg11[%mul3A_103, %dma_wait3A_135] : memref<40x100xi32, #tpu.memory_space<vmem>> -> memref<1x100xi32, #tpu.memory_space<vmem>>
        %dma_wait3A_137 = tpu.memref_squeeze %dma_wait3A_136 : memref<1x100xi32, #tpu.memory_space<vmem>> -> memref<100xi32, #tpu.memory_space<vmem>>
        %dma_wait3A_138 = arith.constant 0 : i32
        %dma_wait3A_139 = arith.constant 0 : i32
        %dma_wait3A_140 = tpu.memref_slice %arg14[%dma_wait3A_138, %dma_wait3A_139] : memref<10000x128xf32, #tpu.memory_space<vmem_shared>> -> memref<10000x128xf32, #tpu.memory_space<vmem_shared>>
        tpu.wait_indirect_dma semaphore(%run_scoped3A : memref<!tpu.dma_semaphore, #tpu.memory_space<semaphore_mem>>) src(%arg12 : memref<100x128xf32, #tpu.memory_space<vmem>>) dst(%dma_wait3A_140 : memref<10000x128xf32, #tpu.memory_space<vmem_shared>>)
        tpu.yield
      }) : () -> ()
      "tpu.region"() ({
        %run_scoped3A = tpu.sem_alloc : memref<!tpu.dma_semaphore, #tpu.memory_space<semaphore_mem>>
        %dma_start3A_129 = arith.constant 0 : i32
        %dma_start3A_130 = tpu.memref_slice %arg11[%mul3A_103, %dma_start3A_129] : memref<40x100xi32, #tpu.memory_space<vmem>> -> memref<1x100xi32, #tpu.memory_space<vmem>>
        %dma_start3A_131 = tpu.memref_squeeze %dma_start3A_130 : memref<1x100xi32, #tpu.memory_space<vmem>> -> memref<100xi32, #tpu.memory_space<vmem>>
        %dma_start3A_132 = arith.constant 0 : i32
        %dma_start3A_133 = arith.constant 0 : i32
        %dma_start3A_134 = tpu.memref_slice %arg18[%dma_start3A_132, %dma_start3A_133] : memref<10000x16xf32, #tpu.memory_space<vmem_shared>> -> memref<10000x16xf32, #tpu.memory_space<vmem_shared>>
        tpu.enqueue_indirect_dma source(%arg17 : memref<100x16xf32, #tpu.memory_space<vmem>>) target(%dma_start3A_134 : memref<10000x16xf32, #tpu.memory_space<vmem_shared>>) offsets(%dma_start3A_131 : memref<100xi32, #tpu.memory_space<vmem>>) semaphore(%run_scoped3A : memref<!tpu.dma_semaphore, #tpu.memory_space<semaphore_mem>>) {add = true}
        %dma_wait3A_135 = arith.constant 0 : i32
        %dma_wait3A_136 = tpu.memref_slice %arg11[%mul3A_103, %dma_wait3A_135] : memref<40x100xi32, #tpu.memory_space<vmem>> -> memref<1x100xi32, #tpu.memory_space<vmem>>
        %dma_wait3A_137 = tpu.memref_squeeze %dma_wait3A_136 : memref<1x100xi32, #tpu.memory_space<vmem>> -> memref<100xi32, #tpu.memory_space<vmem>>
        %dma_wait3A_138 = arith.constant 0 : i32
        %dma_wait3A_139 = arith.constant 0 : i32
        %dma_wait3A_140 = tpu.memref_slice %arg18[%dma_wait3A_138, %dma_wait3A_139] : memref<10000x16xf32, #tpu.memory_space<vmem_shared>> -> memref<10000x16xf32, #tpu.memory_space<vmem_shared>>
        tpu.wait_indirect_dma semaphore(%run_scoped3A : memref<!tpu.dma_semaphore, #tpu.memory_space<semaphore_mem>>) src(%arg17 : memref<100x16xf32, #tpu.memory_space<vmem>>) dst(%dma_wait3A_140 : memref<10000x16xf32, #tpu.memory_space<vmem_shared>>)
        tpu.yield
      }) : () -> ()
      %lt3A_116 = arith.constant 19 : i32
      %lt3A_117 = arith.cmpi slt, %scan3A_101, %lt3A_116 : i32
      %convert_element_type3A_118 = arith.extui %lt3A_117 : i1 to i32
      %cond3A_119 = arith.constant 0 : i32
      %cond3A_120 = arith.cmpi ne, %convert_element_type3A_118, %cond3A_119 : i32
      scf.if %cond3A_120 {
        %add3A_129 = arith.constant 2 : i32
        %add3A_130 = arith.addi %mul3A_103, %add3A_129 : i32
        %dma_start3A_131 = arith.constant 0 : i32
        %dma_start3A_132 = tpu.memref_slice %arg10[%add3A_130, %dma_start3A_131] : memref<40x100xi32, #tpu.memory_space<vmem>> -> memref<1x100xi32, #tpu.memory_space<vmem>>
        %dma_start3A_133 = tpu.memref_squeeze %dma_start3A_132 : memref<1x100xi32, #tpu.memory_space<vmem>> -> memref<100xi32, #tpu.memory_space<vmem>>
        %dma_start3A_134 = arith.constant 0 : i32
        %dma_start3A_135 = arith.constant 0 : i32
        %dma_start3A_136 = tpu.memref_slice %arg2[%dma_start3A_134, %dma_start3A_135] : memref<20000x128xf32, #tpu.memory_space<hbm>> -> memref<20000x128xf32, #tpu.memory_space<hbm>>
        tpu.enqueue_indirect_dma source(%dma_start3A_136 : memref<20000x128xf32, #tpu.memory_space<hbm>>) target(%arg12 : memref<100x128xf32, #tpu.memory_space<vmem>>) offsets(%dma_start3A_133 : memref<100xi32, #tpu.memory_space<vmem>>) semaphore(%arg15 : memref<!tpu.dma_semaphore, #tpu.memory_space<semaphore_mem>>)
      } else {
      }
      %dma_wait3A_121 = arith.constant 0 : i32
      %dma_wait3A_122 = tpu.memref_slice %arg10[%add3A_104, %dma_wait3A_121] : memref<40x100xi32, #tpu.memory_space<vmem>> -> memref<1x100xi32, #tpu.memory_space<vmem>>
      %dma_wait3A_123 = tpu.memref_squeeze %dma_wait3A_122 : memref<1x100xi32, #tpu.memory_space<vmem>> -> memref<100xi32, #tpu.memory_space<vmem>>
      %dma_wait3A_124 = arith.constant 0 : i32
      %dma_wait3A_125 = arith.constant 0 : i32
      %dma_wait3A_126 = tpu.memref_slice %arg2[%dma_wait3A_124, %dma_wait3A_125] : memref<20000x128xf32, #tpu.memory_space<hbm>> -> memref<20000x128xf32, #tpu.memory_space<hbm>>
      tpu.wait_indirect_dma semaphore(%arg16 : memref<!tpu.dma_semaphore, #tpu.memory_space<semaphore_mem>>) src(%dma_wait3A_126 : memref<20000x128xf32, #tpu.memory_space<hbm>>) dst(%arg13 : memref<100x128xf32, #tpu.memory_space<vmem>>)
      %add3A_127 = arith.constant 1 : i32
      %add3A_128 = arith.addi %mul3A_103, %add3A_127 : i32
      "tpu.region"() ({
        %run_scoped3A = tpu.sem_alloc : memref<!tpu.dma_semaphore, #tpu.memory_space<semaphore_mem>>
        %dma_start3A_129 = arith.constant 0 : i32
        %dma_start3A_130 = tpu.memref_slice %arg11[%add3A_128, %dma_start3A_129] : memref<40x100xi32, #tpu.memory_space<vmem>> -> memref<1x100xi32, #tpu.memory_space<vmem>>
        %dma_start3A_131 = tpu.memref_squeeze %dma_start3A_130 : memref<1x100xi32, #tpu.memory_space<vmem>> -> memref<100xi32, #tpu.memory_space<vmem>>
        %dma_start3A_132 = arith.constant 0 : i32
        %dma_start3A_133 = arith.constant 0 : i32
        %dma_start3A_134 = tpu.memref_slice %arg14[%dma_start3A_132, %dma_start3A_133] : memref<10000x128xf32, #tpu.memory_space<vmem_shared>> -> memref<10000x128xf32, #tpu.memory_space<vmem_shared>>
        tpu.enqueue_indirect_dma source(%arg13 : memref<100x128xf32, #tpu.memory_space<vmem>>) target(%dma_start3A_134 : memref<10000x128xf32, #tpu.memory_space<vmem_shared>>) offsets(%dma_start3A_131 : memref<100xi32, #tpu.memory_space<vmem>>) semaphore(%run_scoped3A : memref<!tpu.dma_semaphore, #tpu.memory_space<semaphore_mem>>) {add = true}
        %dma_wait3A_135 = arith.constant 0 : i32
        %dma_wait3A_136 = tpu.memref_slice %arg11[%add3A_128, %dma_wait3A_135] : memref<40x100xi32, #tpu.memory_space<vmem>> -> memref<1x100xi32, #tpu.memory_space<vmem>>
        %dma_wait3A_137 = tpu.memref_squeeze %dma_wait3A_136 : memref<1x100xi32, #tpu.memory_space<vmem>> -> memref<100xi32, #tpu.memory_space<vmem>>
        %dma_wait3A_138 = arith.constant 0 : i32
        %dma_wait3A_139 = arith.constant 0 : i32
        %dma_wait3A_140 = tpu.memref_slice %arg14[%dma_wait3A_138, %dma_wait3A_139] : memref<10000x128xf32, #tpu.memory_space<vmem_shared>> -> memref<10000x128xf32, #tpu.memory_space<vmem_shared>>
        tpu.wait_indirect_dma semaphore(%run_scoped3A : memref<!tpu.dma_semaphore, #tpu.memory_space<semaphore_mem>>) src(%arg13 : memref<100x128xf32, #tpu.memory_space<vmem>>) dst(%dma_wait3A_140 : memref<10000x128xf32, #tpu.memory_space<vmem_shared>>)
        tpu.yield
      }) : () -> ()
      "tpu.region"() ({
        %run_scoped3A = tpu.sem_alloc : memref<!tpu.dma_semaphore, #tpu.memory_space<semaphore_mem>>
        %dma_start3A_129 = arith.constant 0 : i32
        %dma_start3A_130 = tpu.memref_slice %arg11[%add3A_128, %dma_start3A_129] : memref<40x100xi32, #tpu.memory_space<vmem>> -> memref<1x100xi32, #tpu.memory_space<vmem>>
        %dma_start3A_131 = tpu.memref_squeeze %dma_start3A_130 : memref<1x100xi32, #tpu.memory_space<vmem>> -> memref<100xi32, #tpu.memory_space<vmem>>
        %dma_start3A_132 = arith.constant 0 : i32
        %dma_start3A_133 = arith.constant 0 : i32
        %dma_start3A_134 = tpu.memref_slice %arg18[%dma_start3A_132, %dma_start3A_133] : memref<10000x16xf32, #tpu.memory_space<vmem_shared>> -> memref<10000x16xf32, #tpu.memory_space<vmem_shared>>
        tpu.enqueue_indirect_dma source(%arg17 : memref<100x16xf32, #tpu.memory_space<vmem>>) target(%dma_start3A_134 : memref<10000x16xf32, #tpu.memory_space<vmem_shared>>) offsets(%dma_start3A_131 : memref<100xi32, #tpu.memory_space<vmem>>) semaphore(%run_scoped3A : memref<!tpu.dma_semaphore, #tpu.memory_space<semaphore_mem>>) {add = true}
        %dma_wait3A_135 = arith.constant 0 : i32
        %dma_wait3A_136 = tpu.memref_slice %arg11[%add3A_128, %dma_wait3A_135] : memref<40x100xi32, #tpu.memory_space<vmem>> -> memref<1x100xi32, #tpu.memory_space<vmem>>
        %dma_wait3A_137 = tpu.memref_squeeze %dma_wait3A_136 : memref<1x100xi32, #tpu.memory_space<vmem>> -> memref<100xi32, #tpu.memory_space<vmem>>
        %dma_wait3A_138 = arith.constant 0 : i32
        %dma_wait3A_139 = arith.constant 0 : i32
        %dma_wait3A_140 = tpu.memref_slice %arg18[%dma_wait3A_138, %dma_wait3A_139] : memref<10000x16xf32, #tpu.memory_space<vmem_shared>> -> memref<10000x16xf32, #tpu.memory_space<vmem_shared>>
        tpu.wait_indirect_dma semaphore(%run_scoped3A : memref<!tpu.dma_semaphore, #tpu.memory_space<semaphore_mem>>) src(%arg17 : memref<100x16xf32, #tpu.memory_space<vmem>>) dst(%dma_wait3A_140 : memref<10000x16xf32, #tpu.memory_space<vmem_shared>>)
        tpu.yield
      }) : () -> ()
    }
    %scan3A_40 = arith.constant 20 : i32
    "tpu.region"() ({
      %run_scoped3A = tpu.sem_alloc : memref<!tpu.dma_semaphore, #tpu.memory_space<semaphore_mem>>
      %dma_start3A_101 = arith.constant 80 : i32
      %dma_start3A_102 = arith.constant 0 : i32
      %dma_start3A_103 = tpu.memref_slice %arg3[%arg0, %arg1, %dma_start3A_101, %dma_start3A_102] : memref<2x16x200x100xi32, #tpu.memory_space<hbm>> -> memref<1x1x40x100xi32, #tpu.memory_space<hbm>>
      %dma_start3A_104 = tpu.memref_squeeze %dma_start3A_103 : memref<1x1x40x100xi32, #tpu.memory_space<hbm>> -> memref<40x100xi32, #tpu.memory_space<hbm>>
      %dma_start3A_105 = arith.constant 80 : i32
      %dma_start3A_106 = arith.constant 0 : i32
      %dma_start3A_107 = tpu.memref_slice %arg3[%arg0, %arg1, %dma_start3A_105, %dma_start3A_106] : memref<2x16x200x100xi32, #tpu.memory_space<hbm>> -> memref<1x1x40x100xi32, #tpu.memory_space<hbm>>
      %dma_start3A_108 = tpu.memref_squeeze %dma_start3A_107 : memref<1x1x40x100xi32, #tpu.memory_space<hbm>> -> memref<40x100xi32, #tpu.memory_space<hbm>>
      tpu.enqueue_dma source(%dma_start3A_108 : memref<40x100xi32, #tpu.memory_space<hbm>>) target(%arg10 : memref<40x100xi32, #tpu.memory_space<vmem>>) target_semaphore(%run_scoped3A : memref<!tpu.dma_semaphore, #tpu.memory_space<semaphore_mem>>)
      %dma_wait3A = arith.constant 80 : i32
      %dma_wait3A_109 = arith.constant 0 : i32
      %dma_wait3A_110 = tpu.memref_slice %arg3[%arg0, %arg1, %dma_wait3A, %dma_wait3A_109] : memref<2x16x200x100xi32, #tpu.memory_space<hbm>> -> memref<1x1x40x100xi32, #tpu.memory_space<hbm>>
      %dma_wait3A_111 = tpu.memref_squeeze %dma_wait3A_110 : memref<1x1x40x100xi32, #tpu.memory_space<hbm>> -> memref<40x100xi32, #tpu.memory_space<hbm>>
      %dma_wait3A_112 = arith.constant 80 : i32
      %dma_wait3A_113 = arith.constant 0 : i32
      %dma_wait3A_114 = tpu.memref_slice %arg3[%arg0, %arg1, %dma_wait3A_112, %dma_wait3A_113] : memref<2x16x200x100xi32, #tpu.memory_space<hbm>> -> memref<1x1x40x100xi32, #tpu.memory_space<hbm>>
      %dma_wait3A_115 = tpu.memref_squeeze %dma_wait3A_114 : memref<1x1x40x100xi32, #tpu.memory_space<hbm>> -> memref<40x100xi32, #tpu.memory_space<hbm>>
      tpu.wait_dma2 semaphore(%run_scoped3A : memref<!tpu.dma_semaphore, #tpu.memory_space<semaphore_mem>>) src(%dma_wait3A_115 : memref<40x100xi32, #tpu.memory_space<hbm>>) dst(%arg10 : memref<40x100xi32, #tpu.memory_space<vmem>>)
      tpu.yield
    }) : () -> ()
    "tpu.region"() ({
      %run_scoped3A = tpu.sem_alloc : memref<!tpu.dma_semaphore, #tpu.memory_space<semaphore_mem>>
      %dma_start3A_101 = arith.constant 80 : i32
      %dma_start3A_102 = arith.constant 0 : i32
      %dma_start3A_103 = tpu.memref_slice %arg4[%arg0, %arg1, %dma_start3A_101, %dma_start3A_102] : memref<2x16x200x100xi32, #tpu.memory_space<hbm>> -> memref<1x1x40x100xi32, #tpu.memory_space<hbm>>
      %dma_start3A_104 = tpu.memref_squeeze %dma_start3A_103 : memref<1x1x40x100xi32, #tpu.memory_space<hbm>> -> memref<40x100xi32, #tpu.memory_space<hbm>>
      %dma_start3A_105 = arith.constant 80 : i32
      %dma_start3A_106 = arith.constant 0 : i32
      %dma_start3A_107 = tpu.memref_slice %arg4[%arg0, %arg1, %dma_start3A_105, %dma_start3A_106] : memref<2x16x200x100xi32, #tpu.memory_space<hbm>> -> memref<1x1x40x100xi32, #tpu.memory_space<hbm>>
      %dma_start3A_108 = tpu.memref_squeeze %dma_start3A_107 : memref<1x1x40x100xi32, #tpu.memory_space<hbm>> -> memref<40x100xi32, #tpu.memory_space<hbm>>
      tpu.enqueue_dma source(%dma_start3A_108 : memref<40x100xi32, #tpu.memory_space<hbm>>) target(%arg11 : memref<40x100xi32, #tpu.memory_space<vmem>>) target_semaphore(%run_scoped3A : memref<!tpu.dma_semaphore, #tpu.memory_space<semaphore_mem>>)
      %dma_wait3A = arith.constant 80 : i32
      %dma_wait3A_109 = arith.constant 0 : i32
      %dma_wait3A_110 = tpu.memref_slice %arg4[%arg0, %arg1, %dma_wait3A, %dma_wait3A_109] : memref<2x16x200x100xi32, #tpu.memory_space<hbm>> -> memref<1x1x40x100xi32, #tpu.memory_space<hbm>>
      %dma_wait3A_111 = tpu.memref_squeeze %dma_wait3A_110 : memref<1x1x40x100xi32, #tpu.memory_space<hbm>> -> memref<40x100xi32, #tpu.memory_space<hbm>>
      %dma_wait3A_112 = arith.constant 80 : i32
      %dma_wait3A_113 = arith.constant 0 : i32
      %dma_wait3A_114 = tpu.memref_slice %arg4[%arg0, %arg1, %dma_wait3A_112, %dma_wait3A_113] : memref<2x16x200x100xi32, #tpu.memory_space<hbm>> -> memref<1x1x40x100xi32, #tpu.memory_space<hbm>>
      %dma_wait3A_115 = tpu.memref_squeeze %dma_wait3A_114 : memref<1x1x40x100xi32, #tpu.memory_space<hbm>> -> memref<40x100xi32, #tpu.memory_space<hbm>>
      tpu.wait_dma2 semaphore(%run_scoped3A : memref<!tpu.dma_semaphore, #tpu.memory_space<semaphore_mem>>) src(%dma_wait3A_115 : memref<40x100xi32, #tpu.memory_space<hbm>>) dst(%arg11 : memref<40x100xi32, #tpu.memory_space<vmem>>)
      tpu.yield
    }) : () -> ()
    %dma_start3A_41 = arith.constant 0 : i32
    %dma_start3A_42 = arith.constant 0 : i32
    %dma_start3A_43 = tpu.memref_slice %arg10[%dma_start3A_41, %dma_start3A_42] : memref<40x100xi32, #tpu.memory_space<vmem>> -> memref<1x100xi32, #tpu.memory_space<vmem>>
    %dma_start3A_44 = tpu.memref_squeeze %dma_start3A_43 : memref<1x100xi32, #tpu.memory_space<vmem>> -> memref<100xi32, #tpu.memory_space<vmem>>
    %dma_start3A_45 = arith.constant 0 : i32
    %dma_start3A_46 = arith.constant 0 : i32
    %dma_start3A_47 = tpu.memref_slice %arg2[%dma_start3A_45, %dma_start3A_46] : memref<20000x128xf32, #tpu.memory_space<hbm>> -> memref<20000x128xf32, #tpu.memory_space<hbm>>
    tpu.enqueue_indirect_dma source(%dma_start3A_47 : memref<20000x128xf32, #tpu.memory_space<hbm>>) target(%arg12 : memref<100x128xf32, #tpu.memory_space<vmem>>) offsets(%dma_start3A_44 : memref<100xi32, #tpu.memory_space<vmem>>) semaphore(%arg15 : memref<!tpu.dma_semaphore, #tpu.memory_space<semaphore_mem>>)
    %scan3A_48 = arith.constant 0 : i32
    %scan3A_49 = arith.constant 0 : i32
    %scan3A_50 = arith.constant 20 : i32
    %scan3A_51 = arith.addi %scan3A_49, %scan3A_50 : i32
    %scan3A_52 = arith.constant 1 : i32
    scf.for %scan3A_101 = %scan3A_49 to %scan3A_51 step %scan3A_52  : i32 {
      %mul3A_102 = arith.constant 2 : i32
      %mul3A_103 = arith.muli %mul3A_102, %scan3A_101 : i32
      %add3A = arith.constant 1 : i32
      %add3A_104 = arith.addi %mul3A_103, %add3A : i32
      %dma_start3A_105 = arith.constant 0 : i32
      %dma_start3A_106 = tpu.memref_slice %arg10[%add3A_104, %dma_start3A_105] : memref<40x100xi32, #tpu.memory_space<vmem>> -> memref<1x100xi32, #tpu.memory_space<vmem>>
      %dma_start3A_107 = tpu.memref_squeeze %dma_start3A_106 : memref<1x100xi32, #tpu.memory_space<vmem>> -> memref<100xi32, #tpu.memory_space<vmem>>
      %dma_start3A_108 = arith.constant 0 : i32
      %dma_start3A_109 = arith.constant 0 : i32
      %dma_start3A_110 = tpu.memref_slice %arg2[%dma_start3A_108, %dma_start3A_109] : memref<20000x128xf32, #tpu.memory_space<hbm>> -> memref<20000x128xf32, #tpu.memory_space<hbm>>
      tpu.enqueue_indirect_dma source(%dma_start3A_110 : memref<20000x128xf32, #tpu.memory_space<hbm>>) target(%arg13 : memref<100x128xf32, #tpu.memory_space<vmem>>) offsets(%dma_start3A_107 : memref<100xi32, #tpu.memory_space<vmem>>) semaphore(%arg16 : memref<!tpu.dma_semaphore, #tpu.memory_space<semaphore_mem>>)
      %dma_wait3A = arith.constant 0 : i32
      %dma_wait3A_111 = tpu.memref_slice %arg10[%mul3A_103, %dma_wait3A] : memref<40x100xi32, #tpu.memory_space<vmem>> -> memref<1x100xi32, #tpu.memory_space<vmem>>
      %dma_wait3A_112 = tpu.memref_squeeze %dma_wait3A_111 : memref<1x100xi32, #tpu.memory_space<vmem>> -> memref<100xi32, #tpu.memory_space<vmem>>
      %dma_wait3A_113 = arith.constant 0 : i32
      %dma_wait3A_114 = arith.constant 0 : i32
      %dma_wait3A_115 = tpu.memref_slice %arg2[%dma_wait3A_113, %dma_wait3A_114] : memref<20000x128xf32, #tpu.memory_space<hbm>> -> memref<20000x128xf32, #tpu.memory_space<hbm>>
      tpu.wait_indirect_dma semaphore(%arg15 : memref<!tpu.dma_semaphore, #tpu.memory_space<semaphore_mem>>) src(%dma_wait3A_115 : memref<20000x128xf32, #tpu.memory_space<hbm>>) dst(%arg12 : memref<100x128xf32, #tpu.memory_space<vmem>>)
      "tpu.region"() ({
        %run_scoped3A = tpu.sem_alloc : memref<!tpu.dma_semaphore, #tpu.memory_space<semaphore_mem>>
        %dma_start3A_129 = arith.constant 0 : i32
        %dma_start3A_130 = tpu.memref_slice %arg11[%mul3A_103, %dma_start3A_129] : memref<40x100xi32, #tpu.memory_space<vmem>> -> memref<1x100xi32, #tpu.memory_space<vmem>>
        %dma_start3A_131 = tpu.memref_squeeze %dma_start3A_130 : memref<1x100xi32, #tpu.memory_space<vmem>> -> memref<100xi32, #tpu.memory_space<vmem>>
        %dma_start3A_132 = arith.constant 0 : i32
        %dma_start3A_133 = arith.constant 0 : i32
        %dma_start3A_134 = tpu.memref_slice %arg14[%dma_start3A_132, %dma_start3A_133] : memref<10000x128xf32, #tpu.memory_space<vmem_shared>> -> memref<10000x128xf32, #tpu.memory_space<vmem_shared>>
        tpu.enqueue_indirect_dma source(%arg12 : memref<100x128xf32, #tpu.memory_space<vmem>>) target(%dma_start3A_134 : memref<10000x128xf32, #tpu.memory_space<vmem_shared>>) offsets(%dma_start3A_131 : memref<100xi32, #tpu.memory_space<vmem>>) semaphore(%run_scoped3A : memref<!tpu.dma_semaphore, #tpu.memory_space<semaphore_mem>>) {add = true}
        %dma_wait3A_135 = arith.constant 0 : i32
        %dma_wait3A_136 = tpu.memref_slice %arg11[%mul3A_103, %dma_wait3A_135] : memref<40x100xi32, #tpu.memory_space<vmem>> -> memref<1x100xi32, #tpu.memory_space<vmem>>
        %dma_wait3A_137 = tpu.memref_squeeze %dma_wait3A_136 : memref<1x100xi32, #tpu.memory_space<vmem>> -> memref<100xi32, #tpu.memory_space<vmem>>
        %dma_wait3A_138 = arith.constant 0 : i32
        %dma_wait3A_139 = arith.constant 0 : i32
        %dma_wait3A_140 = tpu.memref_slice %arg14[%dma_wait3A_138, %dma_wait3A_139] : memref<10000x128xf32, #tpu.memory_space<vmem_shared>> -> memref<10000x128xf32, #tpu.memory_space<vmem_shared>>
        tpu.wait_indirect_dma semaphore(%run_scoped3A : memref<!tpu.dma_semaphore, #tpu.memory_space<semaphore_mem>>) src(%arg12 : memref<100x128xf32, #tpu.memory_space<vmem>>) dst(%dma_wait3A_140 : memref<10000x128xf32, #tpu.memory_space<vmem_shared>>)
        tpu.yield
      }) : () -> ()
      "tpu.region"() ({
        %run_scoped3A = tpu.sem_alloc : memref<!tpu.dma_semaphore, #tpu.memory_space<semaphore_mem>>
        %dma_start3A_129 = arith.constant 0 : i32
        %dma_start3A_130 = tpu.memref_slice %arg11[%mul3A_103, %dma_start3A_129] : memref<40x100xi32, #tpu.memory_space<vmem>> -> memref<1x100xi32, #tpu.memory_space<vmem>>
        %dma_start3A_131 = tpu.memref_squeeze %dma_start3A_130 : memref<1x100xi32, #tpu.memory_space<vmem>> -> memref<100xi32, #tpu.memory_space<vmem>>
        %dma_start3A_132 = arith.constant 0 : i32
        %dma_start3A_133 = arith.constant 0 : i32
        %dma_start3A_134 = tpu.memref_slice %arg18[%dma_start3A_132, %dma_start3A_133] : memref<10000x16xf32, #tpu.memory_space<vmem_shared>> -> memref<10000x16xf32, #tpu.memory_space<vmem_shared>>
        tpu.enqueue_indirect_dma source(%arg17 : memref<100x16xf32, #tpu.memory_space<vmem>>) target(%dma_start3A_134 : memref<10000x16xf32, #tpu.memory_space<vmem_shared>>) offsets(%dma_start3A_131 : memref<100xi32, #tpu.memory_space<vmem>>) semaphore(%run_scoped3A : memref<!tpu.dma_semaphore, #tpu.memory_space<semaphore_mem>>) {add = true}
        %dma_wait3A_135 = arith.constant 0 : i32
        %dma_wait3A_136 = tpu.memref_slice %arg11[%mul3A_103, %dma_wait3A_135] : memref<40x100xi32, #tpu.memory_space<vmem>> -> memref<1x100xi32, #tpu.memory_space<vmem>>
        %dma_wait3A_137 = tpu.memref_squeeze %dma_wait3A_136 : memref<1x100xi32, #tpu.memory_space<vmem>> -> memref<100xi32, #tpu.memory_space<vmem>>
        %dma_wait3A_138 = arith.constant 0 : i32
        %dma_wait3A_139 = arith.constant 0 : i32
        %dma_wait3A_140 = tpu.memref_slice %arg18[%dma_wait3A_138, %dma_wait3A_139] : memref<10000x16xf32, #tpu.memory_space<vmem_shared>> -> memref<10000x16xf32, #tpu.memory_space<vmem_shared>>
        tpu.wait_indirect_dma semaphore(%run_scoped3A : memref<!tpu.dma_semaphore, #tpu.memory_space<semaphore_mem>>) src(%arg17 : memref<100x16xf32, #tpu.memory_space<vmem>>) dst(%dma_wait3A_140 : memref<10000x16xf32, #tpu.memory_space<vmem_shared>>)
        tpu.yield
      }) : () -> ()
      %lt3A_116 = arith.constant 19 : i32
      %lt3A_117 = arith.cmpi slt, %scan3A_101, %lt3A_116 : i32
      %convert_element_type3A_118 = arith.extui %lt3A_117 : i1 to i32
      %cond3A_119 = arith.constant 0 : i32
      %cond3A_120 = arith.cmpi ne, %convert_element_type3A_118, %cond3A_119 : i32
      scf.if %cond3A_120 {
        %add3A_129 = arith.constant 2 : i32
        %add3A_130 = arith.addi %mul3A_103, %add3A_129 : i32
        %dma_start3A_131 = arith.constant 0 : i32
        %dma_start3A_132 = tpu.memref_slice %arg10[%add3A_130, %dma_start3A_131] : memref<40x100xi32, #tpu.memory_space<vmem>> -> memref<1x100xi32, #tpu.memory_space<vmem>>
        %dma_start3A_133 = tpu.memref_squeeze %dma_start3A_132 : memref<1x100xi32, #tpu.memory_space<vmem>> -> memref<100xi32, #tpu.memory_space<vmem>>
        %dma_start3A_134 = arith.constant 0 : i32
        %dma_start3A_135 = arith.constant 0 : i32
        %dma_start3A_136 = tpu.memref_slice %arg2[%dma_start3A_134, %dma_start3A_135] : memref<20000x128xf32, #tpu.memory_space<hbm>> -> memref<20000x128xf32, #tpu.memory_space<hbm>>
        tpu.enqueue_indirect_dma source(%dma_start3A_136 : memref<20000x128xf32, #tpu.memory_space<hbm>>) target(%arg12 : memref<100x128xf32, #tpu.memory_space<vmem>>) offsets(%dma_start3A_133 : memref<100xi32, #tpu.memory_space<vmem>>) semaphore(%arg15 : memref<!tpu.dma_semaphore, #tpu.memory_space<semaphore_mem>>)
      } else {
      }
      %dma_wait3A_121 = arith.constant 0 : i32
      %dma_wait3A_122 = tpu.memref_slice %arg10[%add3A_104, %dma_wait3A_121] : memref<40x100xi32, #tpu.memory_space<vmem>> -> memref<1x100xi32, #tpu.memory_space<vmem>>
      %dma_wait3A_123 = tpu.memref_squeeze %dma_wait3A_122 : memref<1x100xi32, #tpu.memory_space<vmem>> -> memref<100xi32, #tpu.memory_space<vmem>>
      %dma_wait3A_124 = arith.constant 0 : i32
      %dma_wait3A_125 = arith.constant 0 : i32
      %dma_wait3A_126 = tpu.memref_slice %arg2[%dma_wait3A_124, %dma_wait3A_125] : memref<20000x128xf32, #tpu.memory_space<hbm>> -> memref<20000x128xf32, #tpu.memory_space<hbm>>
      tpu.wait_indirect_dma semaphore(%arg16 : memref<!tpu.dma_semaphore, #tpu.memory_space<semaphore_mem>>) src(%dma_wait3A_126 : memref<20000x128xf32, #tpu.memory_space<hbm>>) dst(%arg13 : memref<100x128xf32, #tpu.memory_space<vmem>>)
      %add3A_127 = arith.constant 1 : i32
      %add3A_128 = arith.addi %mul3A_103, %add3A_127 : i32
      "tpu.region"() ({
        %run_scoped3A = tpu.sem_alloc : memref<!tpu.dma_semaphore, #tpu.memory_space<semaphore_mem>>
        %dma_start3A_129 = arith.constant 0 : i32
        %dma_start3A_130 = tpu.memref_slice %arg11[%add3A_128, %dma_start3A_129] : memref<40x100xi32, #tpu.memory_space<vmem>> -> memref<1x100xi32, #tpu.memory_space<vmem>>
        %dma_start3A_131 = tpu.memref_squeeze %dma_start3A_130 : memref<1x100xi32, #tpu.memory_space<vmem>> -> memref<100xi32, #tpu.memory_space<vmem>>
        %dma_start3A_132 = arith.constant 0 : i32
        %dma_start3A_133 = arith.constant 0 : i32
        %dma_start3A_134 = tpu.memref_slice %arg14[%dma_start3A_132, %dma_start3A_133] : memref<10000x128xf32, #tpu.memory_space<vmem_shared>> -> memref<10000x128xf32, #tpu.memory_space<vmem_shared>>
        tpu.enqueue_indirect_dma source(%arg13 : memref<100x128xf32, #tpu.memory_space<vmem>>) target(%dma_start3A_134 : memref<10000x128xf32, #tpu.memory_space<vmem_shared>>) offsets(%dma_start3A_131 : memref<100xi32, #tpu.memory_space<vmem>>) semaphore(%run_scoped3A : memref<!tpu.dma_semaphore, #tpu.memory_space<semaphore_mem>>) {add = true}
        %dma_wait3A_135 = arith.constant 0 : i32
        %dma_wait3A_136 = tpu.memref_slice %arg11[%add3A_128, %dma_wait3A_135] : memref<40x100xi32, #tpu.memory_space<vmem>> -> memref<1x100xi32, #tpu.memory_space<vmem>>
        %dma_wait3A_137 = tpu.memref_squeeze %dma_wait3A_136 : memref<1x100xi32, #tpu.memory_space<vmem>> -> memref<100xi32, #tpu.memory_space<vmem>>
        %dma_wait3A_138 = arith.constant 0 : i32
        %dma_wait3A_139 = arith.constant 0 : i32
        %dma_wait3A_140 = tpu.memref_slice %arg14[%dma_wait3A_138, %dma_wait3A_139] : memref<10000x128xf32, #tpu.memory_space<vmem_shared>> -> memref<10000x128xf32, #tpu.memory_space<vmem_shared>>
        tpu.wait_indirect_dma semaphore(%run_scoped3A : memref<!tpu.dma_semaphore, #tpu.memory_space<semaphore_mem>>) src(%arg13 : memref<100x128xf32, #tpu.memory_space<vmem>>) dst(%dma_wait3A_140 : memref<10000x128xf32, #tpu.memory_space<vmem_shared>>)
        tpu.yield
      }) : () -> ()
      "tpu.region"() ({
        %run_scoped3A = tpu.sem_alloc : memref<!tpu.dma_semaphore, #tpu.memory_space<semaphore_mem>>
        %dma_start3A_129 = arith.constant 0 : i32
        %dma_start3A_130 = tpu.memref_slice %arg11[%add3A_128, %dma_start3A_129] : memref<40x100xi32, #tpu.memory_space<vmem>> -> memref<1x100xi32, #tpu.memory_space<vmem>>
        %dma_start3A_131 = tpu.memref_squeeze %dma_start3A_130 : memref<1x100xi32, #tpu.memory_space<vmem>> -> memref<100xi32, #tpu.memory_space<vmem>>
        %dma_start3A_132 = arith.constant 0 : i32
        %dma_start3A_133 = arith.constant 0 : i32
        %dma_start3A_134 = tpu.memref_slice %arg18[%dma_start3A_132, %dma_start3A_133] : memref<10000x16xf32, #tpu.memory_space<vmem_shared>> -> memref<10000x16xf32, #tpu.memory_space<vmem_shared>>
        tpu.enqueue_indirect_dma source(%arg17 : memref<100x16xf32, #tpu.memory_space<vmem>>) target(%dma_start3A_134 : memref<10000x16xf32, #tpu.memory_space<vmem_shared>>) offsets(%dma_start3A_131 : memref<100xi32, #tpu.memory_space<vmem>>) semaphore(%run_scoped3A : memref<!tpu.dma_semaphore, #tpu.memory_space<semaphore_mem>>) {add = true}
        %dma_wait3A_135 = arith.constant 0 : i32
        %dma_wait3A_136 = tpu.memref_slice %arg11[%add3A_128, %dma_wait3A_135] : memref<40x100xi32, #tpu.memory_space<vmem>> -> memref<1x100xi32, #tpu.memory_space<vmem>>
        %dma_wait3A_137 = tpu.memref_squeeze %dma_wait3A_136 : memref<1x100xi32, #tpu.memory_space<vmem>> -> memref<100xi32, #tpu.memory_space<vmem>>
        %dma_wait3A_138 = arith.constant 0 : i32
        %dma_wait3A_139 = arith.constant 0 : i32
        %dma_wait3A_140 = tpu.memref_slice %arg18[%dma_wait3A_138, %dma_wait3A_139] : memref<10000x16xf32, #tpu.memory_space<vmem_shared>> -> memref<10000x16xf32, #tpu.memory_space<vmem_shared>>
        tpu.wait_indirect_dma semaphore(%run_scoped3A : memref<!tpu.dma_semaphore, #tpu.memory_space<semaphore_mem>>) src(%arg17 : memref<100x16xf32, #tpu.memory_space<vmem>>) dst(%dma_wait3A_140 : memref<10000x16xf32, #tpu.memory_space<vmem_shared>>)
        tpu.yield
      }) : () -> ()
    }
    %scan3A_53 = arith.constant 20 : i32
    "tpu.region"() ({
      %run_scoped3A = tpu.sem_alloc : memref<!tpu.dma_semaphore, #tpu.memory_space<semaphore_mem>>
      %dma_start3A_101 = arith.constant 120 : i32
      %dma_start3A_102 = arith.constant 0 : i32
      %dma_start3A_103 = tpu.memref_slice %arg3[%arg0, %arg1, %dma_start3A_101, %dma_start3A_102] : memref<2x16x200x100xi32, #tpu.memory_space<hbm>> -> memref<1x1x40x100xi32, #tpu.memory_space<hbm>>
      %dma_start3A_104 = tpu.memref_squeeze %dma_start3A_103 : memref<1x1x40x100xi32, #tpu.memory_space<hbm>> -> memref<40x100xi32, #tpu.memory_space<hbm>>
      %dma_start3A_105 = arith.constant 120 : i32
      %dma_start3A_106 = arith.constant 0 : i32
      %dma_start3A_107 = tpu.memref_slice %arg3[%arg0, %arg1, %dma_start3A_105, %dma_start3A_106] : memref<2x16x200x100xi32, #tpu.memory_space<hbm>> -> memref<1x1x40x100xi32, #tpu.memory_space<hbm>>
      %dma_start3A_108 = tpu.memref_squeeze %dma_start3A_107 : memref<1x1x40x100xi32, #tpu.memory_space<hbm>> -> memref<40x100xi32, #tpu.memory_space<hbm>>
      tpu.enqueue_dma source(%dma_start3A_108 : memref<40x100xi32, #tpu.memory_space<hbm>>) target(%arg10 : memref<40x100xi32, #tpu.memory_space<vmem>>) target_semaphore(%run_scoped3A : memref<!tpu.dma_semaphore, #tpu.memory_space<semaphore_mem>>)
      %dma_wait3A = arith.constant 120 : i32
      %dma_wait3A_109 = arith.constant 0 : i32
      %dma_wait3A_110 = tpu.memref_slice %arg3[%arg0, %arg1, %dma_wait3A, %dma_wait3A_109] : memref<2x16x200x100xi32, #tpu.memory_space<hbm>> -> memref<1x1x40x100xi32, #tpu.memory_space<hbm>>
      %dma_wait3A_111 = tpu.memref_squeeze %dma_wait3A_110 : memref<1x1x40x100xi32, #tpu.memory_space<hbm>> -> memref<40x100xi32, #tpu.memory_space<hbm>>
      %dma_wait3A_112 = arith.constant 120 : i32
      %dma_wait3A_113 = arith.constant 0 : i32
      %dma_wait3A_114 = tpu.memref_slice %arg3[%arg0, %arg1, %dma_wait3A_112, %dma_wait3A_113] : memref<2x16x200x100xi32, #tpu.memory_space<hbm>> -> memref<1x1x40x100xi32, #tpu.memory_space<hbm>>
      %dma_wait3A_115 = tpu.memref_squeeze %dma_wait3A_114 : memref<1x1x40x100xi32, #tpu.memory_space<hbm>> -> memref<40x100xi32, #tpu.memory_space<hbm>>
      tpu.wait_dma2 semaphore(%run_scoped3A : memref<!tpu.dma_semaphore, #tpu.memory_space<semaphore_mem>>) src(%dma_wait3A_115 : memref<40x100xi32, #tpu.memory_space<hbm>>) dst(%arg10 : memref<40x100xi32, #tpu.memory_space<vmem>>)
      tpu.yield
    }) : () -> ()
    "tpu.region"() ({
      %run_scoped3A = tpu.sem_alloc : memref<!tpu.dma_semaphore, #tpu.memory_space<semaphore_mem>>
      %dma_start3A_101 = arith.constant 120 : i32
      %dma_start3A_102 = arith.constant 0 : i32
      %dma_start3A_103 = tpu.memref_slice %arg4[%arg0, %arg1, %dma_start3A_101, %dma_start3A_102] : memref<2x16x200x100xi32, #tpu.memory_space<hbm>> -> memref<1x1x40x100xi32, #tpu.memory_space<hbm>>
      %dma_start3A_104 = tpu.memref_squeeze %dma_start3A_103 : memref<1x1x40x100xi32, #tpu.memory_space<hbm>> -> memref<40x100xi32, #tpu.memory_space<hbm>>
      %dma_start3A_105 = arith.constant 120 : i32
      %dma_start3A_106 = arith.constant 0 : i32
      %dma_start3A_107 = tpu.memref_slice %arg4[%arg0, %arg1, %dma_start3A_105, %dma_start3A_106] : memref<2x16x200x100xi32, #tpu.memory_space<hbm>> -> memref<1x1x40x100xi32, #tpu.memory_space<hbm>>
      %dma_start3A_108 = tpu.memref_squeeze %dma_start3A_107 : memref<1x1x40x100xi32, #tpu.memory_space<hbm>> -> memref<40x100xi32, #tpu.memory_space<hbm>>
      tpu.enqueue_dma source(%dma_start3A_108 : memref<40x100xi32, #tpu.memory_space<hbm>>) target(%arg11 : memref<40x100xi32, #tpu.memory_space<vmem>>) target_semaphore(%run_scoped3A : memref<!tpu.dma_semaphore, #tpu.memory_space<semaphore_mem>>)
      %dma_wait3A = arith.constant 120 : i32
      %dma_wait3A_109 = arith.constant 0 : i32
      %dma_wait3A_110 = tpu.memref_slice %arg4[%arg0, %arg1, %dma_wait3A, %dma_wait3A_109] : memref<2x16x200x100xi32, #tpu.memory_space<hbm>> -> memref<1x1x40x100xi32, #tpu.memory_space<hbm>>
      %dma_wait3A_111 = tpu.memref_squeeze %dma_wait3A_110 : memref<1x1x40x100xi32, #tpu.memory_space<hbm>> -> memref<40x100xi32, #tpu.memory_space<hbm>>
      %dma_wait3A_112 = arith.constant 120 : i32
      %dma_wait3A_113 = arith.constant 0 : i32
      %dma_wait3A_114 = tpu.memref_slice %arg4[%arg0, %arg1, %dma_wait3A_112, %dma_wait3A_113] : memref<2x16x200x100xi32, #tpu.memory_space<hbm>> -> memref<1x1x40x100xi32, #tpu.memory_space<hbm>>
      %dma_wait3A_115 = tpu.memref_squeeze %dma_wait3A_114 : memref<1x1x40x100xi32, #tpu.memory_space<hbm>> -> memref<40x100xi32, #tpu.memory_space<hbm>>
      tpu.wait_dma2 semaphore(%run_scoped3A : memref<!tpu.dma_semaphore, #tpu.memory_space<semaphore_mem>>) src(%dma_wait3A_115 : memref<40x100xi32, #tpu.memory_space<hbm>>) dst(%arg11 : memref<40x100xi32, #tpu.memory_space<vmem>>)
      tpu.yield
    }) : () -> ()
    %dma_start3A_54 = arith.constant 0 : i32
    %dma_start3A_55 = arith.constant 0 : i32
    %dma_start3A_56 = tpu.memref_slice %arg10[%dma_start3A_54, %dma_start3A_55] : memref<40x100xi32, #tpu.memory_space<vmem>> -> memref<1x100xi32, #tpu.memory_space<vmem>>
    %dma_start3A_57 = tpu.memref_squeeze %dma_start3A_56 : memref<1x100xi32, #tpu.memory_space<vmem>> -> memref<100xi32, #tpu.memory_space<vmem>>
    %dma_start3A_58 = arith.constant 0 : i32
    %dma_start3A_59 = arith.constant 0 : i32
    %dma_start3A_60 = tpu.memref_slice %arg2[%dma_start3A_58, %dma_start3A_59] : memref<20000x128xf32, #tpu.memory_space<hbm>> -> memref<20000x128xf32, #tpu.memory_space<hbm>>
    tpu.enqueue_indirect_dma source(%dma_start3A_60 : memref<20000x128xf32, #tpu.memory_space<hbm>>) target(%arg12 : memref<100x128xf32, #tpu.memory_space<vmem>>) offsets(%dma_start3A_57 : memref<100xi32, #tpu.memory_space<vmem>>) semaphore(%arg15 : memref<!tpu.dma_semaphore, #tpu.memory_space<semaphore_mem>>)
    %scan3A_61 = arith.constant 0 : i32
    %scan3A_62 = arith.constant 0 : i32
    %scan3A_63 = arith.constant 20 : i32
    %scan3A_64 = arith.addi %scan3A_62, %scan3A_63 : i32
    %scan3A_65 = arith.constant 1 : i32
    scf.for %scan3A_101 = %scan3A_62 to %scan3A_64 step %scan3A_65  : i32 {
      %mul3A_102 = arith.constant 2 : i32
      %mul3A_103 = arith.muli %mul3A_102, %scan3A_101 : i32
      %add3A = arith.constant 1 : i32
      %add3A_104 = arith.addi %mul3A_103, %add3A : i32
      %dma_start3A_105 = arith.constant 0 : i32
      %dma_start3A_106 = tpu.memref_slice %arg10[%add3A_104, %dma_start3A_105] : memref<40x100xi32, #tpu.memory_space<vmem>> -> memref<1x100xi32, #tpu.memory_space<vmem>>
      %dma_start3A_107 = tpu.memref_squeeze %dma_start3A_106 : memref<1x100xi32, #tpu.memory_space<vmem>> -> memref<100xi32, #tpu.memory_space<vmem>>
      %dma_start3A_108 = arith.constant 0 : i32
      %dma_start3A_109 = arith.constant 0 : i32
      %dma_start3A_110 = tpu.memref_slice %arg2[%dma_start3A_108, %dma_start3A_109] : memref<20000x128xf32, #tpu.memory_space<hbm>> -> memref<20000x128xf32, #tpu.memory_space<hbm>>
      tpu.enqueue_indirect_dma source(%dma_start3A_110 : memref<20000x128xf32, #tpu.memory_space<hbm>>) target(%arg13 : memref<100x128xf32, #tpu.memory_space<vmem>>) offsets(%dma_start3A_107 : memref<100xi32, #tpu.memory_space<vmem>>) semaphore(%arg16 : memref<!tpu.dma_semaphore, #tpu.memory_space<semaphore_mem>>)
      %dma_wait3A = arith.constant 0 : i32
      %dma_wait3A_111 = tpu.memref_slice %arg10[%mul3A_103, %dma_wait3A] : memref<40x100xi32, #tpu.memory_space<vmem>> -> memref<1x100xi32, #tpu.memory_space<vmem>>
      %dma_wait3A_112 = tpu.memref_squeeze %dma_wait3A_111 : memref<1x100xi32, #tpu.memory_space<vmem>> -> memref<100xi32, #tpu.memory_space<vmem>>
      %dma_wait3A_113 = arith.constant 0 : i32
      %dma_wait3A_114 = arith.constant 0 : i32
      %dma_wait3A_115 = tpu.memref_slice %arg2[%dma_wait3A_113, %dma_wait3A_114] : memref<20000x128xf32, #tpu.memory_space<hbm>> -> memref<20000x128xf32, #tpu.memory_space<hbm>>
      tpu.wait_indirect_dma semaphore(%arg15 : memref<!tpu.dma_semaphore, #tpu.memory_space<semaphore_mem>>) src(%dma_wait3A_115 : memref<20000x128xf32, #tpu.memory_space<hbm>>) dst(%arg12 : memref<100x128xf32, #tpu.memory_space<vmem>>)
      "tpu.region"() ({
        %run_scoped3A = tpu.sem_alloc : memref<!tpu.dma_semaphore, #tpu.memory_space<semaphore_mem>>
        %dma_start3A_129 = arith.constant 0 : i32
        %dma_start3A_130 = tpu.memref_slice %arg11[%mul3A_103, %dma_start3A_129] : memref<40x100xi32, #tpu.memory_space<vmem>> -> memref<1x100xi32, #tpu.memory_space<vmem>>
        %dma_start3A_131 = tpu.memref_squeeze %dma_start3A_130 : memref<1x100xi32, #tpu.memory_space<vmem>> -> memref<100xi32, #tpu.memory_space<vmem>>
        %dma_start3A_132 = arith.constant 0 : i32
        %dma_start3A_133 = arith.constant 0 : i32
        %dma_start3A_134 = tpu.memref_slice %arg14[%dma_start3A_132, %dma_start3A_133] : memref<10000x128xf32, #tpu.memory_space<vmem_shared>> -> memref<10000x128xf32, #tpu.memory_space<vmem_shared>>
        tpu.enqueue_indirect_dma source(%arg12 : memref<100x128xf32, #tpu.memory_space<vmem>>) target(%dma_start3A_134 : memref<10000x128xf32, #tpu.memory_space<vmem_shared>>) offsets(%dma_start3A_131 : memref<100xi32, #tpu.memory_space<vmem>>) semaphore(%run_scoped3A : memref<!tpu.dma_semaphore, #tpu.memory_space<semaphore_mem>>) {add = true}
        %dma_wait3A_135 = arith.constant 0 : i32
        %dma_wait3A_136 = tpu.memref_slice %arg11[%mul3A_103, %dma_wait3A_135] : memref<40x100xi32, #tpu.memory_space<vmem>> -> memref<1x100xi32, #tpu.memory_space<vmem>>
        %dma_wait3A_137 = tpu.memref_squeeze %dma_wait3A_136 : memref<1x100xi32, #tpu.memory_space<vmem>> -> memref<100xi32, #tpu.memory_space<vmem>>
        %dma_wait3A_138 = arith.constant 0 : i32
        %dma_wait3A_139 = arith.constant 0 : i32
        %dma_wait3A_140 = tpu.memref_slice %arg14[%dma_wait3A_138, %dma_wait3A_139] : memref<10000x128xf32, #tpu.memory_space<vmem_shared>> -> memref<10000x128xf32, #tpu.memory_space<vmem_shared>>
        tpu.wait_indirect_dma semaphore(%run_scoped3A : memref<!tpu.dma_semaphore, #tpu.memory_space<semaphore_mem>>) src(%arg12 : memref<100x128xf32, #tpu.memory_space<vmem>>) dst(%dma_wait3A_140 : memref<10000x128xf32, #tpu.memory_space<vmem_shared>>)
        tpu.yield
      }) : () -> ()
      "tpu.region"() ({
        %run_scoped3A = tpu.sem_alloc : memref<!tpu.dma_semaphore, #tpu.memory_space<semaphore_mem>>
        %dma_start3A_129 = arith.constant 0 : i32
        %dma_start3A_130 = tpu.memref_slice %arg11[%mul3A_103, %dma_start3A_129] : memref<40x100xi32, #tpu.memory_space<vmem>> -> memref<1x100xi32, #tpu.memory_space<vmem>>
        %dma_start3A_131 = tpu.memref_squeeze %dma_start3A_130 : memref<1x100xi32, #tpu.memory_space<vmem>> -> memref<100xi32, #tpu.memory_space<vmem>>
        %dma_start3A_132 = arith.constant 0 : i32
        %dma_start3A_133 = arith.constant 0 : i32
        %dma_start3A_134 = tpu.memref_slice %arg18[%dma_start3A_132, %dma_start3A_133] : memref<10000x16xf32, #tpu.memory_space<vmem_shared>> -> memref<10000x16xf32, #tpu.memory_space<vmem_shared>>
        tpu.enqueue_indirect_dma source(%arg17 : memref<100x16xf32, #tpu.memory_space<vmem>>) target(%dma_start3A_134 : memref<10000x16xf32, #tpu.memory_space<vmem_shared>>) offsets(%dma_start3A_131 : memref<100xi32, #tpu.memory_space<vmem>>) semaphore(%run_scoped3A : memref<!tpu.dma_semaphore, #tpu.memory_space<semaphore_mem>>) {add = true}
        %dma_wait3A_135 = arith.constant 0 : i32
        %dma_wait3A_136 = tpu.memref_slice %arg11[%mul3A_103, %dma_wait3A_135] : memref<40x100xi32, #tpu.memory_space<vmem>> -> memref<1x100xi32, #tpu.memory_space<vmem>>
        %dma_wait3A_137 = tpu.memref_squeeze %dma_wait3A_136 : memref<1x100xi32, #tpu.memory_space<vmem>> -> memref<100xi32, #tpu.memory_space<vmem>>
        %dma_wait3A_138 = arith.constant 0 : i32
        %dma_wait3A_139 = arith.constant 0 : i32
        %dma_wait3A_140 = tpu.memref_slice %arg18[%dma_wait3A_138, %dma_wait3A_139] : memref<10000x16xf32, #tpu.memory_space<vmem_shared>> -> memref<10000x16xf32, #tpu.memory_space<vmem_shared>>
        tpu.wait_indirect_dma semaphore(%run_scoped3A : memref<!tpu.dma_semaphore, #tpu.memory_space<semaphore_mem>>) src(%arg17 : memref<100x16xf32, #tpu.memory_space<vmem>>) dst(%dma_wait3A_140 : memref<10000x16xf32, #tpu.memory_space<vmem_shared>>)
        tpu.yield
      }) : () -> ()
      %lt3A_116 = arith.constant 19 : i32
      %lt3A_117 = arith.cmpi slt, %scan3A_101, %lt3A_116 : i32
      %convert_element_type3A_118 = arith.extui %lt3A_117 : i1 to i32
      %cond3A_119 = arith.constant 0 : i32
      %cond3A_120 = arith.cmpi ne, %convert_element_type3A_118, %cond3A_119 : i32
      scf.if %cond3A_120 {
        %add3A_129 = arith.constant 2 : i32
        %add3A_130 = arith.addi %mul3A_103, %add3A_129 : i32
        %dma_start3A_131 = arith.constant 0 : i32
        %dma_start3A_132 = tpu.memref_slice %arg10[%add3A_130, %dma_start3A_131] : memref<40x100xi32, #tpu.memory_space<vmem>> -> memref<1x100xi32, #tpu.memory_space<vmem>>
        %dma_start3A_133 = tpu.memref_squeeze %dma_start3A_132 : memref<1x100xi32, #tpu.memory_space<vmem>> -> memref<100xi32, #tpu.memory_space<vmem>>
        %dma_start3A_134 = arith.constant 0 : i32
        %dma_start3A_135 = arith.constant 0 : i32
        %dma_start3A_136 = tpu.memref_slice %arg2[%dma_start3A_134, %dma_start3A_135] : memref<20000x128xf32, #tpu.memory_space<hbm>> -> memref<20000x128xf32, #tpu.memory_space<hbm>>
        tpu.enqueue_indirect_dma source(%dma_start3A_136 : memref<20000x128xf32, #tpu.memory_space<hbm>>) target(%arg12 : memref<100x128xf32, #tpu.memory_space<vmem>>) offsets(%dma_start3A_133 : memref<100xi32, #tpu.memory_space<vmem>>) semaphore(%arg15 : memref<!tpu.dma_semaphore, #tpu.memory_space<semaphore_mem>>)
      } else {
      }
      %dma_wait3A_121 = arith.constant 0 : i32
      %dma_wait3A_122 = tpu.memref_slice %arg10[%add3A_104, %dma_wait3A_121] : memref<40x100xi32, #tpu.memory_space<vmem>> -> memref<1x100xi32, #tpu.memory_space<vmem>>
      %dma_wait3A_123 = tpu.memref_squeeze %dma_wait3A_122 : memref<1x100xi32, #tpu.memory_space<vmem>> -> memref<100xi32, #tpu.memory_space<vmem>>
      %dma_wait3A_124 = arith.constant 0 : i32
      %dma_wait3A_125 = arith.constant 0 : i32
      %dma_wait3A_126 = tpu.memref_slice %arg2[%dma_wait3A_124, %dma_wait3A_125] : memref<20000x128xf32, #tpu.memory_space<hbm>> -> memref<20000x128xf32, #tpu.memory_space<hbm>>
      tpu.wait_indirect_dma semaphore(%arg16 : memref<!tpu.dma_semaphore, #tpu.memory_space<semaphore_mem>>) src(%dma_wait3A_126 : memref<20000x128xf32, #tpu.memory_space<hbm>>) dst(%arg13 : memref<100x128xf32, #tpu.memory_space<vmem>>)
      %add3A_127 = arith.constant 1 : i32
      %add3A_128 = arith.addi %mul3A_103, %add3A_127 : i32
      "tpu.region"() ({
        %run_scoped3A = tpu.sem_alloc : memref<!tpu.dma_semaphore, #tpu.memory_space<semaphore_mem>>
        %dma_start3A_129 = arith.constant 0 : i32
        %dma_start3A_130 = tpu.memref_slice %arg11[%add3A_128, %dma_start3A_129] : memref<40x100xi32, #tpu.memory_space<vmem>> -> memref<1x100xi32, #tpu.memory_space<vmem>>
        %dma_start3A_131 = tpu.memref_squeeze %dma_start3A_130 : memref<1x100xi32, #tpu.memory_space<vmem>> -> memref<100xi32, #tpu.memory_space<vmem>>
        %dma_start3A_132 = arith.constant 0 : i32
        %dma_start3A_133 = arith.constant 0 : i32
        %dma_start3A_134 = tpu.memref_slice %arg14[%dma_start3A_132, %dma_start3A_133] : memref<10000x128xf32, #tpu.memory_space<vmem_shared>> -> memref<10000x128xf32, #tpu.memory_space<vmem_shared>>
        tpu.enqueue_indirect_dma source(%arg13 : memref<100x128xf32, #tpu.memory_space<vmem>>) target(%dma_start3A_134 : memref<10000x128xf32, #tpu.memory_space<vmem_shared>>) offsets(%dma_start3A_131 : memref<100xi32, #tpu.memory_space<vmem>>) semaphore(%run_scoped3A : memref<!tpu.dma_semaphore, #tpu.memory_space<semaphore_mem>>) {add = true}
        %dma_wait3A_135 = arith.constant 0 : i32
        %dma_wait3A_136 = tpu.memref_slice %arg11[%add3A_128, %dma_wait3A_135] : memref<40x100xi32, #tpu.memory_space<vmem>> -> memref<1x100xi32, #tpu.memory_space<vmem>>
        %dma_wait3A_137 = tpu.memref_squeeze %dma_wait3A_136 : memref<1x100xi32, #tpu.memory_space<vmem>> -> memref<100xi32, #tpu.memory_space<vmem>>
        %dma_wait3A_138 = arith.constant 0 : i32
        %dma_wait3A_139 = arith.constant 0 : i32
        %dma_wait3A_140 = tpu.memref_slice %arg14[%dma_wait3A_138, %dma_wait3A_139] : memref<10000x128xf32, #tpu.memory_space<vmem_shared>> -> memref<10000x128xf32, #tpu.memory_space<vmem_shared>>
        tpu.wait_indirect_dma semaphore(%run_scoped3A : memref<!tpu.dma_semaphore, #tpu.memory_space<semaphore_mem>>) src(%arg13 : memref<100x128xf32, #tpu.memory_space<vmem>>) dst(%dma_wait3A_140 : memref<10000x128xf32, #tpu.memory_space<vmem_shared>>)
        tpu.yield
      }) : () -> ()
      "tpu.region"() ({
        %run_scoped3A = tpu.sem_alloc : memref<!tpu.dma_semaphore, #tpu.memory_space<semaphore_mem>>
        %dma_start3A_129 = arith.constant 0 : i32
        %dma_start3A_130 = tpu.memref_slice %arg11[%add3A_128, %dma_start3A_129] : memref<40x100xi32, #tpu.memory_space<vmem>> -> memref<1x100xi32, #tpu.memory_space<vmem>>
        %dma_start3A_131 = tpu.memref_squeeze %dma_start3A_130 : memref<1x100xi32, #tpu.memory_space<vmem>> -> memref<100xi32, #tpu.memory_space<vmem>>
        %dma_start3A_132 = arith.constant 0 : i32
        %dma_start3A_133 = arith.constant 0 : i32
        %dma_start3A_134 = tpu.memref_slice %arg18[%dma_start3A_132, %dma_start3A_133] : memref<10000x16xf32, #tpu.memory_space<vmem_shared>> -> memref<10000x16xf32, #tpu.memory_space<vmem_shared>>
        tpu.enqueue_indirect_dma source(%arg17 : memref<100x16xf32, #tpu.memory_space<vmem>>) target(%dma_start3A_134 : memref<10000x16xf32, #tpu.memory_space<vmem_shared>>) offsets(%dma_start3A_131 : memref<100xi32, #tpu.memory_space<vmem>>) semaphore(%run_scoped3A : memref<!tpu.dma_semaphore, #tpu.memory_space<semaphore_mem>>) {add = true}
        %dma_wait3A_135 = arith.constant 0 : i32
        %dma_wait3A_136 = tpu.memref_slice %arg11[%add3A_128, %dma_wait3A_135] : memref<40x100xi32, #tpu.memory_space<vmem>> -> memref<1x100xi32, #tpu.memory_space<vmem>>
        %dma_wait3A_137 = tpu.memref_squeeze %dma_wait3A_136 : memref<1x100xi32, #tpu.memory_space<vmem>> -> memref<100xi32, #tpu.memory_space<vmem>>
        %dma_wait3A_138 = arith.constant 0 : i32
        %dma_wait3A_139 = arith.constant 0 : i32
        %dma_wait3A_140 = tpu.memref_slice %arg18[%dma_wait3A_138, %dma_wait3A_139] : memref<10000x16xf32, #tpu.memory_space<vmem_shared>> -> memref<10000x16xf32, #tpu.memory_space<vmem_shared>>
        tpu.wait_indirect_dma semaphore(%run_scoped3A : memref<!tpu.dma_semaphore, #tpu.memory_space<semaphore_mem>>) src(%arg17 : memref<100x16xf32, #tpu.memory_space<vmem>>) dst(%dma_wait3A_140 : memref<10000x16xf32, #tpu.memory_space<vmem_shared>>)
        tpu.yield
      }) : () -> ()
    }
    %scan3A_66 = arith.constant 20 : i32
    "tpu.region"() ({
      %run_scoped3A = tpu.sem_alloc : memref<!tpu.dma_semaphore, #tpu.memory_space<semaphore_mem>>
      %dma_start3A_101 = arith.constant 160 : i32
      %dma_start3A_102 = arith.constant 0 : i32
      %dma_start3A_103 = tpu.memref_slice %arg3[%arg0, %arg1, %dma_start3A_101, %dma_start3A_102] : memref<2x16x200x100xi32, #tpu.memory_space<hbm>> -> memref<1x1x40x100xi32, #tpu.memory_space<hbm>>
      %dma_start3A_104 = tpu.memref_squeeze %dma_start3A_103 : memref<1x1x40x100xi32, #tpu.memory_space<hbm>> -> memref<40x100xi32, #tpu.memory_space<hbm>>
      %dma_start3A_105 = arith.constant 160 : i32
      %dma_start3A_106 = arith.constant 0 : i32
      %dma_start3A_107 = tpu.memref_slice %arg3[%arg0, %arg1, %dma_start3A_105, %dma_start3A_106] : memref<2x16x200x100xi32, #tpu.memory_space<hbm>> -> memref<1x1x40x100xi32, #tpu.memory_space<hbm>>
      %dma_start3A_108 = tpu.memref_squeeze %dma_start3A_107 : memref<1x1x40x100xi32, #tpu.memory_space<hbm>> -> memref<40x100xi32, #tpu.memory_space<hbm>>
      tpu.enqueue_dma source(%dma_start3A_108 : memref<40x100xi32, #tpu.memory_space<hbm>>) target(%arg10 : memref<40x100xi32, #tpu.memory_space<vmem>>) target_semaphore(%run_scoped3A : memref<!tpu.dma_semaphore, #tpu.memory_space<semaphore_mem>>)
      %dma_wait3A = arith.constant 160 : i32
      %dma_wait3A_109 = arith.constant 0 : i32
      %dma_wait3A_110 = tpu.memref_slice %arg3[%arg0, %arg1, %dma_wait3A, %dma_wait3A_109] : memref<2x16x200x100xi32, #tpu.memory_space<hbm>> -> memref<1x1x40x100xi32, #tpu.memory_space<hbm>>
      %dma_wait3A_111 = tpu.memref_squeeze %dma_wait3A_110 : memref<1x1x40x100xi32, #tpu.memory_space<hbm>> -> memref<40x100xi32, #tpu.memory_space<hbm>>
      %dma_wait3A_112 = arith.constant 160 : i32
      %dma_wait3A_113 = arith.constant 0 : i32
      %dma_wait3A_114 = tpu.memref_slice %arg3[%arg0, %arg1, %dma_wait3A_112, %dma_wait3A_113] : memref<2x16x200x100xi32, #tpu.memory_space<hbm>> -> memref<1x1x40x100xi32, #tpu.memory_space<hbm>>
      %dma_wait3A_115 = tpu.memref_squeeze %dma_wait3A_114 : memref<1x1x40x100xi32, #tpu.memory_space<hbm>> -> memref<40x100xi32, #tpu.memory_space<hbm>>
      tpu.wait_dma2 semaphore(%run_scoped3A : memref<!tpu.dma_semaphore, #tpu.memory_space<semaphore_mem>>) src(%dma_wait3A_115 : memref<40x100xi32, #tpu.memory_space<hbm>>) dst(%arg10 : memref<40x100xi32, #tpu.memory_space<vmem>>)
      tpu.yield
    }) : () -> ()
    "tpu.region"() ({
      %run_scoped3A = tpu.sem_alloc : memref<!tpu.dma_semaphore, #tpu.memory_space<semaphore_mem>>
      %dma_start3A_101 = arith.constant 160 : i32
      %dma_start3A_102 = arith.constant 0 : i32
      %dma_start3A_103 = tpu.memref_slice %arg4[%arg0, %arg1, %dma_start3A_101, %dma_start3A_102] : memref<2x16x200x100xi32, #tpu.memory_space<hbm>> -> memref<1x1x40x100xi32, #tpu.memory_space<hbm>>
      %dma_start3A_104 = tpu.memref_squeeze %dma_start3A_103 : memref<1x1x40x100xi32, #tpu.memory_space<hbm>> -> memref<40x100xi32, #tpu.memory_space<hbm>>
      %dma_start3A_105 = arith.constant 160 : i32
      %dma_start3A_106 = arith.constant 0 : i32
      %dma_start3A_107 = tpu.memref_slice %arg4[%arg0, %arg1, %dma_start3A_105, %dma_start3A_106] : memref<2x16x200x100xi32, #tpu.memory_space<hbm>> -> memref<1x1x40x100xi32, #tpu.memory_space<hbm>>
      %dma_start3A_108 = tpu.memref_squeeze %dma_start3A_107 : memref<1x1x40x100xi32, #tpu.memory_space<hbm>> -> memref<40x100xi32, #tpu.memory_space<hbm>>
      tpu.enqueue_dma source(%dma_start3A_108 : memref<40x100xi32, #tpu.memory_space<hbm>>) target(%arg11 : memref<40x100xi32, #tpu.memory_space<vmem>>) target_semaphore(%run_scoped3A : memref<!tpu.dma_semaphore, #tpu.memory_space<semaphore_mem>>)
      %dma_wait3A = arith.constant 160 : i32
      %dma_wait3A_109 = arith.constant 0 : i32
      %dma_wait3A_110 = tpu.memref_slice %arg4[%arg0, %arg1, %dma_wait3A, %dma_wait3A_109] : memref<2x16x200x100xi32, #tpu.memory_space<hbm>> -> memref<1x1x40x100xi32, #tpu.memory_space<hbm>>
      %dma_wait3A_111 = tpu.memref_squeeze %dma_wait3A_110 : memref<1x1x40x100xi32, #tpu.memory_space<hbm>> -> memref<40x100xi32, #tpu.memory_space<hbm>>
      %dma_wait3A_112 = arith.constant 160 : i32
      %dma_wait3A_113 = arith.constant 0 : i32
      %dma_wait3A_114 = tpu.memref_slice %arg4[%arg0, %arg1, %dma_wait3A_112, %dma_wait3A_113] : memref<2x16x200x100xi32, #tpu.memory_space<hbm>> -> memref<1x1x40x100xi32, #tpu.memory_space<hbm>>
      %dma_wait3A_115 = tpu.memref_squeeze %dma_wait3A_114 : memref<1x1x40x100xi32, #tpu.memory_space<hbm>> -> memref<40x100xi32, #tpu.memory_space<hbm>>
      tpu.wait_dma2 semaphore(%run_scoped3A : memref<!tpu.dma_semaphore, #tpu.memory_space<semaphore_mem>>) src(%dma_wait3A_115 : memref<40x100xi32, #tpu.memory_space<hbm>>) dst(%arg11 : memref<40x100xi32, #tpu.memory_space<vmem>>)
      tpu.yield
    }) : () -> ()
    %dma_start3A_67 = arith.constant 0 : i32
    %dma_start3A_68 = arith.constant 0 : i32
    %dma_start3A_69 = tpu.memref_slice %arg10[%dma_start3A_67, %dma_start3A_68] : memref<40x100xi32, #tpu.memory_space<vmem>> -> memref<1x100xi32, #tpu.memory_space<vmem>>
    %dma_start3A_70 = tpu.memref_squeeze %dma_start3A_69 : memref<1x100xi32, #tpu.memory_space<vmem>> -> memref<100xi32, #tpu.memory_space<vmem>>
    %dma_start3A_71 = arith.constant 0 : i32
    %dma_start3A_72 = arith.constant 0 : i32
    %dma_start3A_73 = tpu.memref_slice %arg2[%dma_start3A_71, %dma_start3A_72] : memref<20000x128xf32, #tpu.memory_space<hbm>> -> memref<20000x128xf32, #tpu.memory_space<hbm>>
    tpu.enqueue_indirect_dma source(%dma_start3A_73 : memref<20000x128xf32, #tpu.memory_space<hbm>>) target(%arg12 : memref<100x128xf32, #tpu.memory_space<vmem>>) offsets(%dma_start3A_70 : memref<100xi32, #tpu.memory_space<vmem>>) semaphore(%arg15 : memref<!tpu.dma_semaphore, #tpu.memory_space<semaphore_mem>>)
    %scan3A_74 = arith.constant 0 : i32
    %scan3A_75 = arith.constant 0 : i32
    %scan3A_76 = arith.constant 20 : i32
    %scan3A_77 = arith.addi %scan3A_75, %scan3A_76 : i32
    %scan3A_78 = arith.constant 1 : i32
    scf.for %scan3A_101 = %scan3A_75 to %scan3A_77 step %scan3A_78  : i32 {
      %mul3A_102 = arith.constant 2 : i32
      %mul3A_103 = arith.muli %mul3A_102, %scan3A_101 : i32
      %add3A = arith.constant 1 : i32
      %add3A_104 = arith.addi %mul3A_103, %add3A : i32
      %dma_start3A_105 = arith.constant 0 : i32
      %dma_start3A_106 = tpu.memref_slice %arg10[%add3A_104, %dma_start3A_105] : memref<40x100xi32, #tpu.memory_space<vmem>> -> memref<1x100xi32, #tpu.memory_space<vmem>>
      %dma_start3A_107 = tpu.memref_squeeze %dma_start3A_106 : memref<1x100xi32, #tpu.memory_space<vmem>> -> memref<100xi32, #tpu.memory_space<vmem>>
      %dma_start3A_108 = arith.constant 0 : i32
      %dma_start3A_109 = arith.constant 0 : i32
      %dma_start3A_110 = tpu.memref_slice %arg2[%dma_start3A_108, %dma_start3A_109] : memref<20000x128xf32, #tpu.memory_space<hbm>> -> memref<20000x128xf32, #tpu.memory_space<hbm>>
      tpu.enqueue_indirect_dma source(%dma_start3A_110 : memref<20000x128xf32, #tpu.memory_space<hbm>>) target(%arg13 : memref<100x128xf32, #tpu.memory_space<vmem>>) offsets(%dma_start3A_107 : memref<100xi32, #tpu.memory_space<vmem>>) semaphore(%arg16 : memref<!tpu.dma_semaphore, #tpu.memory_space<semaphore_mem>>)
      %dma_wait3A = arith.constant 0 : i32
      %dma_wait3A_111 = tpu.memref_slice %arg10[%mul3A_103, %dma_wait3A] : memref<40x100xi32, #tpu.memory_space<vmem>> -> memref<1x100xi32, #tpu.memory_space<vmem>>
      %dma_wait3A_112 = tpu.memref_squeeze %dma_wait3A_111 : memref<1x100xi32, #tpu.memory_space<vmem>> -> memref<100xi32, #tpu.memory_space<vmem>>
      %dma_wait3A_113 = arith.constant 0 : i32
      %dma_wait3A_114 = arith.constant 0 : i32
      %dma_wait3A_115 = tpu.memref_slice %arg2[%dma_wait3A_113, %dma_wait3A_114] : memref<20000x128xf32, #tpu.memory_space<hbm>> -> memref<20000x128xf32, #tpu.memory_space<hbm>>
      tpu.wait_indirect_dma semaphore(%arg15 : memref<!tpu.dma_semaphore, #tpu.memory_space<semaphore_mem>>) src(%dma_wait3A_115 : memref<20000x128xf32, #tpu.memory_space<hbm>>) dst(%arg12 : memref<100x128xf32, #tpu.memory_space<vmem>>)
      "tpu.region"() ({
        %run_scoped3A = tpu.sem_alloc : memref<!tpu.dma_semaphore, #tpu.memory_space<semaphore_mem>>
        %dma_start3A_129 = arith.constant 0 : i32
        %dma_start3A_130 = tpu.memref_slice %arg11[%mul3A_103, %dma_start3A_129] : memref<40x100xi32, #tpu.memory_space<vmem>> -> memref<1x100xi32, #tpu.memory_space<vmem>>
        %dma_start3A_131 = tpu.memref_squeeze %dma_start3A_130 : memref<1x100xi32, #tpu.memory_space<vmem>> -> memref<100xi32, #tpu.memory_space<vmem>>
        %dma_start3A_132 = arith.constant 0 : i32
        %dma_start3A_133 = arith.constant 0 : i32
        %dma_start3A_134 = tpu.memref_slice %arg14[%dma_start3A_132, %dma_start3A_133] : memref<10000x128xf32, #tpu.memory_space<vmem_shared>> -> memref<10000x128xf32, #tpu.memory_space<vmem_shared>>
        tpu.enqueue_indirect_dma source(%arg12 : memref<100x128xf32, #tpu.memory_space<vmem>>) target(%dma_start3A_134 : memref<10000x128xf32, #tpu.memory_space<vmem_shared>>) offsets(%dma_start3A_131 : memref<100xi32, #tpu.memory_space<vmem>>) semaphore(%run_scoped3A : memref<!tpu.dma_semaphore, #tpu.memory_space<semaphore_mem>>) {add = true}
        %dma_wait3A_135 = arith.constant 0 : i32
        %dma_wait3A_136 = tpu.memref_slice %arg11[%mul3A_103, %dma_wait3A_135] : memref<40x100xi32, #tpu.memory_space<vmem>> -> memref<1x100xi32, #tpu.memory_space<vmem>>
        %dma_wait3A_137 = tpu.memref_squeeze %dma_wait3A_136 : memref<1x100xi32, #tpu.memory_space<vmem>> -> memref<100xi32, #tpu.memory_space<vmem>>
        %dma_wait3A_138 = arith.constant 0 : i32
        %dma_wait3A_139 = arith.constant 0 : i32
        %dma_wait3A_140 = tpu.memref_slice %arg14[%dma_wait3A_138, %dma_wait3A_139] : memref<10000x128xf32, #tpu.memory_space<vmem_shared>> -> memref<10000x128xf32, #tpu.memory_space<vmem_shared>>
        tpu.wait_indirect_dma semaphore(%run_scoped3A : memref<!tpu.dma_semaphore, #tpu.memory_space<semaphore_mem>>) src(%arg12 : memref<100x128xf32, #tpu.memory_space<vmem>>) dst(%dma_wait3A_140 : memref<10000x128xf32, #tpu.memory_space<vmem_shared>>)
        tpu.yield
      }) : () -> ()
      "tpu.region"() ({
        %run_scoped3A = tpu.sem_alloc : memref<!tpu.dma_semaphore, #tpu.memory_space<semaphore_mem>>
        %dma_start3A_129 = arith.constant 0 : i32
        %dma_start3A_130 = tpu.memref_slice %arg11[%mul3A_103, %dma_start3A_129] : memref<40x100xi32, #tpu.memory_space<vmem>> -> memref<1x100xi32, #tpu.memory_space<vmem>>
        %dma_start3A_131 = tpu.memref_squeeze %dma_start3A_130 : memref<1x100xi32, #tpu.memory_space<vmem>> -> memref<100xi32, #tpu.memory_space<vmem>>
        %dma_start3A_132 = arith.constant 0 : i32
        %dma_start3A_133 = arith.constant 0 : i32
        %dma_start3A_134 = tpu.memref_slice %arg18[%dma_start3A_132, %dma_start3A_133] : memref<10000x16xf32, #tpu.memory_space<vmem_shared>> -> memref<10000x16xf32, #tpu.memory_space<vmem_shared>>
        tpu.enqueue_indirect_dma source(%arg17 : memref<100x16xf32, #tpu.memory_space<vmem>>) target(%dma_start3A_134 : memref<10000x16xf32, #tpu.memory_space<vmem_shared>>) offsets(%dma_start3A_131 : memref<100xi32, #tpu.memory_space<vmem>>) semaphore(%run_scoped3A : memref<!tpu.dma_semaphore, #tpu.memory_space<semaphore_mem>>) {add = true}
        %dma_wait3A_135 = arith.constant 0 : i32
        %dma_wait3A_136 = tpu.memref_slice %arg11[%mul3A_103, %dma_wait3A_135] : memref<40x100xi32, #tpu.memory_space<vmem>> -> memref<1x100xi32, #tpu.memory_space<vmem>>
        %dma_wait3A_137 = tpu.memref_squeeze %dma_wait3A_136 : memref<1x100xi32, #tpu.memory_space<vmem>> -> memref<100xi32, #tpu.memory_space<vmem>>
        %dma_wait3A_138 = arith.constant 0 : i32
        %dma_wait3A_139 = arith.constant 0 : i32
        %dma_wait3A_140 = tpu.memref_slice %arg18[%dma_wait3A_138, %dma_wait3A_139] : memref<10000x16xf32, #tpu.memory_space<vmem_shared>> -> memref<10000x16xf32, #tpu.memory_space<vmem_shared>>
        tpu.wait_indirect_dma semaphore(%run_scoped3A : memref<!tpu.dma_semaphore, #tpu.memory_space<semaphore_mem>>) src(%arg17 : memref<100x16xf32, #tpu.memory_space<vmem>>) dst(%dma_wait3A_140 : memref<10000x16xf32, #tpu.memory_space<vmem_shared>>)
        tpu.yield
      }) : () -> ()
      %lt3A_116 = arith.constant 19 : i32
      %lt3A_117 = arith.cmpi slt, %scan3A_101, %lt3A_116 : i32
      %convert_element_type3A_118 = arith.extui %lt3A_117 : i1 to i32
      %cond3A_119 = arith.constant 0 : i32
      %cond3A_120 = arith.cmpi ne, %convert_element_type3A_118, %cond3A_119 : i32
      scf.if %cond3A_120 {
        %add3A_129 = arith.constant 2 : i32
        %add3A_130 = arith.addi %mul3A_103, %add3A_129 : i32
        %dma_start3A_131 = arith.constant 0 : i32
        %dma_start3A_132 = tpu.memref_slice %arg10[%add3A_130, %dma_start3A_131] : memref<40x100xi32, #tpu.memory_space<vmem>> -> memref<1x100xi32, #tpu.memory_space<vmem>>
        %dma_start3A_133 = tpu.memref_squeeze %dma_start3A_132 : memref<1x100xi32, #tpu.memory_space<vmem>> -> memref<100xi32, #tpu.memory_space<vmem>>
        %dma_start3A_134 = arith.constant 0 : i32
        %dma_start3A_135 = arith.constant 0 : i32
        %dma_start3A_136 = tpu.memref_slice %arg2[%dma_start3A_134, %dma_start3A_135] : memref<20000x128xf32, #tpu.memory_space<hbm>> -> memref<20000x128xf32, #tpu.memory_space<hbm>>
        tpu.enqueue_indirect_dma source(%dma_start3A_136 : memref<20000x128xf32, #tpu.memory_space<hbm>>) target(%arg12 : memref<100x128xf32, #tpu.memory_space<vmem>>) offsets(%dma_start3A_133 : memref<100xi32, #tpu.memory_space<vmem>>) semaphore(%arg15 : memref<!tpu.dma_semaphore, #tpu.memory_space<semaphore_mem>>)
      } else {
      }
      %dma_wait3A_121 = arith.constant 0 : i32
      %dma_wait3A_122 = tpu.memref_slice %arg10[%add3A_104, %dma_wait3A_121] : memref<40x100xi32, #tpu.memory_space<vmem>> -> memref<1x100xi32, #tpu.memory_space<vmem>>
      %dma_wait3A_123 = tpu.memref_squeeze %dma_wait3A_122 : memref<1x100xi32, #tpu.memory_space<vmem>> -> memref<100xi32, #tpu.memory_space<vmem>>
      %dma_wait3A_124 = arith.constant 0 : i32
      %dma_wait3A_125 = arith.constant 0 : i32
      %dma_wait3A_126 = tpu.memref_slice %arg2[%dma_wait3A_124, %dma_wait3A_125] : memref<20000x128xf32, #tpu.memory_space<hbm>> -> memref<20000x128xf32, #tpu.memory_space<hbm>>
      tpu.wait_indirect_dma semaphore(%arg16 : memref<!tpu.dma_semaphore, #tpu.memory_space<semaphore_mem>>) src(%dma_wait3A_126 : memref<20000x128xf32, #tpu.memory_space<hbm>>) dst(%arg13 : memref<100x128xf32, #tpu.memory_space<vmem>>)
      %add3A_127 = arith.constant 1 : i32
      %add3A_128 = arith.addi %mul3A_103, %add3A_127 : i32
      "tpu.region"() ({
        %run_scoped3A = tpu.sem_alloc : memref<!tpu.dma_semaphore, #tpu.memory_space<semaphore_mem>>
        %dma_start3A_129 = arith.constant 0 : i32
        %dma_start3A_130 = tpu.memref_slice %arg11[%add3A_128, %dma_start3A_129] : memref<40x100xi32, #tpu.memory_space<vmem>> -> memref<1x100xi32, #tpu.memory_space<vmem>>
        %dma_start3A_131 = tpu.memref_squeeze %dma_start3A_130 : memref<1x100xi32, #tpu.memory_space<vmem>> -> memref<100xi32, #tpu.memory_space<vmem>>
        %dma_start3A_132 = arith.constant 0 : i32
        %dma_start3A_133 = arith.constant 0 : i32
        %dma_start3A_134 = tpu.memref_slice %arg14[%dma_start3A_132, %dma_start3A_133] : memref<10000x128xf32, #tpu.memory_space<vmem_shared>> -> memref<10000x128xf32, #tpu.memory_space<vmem_shared>>
        tpu.enqueue_indirect_dma source(%arg13 : memref<100x128xf32, #tpu.memory_space<vmem>>) target(%dma_start3A_134 : memref<10000x128xf32, #tpu.memory_space<vmem_shared>>) offsets(%dma_start3A_131 : memref<100xi32, #tpu.memory_space<vmem>>) semaphore(%run_scoped3A : memref<!tpu.dma_semaphore, #tpu.memory_space<semaphore_mem>>) {add = true}
        %dma_wait3A_135 = arith.constant 0 : i32
        %dma_wait3A_136 = tpu.memref_slice %arg11[%add3A_128, %dma_wait3A_135] : memref<40x100xi32, #tpu.memory_space<vmem>> -> memref<1x100xi32, #tpu.memory_space<vmem>>
        %dma_wait3A_137 = tpu.memref_squeeze %dma_wait3A_136 : memref<1x100xi32, #tpu.memory_space<vmem>> -> memref<100xi32, #tpu.memory_space<vmem>>
        %dma_wait3A_138 = arith.constant 0 : i32
        %dma_wait3A_139 = arith.constant 0 : i32
        %dma_wait3A_140 = tpu.memref_slice %arg14[%dma_wait3A_138, %dma_wait3A_139] : memref<10000x128xf32, #tpu.memory_space<vmem_shared>> -> memref<10000x128xf32, #tpu.memory_space<vmem_shared>>
        tpu.wait_indirect_dma semaphore(%run_scoped3A : memref<!tpu.dma_semaphore, #tpu.memory_space<semaphore_mem>>) src(%arg13 : memref<100x128xf32, #tpu.memory_space<vmem>>) dst(%dma_wait3A_140 : memref<10000x128xf32, #tpu.memory_space<vmem_shared>>)
        tpu.yield
      }) : () -> ()
      "tpu.region"() ({
        %run_scoped3A = tpu.sem_alloc : memref<!tpu.dma_semaphore, #tpu.memory_space<semaphore_mem>>
        %dma_start3A_129 = arith.constant 0 : i32
        %dma_start3A_130 = tpu.memref_slice %arg11[%add3A_128, %dma_start3A_129] : memref<40x100xi32, #tpu.memory_space<vmem>> -> memref<1x100xi32, #tpu.memory_space<vmem>>
        %dma_start3A_131 = tpu.memref_squeeze %dma_start3A_130 : memref<1x100xi32, #tpu.memory_space<vmem>> -> memref<100xi32, #tpu.memory_space<vmem>>
        %dma_start3A_132 = arith.constant 0 : i32
        %dma_start3A_133 = arith.constant 0 : i32
        %dma_start3A_134 = tpu.memref_slice %arg18[%dma_start3A_132, %dma_start3A_133] : memref<10000x16xf32, #tpu.memory_space<vmem_shared>> -> memref<10000x16xf32, #tpu.memory_space<vmem_shared>>
        tpu.enqueue_indirect_dma source(%arg17 : memref<100x16xf32, #tpu.memory_space<vmem>>) target(%dma_start3A_134 : memref<10000x16xf32, #tpu.memory_space<vmem_shared>>) offsets(%dma_start3A_131 : memref<100xi32, #tpu.memory_space<vmem>>) semaphore(%run_scoped3A : memref<!tpu.dma_semaphore, #tpu.memory_space<semaphore_mem>>) {add = true}
        %dma_wait3A_135 = arith.constant 0 : i32
        %dma_wait3A_136 = tpu.memref_slice %arg11[%add3A_128, %dma_wait3A_135] : memref<40x100xi32, #tpu.memory_space<vmem>> -> memref<1x100xi32, #tpu.memory_space<vmem>>
        %dma_wait3A_137 = tpu.memref_squeeze %dma_wait3A_136 : memref<1x100xi32, #tpu.memory_space<vmem>> -> memref<100xi32, #tpu.memory_space<vmem>>
        %dma_wait3A_138 = arith.constant 0 : i32
        %dma_wait3A_139 = arith.constant 0 : i32
        %dma_wait3A_140 = tpu.memref_slice %arg18[%dma_wait3A_138, %dma_wait3A_139] : memref<10000x16xf32, #tpu.memory_space<vmem_shared>> -> memref<10000x16xf32, #tpu.memory_space<vmem_shared>>
        tpu.wait_indirect_dma semaphore(%run_scoped3A : memref<!tpu.dma_semaphore, #tpu.memory_space<semaphore_mem>>) src(%arg17 : memref<100x16xf32, #tpu.memory_space<vmem>>) dst(%dma_wait3A_140 : memref<10000x16xf32, #tpu.memory_space<vmem_shared>>)
        tpu.yield
      }) : () -> ()
    }
    %scan3A_79 = arith.constant 20 : i32
    %barrier3A_80 = arith.constant 0 : index
    tpu.barrier barrier_id(%barrier3A_80)
    %lt3A_81 = arith.constant 15 : i32
    %lt3A_82 = arith.cmpi slt, %arg1, %lt3A_81 : i32
    %convert_element_type3A_83 = arith.extui %lt3A_82 : i1 to i32
    %cond3A_84 = arith.constant 0 : i32
    %cond3A_85 = arith.cmpi ne, %convert_element_type3A_83, %cond3A_84 : i32
    scf.if %cond3A_85 {
      "tpu.region"() ({
        %run_scoped3A = tpu.sem_alloc : memref<!tpu.dma_semaphore, #tpu.memory_space<semaphore_mem>>
        %dma_start3A_101 = arith.constant 0 : i32
        %dma_start3A_102 = tpu.memref_slice %arg8[%arg0, %mul3A_0, %dma_start3A_101] : memref<2x10000x128xf32, #tpu.memory_space<hbm>> -> memref<1x624x128xf32, #tpu.memory_space<hbm>>
        %dma_start3A_103 = tpu.memref_squeeze %dma_start3A_102 : memref<1x624x128xf32, #tpu.memory_space<hbm>> -> memref<624x128xf32, #tpu.memory_space<hbm>>
        %dma_start3A_104 = arith.constant 0 : i32
        %dma_start3A_105 = tpu.memref_slice %arg14[%mul3A_0, %dma_start3A_104] : memref<10000x128xf32, #tpu.memory_space<vmem_shared>> -> memref<624x128xf32, #tpu.memory_space<vmem_shared>>
        tpu.enqueue_dma source(%dma_start3A_105 : memref<624x128xf32, #tpu.memory_space<vmem_shared>>) target(%dma_start3A_103 : memref<624x128xf32, #tpu.memory_space<hbm>>) target_semaphore(%run_scoped3A : memref<!tpu.dma_semaphore, #tpu.memory_space<semaphore_mem>>)
        %dma_wait3A = arith.constant 0 : i32
        %dma_wait3A_106 = tpu.memref_slice %arg8[%arg0, %mul3A_0, %dma_wait3A] : memref<2x10000x128xf32, #tpu.memory_space<hbm>> -> memref<1x624x128xf32, #tpu.memory_space<hbm>>
        %dma_wait3A_107 = tpu.memref_squeeze %dma_wait3A_106 : memref<1x624x128xf32, #tpu.memory_space<hbm>> -> memref<624x128xf32, #tpu.memory_space<hbm>>
        %dma_wait3A_108 = arith.constant 0 : i32
        %dma_wait3A_109 = tpu.memref_slice %arg14[%mul3A_0, %dma_wait3A_108] : memref<10000x128xf32, #tpu.memory_space<vmem_shared>> -> memref<624x128xf32, #tpu.memory_space<vmem_shared>>
        tpu.wait_dma2 semaphore(%run_scoped3A : memref<!tpu.dma_semaphore, #tpu.memory_space<semaphore_mem>>) src(%dma_wait3A_109 : memref<624x128xf32, #tpu.memory_space<vmem_shared>>) dst(%dma_wait3A_107 : memref<624x128xf32, #tpu.memory_space<hbm>>)
        tpu.yield
      }) : () -> ()
    } else {
    }
    %eq3A_86 = arith.constant 15 : i32
    %eq3A_87 = arith.cmpi eq, %arg1, %eq3A_86 : i32
    %convert_element_type3A_88 = arith.extui %eq3A_87 : i1 to i32
    %cond3A_89 = arith.constant 0 : i32
    %cond3A_90 = arith.cmpi ne, %convert_element_type3A_88, %cond3A_89 : i32
    scf.if %cond3A_90 {
      "tpu.region"() ({
        %run_scoped3A = tpu.sem_alloc : memref<!tpu.dma_semaphore, #tpu.memory_space<semaphore_mem>>
        %dma_start3A_101 = arith.constant 9360 : i32
        %dma_start3A_102 = arith.constant 0 : i32
        %dma_start3A_103 = tpu.memref_slice %arg8[%arg0, %dma_start3A_101, %dma_start3A_102] : memref<2x10000x128xf32, #tpu.memory_space<hbm>> -> memref<1x640x128xf32, #tpu.memory_space<hbm>>
        %dma_start3A_104 = tpu.memref_squeeze %dma_start3A_103 : memref<1x640x128xf32, #tpu.memory_space<hbm>> -> memref<640x128xf32, #tpu.memory_space<hbm>>
        %dma_start3A_105 = arith.constant 9360 : i32
        %dma_start3A_106 = arith.constant 0 : i32
        %dma_start3A_107 = tpu.memref_slice %arg14[%dma_start3A_105, %dma_start3A_106] : memref<10000x128xf32, #tpu.memory_space<vmem_shared>> -> memref<640x128xf32, #tpu.memory_space<vmem_shared>>
        tpu.enqueue_dma source(%dma_start3A_107 : memref<640x128xf32, #tpu.memory_space<vmem_shared>>) target(%dma_start3A_104 : memref<640x128xf32, #tpu.memory_space<hbm>>) target_semaphore(%run_scoped3A : memref<!tpu.dma_semaphore, #tpu.memory_space<semaphore_mem>>)
        %dma_wait3A = arith.constant 9360 : i32
        %dma_wait3A_108 = arith.constant 0 : i32
        %dma_wait3A_109 = tpu.memref_slice %arg8[%arg0, %dma_wait3A, %dma_wait3A_108] : memref<2x10000x128xf32, #tpu.memory_space<hbm>> -> memref<1x640x128xf32, #tpu.memory_space<hbm>>
        %dma_wait3A_110 = tpu.memref_squeeze %dma_wait3A_109 : memref<1x640x128xf32, #tpu.memory_space<hbm>> -> memref<640x128xf32, #tpu.memory_space<hbm>>
        %dma_wait3A_111 = arith.constant 9360 : i32
        %dma_wait3A_112 = arith.constant 0 : i32
        %dma_wait3A_113 = tpu.memref_slice %arg14[%dma_wait3A_111, %dma_wait3A_112] : memref<10000x128xf32, #tpu.memory_space<vmem_shared>> -> memref<640x128xf32, #tpu.memory_space<vmem_shared>>
        tpu.wait_dma2 semaphore(%run_scoped3A : memref<!tpu.dma_semaphore, #tpu.memory_space<semaphore_mem>>) src(%dma_wait3A_113 : memref<640x128xf32, #tpu.memory_space<vmem_shared>>) dst(%dma_wait3A_110 : memref<640x128xf32, #tpu.memory_space<hbm>>)
        tpu.yield
      }) : () -> ()
    } else {
    }
    %lt3A_91 = arith.constant 15 : i32
    %lt3A_92 = arith.cmpi slt, %arg1, %lt3A_91 : i32
    %convert_element_type3A_93 = arith.extui %lt3A_92 : i1 to i32
    %cond3A_94 = arith.constant 0 : i32
    %cond3A_95 = arith.cmpi ne, %convert_element_type3A_93, %cond3A_94 : i32
    scf.if %cond3A_95 {
      "tpu.region"() ({
        %run_scoped3A = tpu.sem_alloc : memref<!tpu.dma_semaphore, #tpu.memory_space<semaphore_mem>>
        %dma_start3A_101 = arith.constant 0 : i32
        %dma_start3A_102 = tpu.memref_slice %arg9[%arg0, %mul3A_0, %dma_start3A_101] : memref<2x10000x16xf32, #tpu.memory_space<hbm>> -> memref<1x624x16xf32, #tpu.memory_space<hbm>>
        %dma_start3A_103 = tpu.memref_squeeze %dma_start3A_102 : memref<1x624x16xf32, #tpu.memory_space<hbm>> -> memref<624x16xf32, #tpu.memory_space<hbm>>
        %dma_start3A_104 = arith.constant 0 : i32
        %dma_start3A_105 = tpu.memref_slice %arg18[%mul3A_0, %dma_start3A_104] : memref<10000x16xf32, #tpu.memory_space<vmem_shared>> -> memref<624x16xf32, #tpu.memory_space<vmem_shared>>
        tpu.enqueue_dma source(%dma_start3A_105 : memref<624x16xf32, #tpu.memory_space<vmem_shared>>) target(%dma_start3A_103 : memref<624x16xf32, #tpu.memory_space<hbm>>) target_semaphore(%run_scoped3A : memref<!tpu.dma_semaphore, #tpu.memory_space<semaphore_mem>>)
        %dma_wait3A = arith.constant 0 : i32
        %dma_wait3A_106 = tpu.memref_slice %arg9[%arg0, %mul3A_0, %dma_wait3A] : memref<2x10000x16xf32, #tpu.memory_space<hbm>> -> memref<1x624x16xf32, #tpu.memory_space<hbm>>
        %dma_wait3A_107 = tpu.memref_squeeze %dma_wait3A_106 : memref<1x624x16xf32, #tpu.memory_space<hbm>> -> memref<624x16xf32, #tpu.memory_space<hbm>>
        %dma_wait3A_108 = arith.constant 0 : i32
        %dma_wait3A_109 = tpu.memref_slice %arg18[%mul3A_0, %dma_wait3A_108] : memref<10000x16xf32, #tpu.memory_space<vmem_shared>> -> memref<624x16xf32, #tpu.memory_space<vmem_shared>>
        tpu.wait_dma2 semaphore(%run_scoped3A : memref<!tpu.dma_semaphore, #tpu.memory_space<semaphore_mem>>) src(%dma_wait3A_109 : memref<624x16xf32, #tpu.memory_space<vmem_shared>>) dst(%dma_wait3A_107 : memref<624x16xf32, #tpu.memory_space<hbm>>)
        tpu.yield
      }) : () -> ()
    } else {
    }
    %eq3A_96 = arith.constant 15 : i32
    %eq3A_97 = arith.cmpi eq, %arg1, %eq3A_96 : i32
    %convert_element_type3A_98 = arith.extui %eq3A_97 : i1 to i32
    %cond3A_99 = arith.constant 0 : i32
    %cond3A_100 = arith.cmpi ne, %convert_element_type3A_98, %cond3A_99 : i32
    scf.if %cond3A_100 {
      "tpu.region"() ({
        %run_scoped3A = tpu.sem_alloc : memref<!tpu.dma_semaphore, #tpu.memory_space<semaphore_mem>>
        %dma_start3A_101 = arith.constant 9360 : i32
        %dma_start3A_102 = arith.constant 0 : i32
        %dma_start3A_103 = tpu.memref_slice %arg9[%arg0, %dma_start3A_101, %dma_start3A_102] : memref<2x10000x16xf32, #tpu.memory_space<hbm>> -> memref<1x640x16xf32, #tpu.memory_space<hbm>>
        %dma_start3A_104 = tpu.memref_squeeze %dma_start3A_103 : memref<1x640x16xf32, #tpu.memory_space<hbm>> -> memref<640x16xf32, #tpu.memory_space<hbm>>
        %dma_start3A_105 = arith.constant 9360 : i32
        %dma_start3A_106 = arith.constant 0 : i32
        %dma_start3A_107 = tpu.memref_slice %arg18[%dma_start3A_105, %dma_start3A_106] : memref<10000x16xf32, #tpu.memory_space<vmem_shared>> -> memref<640x16xf32, #tpu.memory_space<vmem_shared>>
        tpu.enqueue_dma source(%dma_start3A_107 : memref<640x16xf32, #tpu.memory_space<vmem_shared>>) target(%dma_start3A_104 : memref<640x16xf32, #tpu.memory_space<hbm>>) target_semaphore(%run_scoped3A : memref<!tpu.dma_semaphore, #tpu.memory_space<semaphore_mem>>)
        %dma_wait3A = arith.constant 9360 : i32
        %dma_wait3A_108 = arith.constant 0 : i32
        %dma_wait3A_109 = tpu.memref_slice %arg9[%arg0, %dma_wait3A, %dma_wait3A_108] : memref<2x10000x16xf32, #tpu.memory_space<hbm>> -> memref<1x640x16xf32, #tpu.memory_space<hbm>>
        %dma_wait3A_110 = tpu.memref_squeeze %dma_wait3A_109 : memref<1x640x16xf32, #tpu.memory_space<hbm>> -> memref<640x16xf32, #tpu.memory_space<hbm>>
        %dma_wait3A_111 = arith.constant 9360 : i32
        %dma_wait3A_112 = arith.constant 0 : i32
        %dma_wait3A_113 = tpu.memref_slice %arg18[%dma_wait3A_111, %dma_wait3A_112] : memref<10000x16xf32, #tpu.memory_space<vmem_shared>> -> memref<640x16xf32, #tpu.memory_space<vmem_shared>>
        tpu.wait_dma2 semaphore(%run_scoped3A : memref<!tpu.dma_semaphore, #tpu.memory_space<semaphore_mem>>) src(%dma_wait3A_113 : memref<640x16xf32, #tpu.memory_space<vmem_shared>>) dst(%dma_wait3A_110 : memref<640x16xf32, #tpu.memory_space<hbm>>)
        tpu.yield
      }) : () -> ()
    } else {
    }
    return
  }
}

#map = affine_map<(d0, d1) -> (0, 0)>
#map1 = affine_map<(d0, d1) -> (0, 0, 0, 0)>
#map2 = affine_map<(d0, d1) -> (0, 0, 0)>
module attributes {stable_mosaic.version = 14 : i64} {
  func.func @_link_gather(%arg0: i32, %arg1: i32, %arg2: memref<20000x128xf32, #tpu.memory_space<hbm>>, %arg3: memref<2x32x40x80xi32, #tpu.memory_space<hbm>>, %arg4: memref<2x102400x128xf32, #tpu.memory_space<hbm>>, %arg5: memref<40x80xi32, #tpu.memory_space<vmem>>, %arg6: memref<80x128xf32, #tpu.memory_space<vmem>>, %arg7: memref<80x128xf32, #tpu.memory_space<vmem>>, %arg8: memref<!tpu.dma_semaphore, #tpu.memory_space<semaphore_mem>>, %arg9: memref<!tpu.dma_semaphore, #tpu.memory_space<semaphore_mem>>) attributes {dimension_semantics = [#tpu.dimension_semantics<core_parallel>, #tpu.dimension_semantics<subcore_parallel>], iteration_bounds = array<i64: 2, 16>, scalar_prefetch = 0 : i64, scratch_operands = 5 : i64, tpu.core_type = #tpu.core_type<sc_vector_subcore>, window_params = [{transform_indices = #map}, {transform_indices = #map1}, {transform_indices = #map2}]} {
    %mul3A = arith.constant 2 : i32
    %mul3A_0 = arith.muli %arg1, %mul3A : i32
    %add3A = arith.addi %mul3A_0, %arg0 : i32
    %run_scoped3A = arith.constant 0 : i32
    "tpu.region"() ({
      %run_scoped3A_26 = tpu.sem_alloc : memref<!tpu.dma_semaphore, #tpu.memory_space<semaphore_mem>>
      %dma_start3A_27 = arith.constant 0 : i32
      %dma_start3A_28 = arith.constant 0 : i32
      %dma_start3A_29 = tpu.memref_slice %arg3[%run_scoped3A, %add3A, %dma_start3A_27, %dma_start3A_28] : memref<2x32x40x80xi32, #tpu.memory_space<hbm>> -> memref<1x1x40x80xi32, #tpu.memory_space<hbm>>
      %dma_start3A_30 = tpu.memref_squeeze %dma_start3A_29 : memref<1x1x40x80xi32, #tpu.memory_space<hbm>> -> memref<40x80xi32, #tpu.memory_space<hbm>>
      %dma_start3A_31 = arith.constant 0 : i32
      %dma_start3A_32 = arith.constant 0 : i32
      %dma_start3A_33 = tpu.memref_slice %arg3[%run_scoped3A, %add3A, %dma_start3A_31, %dma_start3A_32] : memref<2x32x40x80xi32, #tpu.memory_space<hbm>> -> memref<1x1x40x80xi32, #tpu.memory_space<hbm>>
      %dma_start3A_34 = tpu.memref_squeeze %dma_start3A_33 : memref<1x1x40x80xi32, #tpu.memory_space<hbm>> -> memref<40x80xi32, #tpu.memory_space<hbm>>
      tpu.enqueue_dma source(%dma_start3A_34 : memref<40x80xi32, #tpu.memory_space<hbm>>) target(%arg5 : memref<40x80xi32, #tpu.memory_space<vmem>>) target_semaphore(%run_scoped3A_26 : memref<!tpu.dma_semaphore, #tpu.memory_space<semaphore_mem>>)
      %dma_wait3A = arith.constant 0 : i32
      %dma_wait3A_35 = arith.constant 0 : i32
      %dma_wait3A_36 = tpu.memref_slice %arg3[%run_scoped3A, %add3A, %dma_wait3A, %dma_wait3A_35] : memref<2x32x40x80xi32, #tpu.memory_space<hbm>> -> memref<1x1x40x80xi32, #tpu.memory_space<hbm>>
      %dma_wait3A_37 = tpu.memref_squeeze %dma_wait3A_36 : memref<1x1x40x80xi32, #tpu.memory_space<hbm>> -> memref<40x80xi32, #tpu.memory_space<hbm>>
      %dma_wait3A_38 = arith.constant 0 : i32
      %dma_wait3A_39 = arith.constant 0 : i32
      %dma_wait3A_40 = tpu.memref_slice %arg3[%run_scoped3A, %add3A, %dma_wait3A_38, %dma_wait3A_39] : memref<2x32x40x80xi32, #tpu.memory_space<hbm>> -> memref<1x1x40x80xi32, #tpu.memory_space<hbm>>
      %dma_wait3A_41 = tpu.memref_squeeze %dma_wait3A_40 : memref<1x1x40x80xi32, #tpu.memory_space<hbm>> -> memref<40x80xi32, #tpu.memory_space<hbm>>
      tpu.wait_dma2 semaphore(%run_scoped3A_26 : memref<!tpu.dma_semaphore, #tpu.memory_space<semaphore_mem>>) src(%dma_wait3A_41 : memref<40x80xi32, #tpu.memory_space<hbm>>) dst(%arg5 : memref<40x80xi32, #tpu.memory_space<vmem>>)
      tpu.yield
    }) : () -> ()
    %dma_start3A = arith.constant 0 : i32
    %dma_start3A_1 = arith.constant 0 : i32
    %dma_start3A_2 = tpu.memref_slice %arg5[%dma_start3A, %dma_start3A_1] : memref<40x80xi32, #tpu.memory_space<vmem>> -> memref<1x80xi32, #tpu.memory_space<vmem>>
    %dma_start3A_3 = tpu.memref_squeeze %dma_start3A_2 : memref<1x80xi32, #tpu.memory_space<vmem>> -> memref<80xi32, #tpu.memory_space<vmem>>
    %dma_start3A_4 = arith.constant 0 : i32
    %dma_start3A_5 = arith.constant 0 : i32
    %dma_start3A_6 = tpu.memref_slice %arg2[%dma_start3A_4, %dma_start3A_5] : memref<20000x128xf32, #tpu.memory_space<hbm>> -> memref<20000x128xf32, #tpu.memory_space<hbm>>
    tpu.enqueue_indirect_dma source(%dma_start3A_6 : memref<20000x128xf32, #tpu.memory_space<hbm>>) target(%arg6 : memref<80x128xf32, #tpu.memory_space<vmem>>) offsets(%dma_start3A_3 : memref<80xi32, #tpu.memory_space<vmem>>) semaphore(%arg8 : memref<!tpu.dma_semaphore, #tpu.memory_space<semaphore_mem>>)
    %scan3A = arith.constant 0 : i32
    %scan3A_7 = arith.constant 0 : i32
    %scan3A_8 = arith.constant 20 : i32
    %scan3A_9 = arith.addi %scan3A_7, %scan3A_8 : i32
    %scan3A_10 = arith.constant 1 : i32
    scf.for %scan3A_26 = %scan3A_7 to %scan3A_9 step %scan3A_10  : i32 {
      %mul3A_27 = arith.constant 2 : i32
      %mul3A_28 = arith.muli %mul3A_27, %scan3A_26 : i32
      %add3A_29 = arith.constant 1 : i32
      %add3A_30 = arith.addi %mul3A_28, %add3A_29 : i32
      %dma_start3A_31 = arith.constant 0 : i32
      %dma_start3A_32 = tpu.memref_slice %arg5[%add3A_30, %dma_start3A_31] : memref<40x80xi32, #tpu.memory_space<vmem>> -> memref<1x80xi32, #tpu.memory_space<vmem>>
      %dma_start3A_33 = tpu.memref_squeeze %dma_start3A_32 : memref<1x80xi32, #tpu.memory_space<vmem>> -> memref<80xi32, #tpu.memory_space<vmem>>
      %dma_start3A_34 = arith.constant 0 : i32
      %dma_start3A_35 = arith.constant 0 : i32
      %dma_start3A_36 = tpu.memref_slice %arg2[%dma_start3A_34, %dma_start3A_35] : memref<20000x128xf32, #tpu.memory_space<hbm>> -> memref<20000x128xf32, #tpu.memory_space<hbm>>
      tpu.enqueue_indirect_dma source(%dma_start3A_36 : memref<20000x128xf32, #tpu.memory_space<hbm>>) target(%arg7 : memref<80x128xf32, #tpu.memory_space<vmem>>) offsets(%dma_start3A_33 : memref<80xi32, #tpu.memory_space<vmem>>) semaphore(%arg9 : memref<!tpu.dma_semaphore, #tpu.memory_space<semaphore_mem>>)
      %dma_wait3A = arith.constant 0 : i32
      %dma_wait3A_37 = tpu.memref_slice %arg5[%mul3A_28, %dma_wait3A] : memref<40x80xi32, #tpu.memory_space<vmem>> -> memref<1x80xi32, #tpu.memory_space<vmem>>
      %dma_wait3A_38 = tpu.memref_squeeze %dma_wait3A_37 : memref<1x80xi32, #tpu.memory_space<vmem>> -> memref<80xi32, #tpu.memory_space<vmem>>
      %dma_wait3A_39 = arith.constant 0 : i32
      %dma_wait3A_40 = arith.constant 0 : i32
      %dma_wait3A_41 = tpu.memref_slice %arg2[%dma_wait3A_39, %dma_wait3A_40] : memref<20000x128xf32, #tpu.memory_space<hbm>> -> memref<20000x128xf32, #tpu.memory_space<hbm>>
      tpu.wait_indirect_dma semaphore(%arg8 : memref<!tpu.dma_semaphore, #tpu.memory_space<semaphore_mem>>) src(%dma_wait3A_41 : memref<20000x128xf32, #tpu.memory_space<hbm>>) dst(%arg6 : memref<80x128xf32, #tpu.memory_space<vmem>>)
      %mul3A_42 = arith.constant 3200 : i32
      %mul3A_43 = arith.muli %add3A, %mul3A_42 : i32
      %mul3A_44 = arith.constant 80 : i32
      %mul3A_45 = arith.muli %mul3A_28, %mul3A_44 : i32
      %add3A_46 = arith.addi %mul3A_43, %mul3A_45 : i32
      %run_scoped3A_47 = arith.constant 0 : i32
      "tpu.region"() ({
        %run_scoped3A_64 = tpu.sem_alloc : memref<!tpu.dma_semaphore, #tpu.memory_space<semaphore_mem>>
        %dma_start3A_65 = arith.constant 0 : i32
        %dma_start3A_66 = tpu.memref_slice %arg4[%run_scoped3A_47, %add3A_46, %dma_start3A_65] : memref<2x102400x128xf32, #tpu.memory_space<hbm>> -> memref<1x80x128xf32, #tpu.memory_space<hbm>>
        %dma_start3A_67 = tpu.memref_squeeze %dma_start3A_66 : memref<1x80x128xf32, #tpu.memory_space<hbm>> -> memref<80x128xf32, #tpu.memory_space<hbm>>
        %dma_start3A_68 = arith.constant 0 : i32
        %dma_start3A_69 = tpu.memref_slice %arg4[%run_scoped3A_47, %add3A_46, %dma_start3A_68] : memref<2x102400x128xf32, #tpu.memory_space<hbm>> -> memref<1x80x128xf32, #tpu.memory_space<hbm>>
        %dma_start3A_70 = tpu.memref_squeeze %dma_start3A_69 : memref<1x80x128xf32, #tpu.memory_space<hbm>> -> memref<80x128xf32, #tpu.memory_space<hbm>>
        tpu.enqueue_dma source(%arg6 : memref<80x128xf32, #tpu.memory_space<vmem>>) target(%dma_start3A_70 : memref<80x128xf32, #tpu.memory_space<hbm>>) target_semaphore(%run_scoped3A_64 : memref<!tpu.dma_semaphore, #tpu.memory_space<semaphore_mem>>)
        %dma_wait3A_71 = arith.constant 0 : i32
        %dma_wait3A_72 = tpu.memref_slice %arg4[%run_scoped3A_47, %add3A_46, %dma_wait3A_71] : memref<2x102400x128xf32, #tpu.memory_space<hbm>> -> memref<1x80x128xf32, #tpu.memory_space<hbm>>
        %dma_wait3A_73 = tpu.memref_squeeze %dma_wait3A_72 : memref<1x80x128xf32, #tpu.memory_space<hbm>> -> memref<80x128xf32, #tpu.memory_space<hbm>>
        %dma_wait3A_74 = arith.constant 0 : i32
        %dma_wait3A_75 = tpu.memref_slice %arg4[%run_scoped3A_47, %add3A_46, %dma_wait3A_74] : memref<2x102400x128xf32, #tpu.memory_space<hbm>> -> memref<1x80x128xf32, #tpu.memory_space<hbm>>
        %dma_wait3A_76 = tpu.memref_squeeze %dma_wait3A_75 : memref<1x80x128xf32, #tpu.memory_space<hbm>> -> memref<80x128xf32, #tpu.memory_space<hbm>>
        tpu.wait_dma2 semaphore(%run_scoped3A_64 : memref<!tpu.dma_semaphore, #tpu.memory_space<semaphore_mem>>) src(%arg6 : memref<80x128xf32, #tpu.memory_space<vmem>>) dst(%dma_wait3A_76 : memref<80x128xf32, #tpu.memory_space<hbm>>)
        tpu.yield
      }) : () -> ()
      %lt3A = arith.constant 19 : i32
      %lt3A_48 = arith.cmpi slt, %scan3A_26, %lt3A : i32
      %convert_element_type3A = arith.extui %lt3A_48 : i1 to i32
      %cond3A = arith.constant 0 : i32
      %cond3A_49 = arith.cmpi ne, %convert_element_type3A, %cond3A : i32
      scf.if %cond3A_49 {
        %add3A_64 = arith.constant 2 : i32
        %add3A_65 = arith.addi %mul3A_28, %add3A_64 : i32
        %dma_start3A_66 = arith.constant 0 : i32
        %dma_start3A_67 = tpu.memref_slice %arg5[%add3A_65, %dma_start3A_66] : memref<40x80xi32, #tpu.memory_space<vmem>> -> memref<1x80xi32, #tpu.memory_space<vmem>>
        %dma_start3A_68 = tpu.memref_squeeze %dma_start3A_67 : memref<1x80xi32, #tpu.memory_space<vmem>> -> memref<80xi32, #tpu.memory_space<vmem>>
        %dma_start3A_69 = arith.constant 0 : i32
        %dma_start3A_70 = arith.constant 0 : i32
        %dma_start3A_71 = tpu.memref_slice %arg2[%dma_start3A_69, %dma_start3A_70] : memref<20000x128xf32, #tpu.memory_space<hbm>> -> memref<20000x128xf32, #tpu.memory_space<hbm>>
        tpu.enqueue_indirect_dma source(%dma_start3A_71 : memref<20000x128xf32, #tpu.memory_space<hbm>>) target(%arg6 : memref<80x128xf32, #tpu.memory_space<vmem>>) offsets(%dma_start3A_68 : memref<80xi32, #tpu.memory_space<vmem>>) semaphore(%arg8 : memref<!tpu.dma_semaphore, #tpu.memory_space<semaphore_mem>>)
      } else {
      }
      %dma_wait3A_50 = arith.constant 0 : i32
      %dma_wait3A_51 = tpu.memref_slice %arg5[%add3A_30, %dma_wait3A_50] : memref<40x80xi32, #tpu.memory_space<vmem>> -> memref<1x80xi32, #tpu.memory_space<vmem>>
      %dma_wait3A_52 = tpu.memref_squeeze %dma_wait3A_51 : memref<1x80xi32, #tpu.memory_space<vmem>> -> memref<80xi32, #tpu.memory_space<vmem>>
      %dma_wait3A_53 = arith.constant 0 : i32
      %dma_wait3A_54 = arith.constant 0 : i32
      %dma_wait3A_55 = tpu.memref_slice %arg2[%dma_wait3A_53, %dma_wait3A_54] : memref<20000x128xf32, #tpu.memory_space<hbm>> -> memref<20000x128xf32, #tpu.memory_space<hbm>>
      tpu.wait_indirect_dma semaphore(%arg9 : memref<!tpu.dma_semaphore, #tpu.memory_space<semaphore_mem>>) src(%dma_wait3A_55 : memref<20000x128xf32, #tpu.memory_space<hbm>>) dst(%arg7 : memref<80x128xf32, #tpu.memory_space<vmem>>)
      %mul3A_56 = arith.constant 3200 : i32
      %mul3A_57 = arith.muli %add3A, %mul3A_56 : i32
      %add3A_58 = arith.constant 1 : i32
      %add3A_59 = arith.addi %mul3A_28, %add3A_58 : i32
      %mul3A_60 = arith.constant 80 : i32
      %mul3A_61 = arith.muli %add3A_59, %mul3A_60 : i32
      %add3A_62 = arith.addi %mul3A_57, %mul3A_61 : i32
      %run_scoped3A_63 = arith.constant 0 : i32
      "tpu.region"() ({
        %run_scoped3A_64 = tpu.sem_alloc : memref<!tpu.dma_semaphore, #tpu.memory_space<semaphore_mem>>
        %dma_start3A_65 = arith.constant 0 : i32
        %dma_start3A_66 = tpu.memref_slice %arg4[%run_scoped3A_63, %add3A_62, %dma_start3A_65] : memref<2x102400x128xf32, #tpu.memory_space<hbm>> -> memref<1x80x128xf32, #tpu.memory_space<hbm>>
        %dma_start3A_67 = tpu.memref_squeeze %dma_start3A_66 : memref<1x80x128xf32, #tpu.memory_space<hbm>> -> memref<80x128xf32, #tpu.memory_space<hbm>>
        %dma_start3A_68 = arith.constant 0 : i32
        %dma_start3A_69 = tpu.memref_slice %arg4[%run_scoped3A_63, %add3A_62, %dma_start3A_68] : memref<2x102400x128xf32, #tpu.memory_space<hbm>> -> memref<1x80x128xf32, #tpu.memory_space<hbm>>
        %dma_start3A_70 = tpu.memref_squeeze %dma_start3A_69 : memref<1x80x128xf32, #tpu.memory_space<hbm>> -> memref<80x128xf32, #tpu.memory_space<hbm>>
        tpu.enqueue_dma source(%arg7 : memref<80x128xf32, #tpu.memory_space<vmem>>) target(%dma_start3A_70 : memref<80x128xf32, #tpu.memory_space<hbm>>) target_semaphore(%run_scoped3A_64 : memref<!tpu.dma_semaphore, #tpu.memory_space<semaphore_mem>>)
        %dma_wait3A_71 = arith.constant 0 : i32
        %dma_wait3A_72 = tpu.memref_slice %arg4[%run_scoped3A_63, %add3A_62, %dma_wait3A_71] : memref<2x102400x128xf32, #tpu.memory_space<hbm>> -> memref<1x80x128xf32, #tpu.memory_space<hbm>>
        %dma_wait3A_73 = tpu.memref_squeeze %dma_wait3A_72 : memref<1x80x128xf32, #tpu.memory_space<hbm>> -> memref<80x128xf32, #tpu.memory_space<hbm>>
        %dma_wait3A_74 = arith.constant 0 : i32
        %dma_wait3A_75 = tpu.memref_slice %arg4[%run_scoped3A_63, %add3A_62, %dma_wait3A_74] : memref<2x102400x128xf32, #tpu.memory_space<hbm>> -> memref<1x80x128xf32, #tpu.memory_space<hbm>>
        %dma_wait3A_76 = tpu.memref_squeeze %dma_wait3A_75 : memref<1x80x128xf32, #tpu.memory_space<hbm>> -> memref<80x128xf32, #tpu.memory_space<hbm>>
        tpu.wait_dma2 semaphore(%run_scoped3A_64 : memref<!tpu.dma_semaphore, #tpu.memory_space<semaphore_mem>>) src(%arg7 : memref<80x128xf32, #tpu.memory_space<vmem>>) dst(%dma_wait3A_76 : memref<80x128xf32, #tpu.memory_space<hbm>>)
        tpu.yield
      }) : () -> ()
    }
    %scan3A_11 = arith.constant 20 : i32
    %run_scoped3A_12 = arith.constant 1 : i32
    "tpu.region"() ({
      %run_scoped3A_26 = tpu.sem_alloc : memref<!tpu.dma_semaphore, #tpu.memory_space<semaphore_mem>>
      %dma_start3A_27 = arith.constant 0 : i32
      %dma_start3A_28 = arith.constant 0 : i32
      %dma_start3A_29 = tpu.memref_slice %arg3[%run_scoped3A_12, %add3A, %dma_start3A_27, %dma_start3A_28] : memref<2x32x40x80xi32, #tpu.memory_space<hbm>> -> memref<1x1x40x80xi32, #tpu.memory_space<hbm>>
      %dma_start3A_30 = tpu.memref_squeeze %dma_start3A_29 : memref<1x1x40x80xi32, #tpu.memory_space<hbm>> -> memref<40x80xi32, #tpu.memory_space<hbm>>
      %dma_start3A_31 = arith.constant 0 : i32
      %dma_start3A_32 = arith.constant 0 : i32
      %dma_start3A_33 = tpu.memref_slice %arg3[%run_scoped3A_12, %add3A, %dma_start3A_31, %dma_start3A_32] : memref<2x32x40x80xi32, #tpu.memory_space<hbm>> -> memref<1x1x40x80xi32, #tpu.memory_space<hbm>>
      %dma_start3A_34 = tpu.memref_squeeze %dma_start3A_33 : memref<1x1x40x80xi32, #tpu.memory_space<hbm>> -> memref<40x80xi32, #tpu.memory_space<hbm>>
      tpu.enqueue_dma source(%dma_start3A_34 : memref<40x80xi32, #tpu.memory_space<hbm>>) target(%arg5 : memref<40x80xi32, #tpu.memory_space<vmem>>) target_semaphore(%run_scoped3A_26 : memref<!tpu.dma_semaphore, #tpu.memory_space<semaphore_mem>>)
      %dma_wait3A = arith.constant 0 : i32
      %dma_wait3A_35 = arith.constant 0 : i32
      %dma_wait3A_36 = tpu.memref_slice %arg3[%run_scoped3A_12, %add3A, %dma_wait3A, %dma_wait3A_35] : memref<2x32x40x80xi32, #tpu.memory_space<hbm>> -> memref<1x1x40x80xi32, #tpu.memory_space<hbm>>
      %dma_wait3A_37 = tpu.memref_squeeze %dma_wait3A_36 : memref<1x1x40x80xi32, #tpu.memory_space<hbm>> -> memref<40x80xi32, #tpu.memory_space<hbm>>
      %dma_wait3A_38 = arith.constant 0 : i32
      %dma_wait3A_39 = arith.constant 0 : i32
      %dma_wait3A_40 = tpu.memref_slice %arg3[%run_scoped3A_12, %add3A, %dma_wait3A_38, %dma_wait3A_39] : memref<2x32x40x80xi32, #tpu.memory_space<hbm>> -> memref<1x1x40x80xi32, #tpu.memory_space<hbm>>
      %dma_wait3A_41 = tpu.memref_squeeze %dma_wait3A_40 : memref<1x1x40x80xi32, #tpu.memory_space<hbm>> -> memref<40x80xi32, #tpu.memory_space<hbm>>
      tpu.wait_dma2 semaphore(%run_scoped3A_26 : memref<!tpu.dma_semaphore, #tpu.memory_space<semaphore_mem>>) src(%dma_wait3A_41 : memref<40x80xi32, #tpu.memory_space<hbm>>) dst(%arg5 : memref<40x80xi32, #tpu.memory_space<vmem>>)
      tpu.yield
    }) : () -> ()
    %dma_start3A_13 = arith.constant 0 : i32
    %dma_start3A_14 = arith.constant 0 : i32
    %dma_start3A_15 = tpu.memref_slice %arg5[%dma_start3A_13, %dma_start3A_14] : memref<40x80xi32, #tpu.memory_space<vmem>> -> memref<1x80xi32, #tpu.memory_space<vmem>>
    %dma_start3A_16 = tpu.memref_squeeze %dma_start3A_15 : memref<1x80xi32, #tpu.memory_space<vmem>> -> memref<80xi32, #tpu.memory_space<vmem>>
    %dma_start3A_17 = arith.constant 0 : i32
    %dma_start3A_18 = arith.constant 0 : i32
    %dma_start3A_19 = tpu.memref_slice %arg2[%dma_start3A_17, %dma_start3A_18] : memref<20000x128xf32, #tpu.memory_space<hbm>> -> memref<20000x128xf32, #tpu.memory_space<hbm>>
    tpu.enqueue_indirect_dma source(%dma_start3A_19 : memref<20000x128xf32, #tpu.memory_space<hbm>>) target(%arg6 : memref<80x128xf32, #tpu.memory_space<vmem>>) offsets(%dma_start3A_16 : memref<80xi32, #tpu.memory_space<vmem>>) semaphore(%arg8 : memref<!tpu.dma_semaphore, #tpu.memory_space<semaphore_mem>>)
    %scan3A_20 = arith.constant 0 : i32
    %scan3A_21 = arith.constant 0 : i32
    %scan3A_22 = arith.constant 20 : i32
    %scan3A_23 = arith.addi %scan3A_21, %scan3A_22 : i32
    %scan3A_24 = arith.constant 1 : i32
    scf.for %scan3A_26 = %scan3A_21 to %scan3A_23 step %scan3A_24  : i32 {
      %mul3A_27 = arith.constant 2 : i32
      %mul3A_28 = arith.muli %mul3A_27, %scan3A_26 : i32
      %add3A_29 = arith.constant 1 : i32
      %add3A_30 = arith.addi %mul3A_28, %add3A_29 : i32
      %dma_start3A_31 = arith.constant 0 : i32
      %dma_start3A_32 = tpu.memref_slice %arg5[%add3A_30, %dma_start3A_31] : memref<40x80xi32, #tpu.memory_space<vmem>> -> memref<1x80xi32, #tpu.memory_space<vmem>>
      %dma_start3A_33 = tpu.memref_squeeze %dma_start3A_32 : memref<1x80xi32, #tpu.memory_space<vmem>> -> memref<80xi32, #tpu.memory_space<vmem>>
      %dma_start3A_34 = arith.constant 0 : i32
      %dma_start3A_35 = arith.constant 0 : i32
      %dma_start3A_36 = tpu.memref_slice %arg2[%dma_start3A_34, %dma_start3A_35] : memref<20000x128xf32, #tpu.memory_space<hbm>> -> memref<20000x128xf32, #tpu.memory_space<hbm>>
      tpu.enqueue_indirect_dma source(%dma_start3A_36 : memref<20000x128xf32, #tpu.memory_space<hbm>>) target(%arg7 : memref<80x128xf32, #tpu.memory_space<vmem>>) offsets(%dma_start3A_33 : memref<80xi32, #tpu.memory_space<vmem>>) semaphore(%arg9 : memref<!tpu.dma_semaphore, #tpu.memory_space<semaphore_mem>>)
      %dma_wait3A = arith.constant 0 : i32
      %dma_wait3A_37 = tpu.memref_slice %arg5[%mul3A_28, %dma_wait3A] : memref<40x80xi32, #tpu.memory_space<vmem>> -> memref<1x80xi32, #tpu.memory_space<vmem>>
      %dma_wait3A_38 = tpu.memref_squeeze %dma_wait3A_37 : memref<1x80xi32, #tpu.memory_space<vmem>> -> memref<80xi32, #tpu.memory_space<vmem>>
      %dma_wait3A_39 = arith.constant 0 : i32
      %dma_wait3A_40 = arith.constant 0 : i32
      %dma_wait3A_41 = tpu.memref_slice %arg2[%dma_wait3A_39, %dma_wait3A_40] : memref<20000x128xf32, #tpu.memory_space<hbm>> -> memref<20000x128xf32, #tpu.memory_space<hbm>>
      tpu.wait_indirect_dma semaphore(%arg8 : memref<!tpu.dma_semaphore, #tpu.memory_space<semaphore_mem>>) src(%dma_wait3A_41 : memref<20000x128xf32, #tpu.memory_space<hbm>>) dst(%arg6 : memref<80x128xf32, #tpu.memory_space<vmem>>)
      %mul3A_42 = arith.constant 3200 : i32
      %mul3A_43 = arith.muli %add3A, %mul3A_42 : i32
      %mul3A_44 = arith.constant 80 : i32
      %mul3A_45 = arith.muli %mul3A_28, %mul3A_44 : i32
      %add3A_46 = arith.addi %mul3A_43, %mul3A_45 : i32
      %run_scoped3A_47 = arith.constant 1 : i32
      "tpu.region"() ({
        %run_scoped3A_64 = tpu.sem_alloc : memref<!tpu.dma_semaphore, #tpu.memory_space<semaphore_mem>>
        %dma_start3A_65 = arith.constant 0 : i32
        %dma_start3A_66 = tpu.memref_slice %arg4[%run_scoped3A_47, %add3A_46, %dma_start3A_65] : memref<2x102400x128xf32, #tpu.memory_space<hbm>> -> memref<1x80x128xf32, #tpu.memory_space<hbm>>
        %dma_start3A_67 = tpu.memref_squeeze %dma_start3A_66 : memref<1x80x128xf32, #tpu.memory_space<hbm>> -> memref<80x128xf32, #tpu.memory_space<hbm>>
        %dma_start3A_68 = arith.constant 0 : i32
        %dma_start3A_69 = tpu.memref_slice %arg4[%run_scoped3A_47, %add3A_46, %dma_start3A_68] : memref<2x102400x128xf32, #tpu.memory_space<hbm>> -> memref<1x80x128xf32, #tpu.memory_space<hbm>>
        %dma_start3A_70 = tpu.memref_squeeze %dma_start3A_69 : memref<1x80x128xf32, #tpu.memory_space<hbm>> -> memref<80x128xf32, #tpu.memory_space<hbm>>
        tpu.enqueue_dma source(%arg6 : memref<80x128xf32, #tpu.memory_space<vmem>>) target(%dma_start3A_70 : memref<80x128xf32, #tpu.memory_space<hbm>>) target_semaphore(%run_scoped3A_64 : memref<!tpu.dma_semaphore, #tpu.memory_space<semaphore_mem>>)
        %dma_wait3A_71 = arith.constant 0 : i32
        %dma_wait3A_72 = tpu.memref_slice %arg4[%run_scoped3A_47, %add3A_46, %dma_wait3A_71] : memref<2x102400x128xf32, #tpu.memory_space<hbm>> -> memref<1x80x128xf32, #tpu.memory_space<hbm>>
        %dma_wait3A_73 = tpu.memref_squeeze %dma_wait3A_72 : memref<1x80x128xf32, #tpu.memory_space<hbm>> -> memref<80x128xf32, #tpu.memory_space<hbm>>
        %dma_wait3A_74 = arith.constant 0 : i32
        %dma_wait3A_75 = tpu.memref_slice %arg4[%run_scoped3A_47, %add3A_46, %dma_wait3A_74] : memref<2x102400x128xf32, #tpu.memory_space<hbm>> -> memref<1x80x128xf32, #tpu.memory_space<hbm>>
        %dma_wait3A_76 = tpu.memref_squeeze %dma_wait3A_75 : memref<1x80x128xf32, #tpu.memory_space<hbm>> -> memref<80x128xf32, #tpu.memory_space<hbm>>
        tpu.wait_dma2 semaphore(%run_scoped3A_64 : memref<!tpu.dma_semaphore, #tpu.memory_space<semaphore_mem>>) src(%arg6 : memref<80x128xf32, #tpu.memory_space<vmem>>) dst(%dma_wait3A_76 : memref<80x128xf32, #tpu.memory_space<hbm>>)
        tpu.yield
      }) : () -> ()
      %lt3A = arith.constant 19 : i32
      %lt3A_48 = arith.cmpi slt, %scan3A_26, %lt3A : i32
      %convert_element_type3A = arith.extui %lt3A_48 : i1 to i32
      %cond3A = arith.constant 0 : i32
      %cond3A_49 = arith.cmpi ne, %convert_element_type3A, %cond3A : i32
      scf.if %cond3A_49 {
        %add3A_64 = arith.constant 2 : i32
        %add3A_65 = arith.addi %mul3A_28, %add3A_64 : i32
        %dma_start3A_66 = arith.constant 0 : i32
        %dma_start3A_67 = tpu.memref_slice %arg5[%add3A_65, %dma_start3A_66] : memref<40x80xi32, #tpu.memory_space<vmem>> -> memref<1x80xi32, #tpu.memory_space<vmem>>
        %dma_start3A_68 = tpu.memref_squeeze %dma_start3A_67 : memref<1x80xi32, #tpu.memory_space<vmem>> -> memref<80xi32, #tpu.memory_space<vmem>>
        %dma_start3A_69 = arith.constant 0 : i32
        %dma_start3A_70 = arith.constant 0 : i32
        %dma_start3A_71 = tpu.memref_slice %arg2[%dma_start3A_69, %dma_start3A_70] : memref<20000x128xf32, #tpu.memory_space<hbm>> -> memref<20000x128xf32, #tpu.memory_space<hbm>>
        tpu.enqueue_indirect_dma source(%dma_start3A_71 : memref<20000x128xf32, #tpu.memory_space<hbm>>) target(%arg6 : memref<80x128xf32, #tpu.memory_space<vmem>>) offsets(%dma_start3A_68 : memref<80xi32, #tpu.memory_space<vmem>>) semaphore(%arg8 : memref<!tpu.dma_semaphore, #tpu.memory_space<semaphore_mem>>)
      } else {
      }
      %dma_wait3A_50 = arith.constant 0 : i32
      %dma_wait3A_51 = tpu.memref_slice %arg5[%add3A_30, %dma_wait3A_50] : memref<40x80xi32, #tpu.memory_space<vmem>> -> memref<1x80xi32, #tpu.memory_space<vmem>>
      %dma_wait3A_52 = tpu.memref_squeeze %dma_wait3A_51 : memref<1x80xi32, #tpu.memory_space<vmem>> -> memref<80xi32, #tpu.memory_space<vmem>>
      %dma_wait3A_53 = arith.constant 0 : i32
      %dma_wait3A_54 = arith.constant 0 : i32
      %dma_wait3A_55 = tpu.memref_slice %arg2[%dma_wait3A_53, %dma_wait3A_54] : memref<20000x128xf32, #tpu.memory_space<hbm>> -> memref<20000x128xf32, #tpu.memory_space<hbm>>
      tpu.wait_indirect_dma semaphore(%arg9 : memref<!tpu.dma_semaphore, #tpu.memory_space<semaphore_mem>>) src(%dma_wait3A_55 : memref<20000x128xf32, #tpu.memory_space<hbm>>) dst(%arg7 : memref<80x128xf32, #tpu.memory_space<vmem>>)
      %mul3A_56 = arith.constant 3200 : i32
      %mul3A_57 = arith.muli %add3A, %mul3A_56 : i32
      %add3A_58 = arith.constant 1 : i32
      %add3A_59 = arith.addi %mul3A_28, %add3A_58 : i32
      %mul3A_60 = arith.constant 80 : i32
      %mul3A_61 = arith.muli %add3A_59, %mul3A_60 : i32
      %add3A_62 = arith.addi %mul3A_57, %mul3A_61 : i32
      %run_scoped3A_63 = arith.constant 1 : i32
      "tpu.region"() ({
        %run_scoped3A_64 = tpu.sem_alloc : memref<!tpu.dma_semaphore, #tpu.memory_space<semaphore_mem>>
        %dma_start3A_65 = arith.constant 0 : i32
        %dma_start3A_66 = tpu.memref_slice %arg4[%run_scoped3A_63, %add3A_62, %dma_start3A_65] : memref<2x102400x128xf32, #tpu.memory_space<hbm>> -> memref<1x80x128xf32, #tpu.memory_space<hbm>>
        %dma_start3A_67 = tpu.memref_squeeze %dma_start3A_66 : memref<1x80x128xf32, #tpu.memory_space<hbm>> -> memref<80x128xf32, #tpu.memory_space<hbm>>
        %dma_start3A_68 = arith.constant 0 : i32
        %dma_start3A_69 = tpu.memref_slice %arg4[%run_scoped3A_63, %add3A_62, %dma_start3A_68] : memref<2x102400x128xf32, #tpu.memory_space<hbm>> -> memref<1x80x128xf32, #tpu.memory_space<hbm>>
        %dma_start3A_70 = tpu.memref_squeeze %dma_start3A_69 : memref<1x80x128xf32, #tpu.memory_space<hbm>> -> memref<80x128xf32, #tpu.memory_space<hbm>>
        tpu.enqueue_dma source(%arg7 : memref<80x128xf32, #tpu.memory_space<vmem>>) target(%dma_start3A_70 : memref<80x128xf32, #tpu.memory_space<hbm>>) target_semaphore(%run_scoped3A_64 : memref<!tpu.dma_semaphore, #tpu.memory_space<semaphore_mem>>)
        %dma_wait3A_71 = arith.constant 0 : i32
        %dma_wait3A_72 = tpu.memref_slice %arg4[%run_scoped3A_63, %add3A_62, %dma_wait3A_71] : memref<2x102400x128xf32, #tpu.memory_space<hbm>> -> memref<1x80x128xf32, #tpu.memory_space<hbm>>
        %dma_wait3A_73 = tpu.memref_squeeze %dma_wait3A_72 : memref<1x80x128xf32, #tpu.memory_space<hbm>> -> memref<80x128xf32, #tpu.memory_space<hbm>>
        %dma_wait3A_74 = arith.constant 0 : i32
        %dma_wait3A_75 = tpu.memref_slice %arg4[%run_scoped3A_63, %add3A_62, %dma_wait3A_74] : memref<2x102400x128xf32, #tpu.memory_space<hbm>> -> memref<1x80x128xf32, #tpu.memory_space<hbm>>
        %dma_wait3A_76 = tpu.memref_squeeze %dma_wait3A_75 : memref<1x80x128xf32, #tpu.memory_space<hbm>> -> memref<80x128xf32, #tpu.memory_space<hbm>>
        tpu.wait_dma2 semaphore(%run_scoped3A_64 : memref<!tpu.dma_semaphore, #tpu.memory_space<semaphore_mem>>) src(%arg7 : memref<80x128xf32, #tpu.memory_space<vmem>>) dst(%dma_wait3A_76 : memref<80x128xf32, #tpu.memory_space<hbm>>)
        tpu.yield
      }) : () -> ()
    }
    %scan3A_25 = arith.constant 20 : i32
    return
  }
}

#map = affine_map<(d0, d1) -> (0, 0)>
#map1 = affine_map<(d0, d1) -> (0, 0, 0, 0)>
#map2 = affine_map<(d0, d1) -> (0, 0, 0)>
module attributes {stable_mosaic.version = 14 : i64} {
  func.func @spmm(%arg0: i32, %arg1: i32, %arg2: memref<20000x128xf32, #tpu.memory_space<hbm>>, %arg3: memref<2x16x200x100xi32, #tpu.memory_space<hbm>>, %arg4: memref<2x16x200x100xi32, #tpu.memory_space<hbm>>, %arg5: memref<640x128xf32, #tpu.memory_space<hbm>>, %arg6: memref<2x10000x128xf32, #tpu.memory_space<hbm>>, %arg7: memref<40x100xi32, #tpu.memory_space<vmem>>, %arg8: memref<40x100xi32, #tpu.memory_space<vmem>>, %arg9: memref<100x128xf32, #tpu.memory_space<vmem>>, %arg10: memref<100x128xf32, #tpu.memory_space<vmem>>, %arg11: memref<10000x128xf32, #tpu.memory_space<vmem_shared>>, %arg12: memref<!tpu.dma_semaphore, #tpu.memory_space<semaphore_mem>>, %arg13: memref<!tpu.dma_semaphore, #tpu.memory_space<semaphore_mem>>) attributes {dimension_semantics = [#tpu.dimension_semantics<core_parallel>, #tpu.dimension_semantics<subcore_parallel>], iteration_bounds = array<i64: 2, 16>, scalar_prefetch = 0 : i64, scratch_operands = 7 : i64, tpu.core_type = #tpu.core_type<sc_vector_subcore>, window_params = [{transform_indices = #map}, {transform_indices = #map1}, {transform_indices = #map1}, {transform_indices = #map}, {transform_indices = #map2}]} {
    %mul3A = arith.constant 624 : i32
    %mul3A_0 = arith.muli %arg1, %mul3A : i32
    %lt3A = arith.constant 15 : i32
    %lt3A_1 = arith.cmpi slt, %arg1, %lt3A : i32
    %convert_element_type3A = arith.extui %lt3A_1 : i1 to i32
    %cond3A = arith.constant 0 : i32
    %cond3A_2 = arith.cmpi ne, %convert_element_type3A, %cond3A : i32
    scf.if %cond3A_2 {
      "tpu.region"() ({
        %run_scoped3A = tpu.sem_alloc : memref<!tpu.dma_semaphore, #tpu.memory_space<semaphore_mem>>
        %dma_start3A_81 = arith.constant 0 : i32
        %dma_start3A_82 = tpu.memref_slice %arg11[%mul3A_0, %dma_start3A_81] : memref<10000x128xf32, #tpu.memory_space<vmem_shared>> -> memref<624x128xf32, #tpu.memory_space<vmem_shared>>
        %dma_start3A_83 = arith.constant 0 : i32
        %dma_start3A_84 = arith.constant 0 : i32
        %dma_start3A_85 = tpu.memref_slice %arg5[%dma_start3A_83, %dma_start3A_84] : memref<640x128xf32, #tpu.memory_space<hbm>> -> memref<624x128xf32, #tpu.memory_space<hbm>>
        tpu.enqueue_dma source(%dma_start3A_85 : memref<624x128xf32, #tpu.memory_space<hbm>>) target(%dma_start3A_82 : memref<624x128xf32, #tpu.memory_space<vmem_shared>>) target_semaphore(%run_scoped3A : memref<!tpu.dma_semaphore, #tpu.memory_space<semaphore_mem>>)
        %dma_wait3A = arith.constant 0 : i32
        %dma_wait3A_86 = tpu.memref_slice %arg11[%mul3A_0, %dma_wait3A] : memref<10000x128xf32, #tpu.memory_space<vmem_shared>> -> memref<624x128xf32, #tpu.memory_space<vmem_shared>>
        %dma_wait3A_87 = arith.constant 0 : i32
        %dma_wait3A_88 = arith.constant 0 : i32
        %dma_wait3A_89 = tpu.memref_slice %arg5[%dma_wait3A_87, %dma_wait3A_88] : memref<640x128xf32, #tpu.memory_space<hbm>> -> memref<624x128xf32, #tpu.memory_space<hbm>>
        tpu.wait_dma2 semaphore(%run_scoped3A : memref<!tpu.dma_semaphore, #tpu.memory_space<semaphore_mem>>) src(%dma_wait3A_89 : memref<624x128xf32, #tpu.memory_space<hbm>>) dst(%dma_wait3A_86 : memref<624x128xf32, #tpu.memory_space<vmem_shared>>)
        tpu.yield
      }) : () -> ()
    } else {
    }
    %eq3A = arith.constant 15 : i32
    %eq3A_3 = arith.cmpi eq, %arg1, %eq3A : i32
    %convert_element_type3A_4 = arith.extui %eq3A_3 : i1 to i32
    %cond3A_5 = arith.constant 0 : i32
    %cond3A_6 = arith.cmpi ne, %convert_element_type3A_4, %cond3A_5 : i32
    scf.if %cond3A_6 {
      "tpu.region"() ({
        %run_scoped3A = tpu.sem_alloc : memref<!tpu.dma_semaphore, #tpu.memory_space<semaphore_mem>>
        %dma_start3A_81 = arith.constant 9360 : i32
        %dma_start3A_82 = arith.constant 0 : i32
        %dma_start3A_83 = tpu.memref_slice %arg11[%dma_start3A_81, %dma_start3A_82] : memref<10000x128xf32, #tpu.memory_space<vmem_shared>> -> memref<640x128xf32, #tpu.memory_space<vmem_shared>>
        %dma_start3A_84 = arith.constant 0 : i32
        %dma_start3A_85 = arith.constant 0 : i32
        %dma_start3A_86 = tpu.memref_slice %arg5[%dma_start3A_84, %dma_start3A_85] : memref<640x128xf32, #tpu.memory_space<hbm>> -> memref<640x128xf32, #tpu.memory_space<hbm>>
        tpu.enqueue_dma source(%dma_start3A_86 : memref<640x128xf32, #tpu.memory_space<hbm>>) target(%dma_start3A_83 : memref<640x128xf32, #tpu.memory_space<vmem_shared>>) target_semaphore(%run_scoped3A : memref<!tpu.dma_semaphore, #tpu.memory_space<semaphore_mem>>)
        %dma_wait3A = arith.constant 9360 : i32
        %dma_wait3A_87 = arith.constant 0 : i32
        %dma_wait3A_88 = tpu.memref_slice %arg11[%dma_wait3A, %dma_wait3A_87] : memref<10000x128xf32, #tpu.memory_space<vmem_shared>> -> memref<640x128xf32, #tpu.memory_space<vmem_shared>>
        %dma_wait3A_89 = arith.constant 0 : i32
        %dma_wait3A_90 = arith.constant 0 : i32
        %dma_wait3A_91 = tpu.memref_slice %arg5[%dma_wait3A_89, %dma_wait3A_90] : memref<640x128xf32, #tpu.memory_space<hbm>> -> memref<640x128xf32, #tpu.memory_space<hbm>>
        tpu.wait_dma2 semaphore(%run_scoped3A : memref<!tpu.dma_semaphore, #tpu.memory_space<semaphore_mem>>) src(%dma_wait3A_91 : memref<640x128xf32, #tpu.memory_space<hbm>>) dst(%dma_wait3A_88 : memref<640x128xf32, #tpu.memory_space<vmem_shared>>)
        tpu.yield
      }) : () -> ()
    } else {
    }
    %barrier3A = arith.constant 0 : index
    tpu.barrier barrier_id(%barrier3A)
    "tpu.region"() ({
      %run_scoped3A = tpu.sem_alloc : memref<!tpu.dma_semaphore, #tpu.memory_space<semaphore_mem>>
      %dma_start3A_81 = arith.constant 0 : i32
      %dma_start3A_82 = arith.constant 0 : i32
      %dma_start3A_83 = tpu.memref_slice %arg3[%arg0, %arg1, %dma_start3A_81, %dma_start3A_82] : memref<2x16x200x100xi32, #tpu.memory_space<hbm>> -> memref<1x1x40x100xi32, #tpu.memory_space<hbm>>
      %dma_start3A_84 = tpu.memref_squeeze %dma_start3A_83 : memref<1x1x40x100xi32, #tpu.memory_space<hbm>> -> memref<40x100xi32, #tpu.memory_space<hbm>>
      %dma_start3A_85 = arith.constant 0 : i32
      %dma_start3A_86 = arith.constant 0 : i32
      %dma_start3A_87 = tpu.memref_slice %arg3[%arg0, %arg1, %dma_start3A_85, %dma_start3A_86] : memref<2x16x200x100xi32, #tpu.memory_space<hbm>> -> memref<1x1x40x100xi32, #tpu.memory_space<hbm>>
      %dma_start3A_88 = tpu.memref_squeeze %dma_start3A_87 : memref<1x1x40x100xi32, #tpu.memory_space<hbm>> -> memref<40x100xi32, #tpu.memory_space<hbm>>
      tpu.enqueue_dma source(%dma_start3A_88 : memref<40x100xi32, #tpu.memory_space<hbm>>) target(%arg7 : memref<40x100xi32, #tpu.memory_space<vmem>>) target_semaphore(%run_scoped3A : memref<!tpu.dma_semaphore, #tpu.memory_space<semaphore_mem>>)
      %dma_wait3A = arith.constant 0 : i32
      %dma_wait3A_89 = arith.constant 0 : i32
      %dma_wait3A_90 = tpu.memref_slice %arg3[%arg0, %arg1, %dma_wait3A, %dma_wait3A_89] : memref<2x16x200x100xi32, #tpu.memory_space<hbm>> -> memref<1x1x40x100xi32, #tpu.memory_space<hbm>>
      %dma_wait3A_91 = tpu.memref_squeeze %dma_wait3A_90 : memref<1x1x40x100xi32, #tpu.memory_space<hbm>> -> memref<40x100xi32, #tpu.memory_space<hbm>>
      %dma_wait3A_92 = arith.constant 0 : i32
      %dma_wait3A_93 = arith.constant 0 : i32
      %dma_wait3A_94 = tpu.memref_slice %arg3[%arg0, %arg1, %dma_wait3A_92, %dma_wait3A_93] : memref<2x16x200x100xi32, #tpu.memory_space<hbm>> -> memref<1x1x40x100xi32, #tpu.memory_space<hbm>>
      %dma_wait3A_95 = tpu.memref_squeeze %dma_wait3A_94 : memref<1x1x40x100xi32, #tpu.memory_space<hbm>> -> memref<40x100xi32, #tpu.memory_space<hbm>>
      tpu.wait_dma2 semaphore(%run_scoped3A : memref<!tpu.dma_semaphore, #tpu.memory_space<semaphore_mem>>) src(%dma_wait3A_95 : memref<40x100xi32, #tpu.memory_space<hbm>>) dst(%arg7 : memref<40x100xi32, #tpu.memory_space<vmem>>)
      tpu.yield
    }) : () -> ()
    "tpu.region"() ({
      %run_scoped3A = tpu.sem_alloc : memref<!tpu.dma_semaphore, #tpu.memory_space<semaphore_mem>>
      %dma_start3A_81 = arith.constant 0 : i32
      %dma_start3A_82 = arith.constant 0 : i32
      %dma_start3A_83 = tpu.memref_slice %arg4[%arg0, %arg1, %dma_start3A_81, %dma_start3A_82] : memref<2x16x200x100xi32, #tpu.memory_space<hbm>> -> memref<1x1x40x100xi32, #tpu.memory_space<hbm>>
      %dma_start3A_84 = tpu.memref_squeeze %dma_start3A_83 : memref<1x1x40x100xi32, #tpu.memory_space<hbm>> -> memref<40x100xi32, #tpu.memory_space<hbm>>
      %dma_start3A_85 = arith.constant 0 : i32
      %dma_start3A_86 = arith.constant 0 : i32
      %dma_start3A_87 = tpu.memref_slice %arg4[%arg0, %arg1, %dma_start3A_85, %dma_start3A_86] : memref<2x16x200x100xi32, #tpu.memory_space<hbm>> -> memref<1x1x40x100xi32, #tpu.memory_space<hbm>>
      %dma_start3A_88 = tpu.memref_squeeze %dma_start3A_87 : memref<1x1x40x100xi32, #tpu.memory_space<hbm>> -> memref<40x100xi32, #tpu.memory_space<hbm>>
      tpu.enqueue_dma source(%dma_start3A_88 : memref<40x100xi32, #tpu.memory_space<hbm>>) target(%arg8 : memref<40x100xi32, #tpu.memory_space<vmem>>) target_semaphore(%run_scoped3A : memref<!tpu.dma_semaphore, #tpu.memory_space<semaphore_mem>>)
      %dma_wait3A = arith.constant 0 : i32
      %dma_wait3A_89 = arith.constant 0 : i32
      %dma_wait3A_90 = tpu.memref_slice %arg4[%arg0, %arg1, %dma_wait3A, %dma_wait3A_89] : memref<2x16x200x100xi32, #tpu.memory_space<hbm>> -> memref<1x1x40x100xi32, #tpu.memory_space<hbm>>
      %dma_wait3A_91 = tpu.memref_squeeze %dma_wait3A_90 : memref<1x1x40x100xi32, #tpu.memory_space<hbm>> -> memref<40x100xi32, #tpu.memory_space<hbm>>
      %dma_wait3A_92 = arith.constant 0 : i32
      %dma_wait3A_93 = arith.constant 0 : i32
      %dma_wait3A_94 = tpu.memref_slice %arg4[%arg0, %arg1, %dma_wait3A_92, %dma_wait3A_93] : memref<2x16x200x100xi32, #tpu.memory_space<hbm>> -> memref<1x1x40x100xi32, #tpu.memory_space<hbm>>
      %dma_wait3A_95 = tpu.memref_squeeze %dma_wait3A_94 : memref<1x1x40x100xi32, #tpu.memory_space<hbm>> -> memref<40x100xi32, #tpu.memory_space<hbm>>
      tpu.wait_dma2 semaphore(%run_scoped3A : memref<!tpu.dma_semaphore, #tpu.memory_space<semaphore_mem>>) src(%dma_wait3A_95 : memref<40x100xi32, #tpu.memory_space<hbm>>) dst(%arg8 : memref<40x100xi32, #tpu.memory_space<vmem>>)
      tpu.yield
    }) : () -> ()
    %dma_start3A = arith.constant 0 : i32
    %dma_start3A_7 = arith.constant 0 : i32
    %dma_start3A_8 = tpu.memref_slice %arg7[%dma_start3A, %dma_start3A_7] : memref<40x100xi32, #tpu.memory_space<vmem>> -> memref<1x100xi32, #tpu.memory_space<vmem>>
    %dma_start3A_9 = tpu.memref_squeeze %dma_start3A_8 : memref<1x100xi32, #tpu.memory_space<vmem>> -> memref<100xi32, #tpu.memory_space<vmem>>
    %dma_start3A_10 = arith.constant 0 : i32
    %dma_start3A_11 = arith.constant 0 : i32
    %dma_start3A_12 = tpu.memref_slice %arg2[%dma_start3A_10, %dma_start3A_11] : memref<20000x128xf32, #tpu.memory_space<hbm>> -> memref<20000x128xf32, #tpu.memory_space<hbm>>
    tpu.enqueue_indirect_dma source(%dma_start3A_12 : memref<20000x128xf32, #tpu.memory_space<hbm>>) target(%arg9 : memref<100x128xf32, #tpu.memory_space<vmem>>) offsets(%dma_start3A_9 : memref<100xi32, #tpu.memory_space<vmem>>) semaphore(%arg12 : memref<!tpu.dma_semaphore, #tpu.memory_space<semaphore_mem>>)
    %scan3A = arith.constant 0 : i32
    %scan3A_13 = arith.constant 0 : i32
    %scan3A_14 = arith.constant 20 : i32
    %scan3A_15 = arith.addi %scan3A_13, %scan3A_14 : i32
    %scan3A_16 = arith.constant 1 : i32
    scf.for %scan3A_81 = %scan3A_13 to %scan3A_15 step %scan3A_16  : i32 {
      %mul3A_82 = arith.constant 2 : i32
      %mul3A_83 = arith.muli %mul3A_82, %scan3A_81 : i32
      %add3A = arith.constant 1 : i32
      %add3A_84 = arith.addi %mul3A_83, %add3A : i32
      %dma_start3A_85 = arith.constant 0 : i32
      %dma_start3A_86 = tpu.memref_slice %arg7[%add3A_84, %dma_start3A_85] : memref<40x100xi32, #tpu.memory_space<vmem>> -> memref<1x100xi32, #tpu.memory_space<vmem>>
      %dma_start3A_87 = tpu.memref_squeeze %dma_start3A_86 : memref<1x100xi32, #tpu.memory_space<vmem>> -> memref<100xi32, #tpu.memory_space<vmem>>
      %dma_start3A_88 = arith.constant 0 : i32
      %dma_start3A_89 = arith.constant 0 : i32
      %dma_start3A_90 = tpu.memref_slice %arg2[%dma_start3A_88, %dma_start3A_89] : memref<20000x128xf32, #tpu.memory_space<hbm>> -> memref<20000x128xf32, #tpu.memory_space<hbm>>
      tpu.enqueue_indirect_dma source(%dma_start3A_90 : memref<20000x128xf32, #tpu.memory_space<hbm>>) target(%arg10 : memref<100x128xf32, #tpu.memory_space<vmem>>) offsets(%dma_start3A_87 : memref<100xi32, #tpu.memory_space<vmem>>) semaphore(%arg13 : memref<!tpu.dma_semaphore, #tpu.memory_space<semaphore_mem>>)
      %dma_wait3A = arith.constant 0 : i32
      %dma_wait3A_91 = tpu.memref_slice %arg7[%mul3A_83, %dma_wait3A] : memref<40x100xi32, #tpu.memory_space<vmem>> -> memref<1x100xi32, #tpu.memory_space<vmem>>
      %dma_wait3A_92 = tpu.memref_squeeze %dma_wait3A_91 : memref<1x100xi32, #tpu.memory_space<vmem>> -> memref<100xi32, #tpu.memory_space<vmem>>
      %dma_wait3A_93 = arith.constant 0 : i32
      %dma_wait3A_94 = arith.constant 0 : i32
      %dma_wait3A_95 = tpu.memref_slice %arg2[%dma_wait3A_93, %dma_wait3A_94] : memref<20000x128xf32, #tpu.memory_space<hbm>> -> memref<20000x128xf32, #tpu.memory_space<hbm>>
      tpu.wait_indirect_dma semaphore(%arg12 : memref<!tpu.dma_semaphore, #tpu.memory_space<semaphore_mem>>) src(%dma_wait3A_95 : memref<20000x128xf32, #tpu.memory_space<hbm>>) dst(%arg9 : memref<100x128xf32, #tpu.memory_space<vmem>>)
      "tpu.region"() ({
        %run_scoped3A = tpu.sem_alloc : memref<!tpu.dma_semaphore, #tpu.memory_space<semaphore_mem>>
        %dma_start3A_109 = arith.constant 0 : i32
        %dma_start3A_110 = tpu.memref_slice %arg8[%mul3A_83, %dma_start3A_109] : memref<40x100xi32, #tpu.memory_space<vmem>> -> memref<1x100xi32, #tpu.memory_space<vmem>>
        %dma_start3A_111 = tpu.memref_squeeze %dma_start3A_110 : memref<1x100xi32, #tpu.memory_space<vmem>> -> memref<100xi32, #tpu.memory_space<vmem>>
        %dma_start3A_112 = arith.constant 0 : i32
        %dma_start3A_113 = arith.constant 0 : i32
        %dma_start3A_114 = tpu.memref_slice %arg11[%dma_start3A_112, %dma_start3A_113] : memref<10000x128xf32, #tpu.memory_space<vmem_shared>> -> memref<10000x128xf32, #tpu.memory_space<vmem_shared>>
        tpu.enqueue_indirect_dma source(%arg9 : memref<100x128xf32, #tpu.memory_space<vmem>>) target(%dma_start3A_114 : memref<10000x128xf32, #tpu.memory_space<vmem_shared>>) offsets(%dma_start3A_111 : memref<100xi32, #tpu.memory_space<vmem>>) semaphore(%run_scoped3A : memref<!tpu.dma_semaphore, #tpu.memory_space<semaphore_mem>>) {add = true}
        %dma_wait3A_115 = arith.constant 0 : i32
        %dma_wait3A_116 = tpu.memref_slice %arg8[%mul3A_83, %dma_wait3A_115] : memref<40x100xi32, #tpu.memory_space<vmem>> -> memref<1x100xi32, #tpu.memory_space<vmem>>
        %dma_wait3A_117 = tpu.memref_squeeze %dma_wait3A_116 : memref<1x100xi32, #tpu.memory_space<vmem>> -> memref<100xi32, #tpu.memory_space<vmem>>
        %dma_wait3A_118 = arith.constant 0 : i32
        %dma_wait3A_119 = arith.constant 0 : i32
        %dma_wait3A_120 = tpu.memref_slice %arg11[%dma_wait3A_118, %dma_wait3A_119] : memref<10000x128xf32, #tpu.memory_space<vmem_shared>> -> memref<10000x128xf32, #tpu.memory_space<vmem_shared>>
        tpu.wait_indirect_dma semaphore(%run_scoped3A : memref<!tpu.dma_semaphore, #tpu.memory_space<semaphore_mem>>) src(%arg9 : memref<100x128xf32, #tpu.memory_space<vmem>>) dst(%dma_wait3A_120 : memref<10000x128xf32, #tpu.memory_space<vmem_shared>>)
        tpu.yield
      }) : () -> ()
      %lt3A_96 = arith.constant 19 : i32
      %lt3A_97 = arith.cmpi slt, %scan3A_81, %lt3A_96 : i32
      %convert_element_type3A_98 = arith.extui %lt3A_97 : i1 to i32
      %cond3A_99 = arith.constant 0 : i32
      %cond3A_100 = arith.cmpi ne, %convert_element_type3A_98, %cond3A_99 : i32
      scf.if %cond3A_100 {
        %add3A_109 = arith.constant 2 : i32
        %add3A_110 = arith.addi %mul3A_83, %add3A_109 : i32
        %dma_start3A_111 = arith.constant 0 : i32
        %dma_start3A_112 = tpu.memref_slice %arg7[%add3A_110, %dma_start3A_111] : memref<40x100xi32, #tpu.memory_space<vmem>> -> memref<1x100xi32, #tpu.memory_space<vmem>>
        %dma_start3A_113 = tpu.memref_squeeze %dma_start3A_112 : memref<1x100xi32, #tpu.memory_space<vmem>> -> memref<100xi32, #tpu.memory_space<vmem>>
        %dma_start3A_114 = arith.constant 0 : i32
        %dma_start3A_115 = arith.constant 0 : i32
        %dma_start3A_116 = tpu.memref_slice %arg2[%dma_start3A_114, %dma_start3A_115] : memref<20000x128xf32, #tpu.memory_space<hbm>> -> memref<20000x128xf32, #tpu.memory_space<hbm>>
        tpu.enqueue_indirect_dma source(%dma_start3A_116 : memref<20000x128xf32, #tpu.memory_space<hbm>>) target(%arg9 : memref<100x128xf32, #tpu.memory_space<vmem>>) offsets(%dma_start3A_113 : memref<100xi32, #tpu.memory_space<vmem>>) semaphore(%arg12 : memref<!tpu.dma_semaphore, #tpu.memory_space<semaphore_mem>>)
      } else {
      }
      %dma_wait3A_101 = arith.constant 0 : i32
      %dma_wait3A_102 = tpu.memref_slice %arg7[%add3A_84, %dma_wait3A_101] : memref<40x100xi32, #tpu.memory_space<vmem>> -> memref<1x100xi32, #tpu.memory_space<vmem>>
      %dma_wait3A_103 = tpu.memref_squeeze %dma_wait3A_102 : memref<1x100xi32, #tpu.memory_space<vmem>> -> memref<100xi32, #tpu.memory_space<vmem>>
      %dma_wait3A_104 = arith.constant 0 : i32
      %dma_wait3A_105 = arith.constant 0 : i32
      %dma_wait3A_106 = tpu.memref_slice %arg2[%dma_wait3A_104, %dma_wait3A_105] : memref<20000x128xf32, #tpu.memory_space<hbm>> -> memref<20000x128xf32, #tpu.memory_space<hbm>>
      tpu.wait_indirect_dma semaphore(%arg13 : memref<!tpu.dma_semaphore, #tpu.memory_space<semaphore_mem>>) src(%dma_wait3A_106 : memref<20000x128xf32, #tpu.memory_space<hbm>>) dst(%arg10 : memref<100x128xf32, #tpu.memory_space<vmem>>)
      %add3A_107 = arith.constant 1 : i32
      %add3A_108 = arith.addi %mul3A_83, %add3A_107 : i32
      "tpu.region"() ({
        %run_scoped3A = tpu.sem_alloc : memref<!tpu.dma_semaphore, #tpu.memory_space<semaphore_mem>>
        %dma_start3A_109 = arith.constant 0 : i32
        %dma_start3A_110 = tpu.memref_slice %arg8[%add3A_108, %dma_start3A_109] : memref<40x100xi32, #tpu.memory_space<vmem>> -> memref<1x100xi32, #tpu.memory_space<vmem>>
        %dma_start3A_111 = tpu.memref_squeeze %dma_start3A_110 : memref<1x100xi32, #tpu.memory_space<vmem>> -> memref<100xi32, #tpu.memory_space<vmem>>
        %dma_start3A_112 = arith.constant 0 : i32
        %dma_start3A_113 = arith.constant 0 : i32
        %dma_start3A_114 = tpu.memref_slice %arg11[%dma_start3A_112, %dma_start3A_113] : memref<10000x128xf32, #tpu.memory_space<vmem_shared>> -> memref<10000x128xf32, #tpu.memory_space<vmem_shared>>
        tpu.enqueue_indirect_dma source(%arg10 : memref<100x128xf32, #tpu.memory_space<vmem>>) target(%dma_start3A_114 : memref<10000x128xf32, #tpu.memory_space<vmem_shared>>) offsets(%dma_start3A_111 : memref<100xi32, #tpu.memory_space<vmem>>) semaphore(%run_scoped3A : memref<!tpu.dma_semaphore, #tpu.memory_space<semaphore_mem>>) {add = true}
        %dma_wait3A_115 = arith.constant 0 : i32
        %dma_wait3A_116 = tpu.memref_slice %arg8[%add3A_108, %dma_wait3A_115] : memref<40x100xi32, #tpu.memory_space<vmem>> -> memref<1x100xi32, #tpu.memory_space<vmem>>
        %dma_wait3A_117 = tpu.memref_squeeze %dma_wait3A_116 : memref<1x100xi32, #tpu.memory_space<vmem>> -> memref<100xi32, #tpu.memory_space<vmem>>
        %dma_wait3A_118 = arith.constant 0 : i32
        %dma_wait3A_119 = arith.constant 0 : i32
        %dma_wait3A_120 = tpu.memref_slice %arg11[%dma_wait3A_118, %dma_wait3A_119] : memref<10000x128xf32, #tpu.memory_space<vmem_shared>> -> memref<10000x128xf32, #tpu.memory_space<vmem_shared>>
        tpu.wait_indirect_dma semaphore(%run_scoped3A : memref<!tpu.dma_semaphore, #tpu.memory_space<semaphore_mem>>) src(%arg10 : memref<100x128xf32, #tpu.memory_space<vmem>>) dst(%dma_wait3A_120 : memref<10000x128xf32, #tpu.memory_space<vmem_shared>>)
        tpu.yield
      }) : () -> ()
    }
    %scan3A_17 = arith.constant 20 : i32
    "tpu.region"() ({
      %run_scoped3A = tpu.sem_alloc : memref<!tpu.dma_semaphore, #tpu.memory_space<semaphore_mem>>
      %dma_start3A_81 = arith.constant 40 : i32
      %dma_start3A_82 = arith.constant 0 : i32
      %dma_start3A_83 = tpu.memref_slice %arg3[%arg0, %arg1, %dma_start3A_81, %dma_start3A_82] : memref<2x16x200x100xi32, #tpu.memory_space<hbm>> -> memref<1x1x40x100xi32, #tpu.memory_space<hbm>>
      %dma_start3A_84 = tpu.memref_squeeze %dma_start3A_83 : memref<1x1x40x100xi32, #tpu.memory_space<hbm>> -> memref<40x100xi32, #tpu.memory_space<hbm>>
      %dma_start3A_85 = arith.constant 40 : i32
      %dma_start3A_86 = arith.constant 0 : i32
      %dma_start3A_87 = tpu.memref_slice %arg3[%arg0, %arg1, %dma_start3A_85, %dma_start3A_86] : memref<2x16x200x100xi32, #tpu.memory_space<hbm>> -> memref<1x1x40x100xi32, #tpu.memory_space<hbm>>
      %dma_start3A_88 = tpu.memref_squeeze %dma_start3A_87 : memref<1x1x40x100xi32, #tpu.memory_space<hbm>> -> memref<40x100xi32, #tpu.memory_space<hbm>>
      tpu.enqueue_dma source(%dma_start3A_88 : memref<40x100xi32, #tpu.memory_space<hbm>>) target(%arg7 : memref<40x100xi32, #tpu.memory_space<vmem>>) target_semaphore(%run_scoped3A : memref<!tpu.dma_semaphore, #tpu.memory_space<semaphore_mem>>)
      %dma_wait3A = arith.constant 40 : i32
      %dma_wait3A_89 = arith.constant 0 : i32
      %dma_wait3A_90 = tpu.memref_slice %arg3[%arg0, %arg1, %dma_wait3A, %dma_wait3A_89] : memref<2x16x200x100xi32, #tpu.memory_space<hbm>> -> memref<1x1x40x100xi32, #tpu.memory_space<hbm>>
      %dma_wait3A_91 = tpu.memref_squeeze %dma_wait3A_90 : memref<1x1x40x100xi32, #tpu.memory_space<hbm>> -> memref<40x100xi32, #tpu.memory_space<hbm>>
      %dma_wait3A_92 = arith.constant 40 : i32
      %dma_wait3A_93 = arith.constant 0 : i32
      %dma_wait3A_94 = tpu.memref_slice %arg3[%arg0, %arg1, %dma_wait3A_92, %dma_wait3A_93] : memref<2x16x200x100xi32, #tpu.memory_space<hbm>> -> memref<1x1x40x100xi32, #tpu.memory_space<hbm>>
      %dma_wait3A_95 = tpu.memref_squeeze %dma_wait3A_94 : memref<1x1x40x100xi32, #tpu.memory_space<hbm>> -> memref<40x100xi32, #tpu.memory_space<hbm>>
      tpu.wait_dma2 semaphore(%run_scoped3A : memref<!tpu.dma_semaphore, #tpu.memory_space<semaphore_mem>>) src(%dma_wait3A_95 : memref<40x100xi32, #tpu.memory_space<hbm>>) dst(%arg7 : memref<40x100xi32, #tpu.memory_space<vmem>>)
      tpu.yield
    }) : () -> ()
    "tpu.region"() ({
      %run_scoped3A = tpu.sem_alloc : memref<!tpu.dma_semaphore, #tpu.memory_space<semaphore_mem>>
      %dma_start3A_81 = arith.constant 40 : i32
      %dma_start3A_82 = arith.constant 0 : i32
      %dma_start3A_83 = tpu.memref_slice %arg4[%arg0, %arg1, %dma_start3A_81, %dma_start3A_82] : memref<2x16x200x100xi32, #tpu.memory_space<hbm>> -> memref<1x1x40x100xi32, #tpu.memory_space<hbm>>
      %dma_start3A_84 = tpu.memref_squeeze %dma_start3A_83 : memref<1x1x40x100xi32, #tpu.memory_space<hbm>> -> memref<40x100xi32, #tpu.memory_space<hbm>>
      %dma_start3A_85 = arith.constant 40 : i32
      %dma_start3A_86 = arith.constant 0 : i32
      %dma_start3A_87 = tpu.memref_slice %arg4[%arg0, %arg1, %dma_start3A_85, %dma_start3A_86] : memref<2x16x200x100xi32, #tpu.memory_space<hbm>> -> memref<1x1x40x100xi32, #tpu.memory_space<hbm>>
      %dma_start3A_88 = tpu.memref_squeeze %dma_start3A_87 : memref<1x1x40x100xi32, #tpu.memory_space<hbm>> -> memref<40x100xi32, #tpu.memory_space<hbm>>
      tpu.enqueue_dma source(%dma_start3A_88 : memref<40x100xi32, #tpu.memory_space<hbm>>) target(%arg8 : memref<40x100xi32, #tpu.memory_space<vmem>>) target_semaphore(%run_scoped3A : memref<!tpu.dma_semaphore, #tpu.memory_space<semaphore_mem>>)
      %dma_wait3A = arith.constant 40 : i32
      %dma_wait3A_89 = arith.constant 0 : i32
      %dma_wait3A_90 = tpu.memref_slice %arg4[%arg0, %arg1, %dma_wait3A, %dma_wait3A_89] : memref<2x16x200x100xi32, #tpu.memory_space<hbm>> -> memref<1x1x40x100xi32, #tpu.memory_space<hbm>>
      %dma_wait3A_91 = tpu.memref_squeeze %dma_wait3A_90 : memref<1x1x40x100xi32, #tpu.memory_space<hbm>> -> memref<40x100xi32, #tpu.memory_space<hbm>>
      %dma_wait3A_92 = arith.constant 40 : i32
      %dma_wait3A_93 = arith.constant 0 : i32
      %dma_wait3A_94 = tpu.memref_slice %arg4[%arg0, %arg1, %dma_wait3A_92, %dma_wait3A_93] : memref<2x16x200x100xi32, #tpu.memory_space<hbm>> -> memref<1x1x40x100xi32, #tpu.memory_space<hbm>>
      %dma_wait3A_95 = tpu.memref_squeeze %dma_wait3A_94 : memref<1x1x40x100xi32, #tpu.memory_space<hbm>> -> memref<40x100xi32, #tpu.memory_space<hbm>>
      tpu.wait_dma2 semaphore(%run_scoped3A : memref<!tpu.dma_semaphore, #tpu.memory_space<semaphore_mem>>) src(%dma_wait3A_95 : memref<40x100xi32, #tpu.memory_space<hbm>>) dst(%arg8 : memref<40x100xi32, #tpu.memory_space<vmem>>)
      tpu.yield
    }) : () -> ()
    %dma_start3A_18 = arith.constant 0 : i32
    %dma_start3A_19 = arith.constant 0 : i32
    %dma_start3A_20 = tpu.memref_slice %arg7[%dma_start3A_18, %dma_start3A_19] : memref<40x100xi32, #tpu.memory_space<vmem>> -> memref<1x100xi32, #tpu.memory_space<vmem>>
    %dma_start3A_21 = tpu.memref_squeeze %dma_start3A_20 : memref<1x100xi32, #tpu.memory_space<vmem>> -> memref<100xi32, #tpu.memory_space<vmem>>
    %dma_start3A_22 = arith.constant 0 : i32
    %dma_start3A_23 = arith.constant 0 : i32
    %dma_start3A_24 = tpu.memref_slice %arg2[%dma_start3A_22, %dma_start3A_23] : memref<20000x128xf32, #tpu.memory_space<hbm>> -> memref<20000x128xf32, #tpu.memory_space<hbm>>
    tpu.enqueue_indirect_dma source(%dma_start3A_24 : memref<20000x128xf32, #tpu.memory_space<hbm>>) target(%arg9 : memref<100x128xf32, #tpu.memory_space<vmem>>) offsets(%dma_start3A_21 : memref<100xi32, #tpu.memory_space<vmem>>) semaphore(%arg12 : memref<!tpu.dma_semaphore, #tpu.memory_space<semaphore_mem>>)
    %scan3A_25 = arith.constant 0 : i32
    %scan3A_26 = arith.constant 0 : i32
    %scan3A_27 = arith.constant 20 : i32
    %scan3A_28 = arith.addi %scan3A_26, %scan3A_27 : i32
    %scan3A_29 = arith.constant 1 : i32
    scf.for %scan3A_81 = %scan3A_26 to %scan3A_28 step %scan3A_29  : i32 {
      %mul3A_82 = arith.constant 2 : i32
      %mul3A_83 = arith.muli %mul3A_82, %scan3A_81 : i32
      %add3A = arith.constant 1 : i32
      %add3A_84 = arith.addi %mul3A_83, %add3A : i32
      %dma_start3A_85 = arith.constant 0 : i32
      %dma_start3A_86 = tpu.memref_slice %arg7[%add3A_84, %dma_start3A_85] : memref<40x100xi32, #tpu.memory_space<vmem>> -> memref<1x100xi32, #tpu.memory_space<vmem>>
      %dma_start3A_87 = tpu.memref_squeeze %dma_start3A_86 : memref<1x100xi32, #tpu.memory_space<vmem>> -> memref<100xi32, #tpu.memory_space<vmem>>
      %dma_start3A_88 = arith.constant 0 : i32
      %dma_start3A_89 = arith.constant 0 : i32
      %dma_start3A_90 = tpu.memref_slice %arg2[%dma_start3A_88, %dma_start3A_89] : memref<20000x128xf32, #tpu.memory_space<hbm>> -> memref<20000x128xf32, #tpu.memory_space<hbm>>
      tpu.enqueue_indirect_dma source(%dma_start3A_90 : memref<20000x128xf32, #tpu.memory_space<hbm>>) target(%arg10 : memref<100x128xf32, #tpu.memory_space<vmem>>) offsets(%dma_start3A_87 : memref<100xi32, #tpu.memory_space<vmem>>) semaphore(%arg13 : memref<!tpu.dma_semaphore, #tpu.memory_space<semaphore_mem>>)
      %dma_wait3A = arith.constant 0 : i32
      %dma_wait3A_91 = tpu.memref_slice %arg7[%mul3A_83, %dma_wait3A] : memref<40x100xi32, #tpu.memory_space<vmem>> -> memref<1x100xi32, #tpu.memory_space<vmem>>
      %dma_wait3A_92 = tpu.memref_squeeze %dma_wait3A_91 : memref<1x100xi32, #tpu.memory_space<vmem>> -> memref<100xi32, #tpu.memory_space<vmem>>
      %dma_wait3A_93 = arith.constant 0 : i32
      %dma_wait3A_94 = arith.constant 0 : i32
      %dma_wait3A_95 = tpu.memref_slice %arg2[%dma_wait3A_93, %dma_wait3A_94] : memref<20000x128xf32, #tpu.memory_space<hbm>> -> memref<20000x128xf32, #tpu.memory_space<hbm>>
      tpu.wait_indirect_dma semaphore(%arg12 : memref<!tpu.dma_semaphore, #tpu.memory_space<semaphore_mem>>) src(%dma_wait3A_95 : memref<20000x128xf32, #tpu.memory_space<hbm>>) dst(%arg9 : memref<100x128xf32, #tpu.memory_space<vmem>>)
      "tpu.region"() ({
        %run_scoped3A = tpu.sem_alloc : memref<!tpu.dma_semaphore, #tpu.memory_space<semaphore_mem>>
        %dma_start3A_109 = arith.constant 0 : i32
        %dma_start3A_110 = tpu.memref_slice %arg8[%mul3A_83, %dma_start3A_109] : memref<40x100xi32, #tpu.memory_space<vmem>> -> memref<1x100xi32, #tpu.memory_space<vmem>>
        %dma_start3A_111 = tpu.memref_squeeze %dma_start3A_110 : memref<1x100xi32, #tpu.memory_space<vmem>> -> memref<100xi32, #tpu.memory_space<vmem>>
        %dma_start3A_112 = arith.constant 0 : i32
        %dma_start3A_113 = arith.constant 0 : i32
        %dma_start3A_114 = tpu.memref_slice %arg11[%dma_start3A_112, %dma_start3A_113] : memref<10000x128xf32, #tpu.memory_space<vmem_shared>> -> memref<10000x128xf32, #tpu.memory_space<vmem_shared>>
        tpu.enqueue_indirect_dma source(%arg9 : memref<100x128xf32, #tpu.memory_space<vmem>>) target(%dma_start3A_114 : memref<10000x128xf32, #tpu.memory_space<vmem_shared>>) offsets(%dma_start3A_111 : memref<100xi32, #tpu.memory_space<vmem>>) semaphore(%run_scoped3A : memref<!tpu.dma_semaphore, #tpu.memory_space<semaphore_mem>>) {add = true}
        %dma_wait3A_115 = arith.constant 0 : i32
        %dma_wait3A_116 = tpu.memref_slice %arg8[%mul3A_83, %dma_wait3A_115] : memref<40x100xi32, #tpu.memory_space<vmem>> -> memref<1x100xi32, #tpu.memory_space<vmem>>
        %dma_wait3A_117 = tpu.memref_squeeze %dma_wait3A_116 : memref<1x100xi32, #tpu.memory_space<vmem>> -> memref<100xi32, #tpu.memory_space<vmem>>
        %dma_wait3A_118 = arith.constant 0 : i32
        %dma_wait3A_119 = arith.constant 0 : i32
        %dma_wait3A_120 = tpu.memref_slice %arg11[%dma_wait3A_118, %dma_wait3A_119] : memref<10000x128xf32, #tpu.memory_space<vmem_shared>> -> memref<10000x128xf32, #tpu.memory_space<vmem_shared>>
        tpu.wait_indirect_dma semaphore(%run_scoped3A : memref<!tpu.dma_semaphore, #tpu.memory_space<semaphore_mem>>) src(%arg9 : memref<100x128xf32, #tpu.memory_space<vmem>>) dst(%dma_wait3A_120 : memref<10000x128xf32, #tpu.memory_space<vmem_shared>>)
        tpu.yield
      }) : () -> ()
      %lt3A_96 = arith.constant 19 : i32
      %lt3A_97 = arith.cmpi slt, %scan3A_81, %lt3A_96 : i32
      %convert_element_type3A_98 = arith.extui %lt3A_97 : i1 to i32
      %cond3A_99 = arith.constant 0 : i32
      %cond3A_100 = arith.cmpi ne, %convert_element_type3A_98, %cond3A_99 : i32
      scf.if %cond3A_100 {
        %add3A_109 = arith.constant 2 : i32
        %add3A_110 = arith.addi %mul3A_83, %add3A_109 : i32
        %dma_start3A_111 = arith.constant 0 : i32
        %dma_start3A_112 = tpu.memref_slice %arg7[%add3A_110, %dma_start3A_111] : memref<40x100xi32, #tpu.memory_space<vmem>> -> memref<1x100xi32, #tpu.memory_space<vmem>>
        %dma_start3A_113 = tpu.memref_squeeze %dma_start3A_112 : memref<1x100xi32, #tpu.memory_space<vmem>> -> memref<100xi32, #tpu.memory_space<vmem>>
        %dma_start3A_114 = arith.constant 0 : i32
        %dma_start3A_115 = arith.constant 0 : i32
        %dma_start3A_116 = tpu.memref_slice %arg2[%dma_start3A_114, %dma_start3A_115] : memref<20000x128xf32, #tpu.memory_space<hbm>> -> memref<20000x128xf32, #tpu.memory_space<hbm>>
        tpu.enqueue_indirect_dma source(%dma_start3A_116 : memref<20000x128xf32, #tpu.memory_space<hbm>>) target(%arg9 : memref<100x128xf32, #tpu.memory_space<vmem>>) offsets(%dma_start3A_113 : memref<100xi32, #tpu.memory_space<vmem>>) semaphore(%arg12 : memref<!tpu.dma_semaphore, #tpu.memory_space<semaphore_mem>>)
      } else {
      }
      %dma_wait3A_101 = arith.constant 0 : i32
      %dma_wait3A_102 = tpu.memref_slice %arg7[%add3A_84, %dma_wait3A_101] : memref<40x100xi32, #tpu.memory_space<vmem>> -> memref<1x100xi32, #tpu.memory_space<vmem>>
      %dma_wait3A_103 = tpu.memref_squeeze %dma_wait3A_102 : memref<1x100xi32, #tpu.memory_space<vmem>> -> memref<100xi32, #tpu.memory_space<vmem>>
      %dma_wait3A_104 = arith.constant 0 : i32
      %dma_wait3A_105 = arith.constant 0 : i32
      %dma_wait3A_106 = tpu.memref_slice %arg2[%dma_wait3A_104, %dma_wait3A_105] : memref<20000x128xf32, #tpu.memory_space<hbm>> -> memref<20000x128xf32, #tpu.memory_space<hbm>>
      tpu.wait_indirect_dma semaphore(%arg13 : memref<!tpu.dma_semaphore, #tpu.memory_space<semaphore_mem>>) src(%dma_wait3A_106 : memref<20000x128xf32, #tpu.memory_space<hbm>>) dst(%arg10 : memref<100x128xf32, #tpu.memory_space<vmem>>)
      %add3A_107 = arith.constant 1 : i32
      %add3A_108 = arith.addi %mul3A_83, %add3A_107 : i32
      "tpu.region"() ({
        %run_scoped3A = tpu.sem_alloc : memref<!tpu.dma_semaphore, #tpu.memory_space<semaphore_mem>>
        %dma_start3A_109 = arith.constant 0 : i32
        %dma_start3A_110 = tpu.memref_slice %arg8[%add3A_108, %dma_start3A_109] : memref<40x100xi32, #tpu.memory_space<vmem>> -> memref<1x100xi32, #tpu.memory_space<vmem>>
        %dma_start3A_111 = tpu.memref_squeeze %dma_start3A_110 : memref<1x100xi32, #tpu.memory_space<vmem>> -> memref<100xi32, #tpu.memory_space<vmem>>
        %dma_start3A_112 = arith.constant 0 : i32
        %dma_start3A_113 = arith.constant 0 : i32
        %dma_start3A_114 = tpu.memref_slice %arg11[%dma_start3A_112, %dma_start3A_113] : memref<10000x128xf32, #tpu.memory_space<vmem_shared>> -> memref<10000x128xf32, #tpu.memory_space<vmem_shared>>
        tpu.enqueue_indirect_dma source(%arg10 : memref<100x128xf32, #tpu.memory_space<vmem>>) target(%dma_start3A_114 : memref<10000x128xf32, #tpu.memory_space<vmem_shared>>) offsets(%dma_start3A_111 : memref<100xi32, #tpu.memory_space<vmem>>) semaphore(%run_scoped3A : memref<!tpu.dma_semaphore, #tpu.memory_space<semaphore_mem>>) {add = true}
        %dma_wait3A_115 = arith.constant 0 : i32
        %dma_wait3A_116 = tpu.memref_slice %arg8[%add3A_108, %dma_wait3A_115] : memref<40x100xi32, #tpu.memory_space<vmem>> -> memref<1x100xi32, #tpu.memory_space<vmem>>
        %dma_wait3A_117 = tpu.memref_squeeze %dma_wait3A_116 : memref<1x100xi32, #tpu.memory_space<vmem>> -> memref<100xi32, #tpu.memory_space<vmem>>
        %dma_wait3A_118 = arith.constant 0 : i32
        %dma_wait3A_119 = arith.constant 0 : i32
        %dma_wait3A_120 = tpu.memref_slice %arg11[%dma_wait3A_118, %dma_wait3A_119] : memref<10000x128xf32, #tpu.memory_space<vmem_shared>> -> memref<10000x128xf32, #tpu.memory_space<vmem_shared>>
        tpu.wait_indirect_dma semaphore(%run_scoped3A : memref<!tpu.dma_semaphore, #tpu.memory_space<semaphore_mem>>) src(%arg10 : memref<100x128xf32, #tpu.memory_space<vmem>>) dst(%dma_wait3A_120 : memref<10000x128xf32, #tpu.memory_space<vmem_shared>>)
        tpu.yield
      }) : () -> ()
    }
    %scan3A_30 = arith.constant 20 : i32
    "tpu.region"() ({
      %run_scoped3A = tpu.sem_alloc : memref<!tpu.dma_semaphore, #tpu.memory_space<semaphore_mem>>
      %dma_start3A_81 = arith.constant 80 : i32
      %dma_start3A_82 = arith.constant 0 : i32
      %dma_start3A_83 = tpu.memref_slice %arg3[%arg0, %arg1, %dma_start3A_81, %dma_start3A_82] : memref<2x16x200x100xi32, #tpu.memory_space<hbm>> -> memref<1x1x40x100xi32, #tpu.memory_space<hbm>>
      %dma_start3A_84 = tpu.memref_squeeze %dma_start3A_83 : memref<1x1x40x100xi32, #tpu.memory_space<hbm>> -> memref<40x100xi32, #tpu.memory_space<hbm>>
      %dma_start3A_85 = arith.constant 80 : i32
      %dma_start3A_86 = arith.constant 0 : i32
      %dma_start3A_87 = tpu.memref_slice %arg3[%arg0, %arg1, %dma_start3A_85, %dma_start3A_86] : memref<2x16x200x100xi32, #tpu.memory_space<hbm>> -> memref<1x1x40x100xi32, #tpu.memory_space<hbm>>
      %dma_start3A_88 = tpu.memref_squeeze %dma_start3A_87 : memref<1x1x40x100xi32, #tpu.memory_space<hbm>> -> memref<40x100xi32, #tpu.memory_space<hbm>>
      tpu.enqueue_dma source(%dma_start3A_88 : memref<40x100xi32, #tpu.memory_space<hbm>>) target(%arg7 : memref<40x100xi32, #tpu.memory_space<vmem>>) target_semaphore(%run_scoped3A : memref<!tpu.dma_semaphore, #tpu.memory_space<semaphore_mem>>)
      %dma_wait3A = arith.constant 80 : i32
      %dma_wait3A_89 = arith.constant 0 : i32
      %dma_wait3A_90 = tpu.memref_slice %arg3[%arg0, %arg1, %dma_wait3A, %dma_wait3A_89] : memref<2x16x200x100xi32, #tpu.memory_space<hbm>> -> memref<1x1x40x100xi32, #tpu.memory_space<hbm>>
      %dma_wait3A_91 = tpu.memref_squeeze %dma_wait3A_90 : memref<1x1x40x100xi32, #tpu.memory_space<hbm>> -> memref<40x100xi32, #tpu.memory_space<hbm>>
      %dma_wait3A_92 = arith.constant 80 : i32
      %dma_wait3A_93 = arith.constant 0 : i32
      %dma_wait3A_94 = tpu.memref_slice %arg3[%arg0, %arg1, %dma_wait3A_92, %dma_wait3A_93] : memref<2x16x200x100xi32, #tpu.memory_space<hbm>> -> memref<1x1x40x100xi32, #tpu.memory_space<hbm>>
      %dma_wait3A_95 = tpu.memref_squeeze %dma_wait3A_94 : memref<1x1x40x100xi32, #tpu.memory_space<hbm>> -> memref<40x100xi32, #tpu.memory_space<hbm>>
      tpu.wait_dma2 semaphore(%run_scoped3A : memref<!tpu.dma_semaphore, #tpu.memory_space<semaphore_mem>>) src(%dma_wait3A_95 : memref<40x100xi32, #tpu.memory_space<hbm>>) dst(%arg7 : memref<40x100xi32, #tpu.memory_space<vmem>>)
      tpu.yield
    }) : () -> ()
    "tpu.region"() ({
      %run_scoped3A = tpu.sem_alloc : memref<!tpu.dma_semaphore, #tpu.memory_space<semaphore_mem>>
      %dma_start3A_81 = arith.constant 80 : i32
      %dma_start3A_82 = arith.constant 0 : i32
      %dma_start3A_83 = tpu.memref_slice %arg4[%arg0, %arg1, %dma_start3A_81, %dma_start3A_82] : memref<2x16x200x100xi32, #tpu.memory_space<hbm>> -> memref<1x1x40x100xi32, #tpu.memory_space<hbm>>
      %dma_start3A_84 = tpu.memref_squeeze %dma_start3A_83 : memref<1x1x40x100xi32, #tpu.memory_space<hbm>> -> memref<40x100xi32, #tpu.memory_space<hbm>>
      %dma_start3A_85 = arith.constant 80 : i32
      %dma_start3A_86 = arith.constant 0 : i32
      %dma_start3A_87 = tpu.memref_slice %arg4[%arg0, %arg1, %dma_start3A_85, %dma_start3A_86] : memref<2x16x200x100xi32, #tpu.memory_space<hbm>> -> memref<1x1x40x100xi32, #tpu.memory_space<hbm>>
      %dma_start3A_88 = tpu.memref_squeeze %dma_start3A_87 : memref<1x1x40x100xi32, #tpu.memory_space<hbm>> -> memref<40x100xi32, #tpu.memory_space<hbm>>
      tpu.enqueue_dma source(%dma_start3A_88 : memref<40x100xi32, #tpu.memory_space<hbm>>) target(%arg8 : memref<40x100xi32, #tpu.memory_space<vmem>>) target_semaphore(%run_scoped3A : memref<!tpu.dma_semaphore, #tpu.memory_space<semaphore_mem>>)
      %dma_wait3A = arith.constant 80 : i32
      %dma_wait3A_89 = arith.constant 0 : i32
      %dma_wait3A_90 = tpu.memref_slice %arg4[%arg0, %arg1, %dma_wait3A, %dma_wait3A_89] : memref<2x16x200x100xi32, #tpu.memory_space<hbm>> -> memref<1x1x40x100xi32, #tpu.memory_space<hbm>>
      %dma_wait3A_91 = tpu.memref_squeeze %dma_wait3A_90 : memref<1x1x40x100xi32, #tpu.memory_space<hbm>> -> memref<40x100xi32, #tpu.memory_space<hbm>>
      %dma_wait3A_92 = arith.constant 80 : i32
      %dma_wait3A_93 = arith.constant 0 : i32
      %dma_wait3A_94 = tpu.memref_slice %arg4[%arg0, %arg1, %dma_wait3A_92, %dma_wait3A_93] : memref<2x16x200x100xi32, #tpu.memory_space<hbm>> -> memref<1x1x40x100xi32, #tpu.memory_space<hbm>>
      %dma_wait3A_95 = tpu.memref_squeeze %dma_wait3A_94 : memref<1x1x40x100xi32, #tpu.memory_space<hbm>> -> memref<40x100xi32, #tpu.memory_space<hbm>>
      tpu.wait_dma2 semaphore(%run_scoped3A : memref<!tpu.dma_semaphore, #tpu.memory_space<semaphore_mem>>) src(%dma_wait3A_95 : memref<40x100xi32, #tpu.memory_space<hbm>>) dst(%arg8 : memref<40x100xi32, #tpu.memory_space<vmem>>)
      tpu.yield
    }) : () -> ()
    %dma_start3A_31 = arith.constant 0 : i32
    %dma_start3A_32 = arith.constant 0 : i32
    %dma_start3A_33 = tpu.memref_slice %arg7[%dma_start3A_31, %dma_start3A_32] : memref<40x100xi32, #tpu.memory_space<vmem>> -> memref<1x100xi32, #tpu.memory_space<vmem>>
    %dma_start3A_34 = tpu.memref_squeeze %dma_start3A_33 : memref<1x100xi32, #tpu.memory_space<vmem>> -> memref<100xi32, #tpu.memory_space<vmem>>
    %dma_start3A_35 = arith.constant 0 : i32
    %dma_start3A_36 = arith.constant 0 : i32
    %dma_start3A_37 = tpu.memref_slice %arg2[%dma_start3A_35, %dma_start3A_36] : memref<20000x128xf32, #tpu.memory_space<hbm>> -> memref<20000x128xf32, #tpu.memory_space<hbm>>
    tpu.enqueue_indirect_dma source(%dma_start3A_37 : memref<20000x128xf32, #tpu.memory_space<hbm>>) target(%arg9 : memref<100x128xf32, #tpu.memory_space<vmem>>) offsets(%dma_start3A_34 : memref<100xi32, #tpu.memory_space<vmem>>) semaphore(%arg12 : memref<!tpu.dma_semaphore, #tpu.memory_space<semaphore_mem>>)
    %scan3A_38 = arith.constant 0 : i32
    %scan3A_39 = arith.constant 0 : i32
    %scan3A_40 = arith.constant 20 : i32
    %scan3A_41 = arith.addi %scan3A_39, %scan3A_40 : i32
    %scan3A_42 = arith.constant 1 : i32
    scf.for %scan3A_81 = %scan3A_39 to %scan3A_41 step %scan3A_42  : i32 {
      %mul3A_82 = arith.constant 2 : i32
      %mul3A_83 = arith.muli %mul3A_82, %scan3A_81 : i32
      %add3A = arith.constant 1 : i32
      %add3A_84 = arith.addi %mul3A_83, %add3A : i32
      %dma_start3A_85 = arith.constant 0 : i32
      %dma_start3A_86 = tpu.memref_slice %arg7[%add3A_84, %dma_start3A_85] : memref<40x100xi32, #tpu.memory_space<vmem>> -> memref<1x100xi32, #tpu.memory_space<vmem>>
      %dma_start3A_87 = tpu.memref_squeeze %dma_start3A_86 : memref<1x100xi32, #tpu.memory_space<vmem>> -> memref<100xi32, #tpu.memory_space<vmem>>
      %dma_start3A_88 = arith.constant 0 : i32
      %dma_start3A_89 = arith.constant 0 : i32
      %dma_start3A_90 = tpu.memref_slice %arg2[%dma_start3A_88, %dma_start3A_89] : memref<20000x128xf32, #tpu.memory_space<hbm>> -> memref<20000x128xf32, #tpu.memory_space<hbm>>
      tpu.enqueue_indirect_dma source(%dma_start3A_90 : memref<20000x128xf32, #tpu.memory_space<hbm>>) target(%arg10 : memref<100x128xf32, #tpu.memory_space<vmem>>) offsets(%dma_start3A_87 : memref<100xi32, #tpu.memory_space<vmem>>) semaphore(%arg13 : memref<!tpu.dma_semaphore, #tpu.memory_space<semaphore_mem>>)
      %dma_wait3A = arith.constant 0 : i32
      %dma_wait3A_91 = tpu.memref_slice %arg7[%mul3A_83, %dma_wait3A] : memref<40x100xi32, #tpu.memory_space<vmem>> -> memref<1x100xi32, #tpu.memory_space<vmem>>
      %dma_wait3A_92 = tpu.memref_squeeze %dma_wait3A_91 : memref<1x100xi32, #tpu.memory_space<vmem>> -> memref<100xi32, #tpu.memory_space<vmem>>
      %dma_wait3A_93 = arith.constant 0 : i32
      %dma_wait3A_94 = arith.constant 0 : i32
      %dma_wait3A_95 = tpu.memref_slice %arg2[%dma_wait3A_93, %dma_wait3A_94] : memref<20000x128xf32, #tpu.memory_space<hbm>> -> memref<20000x128xf32, #tpu.memory_space<hbm>>
      tpu.wait_indirect_dma semaphore(%arg12 : memref<!tpu.dma_semaphore, #tpu.memory_space<semaphore_mem>>) src(%dma_wait3A_95 : memref<20000x128xf32, #tpu.memory_space<hbm>>) dst(%arg9 : memref<100x128xf32, #tpu.memory_space<vmem>>)
      "tpu.region"() ({
        %run_scoped3A = tpu.sem_alloc : memref<!tpu.dma_semaphore, #tpu.memory_space<semaphore_mem>>
        %dma_start3A_109 = arith.constant 0 : i32
        %dma_start3A_110 = tpu.memref_slice %arg8[%mul3A_83, %dma_start3A_109] : memref<40x100xi32, #tpu.memory_space<vmem>> -> memref<1x100xi32, #tpu.memory_space<vmem>>
        %dma_start3A_111 = tpu.memref_squeeze %dma_start3A_110 : memref<1x100xi32, #tpu.memory_space<vmem>> -> memref<100xi32, #tpu.memory_space<vmem>>
        %dma_start3A_112 = arith.constant 0 : i32
        %dma_start3A_113 = arith.constant 0 : i32
        %dma_start3A_114 = tpu.memref_slice %arg11[%dma_start3A_112, %dma_start3A_113] : memref<10000x128xf32, #tpu.memory_space<vmem_shared>> -> memref<10000x128xf32, #tpu.memory_space<vmem_shared>>
        tpu.enqueue_indirect_dma source(%arg9 : memref<100x128xf32, #tpu.memory_space<vmem>>) target(%dma_start3A_114 : memref<10000x128xf32, #tpu.memory_space<vmem_shared>>) offsets(%dma_start3A_111 : memref<100xi32, #tpu.memory_space<vmem>>) semaphore(%run_scoped3A : memref<!tpu.dma_semaphore, #tpu.memory_space<semaphore_mem>>) {add = true}
        %dma_wait3A_115 = arith.constant 0 : i32
        %dma_wait3A_116 = tpu.memref_slice %arg8[%mul3A_83, %dma_wait3A_115] : memref<40x100xi32, #tpu.memory_space<vmem>> -> memref<1x100xi32, #tpu.memory_space<vmem>>
        %dma_wait3A_117 = tpu.memref_squeeze %dma_wait3A_116 : memref<1x100xi32, #tpu.memory_space<vmem>> -> memref<100xi32, #tpu.memory_space<vmem>>
        %dma_wait3A_118 = arith.constant 0 : i32
        %dma_wait3A_119 = arith.constant 0 : i32
        %dma_wait3A_120 = tpu.memref_slice %arg11[%dma_wait3A_118, %dma_wait3A_119] : memref<10000x128xf32, #tpu.memory_space<vmem_shared>> -> memref<10000x128xf32, #tpu.memory_space<vmem_shared>>
        tpu.wait_indirect_dma semaphore(%run_scoped3A : memref<!tpu.dma_semaphore, #tpu.memory_space<semaphore_mem>>) src(%arg9 : memref<100x128xf32, #tpu.memory_space<vmem>>) dst(%dma_wait3A_120 : memref<10000x128xf32, #tpu.memory_space<vmem_shared>>)
        tpu.yield
      }) : () -> ()
      %lt3A_96 = arith.constant 19 : i32
      %lt3A_97 = arith.cmpi slt, %scan3A_81, %lt3A_96 : i32
      %convert_element_type3A_98 = arith.extui %lt3A_97 : i1 to i32
      %cond3A_99 = arith.constant 0 : i32
      %cond3A_100 = arith.cmpi ne, %convert_element_type3A_98, %cond3A_99 : i32
      scf.if %cond3A_100 {
        %add3A_109 = arith.constant 2 : i32
        %add3A_110 = arith.addi %mul3A_83, %add3A_109 : i32
        %dma_start3A_111 = arith.constant 0 : i32
        %dma_start3A_112 = tpu.memref_slice %arg7[%add3A_110, %dma_start3A_111] : memref<40x100xi32, #tpu.memory_space<vmem>> -> memref<1x100xi32, #tpu.memory_space<vmem>>
        %dma_start3A_113 = tpu.memref_squeeze %dma_start3A_112 : memref<1x100xi32, #tpu.memory_space<vmem>> -> memref<100xi32, #tpu.memory_space<vmem>>
        %dma_start3A_114 = arith.constant 0 : i32
        %dma_start3A_115 = arith.constant 0 : i32
        %dma_start3A_116 = tpu.memref_slice %arg2[%dma_start3A_114, %dma_start3A_115] : memref<20000x128xf32, #tpu.memory_space<hbm>> -> memref<20000x128xf32, #tpu.memory_space<hbm>>
        tpu.enqueue_indirect_dma source(%dma_start3A_116 : memref<20000x128xf32, #tpu.memory_space<hbm>>) target(%arg9 : memref<100x128xf32, #tpu.memory_space<vmem>>) offsets(%dma_start3A_113 : memref<100xi32, #tpu.memory_space<vmem>>) semaphore(%arg12 : memref<!tpu.dma_semaphore, #tpu.memory_space<semaphore_mem>>)
      } else {
      }
      %dma_wait3A_101 = arith.constant 0 : i32
      %dma_wait3A_102 = tpu.memref_slice %arg7[%add3A_84, %dma_wait3A_101] : memref<40x100xi32, #tpu.memory_space<vmem>> -> memref<1x100xi32, #tpu.memory_space<vmem>>
      %dma_wait3A_103 = tpu.memref_squeeze %dma_wait3A_102 : memref<1x100xi32, #tpu.memory_space<vmem>> -> memref<100xi32, #tpu.memory_space<vmem>>
      %dma_wait3A_104 = arith.constant 0 : i32
      %dma_wait3A_105 = arith.constant 0 : i32
      %dma_wait3A_106 = tpu.memref_slice %arg2[%dma_wait3A_104, %dma_wait3A_105] : memref<20000x128xf32, #tpu.memory_space<hbm>> -> memref<20000x128xf32, #tpu.memory_space<hbm>>
      tpu.wait_indirect_dma semaphore(%arg13 : memref<!tpu.dma_semaphore, #tpu.memory_space<semaphore_mem>>) src(%dma_wait3A_106 : memref<20000x128xf32, #tpu.memory_space<hbm>>) dst(%arg10 : memref<100x128xf32, #tpu.memory_space<vmem>>)
      %add3A_107 = arith.constant 1 : i32
      %add3A_108 = arith.addi %mul3A_83, %add3A_107 : i32
      "tpu.region"() ({
        %run_scoped3A = tpu.sem_alloc : memref<!tpu.dma_semaphore, #tpu.memory_space<semaphore_mem>>
        %dma_start3A_109 = arith.constant 0 : i32
        %dma_start3A_110 = tpu.memref_slice %arg8[%add3A_108, %dma_start3A_109] : memref<40x100xi32, #tpu.memory_space<vmem>> -> memref<1x100xi32, #tpu.memory_space<vmem>>
        %dma_start3A_111 = tpu.memref_squeeze %dma_start3A_110 : memref<1x100xi32, #tpu.memory_space<vmem>> -> memref<100xi32, #tpu.memory_space<vmem>>
        %dma_start3A_112 = arith.constant 0 : i32
        %dma_start3A_113 = arith.constant 0 : i32
        %dma_start3A_114 = tpu.memref_slice %arg11[%dma_start3A_112, %dma_start3A_113] : memref<10000x128xf32, #tpu.memory_space<vmem_shared>> -> memref<10000x128xf32, #tpu.memory_space<vmem_shared>>
        tpu.enqueue_indirect_dma source(%arg10 : memref<100x128xf32, #tpu.memory_space<vmem>>) target(%dma_start3A_114 : memref<10000x128xf32, #tpu.memory_space<vmem_shared>>) offsets(%dma_start3A_111 : memref<100xi32, #tpu.memory_space<vmem>>) semaphore(%run_scoped3A : memref<!tpu.dma_semaphore, #tpu.memory_space<semaphore_mem>>) {add = true}
        %dma_wait3A_115 = arith.constant 0 : i32
        %dma_wait3A_116 = tpu.memref_slice %arg8[%add3A_108, %dma_wait3A_115] : memref<40x100xi32, #tpu.memory_space<vmem>> -> memref<1x100xi32, #tpu.memory_space<vmem>>
        %dma_wait3A_117 = tpu.memref_squeeze %dma_wait3A_116 : memref<1x100xi32, #tpu.memory_space<vmem>> -> memref<100xi32, #tpu.memory_space<vmem>>
        %dma_wait3A_118 = arith.constant 0 : i32
        %dma_wait3A_119 = arith.constant 0 : i32
        %dma_wait3A_120 = tpu.memref_slice %arg11[%dma_wait3A_118, %dma_wait3A_119] : memref<10000x128xf32, #tpu.memory_space<vmem_shared>> -> memref<10000x128xf32, #tpu.memory_space<vmem_shared>>
        tpu.wait_indirect_dma semaphore(%run_scoped3A : memref<!tpu.dma_semaphore, #tpu.memory_space<semaphore_mem>>) src(%arg10 : memref<100x128xf32, #tpu.memory_space<vmem>>) dst(%dma_wait3A_120 : memref<10000x128xf32, #tpu.memory_space<vmem_shared>>)
        tpu.yield
      }) : () -> ()
    }
    %scan3A_43 = arith.constant 20 : i32
    "tpu.region"() ({
      %run_scoped3A = tpu.sem_alloc : memref<!tpu.dma_semaphore, #tpu.memory_space<semaphore_mem>>
      %dma_start3A_81 = arith.constant 120 : i32
      %dma_start3A_82 = arith.constant 0 : i32
      %dma_start3A_83 = tpu.memref_slice %arg3[%arg0, %arg1, %dma_start3A_81, %dma_start3A_82] : memref<2x16x200x100xi32, #tpu.memory_space<hbm>> -> memref<1x1x40x100xi32, #tpu.memory_space<hbm>>
      %dma_start3A_84 = tpu.memref_squeeze %dma_start3A_83 : memref<1x1x40x100xi32, #tpu.memory_space<hbm>> -> memref<40x100xi32, #tpu.memory_space<hbm>>
      %dma_start3A_85 = arith.constant 120 : i32
      %dma_start3A_86 = arith.constant 0 : i32
      %dma_start3A_87 = tpu.memref_slice %arg3[%arg0, %arg1, %dma_start3A_85, %dma_start3A_86] : memref<2x16x200x100xi32, #tpu.memory_space<hbm>> -> memref<1x1x40x100xi32, #tpu.memory_space<hbm>>
      %dma_start3A_88 = tpu.memref_squeeze %dma_start3A_87 : memref<1x1x40x100xi32, #tpu.memory_space<hbm>> -> memref<40x100xi32, #tpu.memory_space<hbm>>
      tpu.enqueue_dma source(%dma_start3A_88 : memref<40x100xi32, #tpu.memory_space<hbm>>) target(%arg7 : memref<40x100xi32, #tpu.memory_space<vmem>>) target_semaphore(%run_scoped3A : memref<!tpu.dma_semaphore, #tpu.memory_space<semaphore_mem>>)
      %dma_wait3A = arith.constant 120 : i32
      %dma_wait3A_89 = arith.constant 0 : i32
      %dma_wait3A_90 = tpu.memref_slice %arg3[%arg0, %arg1, %dma_wait3A, %dma_wait3A_89] : memref<2x16x200x100xi32, #tpu.memory_space<hbm>> -> memref<1x1x40x100xi32, #tpu.memory_space<hbm>>
      %dma_wait3A_91 = tpu.memref_squeeze %dma_wait3A_90 : memref<1x1x40x100xi32, #tpu.memory_space<hbm>> -> memref<40x100xi32, #tpu.memory_space<hbm>>
      %dma_wait3A_92 = arith.constant 120 : i32
      %dma_wait3A_93 = arith.constant 0 : i32
      %dma_wait3A_94 = tpu.memref_slice %arg3[%arg0, %arg1, %dma_wait3A_92, %dma_wait3A_93] : memref<2x16x200x100xi32, #tpu.memory_space<hbm>> -> memref<1x1x40x100xi32, #tpu.memory_space<hbm>>
      %dma_wait3A_95 = tpu.memref_squeeze %dma_wait3A_94 : memref<1x1x40x100xi32, #tpu.memory_space<hbm>> -> memref<40x100xi32, #tpu.memory_space<hbm>>
      tpu.wait_dma2 semaphore(%run_scoped3A : memref<!tpu.dma_semaphore, #tpu.memory_space<semaphore_mem>>) src(%dma_wait3A_95 : memref<40x100xi32, #tpu.memory_space<hbm>>) dst(%arg7 : memref<40x100xi32, #tpu.memory_space<vmem>>)
      tpu.yield
    }) : () -> ()
    "tpu.region"() ({
      %run_scoped3A = tpu.sem_alloc : memref<!tpu.dma_semaphore, #tpu.memory_space<semaphore_mem>>
      %dma_start3A_81 = arith.constant 120 : i32
      %dma_start3A_82 = arith.constant 0 : i32
      %dma_start3A_83 = tpu.memref_slice %arg4[%arg0, %arg1, %dma_start3A_81, %dma_start3A_82] : memref<2x16x200x100xi32, #tpu.memory_space<hbm>> -> memref<1x1x40x100xi32, #tpu.memory_space<hbm>>
      %dma_start3A_84 = tpu.memref_squeeze %dma_start3A_83 : memref<1x1x40x100xi32, #tpu.memory_space<hbm>> -> memref<40x100xi32, #tpu.memory_space<hbm>>
      %dma_start3A_85 = arith.constant 120 : i32
      %dma_start3A_86 = arith.constant 0 : i32
      %dma_start3A_87 = tpu.memref_slice %arg4[%arg0, %arg1, %dma_start3A_85, %dma_start3A_86] : memref<2x16x200x100xi32, #tpu.memory_space<hbm>> -> memref<1x1x40x100xi32, #tpu.memory_space<hbm>>
      %dma_start3A_88 = tpu.memref_squeeze %dma_start3A_87 : memref<1x1x40x100xi32, #tpu.memory_space<hbm>> -> memref<40x100xi32, #tpu.memory_space<hbm>>
      tpu.enqueue_dma source(%dma_start3A_88 : memref<40x100xi32, #tpu.memory_space<hbm>>) target(%arg8 : memref<40x100xi32, #tpu.memory_space<vmem>>) target_semaphore(%run_scoped3A : memref<!tpu.dma_semaphore, #tpu.memory_space<semaphore_mem>>)
      %dma_wait3A = arith.constant 120 : i32
      %dma_wait3A_89 = arith.constant 0 : i32
      %dma_wait3A_90 = tpu.memref_slice %arg4[%arg0, %arg1, %dma_wait3A, %dma_wait3A_89] : memref<2x16x200x100xi32, #tpu.memory_space<hbm>> -> memref<1x1x40x100xi32, #tpu.memory_space<hbm>>
      %dma_wait3A_91 = tpu.memref_squeeze %dma_wait3A_90 : memref<1x1x40x100xi32, #tpu.memory_space<hbm>> -> memref<40x100xi32, #tpu.memory_space<hbm>>
      %dma_wait3A_92 = arith.constant 120 : i32
      %dma_wait3A_93 = arith.constant 0 : i32
      %dma_wait3A_94 = tpu.memref_slice %arg4[%arg0, %arg1, %dma_wait3A_92, %dma_wait3A_93] : memref<2x16x200x100xi32, #tpu.memory_space<hbm>> -> memref<1x1x40x100xi32, #tpu.memory_space<hbm>>
      %dma_wait3A_95 = tpu.memref_squeeze %dma_wait3A_94 : memref<1x1x40x100xi32, #tpu.memory_space<hbm>> -> memref<40x100xi32, #tpu.memory_space<hbm>>
      tpu.wait_dma2 semaphore(%run_scoped3A : memref<!tpu.dma_semaphore, #tpu.memory_space<semaphore_mem>>) src(%dma_wait3A_95 : memref<40x100xi32, #tpu.memory_space<hbm>>) dst(%arg8 : memref<40x100xi32, #tpu.memory_space<vmem>>)
      tpu.yield
    }) : () -> ()
    %dma_start3A_44 = arith.constant 0 : i32
    %dma_start3A_45 = arith.constant 0 : i32
    %dma_start3A_46 = tpu.memref_slice %arg7[%dma_start3A_44, %dma_start3A_45] : memref<40x100xi32, #tpu.memory_space<vmem>> -> memref<1x100xi32, #tpu.memory_space<vmem>>
    %dma_start3A_47 = tpu.memref_squeeze %dma_start3A_46 : memref<1x100xi32, #tpu.memory_space<vmem>> -> memref<100xi32, #tpu.memory_space<vmem>>
    %dma_start3A_48 = arith.constant 0 : i32
    %dma_start3A_49 = arith.constant 0 : i32
    %dma_start3A_50 = tpu.memref_slice %arg2[%dma_start3A_48, %dma_start3A_49] : memref<20000x128xf32, #tpu.memory_space<hbm>> -> memref<20000x128xf32, #tpu.memory_space<hbm>>
    tpu.enqueue_indirect_dma source(%dma_start3A_50 : memref<20000x128xf32, #tpu.memory_space<hbm>>) target(%arg9 : memref<100x128xf32, #tpu.memory_space<vmem>>) offsets(%dma_start3A_47 : memref<100xi32, #tpu.memory_space<vmem>>) semaphore(%arg12 : memref<!tpu.dma_semaphore, #tpu.memory_space<semaphore_mem>>)
    %scan3A_51 = arith.constant 0 : i32
    %scan3A_52 = arith.constant 0 : i32
    %scan3A_53 = arith.constant 20 : i32
    %scan3A_54 = arith.addi %scan3A_52, %scan3A_53 : i32
    %scan3A_55 = arith.constant 1 : i32
    scf.for %scan3A_81 = %scan3A_52 to %scan3A_54 step %scan3A_55  : i32 {
      %mul3A_82 = arith.constant 2 : i32
      %mul3A_83 = arith.muli %mul3A_82, %scan3A_81 : i32
      %add3A = arith.constant 1 : i32
      %add3A_84 = arith.addi %mul3A_83, %add3A : i32
      %dma_start3A_85 = arith.constant 0 : i32
      %dma_start3A_86 = tpu.memref_slice %arg7[%add3A_84, %dma_start3A_85] : memref<40x100xi32, #tpu.memory_space<vmem>> -> memref<1x100xi32, #tpu.memory_space<vmem>>
      %dma_start3A_87 = tpu.memref_squeeze %dma_start3A_86 : memref<1x100xi32, #tpu.memory_space<vmem>> -> memref<100xi32, #tpu.memory_space<vmem>>
      %dma_start3A_88 = arith.constant 0 : i32
      %dma_start3A_89 = arith.constant 0 : i32
      %dma_start3A_90 = tpu.memref_slice %arg2[%dma_start3A_88, %dma_start3A_89] : memref<20000x128xf32, #tpu.memory_space<hbm>> -> memref<20000x128xf32, #tpu.memory_space<hbm>>
      tpu.enqueue_indirect_dma source(%dma_start3A_90 : memref<20000x128xf32, #tpu.memory_space<hbm>>) target(%arg10 : memref<100x128xf32, #tpu.memory_space<vmem>>) offsets(%dma_start3A_87 : memref<100xi32, #tpu.memory_space<vmem>>) semaphore(%arg13 : memref<!tpu.dma_semaphore, #tpu.memory_space<semaphore_mem>>)
      %dma_wait3A = arith.constant 0 : i32
      %dma_wait3A_91 = tpu.memref_slice %arg7[%mul3A_83, %dma_wait3A] : memref<40x100xi32, #tpu.memory_space<vmem>> -> memref<1x100xi32, #tpu.memory_space<vmem>>
      %dma_wait3A_92 = tpu.memref_squeeze %dma_wait3A_91 : memref<1x100xi32, #tpu.memory_space<vmem>> -> memref<100xi32, #tpu.memory_space<vmem>>
      %dma_wait3A_93 = arith.constant 0 : i32
      %dma_wait3A_94 = arith.constant 0 : i32
      %dma_wait3A_95 = tpu.memref_slice %arg2[%dma_wait3A_93, %dma_wait3A_94] : memref<20000x128xf32, #tpu.memory_space<hbm>> -> memref<20000x128xf32, #tpu.memory_space<hbm>>
      tpu.wait_indirect_dma semaphore(%arg12 : memref<!tpu.dma_semaphore, #tpu.memory_space<semaphore_mem>>) src(%dma_wait3A_95 : memref<20000x128xf32, #tpu.memory_space<hbm>>) dst(%arg9 : memref<100x128xf32, #tpu.memory_space<vmem>>)
      "tpu.region"() ({
        %run_scoped3A = tpu.sem_alloc : memref<!tpu.dma_semaphore, #tpu.memory_space<semaphore_mem>>
        %dma_start3A_109 = arith.constant 0 : i32
        %dma_start3A_110 = tpu.memref_slice %arg8[%mul3A_83, %dma_start3A_109] : memref<40x100xi32, #tpu.memory_space<vmem>> -> memref<1x100xi32, #tpu.memory_space<vmem>>
        %dma_start3A_111 = tpu.memref_squeeze %dma_start3A_110 : memref<1x100xi32, #tpu.memory_space<vmem>> -> memref<100xi32, #tpu.memory_space<vmem>>
        %dma_start3A_112 = arith.constant 0 : i32
        %dma_start3A_113 = arith.constant 0 : i32
        %dma_start3A_114 = tpu.memref_slice %arg11[%dma_start3A_112, %dma_start3A_113] : memref<10000x128xf32, #tpu.memory_space<vmem_shared>> -> memref<10000x128xf32, #tpu.memory_space<vmem_shared>>
        tpu.enqueue_indirect_dma source(%arg9 : memref<100x128xf32, #tpu.memory_space<vmem>>) target(%dma_start3A_114 : memref<10000x128xf32, #tpu.memory_space<vmem_shared>>) offsets(%dma_start3A_111 : memref<100xi32, #tpu.memory_space<vmem>>) semaphore(%run_scoped3A : memref<!tpu.dma_semaphore, #tpu.memory_space<semaphore_mem>>) {add = true}
        %dma_wait3A_115 = arith.constant 0 : i32
        %dma_wait3A_116 = tpu.memref_slice %arg8[%mul3A_83, %dma_wait3A_115] : memref<40x100xi32, #tpu.memory_space<vmem>> -> memref<1x100xi32, #tpu.memory_space<vmem>>
        %dma_wait3A_117 = tpu.memref_squeeze %dma_wait3A_116 : memref<1x100xi32, #tpu.memory_space<vmem>> -> memref<100xi32, #tpu.memory_space<vmem>>
        %dma_wait3A_118 = arith.constant 0 : i32
        %dma_wait3A_119 = arith.constant 0 : i32
        %dma_wait3A_120 = tpu.memref_slice %arg11[%dma_wait3A_118, %dma_wait3A_119] : memref<10000x128xf32, #tpu.memory_space<vmem_shared>> -> memref<10000x128xf32, #tpu.memory_space<vmem_shared>>
        tpu.wait_indirect_dma semaphore(%run_scoped3A : memref<!tpu.dma_semaphore, #tpu.memory_space<semaphore_mem>>) src(%arg9 : memref<100x128xf32, #tpu.memory_space<vmem>>) dst(%dma_wait3A_120 : memref<10000x128xf32, #tpu.memory_space<vmem_shared>>)
        tpu.yield
      }) : () -> ()
      %lt3A_96 = arith.constant 19 : i32
      %lt3A_97 = arith.cmpi slt, %scan3A_81, %lt3A_96 : i32
      %convert_element_type3A_98 = arith.extui %lt3A_97 : i1 to i32
      %cond3A_99 = arith.constant 0 : i32
      %cond3A_100 = arith.cmpi ne, %convert_element_type3A_98, %cond3A_99 : i32
      scf.if %cond3A_100 {
        %add3A_109 = arith.constant 2 : i32
        %add3A_110 = arith.addi %mul3A_83, %add3A_109 : i32
        %dma_start3A_111 = arith.constant 0 : i32
        %dma_start3A_112 = tpu.memref_slice %arg7[%add3A_110, %dma_start3A_111] : memref<40x100xi32, #tpu.memory_space<vmem>> -> memref<1x100xi32, #tpu.memory_space<vmem>>
        %dma_start3A_113 = tpu.memref_squeeze %dma_start3A_112 : memref<1x100xi32, #tpu.memory_space<vmem>> -> memref<100xi32, #tpu.memory_space<vmem>>
        %dma_start3A_114 = arith.constant 0 : i32
        %dma_start3A_115 = arith.constant 0 : i32
        %dma_start3A_116 = tpu.memref_slice %arg2[%dma_start3A_114, %dma_start3A_115] : memref<20000x128xf32, #tpu.memory_space<hbm>> -> memref<20000x128xf32, #tpu.memory_space<hbm>>
        tpu.enqueue_indirect_dma source(%dma_start3A_116 : memref<20000x128xf32, #tpu.memory_space<hbm>>) target(%arg9 : memref<100x128xf32, #tpu.memory_space<vmem>>) offsets(%dma_start3A_113 : memref<100xi32, #tpu.memory_space<vmem>>) semaphore(%arg12 : memref<!tpu.dma_semaphore, #tpu.memory_space<semaphore_mem>>)
      } else {
      }
      %dma_wait3A_101 = arith.constant 0 : i32
      %dma_wait3A_102 = tpu.memref_slice %arg7[%add3A_84, %dma_wait3A_101] : memref<40x100xi32, #tpu.memory_space<vmem>> -> memref<1x100xi32, #tpu.memory_space<vmem>>
      %dma_wait3A_103 = tpu.memref_squeeze %dma_wait3A_102 : memref<1x100xi32, #tpu.memory_space<vmem>> -> memref<100xi32, #tpu.memory_space<vmem>>
      %dma_wait3A_104 = arith.constant 0 : i32
      %dma_wait3A_105 = arith.constant 0 : i32
      %dma_wait3A_106 = tpu.memref_slice %arg2[%dma_wait3A_104, %dma_wait3A_105] : memref<20000x128xf32, #tpu.memory_space<hbm>> -> memref<20000x128xf32, #tpu.memory_space<hbm>>
      tpu.wait_indirect_dma semaphore(%arg13 : memref<!tpu.dma_semaphore, #tpu.memory_space<semaphore_mem>>) src(%dma_wait3A_106 : memref<20000x128xf32, #tpu.memory_space<hbm>>) dst(%arg10 : memref<100x128xf32, #tpu.memory_space<vmem>>)
      %add3A_107 = arith.constant 1 : i32
      %add3A_108 = arith.addi %mul3A_83, %add3A_107 : i32
      "tpu.region"() ({
        %run_scoped3A = tpu.sem_alloc : memref<!tpu.dma_semaphore, #tpu.memory_space<semaphore_mem>>
        %dma_start3A_109 = arith.constant 0 : i32
        %dma_start3A_110 = tpu.memref_slice %arg8[%add3A_108, %dma_start3A_109] : memref<40x100xi32, #tpu.memory_space<vmem>> -> memref<1x100xi32, #tpu.memory_space<vmem>>
        %dma_start3A_111 = tpu.memref_squeeze %dma_start3A_110 : memref<1x100xi32, #tpu.memory_space<vmem>> -> memref<100xi32, #tpu.memory_space<vmem>>
        %dma_start3A_112 = arith.constant 0 : i32
        %dma_start3A_113 = arith.constant 0 : i32
        %dma_start3A_114 = tpu.memref_slice %arg11[%dma_start3A_112, %dma_start3A_113] : memref<10000x128xf32, #tpu.memory_space<vmem_shared>> -> memref<10000x128xf32, #tpu.memory_space<vmem_shared>>
        tpu.enqueue_indirect_dma source(%arg10 : memref<100x128xf32, #tpu.memory_space<vmem>>) target(%dma_start3A_114 : memref<10000x128xf32, #tpu.memory_space<vmem_shared>>) offsets(%dma_start3A_111 : memref<100xi32, #tpu.memory_space<vmem>>) semaphore(%run_scoped3A : memref<!tpu.dma_semaphore, #tpu.memory_space<semaphore_mem>>) {add = true}
        %dma_wait3A_115 = arith.constant 0 : i32
        %dma_wait3A_116 = tpu.memref_slice %arg8[%add3A_108, %dma_wait3A_115] : memref<40x100xi32, #tpu.memory_space<vmem>> -> memref<1x100xi32, #tpu.memory_space<vmem>>
        %dma_wait3A_117 = tpu.memref_squeeze %dma_wait3A_116 : memref<1x100xi32, #tpu.memory_space<vmem>> -> memref<100xi32, #tpu.memory_space<vmem>>
        %dma_wait3A_118 = arith.constant 0 : i32
        %dma_wait3A_119 = arith.constant 0 : i32
        %dma_wait3A_120 = tpu.memref_slice %arg11[%dma_wait3A_118, %dma_wait3A_119] : memref<10000x128xf32, #tpu.memory_space<vmem_shared>> -> memref<10000x128xf32, #tpu.memory_space<vmem_shared>>
        tpu.wait_indirect_dma semaphore(%run_scoped3A : memref<!tpu.dma_semaphore, #tpu.memory_space<semaphore_mem>>) src(%arg10 : memref<100x128xf32, #tpu.memory_space<vmem>>) dst(%dma_wait3A_120 : memref<10000x128xf32, #tpu.memory_space<vmem_shared>>)
        tpu.yield
      }) : () -> ()
    }
    %scan3A_56 = arith.constant 20 : i32
    "tpu.region"() ({
      %run_scoped3A = tpu.sem_alloc : memref<!tpu.dma_semaphore, #tpu.memory_space<semaphore_mem>>
      %dma_start3A_81 = arith.constant 160 : i32
      %dma_start3A_82 = arith.constant 0 : i32
      %dma_start3A_83 = tpu.memref_slice %arg3[%arg0, %arg1, %dma_start3A_81, %dma_start3A_82] : memref<2x16x200x100xi32, #tpu.memory_space<hbm>> -> memref<1x1x40x100xi32, #tpu.memory_space<hbm>>
      %dma_start3A_84 = tpu.memref_squeeze %dma_start3A_83 : memref<1x1x40x100xi32, #tpu.memory_space<hbm>> -> memref<40x100xi32, #tpu.memory_space<hbm>>
      %dma_start3A_85 = arith.constant 160 : i32
      %dma_start3A_86 = arith.constant 0 : i32
      %dma_start3A_87 = tpu.memref_slice %arg3[%arg0, %arg1, %dma_start3A_85, %dma_start3A_86] : memref<2x16x200x100xi32, #tpu.memory_space<hbm>> -> memref<1x1x40x100xi32, #tpu.memory_space<hbm>>
      %dma_start3A_88 = tpu.memref_squeeze %dma_start3A_87 : memref<1x1x40x100xi32, #tpu.memory_space<hbm>> -> memref<40x100xi32, #tpu.memory_space<hbm>>
      tpu.enqueue_dma source(%dma_start3A_88 : memref<40x100xi32, #tpu.memory_space<hbm>>) target(%arg7 : memref<40x100xi32, #tpu.memory_space<vmem>>) target_semaphore(%run_scoped3A : memref<!tpu.dma_semaphore, #tpu.memory_space<semaphore_mem>>)
      %dma_wait3A = arith.constant 160 : i32
      %dma_wait3A_89 = arith.constant 0 : i32
      %dma_wait3A_90 = tpu.memref_slice %arg3[%arg0, %arg1, %dma_wait3A, %dma_wait3A_89] : memref<2x16x200x100xi32, #tpu.memory_space<hbm>> -> memref<1x1x40x100xi32, #tpu.memory_space<hbm>>
      %dma_wait3A_91 = tpu.memref_squeeze %dma_wait3A_90 : memref<1x1x40x100xi32, #tpu.memory_space<hbm>> -> memref<40x100xi32, #tpu.memory_space<hbm>>
      %dma_wait3A_92 = arith.constant 160 : i32
      %dma_wait3A_93 = arith.constant 0 : i32
      %dma_wait3A_94 = tpu.memref_slice %arg3[%arg0, %arg1, %dma_wait3A_92, %dma_wait3A_93] : memref<2x16x200x100xi32, #tpu.memory_space<hbm>> -> memref<1x1x40x100xi32, #tpu.memory_space<hbm>>
      %dma_wait3A_95 = tpu.memref_squeeze %dma_wait3A_94 : memref<1x1x40x100xi32, #tpu.memory_space<hbm>> -> memref<40x100xi32, #tpu.memory_space<hbm>>
      tpu.wait_dma2 semaphore(%run_scoped3A : memref<!tpu.dma_semaphore, #tpu.memory_space<semaphore_mem>>) src(%dma_wait3A_95 : memref<40x100xi32, #tpu.memory_space<hbm>>) dst(%arg7 : memref<40x100xi32, #tpu.memory_space<vmem>>)
      tpu.yield
    }) : () -> ()
    "tpu.region"() ({
      %run_scoped3A = tpu.sem_alloc : memref<!tpu.dma_semaphore, #tpu.memory_space<semaphore_mem>>
      %dma_start3A_81 = arith.constant 160 : i32
      %dma_start3A_82 = arith.constant 0 : i32
      %dma_start3A_83 = tpu.memref_slice %arg4[%arg0, %arg1, %dma_start3A_81, %dma_start3A_82] : memref<2x16x200x100xi32, #tpu.memory_space<hbm>> -> memref<1x1x40x100xi32, #tpu.memory_space<hbm>>
      %dma_start3A_84 = tpu.memref_squeeze %dma_start3A_83 : memref<1x1x40x100xi32, #tpu.memory_space<hbm>> -> memref<40x100xi32, #tpu.memory_space<hbm>>
      %dma_start3A_85 = arith.constant 160 : i32
      %dma_start3A_86 = arith.constant 0 : i32
      %dma_start3A_87 = tpu.memref_slice %arg4[%arg0, %arg1, %dma_start3A_85, %dma_start3A_86] : memref<2x16x200x100xi32, #tpu.memory_space<hbm>> -> memref<1x1x40x100xi32, #tpu.memory_space<hbm>>
      %dma_start3A_88 = tpu.memref_squeeze %dma_start3A_87 : memref<1x1x40x100xi32, #tpu.memory_space<hbm>> -> memref<40x100xi32, #tpu.memory_space<hbm>>
      tpu.enqueue_dma source(%dma_start3A_88 : memref<40x100xi32, #tpu.memory_space<hbm>>) target(%arg8 : memref<40x100xi32, #tpu.memory_space<vmem>>) target_semaphore(%run_scoped3A : memref<!tpu.dma_semaphore, #tpu.memory_space<semaphore_mem>>)
      %dma_wait3A = arith.constant 160 : i32
      %dma_wait3A_89 = arith.constant 0 : i32
      %dma_wait3A_90 = tpu.memref_slice %arg4[%arg0, %arg1, %dma_wait3A, %dma_wait3A_89] : memref<2x16x200x100xi32, #tpu.memory_space<hbm>> -> memref<1x1x40x100xi32, #tpu.memory_space<hbm>>
      %dma_wait3A_91 = tpu.memref_squeeze %dma_wait3A_90 : memref<1x1x40x100xi32, #tpu.memory_space<hbm>> -> memref<40x100xi32, #tpu.memory_space<hbm>>
      %dma_wait3A_92 = arith.constant 160 : i32
      %dma_wait3A_93 = arith.constant 0 : i32
      %dma_wait3A_94 = tpu.memref_slice %arg4[%arg0, %arg1, %dma_wait3A_92, %dma_wait3A_93] : memref<2x16x200x100xi32, #tpu.memory_space<hbm>> -> memref<1x1x40x100xi32, #tpu.memory_space<hbm>>
      %dma_wait3A_95 = tpu.memref_squeeze %dma_wait3A_94 : memref<1x1x40x100xi32, #tpu.memory_space<hbm>> -> memref<40x100xi32, #tpu.memory_space<hbm>>
      tpu.wait_dma2 semaphore(%run_scoped3A : memref<!tpu.dma_semaphore, #tpu.memory_space<semaphore_mem>>) src(%dma_wait3A_95 : memref<40x100xi32, #tpu.memory_space<hbm>>) dst(%arg8 : memref<40x100xi32, #tpu.memory_space<vmem>>)
      tpu.yield
    }) : () -> ()
    %dma_start3A_57 = arith.constant 0 : i32
    %dma_start3A_58 = arith.constant 0 : i32
    %dma_start3A_59 = tpu.memref_slice %arg7[%dma_start3A_57, %dma_start3A_58] : memref<40x100xi32, #tpu.memory_space<vmem>> -> memref<1x100xi32, #tpu.memory_space<vmem>>
    %dma_start3A_60 = tpu.memref_squeeze %dma_start3A_59 : memref<1x100xi32, #tpu.memory_space<vmem>> -> memref<100xi32, #tpu.memory_space<vmem>>
    %dma_start3A_61 = arith.constant 0 : i32
    %dma_start3A_62 = arith.constant 0 : i32
    %dma_start3A_63 = tpu.memref_slice %arg2[%dma_start3A_61, %dma_start3A_62] : memref<20000x128xf32, #tpu.memory_space<hbm>> -> memref<20000x128xf32, #tpu.memory_space<hbm>>
    tpu.enqueue_indirect_dma source(%dma_start3A_63 : memref<20000x128xf32, #tpu.memory_space<hbm>>) target(%arg9 : memref<100x128xf32, #tpu.memory_space<vmem>>) offsets(%dma_start3A_60 : memref<100xi32, #tpu.memory_space<vmem>>) semaphore(%arg12 : memref<!tpu.dma_semaphore, #tpu.memory_space<semaphore_mem>>)
    %scan3A_64 = arith.constant 0 : i32
    %scan3A_65 = arith.constant 0 : i32
    %scan3A_66 = arith.constant 20 : i32
    %scan3A_67 = arith.addi %scan3A_65, %scan3A_66 : i32
    %scan3A_68 = arith.constant 1 : i32
    scf.for %scan3A_81 = %scan3A_65 to %scan3A_67 step %scan3A_68  : i32 {
      %mul3A_82 = arith.constant 2 : i32
      %mul3A_83 = arith.muli %mul3A_82, %scan3A_81 : i32
      %add3A = arith.constant 1 : i32
      %add3A_84 = arith.addi %mul3A_83, %add3A : i32
      %dma_start3A_85 = arith.constant 0 : i32
      %dma_start3A_86 = tpu.memref_slice %arg7[%add3A_84, %dma_start3A_85] : memref<40x100xi32, #tpu.memory_space<vmem>> -> memref<1x100xi32, #tpu.memory_space<vmem>>
      %dma_start3A_87 = tpu.memref_squeeze %dma_start3A_86 : memref<1x100xi32, #tpu.memory_space<vmem>> -> memref<100xi32, #tpu.memory_space<vmem>>
      %dma_start3A_88 = arith.constant 0 : i32
      %dma_start3A_89 = arith.constant 0 : i32
      %dma_start3A_90 = tpu.memref_slice %arg2[%dma_start3A_88, %dma_start3A_89] : memref<20000x128xf32, #tpu.memory_space<hbm>> -> memref<20000x128xf32, #tpu.memory_space<hbm>>
      tpu.enqueue_indirect_dma source(%dma_start3A_90 : memref<20000x128xf32, #tpu.memory_space<hbm>>) target(%arg10 : memref<100x128xf32, #tpu.memory_space<vmem>>) offsets(%dma_start3A_87 : memref<100xi32, #tpu.memory_space<vmem>>) semaphore(%arg13 : memref<!tpu.dma_semaphore, #tpu.memory_space<semaphore_mem>>)
      %dma_wait3A = arith.constant 0 : i32
      %dma_wait3A_91 = tpu.memref_slice %arg7[%mul3A_83, %dma_wait3A] : memref<40x100xi32, #tpu.memory_space<vmem>> -> memref<1x100xi32, #tpu.memory_space<vmem>>
      %dma_wait3A_92 = tpu.memref_squeeze %dma_wait3A_91 : memref<1x100xi32, #tpu.memory_space<vmem>> -> memref<100xi32, #tpu.memory_space<vmem>>
      %dma_wait3A_93 = arith.constant 0 : i32
      %dma_wait3A_94 = arith.constant 0 : i32
      %dma_wait3A_95 = tpu.memref_slice %arg2[%dma_wait3A_93, %dma_wait3A_94] : memref<20000x128xf32, #tpu.memory_space<hbm>> -> memref<20000x128xf32, #tpu.memory_space<hbm>>
      tpu.wait_indirect_dma semaphore(%arg12 : memref<!tpu.dma_semaphore, #tpu.memory_space<semaphore_mem>>) src(%dma_wait3A_95 : memref<20000x128xf32, #tpu.memory_space<hbm>>) dst(%arg9 : memref<100x128xf32, #tpu.memory_space<vmem>>)
      "tpu.region"() ({
        %run_scoped3A = tpu.sem_alloc : memref<!tpu.dma_semaphore, #tpu.memory_space<semaphore_mem>>
        %dma_start3A_109 = arith.constant 0 : i32
        %dma_start3A_110 = tpu.memref_slice %arg8[%mul3A_83, %dma_start3A_109] : memref<40x100xi32, #tpu.memory_space<vmem>> -> memref<1x100xi32, #tpu.memory_space<vmem>>
        %dma_start3A_111 = tpu.memref_squeeze %dma_start3A_110 : memref<1x100xi32, #tpu.memory_space<vmem>> -> memref<100xi32, #tpu.memory_space<vmem>>
        %dma_start3A_112 = arith.constant 0 : i32
        %dma_start3A_113 = arith.constant 0 : i32
        %dma_start3A_114 = tpu.memref_slice %arg11[%dma_start3A_112, %dma_start3A_113] : memref<10000x128xf32, #tpu.memory_space<vmem_shared>> -> memref<10000x128xf32, #tpu.memory_space<vmem_shared>>
        tpu.enqueue_indirect_dma source(%arg9 : memref<100x128xf32, #tpu.memory_space<vmem>>) target(%dma_start3A_114 : memref<10000x128xf32, #tpu.memory_space<vmem_shared>>) offsets(%dma_start3A_111 : memref<100xi32, #tpu.memory_space<vmem>>) semaphore(%run_scoped3A : memref<!tpu.dma_semaphore, #tpu.memory_space<semaphore_mem>>) {add = true}
        %dma_wait3A_115 = arith.constant 0 : i32
        %dma_wait3A_116 = tpu.memref_slice %arg8[%mul3A_83, %dma_wait3A_115] : memref<40x100xi32, #tpu.memory_space<vmem>> -> memref<1x100xi32, #tpu.memory_space<vmem>>
        %dma_wait3A_117 = tpu.memref_squeeze %dma_wait3A_116 : memref<1x100xi32, #tpu.memory_space<vmem>> -> memref<100xi32, #tpu.memory_space<vmem>>
        %dma_wait3A_118 = arith.constant 0 : i32
        %dma_wait3A_119 = arith.constant 0 : i32
        %dma_wait3A_120 = tpu.memref_slice %arg11[%dma_wait3A_118, %dma_wait3A_119] : memref<10000x128xf32, #tpu.memory_space<vmem_shared>> -> memref<10000x128xf32, #tpu.memory_space<vmem_shared>>
        tpu.wait_indirect_dma semaphore(%run_scoped3A : memref<!tpu.dma_semaphore, #tpu.memory_space<semaphore_mem>>) src(%arg9 : memref<100x128xf32, #tpu.memory_space<vmem>>) dst(%dma_wait3A_120 : memref<10000x128xf32, #tpu.memory_space<vmem_shared>>)
        tpu.yield
      }) : () -> ()
      %lt3A_96 = arith.constant 19 : i32
      %lt3A_97 = arith.cmpi slt, %scan3A_81, %lt3A_96 : i32
      %convert_element_type3A_98 = arith.extui %lt3A_97 : i1 to i32
      %cond3A_99 = arith.constant 0 : i32
      %cond3A_100 = arith.cmpi ne, %convert_element_type3A_98, %cond3A_99 : i32
      scf.if %cond3A_100 {
        %add3A_109 = arith.constant 2 : i32
        %add3A_110 = arith.addi %mul3A_83, %add3A_109 : i32
        %dma_start3A_111 = arith.constant 0 : i32
        %dma_start3A_112 = tpu.memref_slice %arg7[%add3A_110, %dma_start3A_111] : memref<40x100xi32, #tpu.memory_space<vmem>> -> memref<1x100xi32, #tpu.memory_space<vmem>>
        %dma_start3A_113 = tpu.memref_squeeze %dma_start3A_112 : memref<1x100xi32, #tpu.memory_space<vmem>> -> memref<100xi32, #tpu.memory_space<vmem>>
        %dma_start3A_114 = arith.constant 0 : i32
        %dma_start3A_115 = arith.constant 0 : i32
        %dma_start3A_116 = tpu.memref_slice %arg2[%dma_start3A_114, %dma_start3A_115] : memref<20000x128xf32, #tpu.memory_space<hbm>> -> memref<20000x128xf32, #tpu.memory_space<hbm>>
        tpu.enqueue_indirect_dma source(%dma_start3A_116 : memref<20000x128xf32, #tpu.memory_space<hbm>>) target(%arg9 : memref<100x128xf32, #tpu.memory_space<vmem>>) offsets(%dma_start3A_113 : memref<100xi32, #tpu.memory_space<vmem>>) semaphore(%arg12 : memref<!tpu.dma_semaphore, #tpu.memory_space<semaphore_mem>>)
      } else {
      }
      %dma_wait3A_101 = arith.constant 0 : i32
      %dma_wait3A_102 = tpu.memref_slice %arg7[%add3A_84, %dma_wait3A_101] : memref<40x100xi32, #tpu.memory_space<vmem>> -> memref<1x100xi32, #tpu.memory_space<vmem>>
      %dma_wait3A_103 = tpu.memref_squeeze %dma_wait3A_102 : memref<1x100xi32, #tpu.memory_space<vmem>> -> memref<100xi32, #tpu.memory_space<vmem>>
      %dma_wait3A_104 = arith.constant 0 : i32
      %dma_wait3A_105 = arith.constant 0 : i32
      %dma_wait3A_106 = tpu.memref_slice %arg2[%dma_wait3A_104, %dma_wait3A_105] : memref<20000x128xf32, #tpu.memory_space<hbm>> -> memref<20000x128xf32, #tpu.memory_space<hbm>>
      tpu.wait_indirect_dma semaphore(%arg13 : memref<!tpu.dma_semaphore, #tpu.memory_space<semaphore_mem>>) src(%dma_wait3A_106 : memref<20000x128xf32, #tpu.memory_space<hbm>>) dst(%arg10 : memref<100x128xf32, #tpu.memory_space<vmem>>)
      %add3A_107 = arith.constant 1 : i32
      %add3A_108 = arith.addi %mul3A_83, %add3A_107 : i32
      "tpu.region"() ({
        %run_scoped3A = tpu.sem_alloc : memref<!tpu.dma_semaphore, #tpu.memory_space<semaphore_mem>>
        %dma_start3A_109 = arith.constant 0 : i32
        %dma_start3A_110 = tpu.memref_slice %arg8[%add3A_108, %dma_start3A_109] : memref<40x100xi32, #tpu.memory_space<vmem>> -> memref<1x100xi32, #tpu.memory_space<vmem>>
        %dma_start3A_111 = tpu.memref_squeeze %dma_start3A_110 : memref<1x100xi32, #tpu.memory_space<vmem>> -> memref<100xi32, #tpu.memory_space<vmem>>
        %dma_start3A_112 = arith.constant 0 : i32
        %dma_start3A_113 = arith.constant 0 : i32
        %dma_start3A_114 = tpu.memref_slice %arg11[%dma_start3A_112, %dma_start3A_113] : memref<10000x128xf32, #tpu.memory_space<vmem_shared>> -> memref<10000x128xf32, #tpu.memory_space<vmem_shared>>
        tpu.enqueue_indirect_dma source(%arg10 : memref<100x128xf32, #tpu.memory_space<vmem>>) target(%dma_start3A_114 : memref<10000x128xf32, #tpu.memory_space<vmem_shared>>) offsets(%dma_start3A_111 : memref<100xi32, #tpu.memory_space<vmem>>) semaphore(%run_scoped3A : memref<!tpu.dma_semaphore, #tpu.memory_space<semaphore_mem>>) {add = true}
        %dma_wait3A_115 = arith.constant 0 : i32
        %dma_wait3A_116 = tpu.memref_slice %arg8[%add3A_108, %dma_wait3A_115] : memref<40x100xi32, #tpu.memory_space<vmem>> -> memref<1x100xi32, #tpu.memory_space<vmem>>
        %dma_wait3A_117 = tpu.memref_squeeze %dma_wait3A_116 : memref<1x100xi32, #tpu.memory_space<vmem>> -> memref<100xi32, #tpu.memory_space<vmem>>
        %dma_wait3A_118 = arith.constant 0 : i32
        %dma_wait3A_119 = arith.constant 0 : i32
        %dma_wait3A_120 = tpu.memref_slice %arg11[%dma_wait3A_118, %dma_wait3A_119] : memref<10000x128xf32, #tpu.memory_space<vmem_shared>> -> memref<10000x128xf32, #tpu.memory_space<vmem_shared>>
        tpu.wait_indirect_dma semaphore(%run_scoped3A : memref<!tpu.dma_semaphore, #tpu.memory_space<semaphore_mem>>) src(%arg10 : memref<100x128xf32, #tpu.memory_space<vmem>>) dst(%dma_wait3A_120 : memref<10000x128xf32, #tpu.memory_space<vmem_shared>>)
        tpu.yield
      }) : () -> ()
    }
    %scan3A_69 = arith.constant 20 : i32
    %barrier3A_70 = arith.constant 0 : index
    tpu.barrier barrier_id(%barrier3A_70)
    %lt3A_71 = arith.constant 15 : i32
    %lt3A_72 = arith.cmpi slt, %arg1, %lt3A_71 : i32
    %convert_element_type3A_73 = arith.extui %lt3A_72 : i1 to i32
    %cond3A_74 = arith.constant 0 : i32
    %cond3A_75 = arith.cmpi ne, %convert_element_type3A_73, %cond3A_74 : i32
    scf.if %cond3A_75 {
      "tpu.region"() ({
        %run_scoped3A = tpu.sem_alloc : memref<!tpu.dma_semaphore, #tpu.memory_space<semaphore_mem>>
        %dma_start3A_81 = arith.constant 0 : i32
        %dma_start3A_82 = tpu.memref_slice %arg6[%arg0, %mul3A_0, %dma_start3A_81] : memref<2x10000x128xf32, #tpu.memory_space<hbm>> -> memref<1x624x128xf32, #tpu.memory_space<hbm>>
        %dma_start3A_83 = tpu.memref_squeeze %dma_start3A_82 : memref<1x624x128xf32, #tpu.memory_space<hbm>> -> memref<624x128xf32, #tpu.memory_space<hbm>>
        %dma_start3A_84 = arith.constant 0 : i32
        %dma_start3A_85 = tpu.memref_slice %arg11[%mul3A_0, %dma_start3A_84] : memref<10000x128xf32, #tpu.memory_space<vmem_shared>> -> memref<624x128xf32, #tpu.memory_space<vmem_shared>>
        tpu.enqueue_dma source(%dma_start3A_85 : memref<624x128xf32, #tpu.memory_space<vmem_shared>>) target(%dma_start3A_83 : memref<624x128xf32, #tpu.memory_space<hbm>>) target_semaphore(%run_scoped3A : memref<!tpu.dma_semaphore, #tpu.memory_space<semaphore_mem>>)
        %dma_wait3A = arith.constant 0 : i32
        %dma_wait3A_86 = tpu.memref_slice %arg6[%arg0, %mul3A_0, %dma_wait3A] : memref<2x10000x128xf32, #tpu.memory_space<hbm>> -> memref<1x624x128xf32, #tpu.memory_space<hbm>>
        %dma_wait3A_87 = tpu.memref_squeeze %dma_wait3A_86 : memref<1x624x128xf32, #tpu.memory_space<hbm>> -> memref<624x128xf32, #tpu.memory_space<hbm>>
        %dma_wait3A_88 = arith.constant 0 : i32
        %dma_wait3A_89 = tpu.memref_slice %arg11[%mul3A_0, %dma_wait3A_88] : memref<10000x128xf32, #tpu.memory_space<vmem_shared>> -> memref<624x128xf32, #tpu.memory_space<vmem_shared>>
        tpu.wait_dma2 semaphore(%run_scoped3A : memref<!tpu.dma_semaphore, #tpu.memory_space<semaphore_mem>>) src(%dma_wait3A_89 : memref<624x128xf32, #tpu.memory_space<vmem_shared>>) dst(%dma_wait3A_87 : memref<624x128xf32, #tpu.memory_space<hbm>>)
        tpu.yield
      }) : () -> ()
    } else {
    }
    %eq3A_76 = arith.constant 15 : i32
    %eq3A_77 = arith.cmpi eq, %arg1, %eq3A_76 : i32
    %convert_element_type3A_78 = arith.extui %eq3A_77 : i1 to i32
    %cond3A_79 = arith.constant 0 : i32
    %cond3A_80 = arith.cmpi ne, %convert_element_type3A_78, %cond3A_79 : i32
    scf.if %cond3A_80 {
      "tpu.region"() ({
        %run_scoped3A = tpu.sem_alloc : memref<!tpu.dma_semaphore, #tpu.memory_space<semaphore_mem>>
        %dma_start3A_81 = arith.constant 9360 : i32
        %dma_start3A_82 = arith.constant 0 : i32
        %dma_start3A_83 = tpu.memref_slice %arg6[%arg0, %dma_start3A_81, %dma_start3A_82] : memref<2x10000x128xf32, #tpu.memory_space<hbm>> -> memref<1x640x128xf32, #tpu.memory_space<hbm>>
        %dma_start3A_84 = tpu.memref_squeeze %dma_start3A_83 : memref<1x640x128xf32, #tpu.memory_space<hbm>> -> memref<640x128xf32, #tpu.memory_space<hbm>>
        %dma_start3A_85 = arith.constant 9360 : i32
        %dma_start3A_86 = arith.constant 0 : i32
        %dma_start3A_87 = tpu.memref_slice %arg11[%dma_start3A_85, %dma_start3A_86] : memref<10000x128xf32, #tpu.memory_space<vmem_shared>> -> memref<640x128xf32, #tpu.memory_space<vmem_shared>>
        tpu.enqueue_dma source(%dma_start3A_87 : memref<640x128xf32, #tpu.memory_space<vmem_shared>>) target(%dma_start3A_84 : memref<640x128xf32, #tpu.memory_space<hbm>>) target_semaphore(%run_scoped3A : memref<!tpu.dma_semaphore, #tpu.memory_space<semaphore_mem>>)
        %dma_wait3A = arith.constant 9360 : i32
        %dma_wait3A_88 = arith.constant 0 : i32
        %dma_wait3A_89 = tpu.memref_slice %arg6[%arg0, %dma_wait3A, %dma_wait3A_88] : memref<2x10000x128xf32, #tpu.memory_space<hbm>> -> memref<1x640x128xf32, #tpu.memory_space<hbm>>
        %dma_wait3A_90 = tpu.memref_squeeze %dma_wait3A_89 : memref<1x640x128xf32, #tpu.memory_space<hbm>> -> memref<640x128xf32, #tpu.memory_space<hbm>>
        %dma_wait3A_91 = arith.constant 9360 : i32
        %dma_wait3A_92 = arith.constant 0 : i32
        %dma_wait3A_93 = tpu.memref_slice %arg11[%dma_wait3A_91, %dma_wait3A_92] : memref<10000x128xf32, #tpu.memory_space<vmem_shared>> -> memref<640x128xf32, #tpu.memory_space<vmem_shared>>
        tpu.wait_dma2 semaphore(%run_scoped3A : memref<!tpu.dma_semaphore, #tpu.memory_space<semaphore_mem>>) src(%dma_wait3A_93 : memref<640x128xf32, #tpu.memory_space<vmem_shared>>) dst(%dma_wait3A_90 : memref<640x128xf32, #tpu.memory_space<hbm>>)
        tpu.yield
      }) : () -> ()
    } else {
    }
    return
  }
}

module attributes {stable_mosaic.version = 14 : i64} {
  func.func @_pre0_body(%arg0: i32, %arg1: memref<2000x128xf32, #tpu.memory_space<vmem>>, %arg2: memref<2000x128xf32, #tpu.memory_space<vmem>>, %arg3: memref<128x128xf32, #tpu.memory_space<vmem>>, %arg4: memref<128x128xf32, #tpu.memory_space<vmem>>, %arg5: memref<2x2000x128xf32, #tpu.memory_space<vmem>>) attributes {dimension_semantics = [#tpu.dimension_semantics<arbitrary>], iteration_bounds = array<i64: 5>, scalar_prefetch = 0 : i64, scratch_operands = 0 : i64, tpu.core_type = #tpu.core_type<tc>, window_params = [{transform_indices = @transform_0, window_bounds = array<i64: 2000, 128>}, {transform_indices = @transform_1, window_bounds = array<i64: 2000, 128>}, {pipeline_mode = #tpu.pipeline_mode<synchronous>, transform_indices = @transform_2, window_bounds = array<i64: 128, 128>}, {pipeline_mode = #tpu.pipeline_mode<synchronous>, transform_indices = @transform_3, window_bounds = array<i64: 128, 128>}, {transform_indices = @transform_4, window_bounds = array<i64: 2, 2000, 128>}]} {
    %get3A = arith.constant 0 : index
    %get3A_0 = arith.constant 0 : index
    %get3A_1 = vector.load %arg1[%get3A, %get3A_0] : memref<2000x128xf32, #tpu.memory_space<vmem>>, vector<2000x128xf32>
    %get3A_2 = arith.constant 0 : index
    %get3A_3 = arith.constant 0 : index
    %get3A_4 = vector.load %arg3[%get3A_2, %get3A_3] : memref<128x128xf32, #tpu.memory_space<vmem>>, vector<128x128xf32>
    %dot_general3A = arith.constant dense<0.000000e+00> : vector<2000x128xf32>
    %dot_general3A_5 = tpu.matmul %get3A_1, %get3A_4, %dot_general3A {dimension_numbers = #tpu.dot_dimension_numbers<[1], [0], [0], [1], [0, 0, 1, 1], [], []>, transpose_lhs_hint = false} : vector<2000x128xf32>, vector<128x128xf32>, vector<2000x128xf32> -> vector<2000x128xf32>
    %swap3A = arith.constant 0 : index
    %swap3A_6 = arith.constant 0 : index
    %swap3A_7 = arith.constant 0 : index
    %swap3A_8 = vector.load %arg5[%swap3A, %swap3A_6, %swap3A_7] : memref<2x2000x128xf32, #tpu.memory_space<vmem>>, vector<1x2000x128xf32>
    %swap3A_9 = vector.shape_cast %swap3A_8 : vector<1x2000x128xf32> to vector<2000x128xf32>
    %swap3A_10 = vector.shape_cast %dot_general3A_5 : vector<2000x128xf32> to vector<1x2000x128xf32>
    tpu.vector_store %arg5[%swap3A, %swap3A_6, %swap3A_7], %swap3A_10 {strides = array<i32>} : memref<2x2000x128xf32, #tpu.memory_space<vmem>>, vector<1x2000x128xf32>,
    %get3A_11 = arith.constant 0 : index
    %get3A_12 = arith.constant 0 : index
    %get3A_13 = vector.load %arg2[%get3A_11, %get3A_12] : memref<2000x128xf32, #tpu.memory_space<vmem>>, vector<2000x128xf32>
    %get3A_14 = arith.constant 0 : index
    %get3A_15 = arith.constant 0 : index
    %get3A_16 = vector.load %arg4[%get3A_14, %get3A_15] : memref<128x128xf32, #tpu.memory_space<vmem>>, vector<128x128xf32>
    %dot_general3A_17 = arith.constant dense<0.000000e+00> : vector<2000x128xf32>
    %dot_general3A_18 = tpu.matmul %get3A_13, %get3A_16, %dot_general3A_17 {dimension_numbers = #tpu.dot_dimension_numbers<[1], [0], [0], [1], [0, 0, 1, 1], [], []>, transpose_lhs_hint = false} : vector<2000x128xf32>, vector<128x128xf32>, vector<2000x128xf32> -> vector<2000x128xf32>
    %swap3A_19 = arith.constant 1 : index
    %swap3A_20 = arith.constant 0 : index
    %swap3A_21 = arith.constant 0 : index
    %swap3A_22 = vector.load %arg5[%swap3A_19, %swap3A_20, %swap3A_21] : memref<2x2000x128xf32, #tpu.memory_space<vmem>>, vector<1x2000x128xf32>
    %swap3A_23 = vector.shape_cast %swap3A_22 : vector<1x2000x128xf32> to vector<2000x128xf32>
    %swap3A_24 = vector.shape_cast %dot_general3A_18 : vector<2000x128xf32> to vector<1x2000x128xf32>
    tpu.vector_store %arg5[%swap3A_19, %swap3A_20, %swap3A_21], %swap3A_24 {strides = array<i32>} : memref<2x2000x128xf32, #tpu.memory_space<vmem>>, vector<1x2000x128xf32>,
    return
  }
  func.func @transform_0(%arg0: i32) -> (i32, i32) {
    %c0_i32 = arith.constant 0 : i32
    %c0_i32_0 = arith.constant 0 : i32
    return %arg0, %c0_i32 : i32, i32
  }
  func.func @transform_1(%arg0: i32) -> (i32, i32) {
    %c0_i32 = arith.constant 0 : i32
    %c0_i32_0 = arith.constant 0 : i32
    return %arg0, %c0_i32 : i32, i32
  }
  func.func @transform_2(%arg0: i32) -> (i32, i32) {
    %c0_i32 = arith.constant 0 : i32
    %c0_i32_0 = arith.constant 0 : i32
    %c0_i32_1 = arith.constant 0 : i32
    return %c0_i32, %c0_i32_0 : i32, i32
  }
  func.func @transform_3(%arg0: i32) -> (i32, i32) {
    %c0_i32 = arith.constant 0 : i32
    %c0_i32_0 = arith.constant 0 : i32
    %c0_i32_1 = arith.constant 0 : i32
    return %c0_i32, %c0_i32_0 : i32, i32
  }
  func.func @transform_4(%arg0: i32) -> (i32, i32, i32) {
    %c0_i32 = arith.constant 0 : i32
    %c0_i32_0 = arith.constant 0 : i32
    %c0_i32_1 = arith.constant 0 : i32
    return %c0_i32, %arg0, %c0_i32_0 : i32, i32, i32
  }
}

module attributes {stable_mosaic.version = 14 : i64} {
  func.func @_post0_body(%arg0: i32, %arg1: memref<2x2000x128xf32, #tpu.memory_space<vmem>>, %arg2: memref<2x2000x16xf32, #tpu.memory_space<vmem>>, %arg3: memref<2000x128xf32, #tpu.memory_space<vmem>>, %arg4: memref<2000x128xf32, #tpu.memory_space<vmem>>, %arg5: memref<128x128xf32, #tpu.memory_space<vmem>>, %arg6: memref<128x128xf32, #tpu.memory_space<vmem>>, %arg7: memref<1x128xf32, #tpu.memory_space<vmem>>, %arg8: memref<1x128xf32, #tpu.memory_space<vmem>>, %arg9: memref<128x128xf32, #tpu.memory_space<vmem>>, %arg10: memref<128x128xf32, #tpu.memory_space<vmem>>, %arg11: memref<128x128xf32, #tpu.memory_space<vmem>>, %arg12: memref<128x128xf32, #tpu.memory_space<vmem>>, %arg13: memref<1x128xf32, #tpu.memory_space<vmem>>, %arg14: memref<1x128xf32, #tpu.memory_space<vmem>>, %arg15: memref<2x2000x128xf32, #tpu.memory_space<vmem>>, %arg16: memref<2x2000x128xf32, #tpu.memory_space<vmem>>) attributes {dimension_semantics = [#tpu.dimension_semantics<arbitrary>], iteration_bounds = array<i64: 5>, scalar_prefetch = 0 : i64, scratch_operands = 0 : i64, tpu.core_type = #tpu.core_type<tc>, window_params = [{transform_indices = @transform_0, window_bounds = array<i64: 2, 2000, 128>}, {transform_indices = @transform_1, window_bounds = array<i64: 2, 2000, 16>}, {transform_indices = @transform_2, window_bounds = array<i64: 2000, 128>}, {transform_indices = @transform_3, window_bounds = array<i64: 2000, 128>}, {pipeline_mode = #tpu.pipeline_mode<synchronous>, transform_indices = @transform_4, window_bounds = array<i64: 128, 128>}, {pipeline_mode = #tpu.pipeline_mode<synchronous>, transform_indices = @transform_5, window_bounds = array<i64: 128, 128>}, {pipeline_mode = #tpu.pipeline_mode<synchronous>, transform_indices = @transform_6, window_bounds = array<i64: 1, 128>}, {pipeline_mode = #tpu.pipeline_mode<synchronous>, transform_indices = @transform_7, window_bounds = array<i64: 1, 128>}, {pipeline_mode = #tpu.pipeline_mode<synchronous>, transform_indices = @transform_8, window_bounds = array<i64: 128, 128>}, {pipeline_mode = #tpu.pipeline_mode<synchronous>, transform_indices = @transform_9, window_bounds = array<i64: 128, 128>}, {pipeline_mode = #tpu.pipeline_mode<synchronous>, transform_indices = @transform_10, window_bounds = array<i64: 128, 128>}, {pipeline_mode = #tpu.pipeline_mode<synchronous>, transform_indices = @transform_11, window_bounds = array<i64: 128, 128>}, {pipeline_mode = #tpu.pipeline_mode<synchronous>, transform_indices = @transform_12, window_bounds = array<i64: 1, 128>}, {pipeline_mode = #tpu.pipeline_mode<synchronous>, transform_indices = @transform_13, window_bounds = array<i64: 1, 128>}, {transform_indices = @transform_14, window_bounds = array<i64: 2, 2000, 128>}, {transform_indices = @transform_15, window_bounds = array<i64: 2, 2000, 128>}]} {
    %get3A = arith.constant 0 : index
    %get3A_0 = arith.constant 0 : index
    %get3A_1 = arith.constant 0 : index
    %get3A_2 = vector.load %arg1[%get3A, %get3A_0, %get3A_1] : memref<2x2000x128xf32, #tpu.memory_space<vmem>>, vector<1x2000x128xf32>
    %get3A_3 = vector.shape_cast %get3A_2 : vector<1x2000x128xf32> to vector<2000x128xf32>
    %get3A_4 = arith.constant 0 : index
    %get3A_5 = arith.constant 0 : index
    %get3A_6 = arith.constant 0 : index
    %get3A_7 = vector.load %arg2[%get3A_4, %get3A_5, %get3A_6] : memref<2x2000x16xf32, #tpu.memory_space<vmem>>, vector<1x2000x16xf32>
    %get3A_8 = vector.shape_cast %get3A_7 : vector<1x2000x16xf32> to vector<2000x16xf32>
    %get3A_9 = arith.constant 0 : index
    %get3A_10 = arith.constant 0 : index
    %get3A_11 = vector.load %arg4[%get3A_9, %get3A_10] : memref<2000x128xf32, #tpu.memory_space<vmem>>, vector<2000x128xf32>
    %get3A_12 = arith.constant 0 : index
    %get3A_13 = arith.constant 0 : index
    %get3A_14 = vector.load %arg5[%get3A_12, %get3A_13] : memref<128x128xf32, #tpu.memory_space<vmem>>, vector<128x128xf32>
    %dot_general3A = arith.constant dense<0.000000e+00> : vector<2000x128xf32>
    %dot_general3A_15 = tpu.matmul %get3A_11, %get3A_14, %dot_general3A {dimension_numbers = #tpu.dot_dimension_numbers<[1], [0], [0], [1], [0, 0, 1, 1], [], []>, transpose_lhs_hint = false} : vector<2000x128xf32>, vector<128x128xf32>, vector<2000x128xf32> -> vector<2000x128xf32>
    %get3A_16 = arith.constant 0 : index
    %get3A_17 = arith.constant 0 : index
    %get3A_18 = vector.load %arg7[%get3A_16, %get3A_17] : memref<1x128xf32, #tpu.memory_space<vmem>>, vector<1x128xf32>
    %add3A = vector.broadcast %get3A_18 : vector<1x128xf32> to vector<2000x128xf32>
    %add3A_19 = arith.addf %dot_general3A_15, %add3A : vector<2000x128xf32>
    %slice3A = vector.extract_strided_slice %get3A_8 {offsets = [0, 0], sizes = [2000, 1], strides = [1, 1]} : vector<2000x16xf32> to vector<2000x1xf32>
    %max3A = arith.constant 1.000000e+00 : f32
    %max3A_20 = vector.broadcast %max3A : f32 to vector<2000x1xf32>
    %max3A_21 = arith.maximumf %slice3A, %max3A_20 : vector<2000x1xf32>
    %div3A = vector.broadcast %max3A_21 : vector<2000x1xf32> to vector<2000x128xf32>
    %div3A_22 = arith.divf %get3A_3, %div3A : vector<2000x128xf32>
    %add3A_23 = arith.addf %div3A_22, %add3A_19 : vector<2000x128xf32>
    %mul3A = arith.mulf %add3A_23, %add3A_23 : vector<2000x128xf32>
    %reduce_sum3A = arith.constant dense<0.000000e+00> : vector<2000xf32>
    %reduce_sum3A_24 = vector.multi_reduction <add>, %mul3A, %reduce_sum3A [1] : vector<2000x128xf32> to vector<2000xf32>
    %broadcast_in_dim3A = vector.shape_cast %reduce_sum3A_24 : vector<2000xf32> to vector<2000x1xf32>
    %sqrt3A = math.sqrt %broadcast_in_dim3A : vector<2000x1xf32>
    %max3A_25 = arith.constant 9.99999996E-13 : f32
    %max3A_26 = vector.broadcast %max3A_25 : f32 to vector<2000x1xf32>
    %max3A_27 = arith.maximumf %sqrt3A, %max3A_26 : vector<2000x1xf32>
    %div3A_28 = vector.broadcast %max3A_27 : vector<2000x1xf32> to vector<2000x128xf32>
    %div3A_29 = arith.divf %add3A_23, %div3A_28 : vector<2000x128xf32>
    %get3A_30 = arith.constant 1 : index
    %get3A_31 = arith.constant 0 : index
    %get3A_32 = arith.constant 0 : index
    %get3A_33 = vector.load %arg1[%get3A_30, %get3A_31, %get3A_32] : memref<2x2000x128xf32, #tpu.memory_space<vmem>>, vector<1x2000x128xf32>
    %get3A_34 = vector.shape_cast %get3A_33 : vector<1x2000x128xf32> to vector<2000x128xf32>
    %get3A_35 = arith.constant 1 : index
    %get3A_36 = arith.constant 0 : index
    %get3A_37 = arith.constant 0 : index
    %get3A_38 = vector.load %arg2[%get3A_35, %get3A_36, %get3A_37] : memref<2x2000x16xf32, #tpu.memory_space<vmem>>, vector<1x2000x16xf32>
    %get3A_39 = vector.shape_cast %get3A_38 : vector<1x2000x16xf32> to vector<2000x16xf32>
    %get3A_40 = arith.constant 0 : index
    %get3A_41 = arith.constant 0 : index
    %get3A_42 = vector.load %arg3[%get3A_40, %get3A_41] : memref<2000x128xf32, #tpu.memory_space<vmem>>, vector<2000x128xf32>
    %get3A_43 = arith.constant 0 : index
    %get3A_44 = arith.constant 0 : index
    %get3A_45 = vector.load %arg6[%get3A_43, %get3A_44] : memref<128x128xf32, #tpu.memory_space<vmem>>, vector<128x128xf32>
    %dot_general3A_46 = arith.constant dense<0.000000e+00> : vector<2000x128xf32>
    %dot_general3A_47 = tpu.matmul %get3A_42, %get3A_45, %dot_general3A_46 {dimension_numbers = #tpu.dot_dimension_numbers<[1], [0], [0], [1], [0, 0, 1, 1], [], []>, transpose_lhs_hint = false} : vector<2000x128xf32>, vector<128x128xf32>, vector<2000x128xf32> -> vector<2000x128xf32>
    %get3A_48 = arith.constant 0 : index
    %get3A_49 = arith.constant 0 : index
    %get3A_50 = vector.load %arg8[%get3A_48, %get3A_49] : memref<1x128xf32, #tpu.memory_space<vmem>>, vector<1x128xf32>
    %add3A_51 = vector.broadcast %get3A_50 : vector<1x128xf32> to vector<2000x128xf32>
    %add3A_52 = arith.addf %dot_general3A_47, %add3A_51 : vector<2000x128xf32>
    %slice3A_53 = vector.extract_strided_slice %get3A_39 {offsets = [0, 0], sizes = [2000, 1], strides = [1, 1]} : vector<2000x16xf32> to vector<2000x1xf32>
    %max3A_54 = arith.constant 1.000000e+00 : f32
    %max3A_55 = vector.broadcast %max3A_54 : f32 to vector<2000x1xf32>
    %max3A_56 = arith.maximumf %slice3A_53, %max3A_55 : vector<2000x1xf32>
    %div3A_57 = vector.broadcast %max3A_56 : vector<2000x1xf32> to vector<2000x128xf32>
    %div3A_58 = arith.divf %get3A_34, %div3A_57 : vector<2000x128xf32>
    %add3A_59 = arith.addf %div3A_58, %add3A_52 : vector<2000x128xf32>
    %mul3A_60 = arith.mulf %add3A_59, %add3A_59 : vector<2000x128xf32>
    %reduce_sum3A_61 = arith.constant dense<0.000000e+00> : vector<2000xf32>
    %reduce_sum3A_62 = vector.multi_reduction <add>, %mul3A_60, %reduce_sum3A_61 [1] : vector<2000x128xf32> to vector<2000xf32>
    %broadcast_in_dim3A_63 = vector.shape_cast %reduce_sum3A_62 : vector<2000xf32> to vector<2000x1xf32>
    %sqrt3A_64 = math.sqrt %broadcast_in_dim3A_63 : vector<2000x1xf32>
    %max3A_65 = arith.constant 9.99999996E-13 : f32
    %max3A_66 = vector.broadcast %max3A_65 : f32 to vector<2000x1xf32>
    %max3A_67 = arith.maximumf %sqrt3A_64, %max3A_66 : vector<2000x1xf32>
    %div3A_68 = vector.broadcast %max3A_67 : vector<2000x1xf32> to vector<2000x128xf32>
    %div3A_69 = arith.divf %add3A_59, %div3A_68 : vector<2000x128xf32>
    %max3A_70 = arith.constant 0.000000e+00 : f32
    %max3A_71 = vector.broadcast %max3A_70 : f32 to vector<2000x128xf32>
    %max3A_72 = arith.maximumf %div3A_29, %max3A_71 : vector<2000x128xf32>
    %max3A_73 = arith.constant 0.000000e+00 : f32
    %max3A_74 = vector.broadcast %max3A_73 : f32 to vector<2000x128xf32>
    %max3A_75 = arith.maximumf %div3A_69, %max3A_74 : vector<2000x128xf32>
    %get3A_76 = arith.constant 0 : index
    %get3A_77 = arith.constant 0 : index
    %get3A_78 = vector.load %arg9[%get3A_76, %get3A_77] : memref<128x128xf32, #tpu.memory_space<vmem>>, vector<128x128xf32>
    %dot_general3A_79 = arith.constant dense<0.000000e+00> : vector<2000x128xf32>
    %dot_general3A_80 = tpu.matmul %max3A_75, %get3A_78, %dot_general3A_79 {dimension_numbers = #tpu.dot_dimension_numbers<[1], [0], [0], [1], [0, 0, 1, 1], [], []>, transpose_lhs_hint = false} : vector<2000x128xf32>, vector<128x128xf32>, vector<2000x128xf32> -> vector<2000x128xf32>
    %swap3A = arith.constant 0 : index
    %swap3A_81 = arith.constant 0 : index
    %swap3A_82 = arith.constant 0 : index
    %swap3A_83 = vector.load %arg15[%swap3A, %swap3A_81, %swap3A_82] : memref<2x2000x128xf32, #tpu.memory_space<vmem>>, vector<1x2000x128xf32>
    %swap3A_84 = vector.shape_cast %swap3A_83 : vector<1x2000x128xf32> to vector<2000x128xf32>
    %swap3A_85 = vector.shape_cast %dot_general3A_80 : vector<2000x128xf32> to vector<1x2000x128xf32>
    tpu.vector_store %arg15[%swap3A, %swap3A_81, %swap3A_82], %swap3A_85 {strides = array<i32>} : memref<2x2000x128xf32, #tpu.memory_space<vmem>>, vector<1x2000x128xf32>,
    %get3A_86 = arith.constant 0 : index
    %get3A_87 = arith.constant 0 : index
    %get3A_88 = vector.load %arg10[%get3A_86, %get3A_87] : memref<128x128xf32, #tpu.memory_space<vmem>>, vector<128x128xf32>
    %dot_general3A_89 = arith.constant dense<0.000000e+00> : vector<2000x128xf32>
    %dot_general3A_90 = tpu.matmul %max3A_72, %get3A_88, %dot_general3A_89 {dimension_numbers = #tpu.dot_dimension_numbers<[1], [0], [0], [1], [0, 0, 1, 1], [], []>, transpose_lhs_hint = false} : vector<2000x128xf32>, vector<128x128xf32>, vector<2000x128xf32> -> vector<2000x128xf32>
    %swap3A_91 = arith.constant 1 : index
    %swap3A_92 = arith.constant 0 : index
    %swap3A_93 = arith.constant 0 : index
    %swap3A_94 = vector.load %arg15[%swap3A_91, %swap3A_92, %swap3A_93] : memref<2x2000x128xf32, #tpu.memory_space<vmem>>, vector<1x2000x128xf32>
    %swap3A_95 = vector.shape_cast %swap3A_94 : vector<1x2000x128xf32> to vector<2000x128xf32>
    %swap3A_96 = vector.shape_cast %dot_general3A_90 : vector<2000x128xf32> to vector<1x2000x128xf32>
    tpu.vector_store %arg15[%swap3A_91, %swap3A_92, %swap3A_93], %swap3A_96 {strides = array<i32>} : memref<2x2000x128xf32, #tpu.memory_space<vmem>>, vector<1x2000x128xf32>,
    %get3A_97 = arith.constant 0 : index
    %get3A_98 = arith.constant 0 : index
    %get3A_99 = vector.load %arg11[%get3A_97, %get3A_98] : memref<128x128xf32, #tpu.memory_space<vmem>>, vector<128x128xf32>
    %dot_general3A_100 = arith.constant dense<0.000000e+00> : vector<2000x128xf32>
    %dot_general3A_101 = tpu.matmul %max3A_72, %get3A_99, %dot_general3A_100 {dimension_numbers = #tpu.dot_dimension_numbers<[1], [0], [0], [1], [0, 0, 1, 1], [], []>, transpose_lhs_hint = false} : vector<2000x128xf32>, vector<128x128xf32>, vector<2000x128xf32> -> vector<2000x128xf32>
    %get3A_102 = arith.constant 0 : index
    %get3A_103 = arith.constant 0 : index
    %get3A_104 = vector.load %arg13[%get3A_102, %get3A_103] : memref<1x128xf32, #tpu.memory_space<vmem>>, vector<1x128xf32>
    %add3A_105 = vector.broadcast %get3A_104 : vector<1x128xf32> to vector<2000x128xf32>
    %add3A_106 = arith.addf %dot_general3A_101, %add3A_105 : vector<2000x128xf32>
    %swap3A_107 = arith.constant 0 : index
    %swap3A_108 = arith.constant 0 : index
    %swap3A_109 = arith.constant 0 : index
    %swap3A_110 = vector.load %arg16[%swap3A_107, %swap3A_108, %swap3A_109] : memref<2x2000x128xf32, #tpu.memory_space<vmem>>, vector<1x2000x128xf32>
    %swap3A_111 = vector.shape_cast %swap3A_110 : vector<1x2000x128xf32> to vector<2000x128xf32>
    %swap3A_112 = vector.shape_cast %add3A_106 : vector<2000x128xf32> to vector<1x2000x128xf32>
    tpu.vector_store %arg16[%swap3A_107, %swap3A_108, %swap3A_109], %swap3A_112 {strides = array<i32>} : memref<2x2000x128xf32, #tpu.memory_space<vmem>>, vector<1x2000x128xf32>,
    %get3A_113 = arith.constant 0 : index
    %get3A_114 = arith.constant 0 : index
    %get3A_115 = vector.load %arg12[%get3A_113, %get3A_114] : memref<128x128xf32, #tpu.memory_space<vmem>>, vector<128x128xf32>
    %dot_general3A_116 = arith.constant dense<0.000000e+00> : vector<2000x128xf32>
    %dot_general3A_117 = tpu.matmul %max3A_75, %get3A_115, %dot_general3A_116 {dimension_numbers = #tpu.dot_dimension_numbers<[1], [0], [0], [1], [0, 0, 1, 1], [], []>, transpose_lhs_hint = false} : vector<2000x128xf32>, vector<128x128xf32>, vector<2000x128xf32> -> vector<2000x128xf32>
    %get3A_118 = arith.constant 0 : index
    %get3A_119 = arith.constant 0 : index
    %get3A_120 = vector.load %arg14[%get3A_118, %get3A_119] : memref<1x128xf32, #tpu.memory_space<vmem>>, vector<1x128xf32>
    %add3A_121 = vector.broadcast %get3A_120 : vector<1x128xf32> to vector<2000x128xf32>
    %add3A_122 = arith.addf %dot_general3A_117, %add3A_121 : vector<2000x128xf32>
    %swap3A_123 = arith.constant 1 : index
    %swap3A_124 = arith.constant 0 : index
    %swap3A_125 = arith.constant 0 : index
    %swap3A_126 = vector.load %arg16[%swap3A_123, %swap3A_124, %swap3A_125] : memref<2x2000x128xf32, #tpu.memory_space<vmem>>, vector<1x2000x128xf32>
    %swap3A_127 = vector.shape_cast %swap3A_126 : vector<1x2000x128xf32> to vector<2000x128xf32>
    %swap3A_128 = vector.shape_cast %add3A_122 : vector<2000x128xf32> to vector<1x2000x128xf32>
    tpu.vector_store %arg16[%swap3A_123, %swap3A_124, %swap3A_125], %swap3A_128 {strides = array<i32>} : memref<2x2000x128xf32, #tpu.memory_space<vmem>>, vector<1x2000x128xf32>,
    return
  }
  func.func @transform_0(%arg0: i32) -> (i32, i32, i32) {
    %c0_i32 = arith.constant 0 : i32
    %c0_i32_0 = arith.constant 0 : i32
    %c0_i32_1 = arith.constant 0 : i32
    return %c0_i32, %arg0, %c0_i32_0 : i32, i32, i32
  }
  func.func @transform_1(%arg0: i32) -> (i32, i32, i32) {
    %c0_i32 = arith.constant 0 : i32
    %c0_i32_0 = arith.constant 0 : i32
    %c0_i32_1 = arith.constant 0 : i32
    return %c0_i32, %arg0, %c0_i32_0 : i32, i32, i32
  }
  func.func @transform_2(%arg0: i32) -> (i32, i32) {
    %c0_i32 = arith.constant 0 : i32
    %c0_i32_0 = arith.constant 0 : i32
    return %arg0, %c0_i32 : i32, i32
  }
  func.func @transform_3(%arg0: i32) -> (i32, i32) {
    %c0_i32 = arith.constant 0 : i32
    %c0_i32_0 = arith.constant 0 : i32
    return %arg0, %c0_i32 : i32, i32
  }
  func.func @transform_4(%arg0: i32) -> (i32, i32) {
    %c0_i32 = arith.constant 0 : i32
    %c0_i32_0 = arith.constant 0 : i32
    %c0_i32_1 = arith.constant 0 : i32
    return %c0_i32, %c0_i32_0 : i32, i32
  }
  func.func @transform_5(%arg0: i32) -> (i32, i32) {
    %c0_i32 = arith.constant 0 : i32
    %c0_i32_0 = arith.constant 0 : i32
    %c0_i32_1 = arith.constant 0 : i32
    return %c0_i32, %c0_i32_0 : i32, i32
  }
  func.func @transform_6(%arg0: i32) -> (i32, i32) {
    %c0_i32 = arith.constant 0 : i32
    %c0_i32_0 = arith.constant 0 : i32
    %c0_i32_1 = arith.constant 0 : i32
    return %c0_i32, %c0_i32_0 : i32, i32
  }
  func.func @transform_7(%arg0: i32) -> (i32, i32) {
    %c0_i32 = arith.constant 0 : i32
    %c0_i32_0 = arith.constant 0 : i32
    %c0_i32_1 = arith.constant 0 : i32
    return %c0_i32, %c0_i32_0 : i32, i32
  }
  func.func @transform_8(%arg0: i32) -> (i32, i32) {
    %c0_i32 = arith.constant 0 : i32
    %c0_i32_0 = arith.constant 0 : i32
    %c0_i32_1 = arith.constant 0 : i32
    return %c0_i32, %c0_i32_0 : i32, i32
  }
  func.func @transform_9(%arg0: i32) -> (i32, i32) {
    %c0_i32 = arith.constant 0 : i32
    %c0_i32_0 = arith.constant 0 : i32
    %c0_i32_1 = arith.constant 0 : i32
    return %c0_i32, %c0_i32_0 : i32, i32
  }
  func.func @transform_10(%arg0: i32) -> (i32, i32) {
    %c0_i32 = arith.constant 0 : i32
    %c0_i32_0 = arith.constant 0 : i32
    %c0_i32_1 = arith.constant 0 : i32
    return %c0_i32, %c0_i32_0 : i32, i32
  }
  func.func @transform_11(%arg0: i32) -> (i32, i32) {
    %c0_i32 = arith.constant 0 : i32
    %c0_i32_0 = arith.constant 0 : i32
    %c0_i32_1 = arith.constant 0 : i32
    return %c0_i32, %c0_i32_0 : i32, i32
  }
  func.func @transform_12(%arg0: i32) -> (i32, i32) {
    %c0_i32 = arith.constant 0 : i32
    %c0_i32_0 = arith.constant 0 : i32
    %c0_i32_1 = arith.constant 0 : i32
    return %c0_i32, %c0_i32_0 : i32, i32
  }
  func.func @transform_13(%arg0: i32) -> (i32, i32) {
    %c0_i32 = arith.constant 0 : i32
    %c0_i32_0 = arith.constant 0 : i32
    %c0_i32_1 = arith.constant 0 : i32
    return %c0_i32, %c0_i32_0 : i32, i32
  }
  func.func @transform_14(%arg0: i32) -> (i32, i32, i32) {
    %c0_i32 = arith.constant 0 : i32
    %c0_i32_0 = arith.constant 0 : i32
    %c0_i32_1 = arith.constant 0 : i32
    return %c0_i32, %arg0, %c0_i32_0 : i32, i32, i32
  }
  func.func @transform_15(%arg0: i32) -> (i32, i32, i32) {
    %c0_i32 = arith.constant 0 : i32
    %c0_i32_0 = arith.constant 0 : i32
    %c0_i32_1 = arith.constant 0 : i32
    return %c0_i32, %arg0, %c0_i32_0 : i32, i32, i32
  }
}

module attributes {stable_mosaic.version = 14 : i64} {
  func.func @_post1_body(%arg0: i32, %arg1: memref<2x2000x128xf32, #tpu.memory_space<vmem>>, %arg2: memref<2x2000x16xf32, #tpu.memory_space<vmem>>, %arg3: memref<2x2000x128xf32, #tpu.memory_space<vmem>>, %arg4: memref<128x128xf32, #tpu.memory_space<vmem>>, %arg5: memref<128x128xf32, #tpu.memory_space<vmem>>, %arg6: memref<1x128xf32, #tpu.memory_space<vmem>>, %arg7: memref<2x2000x128xf32, #tpu.memory_space<vmem>>) attributes {dimension_semantics = [#tpu.dimension_semantics<arbitrary>], iteration_bounds = array<i64: 5>, scalar_prefetch = 0 : i64, scratch_operands = 0 : i64, tpu.core_type = #tpu.core_type<tc>, window_params = [{transform_indices = @transform_0, window_bounds = array<i64: 2, 2000, 128>}, {transform_indices = @transform_1, window_bounds = array<i64: 2, 2000, 16>}, {transform_indices = @transform_2, window_bounds = array<i64: 2, 2000, 128>}, {pipeline_mode = #tpu.pipeline_mode<synchronous>, transform_indices = @transform_3, window_bounds = array<i64: 128, 128>}, {pipeline_mode = #tpu.pipeline_mode<synchronous>, transform_indices = @transform_4, window_bounds = array<i64: 128, 128>}, {pipeline_mode = #tpu.pipeline_mode<synchronous>, transform_indices = @transform_5, window_bounds = array<i64: 1, 128>}, {transform_indices = @transform_6, window_bounds = array<i64: 2, 2000, 128>}]} {
    %get3A = arith.constant 0 : index
    %get3A_0 = arith.constant 0 : index
    %get3A_1 = arith.constant 0 : index
    %get3A_2 = vector.load %arg1[%get3A, %get3A_0, %get3A_1] : memref<2x2000x128xf32, #tpu.memory_space<vmem>>, vector<1x2000x128xf32>
    %get3A_3 = vector.shape_cast %get3A_2 : vector<1x2000x128xf32> to vector<2000x128xf32>
    %get3A_4 = arith.constant 0 : index
    %get3A_5 = arith.constant 0 : index
    %get3A_6 = arith.constant 0 : index
    %get3A_7 = vector.load %arg2[%get3A_4, %get3A_5, %get3A_6] : memref<2x2000x16xf32, #tpu.memory_space<vmem>>, vector<1x2000x16xf32>
    %get3A_8 = vector.shape_cast %get3A_7 : vector<1x2000x16xf32> to vector<2000x16xf32>
    %get3A_9 = arith.constant 0 : index
    %get3A_10 = arith.constant 0 : index
    %get3A_11 = arith.constant 0 : index
    %get3A_12 = vector.load %arg3[%get3A_9, %get3A_10, %get3A_11] : memref<2x2000x128xf32, #tpu.memory_space<vmem>>, vector<1x2000x128xf32>
    %get3A_13 = vector.shape_cast %get3A_12 : vector<1x2000x128xf32> to vector<2000x128xf32>
    %slice3A = vector.extract_strided_slice %get3A_8 {offsets = [0, 0], sizes = [2000, 1], strides = [1, 1]} : vector<2000x16xf32> to vector<2000x1xf32>
    %max3A = arith.constant 1.000000e+00 : f32
    %max3A_14 = vector.broadcast %max3A : f32 to vector<2000x1xf32>
    %max3A_15 = arith.maximumf %slice3A, %max3A_14 : vector<2000x1xf32>
    %div3A = vector.broadcast %max3A_15 : vector<2000x1xf32> to vector<2000x128xf32>
    %div3A_16 = arith.divf %get3A_3, %div3A : vector<2000x128xf32>
    %add3A = arith.addf %div3A_16, %get3A_13 : vector<2000x128xf32>
    %mul3A = arith.mulf %add3A, %add3A : vector<2000x128xf32>
    %reduce_sum3A = arith.constant dense<0.000000e+00> : vector<2000xf32>
    %reduce_sum3A_17 = vector.multi_reduction <add>, %mul3A, %reduce_sum3A [1] : vector<2000x128xf32> to vector<2000xf32>
    %broadcast_in_dim3A = vector.shape_cast %reduce_sum3A_17 : vector<2000xf32> to vector<2000x1xf32>
    %sqrt3A = math.sqrt %broadcast_in_dim3A : vector<2000x1xf32>
    %max3A_18 = arith.constant 9.99999996E-13 : f32
    %max3A_19 = vector.broadcast %max3A_18 : f32 to vector<2000x1xf32>
    %max3A_20 = arith.maximumf %sqrt3A, %max3A_19 : vector<2000x1xf32>
    %div3A_21 = vector.broadcast %max3A_20 : vector<2000x1xf32> to vector<2000x128xf32>
    %div3A_22 = arith.divf %add3A, %div3A_21 : vector<2000x128xf32>
    %get3A_23 = arith.constant 1 : index
    %get3A_24 = arith.constant 0 : index
    %get3A_25 = arith.constant 0 : index
    %get3A_26 = vector.load %arg1[%get3A_23, %get3A_24, %get3A_25] : memref<2x2000x128xf32, #tpu.memory_space<vmem>>, vector<1x2000x128xf32>
    %get3A_27 = vector.shape_cast %get3A_26 : vector<1x2000x128xf32> to vector<2000x128xf32>
    %get3A_28 = arith.constant 1 : index
    %get3A_29 = arith.constant 0 : index
    %get3A_30 = arith.constant 0 : index
    %get3A_31 = vector.load %arg2[%get3A_28, %get3A_29, %get3A_30] : memref<2x2000x16xf32, #tpu.memory_space<vmem>>, vector<1x2000x16xf32>
    %get3A_32 = vector.shape_cast %get3A_31 : vector<1x2000x16xf32> to vector<2000x16xf32>
    %get3A_33 = arith.constant 1 : index
    %get3A_34 = arith.constant 0 : index
    %get3A_35 = arith.constant 0 : index
    %get3A_36 = vector.load %arg3[%get3A_33, %get3A_34, %get3A_35] : memref<2x2000x128xf32, #tpu.memory_space<vmem>>, vector<1x2000x128xf32>
    %get3A_37 = vector.shape_cast %get3A_36 : vector<1x2000x128xf32> to vector<2000x128xf32>
    %slice3A_38 = vector.extract_strided_slice %get3A_32 {offsets = [0, 0], sizes = [2000, 1], strides = [1, 1]} : vector<2000x16xf32> to vector<2000x1xf32>
    %max3A_39 = arith.constant 1.000000e+00 : f32
    %max3A_40 = vector.broadcast %max3A_39 : f32 to vector<2000x1xf32>
    %max3A_41 = arith.maximumf %slice3A_38, %max3A_40 : vector<2000x1xf32>
    %div3A_42 = vector.broadcast %max3A_41 : vector<2000x1xf32> to vector<2000x128xf32>
    %div3A_43 = arith.divf %get3A_27, %div3A_42 : vector<2000x128xf32>
    %add3A_44 = arith.addf %div3A_43, %get3A_37 : vector<2000x128xf32>
    %mul3A_45 = arith.mulf %add3A_44, %add3A_44 : vector<2000x128xf32>
    %reduce_sum3A_46 = arith.constant dense<0.000000e+00> : vector<2000xf32>
    %reduce_sum3A_47 = vector.multi_reduction <add>, %mul3A_45, %reduce_sum3A_46 [1] : vector<2000x128xf32> to vector<2000xf32>
    %broadcast_in_dim3A_48 = vector.shape_cast %reduce_sum3A_47 : vector<2000xf32> to vector<2000x1xf32>
    %sqrt3A_49 = math.sqrt %broadcast_in_dim3A_48 : vector<2000x1xf32>
    %max3A_50 = arith.constant 9.99999996E-13 : f32
    %max3A_51 = vector.broadcast %max3A_50 : f32 to vector<2000x1xf32>
    %max3A_52 = arith.maximumf %sqrt3A_49, %max3A_51 : vector<2000x1xf32>
    %div3A_53 = vector.broadcast %max3A_52 : vector<2000x1xf32> to vector<2000x128xf32>
    %div3A_54 = arith.divf %add3A_44, %div3A_53 : vector<2000x128xf32>
    %get3A_55 = arith.constant 0 : index
    %get3A_56 = arith.constant 0 : index
    %get3A_57 = vector.load %arg4[%get3A_55, %get3A_56] : memref<128x128xf32, #tpu.memory_space<vmem>>, vector<128x128xf32>
    %dot_general3A = arith.constant dense<0.000000e+00> : vector<2000x128xf32>
    %dot_general3A_58 = tpu.matmul %div3A_54, %get3A_57, %dot_general3A {dimension_numbers = #tpu.dot_dimension_numbers<[1], [0], [0], [1], [0, 0, 1, 1], [], []>, transpose_lhs_hint = false} : vector<2000x128xf32>, vector<128x128xf32>, vector<2000x128xf32> -> vector<2000x128xf32>
    %get3A_59 = arith.constant 0 : index
    %get3A_60 = arith.constant 0 : index
    %get3A_61 = vector.load %arg6[%get3A_59, %get3A_60] : memref<1x128xf32, #tpu.memory_space<vmem>>, vector<1x128xf32>
    %add3A_62 = vector.broadcast %get3A_61 : vector<1x128xf32> to vector<2000x128xf32>
    %add3A_63 = arith.addf %dot_general3A_58, %add3A_62 : vector<2000x128xf32>
    %swap3A = arith.constant 0 : index
    %swap3A_64 = arith.constant 0 : index
    %swap3A_65 = arith.constant 0 : index
    %swap3A_66 = vector.load %arg7[%swap3A, %swap3A_64, %swap3A_65] : memref<2x2000x128xf32, #tpu.memory_space<vmem>>, vector<1x2000x128xf32>
    %swap3A_67 = vector.shape_cast %swap3A_66 : vector<1x2000x128xf32> to vector<2000x128xf32>
    %swap3A_68 = vector.shape_cast %add3A_63 : vector<2000x128xf32> to vector<1x2000x128xf32>
    tpu.vector_store %arg7[%swap3A, %swap3A_64, %swap3A_65], %swap3A_68 {strides = array<i32>} : memref<2x2000x128xf32, #tpu.memory_space<vmem>>, vector<1x2000x128xf32>,
    %get3A_69 = arith.constant 0 : index
    %get3A_70 = arith.constant 0 : index
    %get3A_71 = vector.load %arg5[%get3A_69, %get3A_70] : memref<128x128xf32, #tpu.memory_space<vmem>>, vector<128x128xf32>
    %dot_general3A_72 = arith.constant dense<0.000000e+00> : vector<2000x128xf32>
    %dot_general3A_73 = tpu.matmul %div3A_22, %get3A_71, %dot_general3A_72 {dimension_numbers = #tpu.dot_dimension_numbers<[1], [0], [0], [1], [0, 0, 1, 1], [], []>, transpose_lhs_hint = false} : vector<2000x128xf32>, vector<128x128xf32>, vector<2000x128xf32> -> vector<2000x128xf32>
    %swap3A_74 = arith.constant 1 : index
    %swap3A_75 = arith.constant 0 : index
    %swap3A_76 = arith.constant 0 : index
    %swap3A_77 = vector.load %arg7[%swap3A_74, %swap3A_75, %swap3A_76] : memref<2x2000x128xf32, #tpu.memory_space<vmem>>, vector<1x2000x128xf32>
    %swap3A_78 = vector.shape_cast %swap3A_77 : vector<1x2000x128xf32> to vector<2000x128xf32>
    %swap3A_79 = vector.shape_cast %dot_general3A_73 : vector<2000x128xf32> to vector<1x2000x128xf32>
    tpu.vector_store %arg7[%swap3A_74, %swap3A_75, %swap3A_76], %swap3A_79 {strides = array<i32>} : memref<2x2000x128xf32, #tpu.memory_space<vmem>>, vector<1x2000x128xf32>,
    return
  }
  func.func @transform_0(%arg0: i32) -> (i32, i32, i32) {
    %c0_i32 = arith.constant 0 : i32
    %c0_i32_0 = arith.constant 0 : i32
    %c0_i32_1 = arith.constant 0 : i32
    return %c0_i32, %arg0, %c0_i32_0 : i32, i32, i32
  }
  func.func @transform_1(%arg0: i32) -> (i32, i32, i32) {
    %c0_i32 = arith.constant 0 : i32
    %c0_i32_0 = arith.constant 0 : i32
    %c0_i32_1 = arith.constant 0 : i32
    return %c0_i32, %arg0, %c0_i32_0 : i32, i32, i32
  }
  func.func @transform_2(%arg0: i32) -> (i32, i32, i32) {
    %c0_i32 = arith.constant 0 : i32
    %c0_i32_0 = arith.constant 0 : i32
    %c0_i32_1 = arith.constant 0 : i32
    return %c0_i32, %arg0, %c0_i32_0 : i32, i32, i32
  }
  func.func @transform_3(%arg0: i32) -> (i32, i32) {
    %c0_i32 = arith.constant 0 : i32
    %c0_i32_0 = arith.constant 0 : i32
    %c0_i32_1 = arith.constant 0 : i32
    return %c0_i32, %c0_i32_0 : i32, i32
  }
  func.func @transform_4(%arg0: i32) -> (i32, i32) {
    %c0_i32 = arith.constant 0 : i32
    %c0_i32_0 = arith.constant 0 : i32
    %c0_i32_1 = arith.constant 0 : i32
    return %c0_i32, %c0_i32_0 : i32, i32
  }
  func.func @transform_5(%arg0: i32) -> (i32, i32) {
    %c0_i32 = arith.constant 0 : i32
    %c0_i32_0 = arith.constant 0 : i32
    %c0_i32_1 = arith.constant 0 : i32
    return %c0_i32, %c0_i32_0 : i32, i32
  }
  func.func @transform_6(%arg0: i32) -> (i32, i32, i32) {
    %c0_i32 = arith.constant 0 : i32
    %c0_i32_0 = arith.constant 0 : i32
    %c0_i32_1 = arith.constant 0 : i32
    return %c0_i32, %arg0, %c0_i32_0 : i32, i32, i32
  }
}

module attributes {stable_mosaic.version = 14 : i64} {
  func.func @_score_body(%arg0: i32, %arg1: memref<2x4096x128xf32, #tpu.memory_space<vmem>>, %arg2: memref<1x128xf32, #tpu.memory_space<vmem>>, %arg3: memref<1x128xf32, #tpu.memory_space<vmem>>, %arg4: memref<32x128xf32, #tpu.memory_space<vmem>>) attributes {dimension_semantics = [#tpu.dimension_semantics<arbitrary>], iteration_bounds = array<i64: 25>, scalar_prefetch = 0 : i64, scratch_operands = 0 : i64, tpu.core_type = #tpu.core_type<tc>, window_params = [{transform_indices = @transform_0, window_bounds = array<i64: 2, 4096, 128>}, {pipeline_mode = #tpu.pipeline_mode<synchronous>, transform_indices = @transform_1, window_bounds = array<i64: 1, 128>}, {pipeline_mode = #tpu.pipeline_mode<synchronous>, transform_indices = @transform_2, window_bounds = array<i64: 1, 128>}, {transform_indices = @transform_3, window_bounds = array<i64: 32, 128>}]} {
    %get3A = arith.constant 0 : index
    %get3A_0 = arith.constant 0 : index
    %get3A_1 = arith.constant 0 : index
    %get3A_2 = vector.load %arg1[%get3A, %get3A_0, %get3A_1] : memref<2x4096x128xf32, #tpu.memory_space<vmem>>, vector<1x4096x128xf32>
    %get3A_3 = vector.shape_cast %get3A_2 : vector<1x4096x128xf32> to vector<4096x128xf32>
    %get3A_4 = arith.constant 1 : index
    %get3A_5 = arith.constant 0 : index
    %get3A_6 = arith.constant 0 : index
    %get3A_7 = vector.load %arg1[%get3A_4, %get3A_5, %get3A_6] : memref<2x4096x128xf32, #tpu.memory_space<vmem>>, vector<1x4096x128xf32>
    %get3A_8 = vector.shape_cast %get3A_7 : vector<1x4096x128xf32> to vector<4096x128xf32>
    %add3A = arith.addf %get3A_3, %get3A_8 : vector<4096x128xf32>
    %max3A = arith.constant 0.000000e+00 : f32
    %max3A_9 = vector.broadcast %max3A : f32 to vector<4096x128xf32>
    %max3A_10 = arith.maximumf %add3A, %max3A_9 : vector<4096x128xf32>
    %get3A_11 = arith.constant 0 : index
    %get3A_12 = arith.constant 0 : index
    %get3A_13 = vector.load %arg2[%get3A_11, %get3A_12] : memref<1x128xf32, #tpu.memory_space<vmem>>, vector<1x128xf32>
    %mul3A = vector.broadcast %get3A_13 : vector<1x128xf32> to vector<4096x128xf32>
    %mul3A_14 = arith.mulf %max3A_10, %mul3A : vector<4096x128xf32>
    %reduce_sum3A = arith.constant dense<0.000000e+00> : vector<4096xf32>
    %reduce_sum3A_15 = vector.multi_reduction <add>, %mul3A_14, %reduce_sum3A [1] : vector<4096x128xf32> to vector<4096xf32>
    %reshape3A = vector.shape_cast %reduce_sum3A_15 : vector<4096xf32> to vector<32x128xf32>
    %get3A_16 = arith.constant 0 : index
    %get3A_17 = arith.constant 0 : index
    %get3A_18 = vector.load %arg3[%get3A_16, %get3A_17] : memref<1x128xf32, #tpu.memory_space<vmem>>, vector<1x128xf32>
    %add3A_19 = vector.broadcast %get3A_18 : vector<1x128xf32> to vector<32x128xf32>
    %add3A_20 = arith.addf %reshape3A, %add3A_19 : vector<32x128xf32>
    %swap3A = arith.constant 0 : index
    %swap3A_21 = arith.constant 0 : index
    %swap3A_22 = vector.load %arg4[%swap3A, %swap3A_21] : memref<32x128xf32, #tpu.memory_space<vmem>>, vector<32x128xf32>
    tpu.vector_store %arg4[%swap3A, %swap3A_21], %add3A_20 {strides = array<i32>} : memref<32x128xf32, #tpu.memory_space<vmem>>, vector<32x128xf32>,
    return
  }
  func.func @transform_0(%arg0: i32) -> (i32, i32, i32) {
    %c0_i32 = arith.constant 0 : i32
    %c0_i32_0 = arith.constant 0 : i32
    %c0_i32_1 = arith.constant 0 : i32
    return %c0_i32, %arg0, %c0_i32_0 : i32, i32, i32
  }
  func.func @transform_1(%arg0: i32) -> (i32, i32) {
    %c0_i32 = arith.constant 0 : i32
    %c0_i32_0 = arith.constant 0 : i32
    %c0_i32_1 = arith.constant 0 : i32
    return %c0_i32, %c0_i32_0 : i32, i32
  }
  func.func @transform_2(%arg0: i32) -> (i32, i32) {
    %c0_i32 = arith.constant 0 : i32
    %c0_i32_0 = arith.constant 0 : i32
    %c0_i32_1 = arith.constant 0 : i32
    return %c0_i32, %c0_i32_0 : i32, i32
  }
  func.func @transform_3(%arg0: i32) -> (i32, i32) {
    %c0_i32 = arith.constant 0 : i32
    %c0_i32_0 = arith.constant 0 : i32
    return %arg0, %c0_i32 : i32, i32
  }
}

</mosaic_0001>

<sc_bundles>
// kernel: kernel.12.cloned.1.call-start
scs
__scs_entry_jumppad:
0x0: {  	(pc) =	sbr.rel $0x88, $3  }
0x1: {  	(tag) =	ssettag $0x0;
	lr =	simm.s32 $0x1  }
0x2: {  	[smem:$0x3F8C] =	sst lr;
	_ =	strace $0xD0000000  }
0x3: {  	_ = 	snop  }
0x4: {  	_ = 	snop  }
0x5: {  	_ = 	snop  }
0x6: {  	_ = 	snop  }
0x7: {  	_ = 	snop  }
__scs_overlays_trampoline_lowered:
0x8: {  	[smem:$0x3F9B] =	sst s0  }
0x9: {  	[smem:$0x3F9C] =	sst s1  }
0xa: {  	[smem:$0x3F9D] =	sst s2  }
0xb: {  	[smem:$0x3F9E] =	sst s3  }
0xc: {  	[smem:$0x3F9F] =	sst s4  }
0xd: {  	[smem:$0x3FA0] =	sst s5  }
0xe: {  	[smem:$0x3FA1] =	sst s6  }
0xf: {  	[smem:$0x3FA2] =	sst s7  }
0x10: {  	[smem:$0x3FA3] =	sst s8  }
0x11: {  	[smem:$0x3FA4] =	sst s9;
	s0 =	simm.s32 @!p0 $0x0  }
0x12: {  	s1 =	sld [smem:$0x3F8A];
	s0 =	simm.s32 @p0 $0x1  }
0x13: {  	[smem:$0x3FA5] =	sst s0;
	s0 =	simm.s32 @!p1 $0x0  }
0x14: {  	s2 =	sld [smem:$0x3F89];
	s0 =	simm.s32 @p1 $0x1  }
0x15: {  	[smem:$0x3FA6] =	sst s0;
	s0 =	simm.s32 @!p2 $0x0  }
0x16: {  	s3 =	sld [smem:$0x3FDB];
	s0 =	simm.s32 @p2 $0x1  }
0x17: {  	s4 =	simm.s32 $0x1BF5;
	[smem:$0x3FA8] =	sst s0  }
0x18: {  	s0 =	sld [smem:$0x3F8B];
	_ =	swait.ge [sflag:s4], $0x0  }
0x19: {  	s7 =	sld [smem:$0x3F8C]  }
0x1a: {  	s8 =	sadd.s32 $0xFFFFE003, lr  }
0x1b: {  	s9 =	sadd.s32 $0xFFFFFEF7, lr;
	s5 =	simm.s32 $0xFFFFFFFF;
	p2 =	slt.u32 s8, $0xFFFFF086  }
0x1c: {  	p1 =	slt.u32 s9, $0xF7A;
	s5 =	simm.s32 @!p2 $0x0  }
0x1d: {  	s5 =	simm.s32 @p1 $0x1;
	p0 =	seq.s32 s7, s2  }
0x1e: {  	s7 =	smul.u32 @!p0 $0xF7A, s2;
	p2 =	seq.s32 @!p0 s5, $0x0  }
0x1f: {  	s9 =	smul.u32 $0xF7A, s1;
	s8 =	simm.s32 @!p0 $0x1BF5;
	p2 =	por !p2, p0  }
0x20: {  	[sflag:s8] =	ssyncset.s32 @!p0 $0xFFFFF086;
	s6 =	sadd.s32 @!p0 s3, s7;
	s7 =	simm.s32 @!p0 $0x108  }
0x21: {  	s3 =	sadd.s32 s3, s9;
	s6 =	sadd.s32 @!p0 $0x88, s6;
	s7 =	simm.s32 @p2 $0x1082  }
0x22: {  	[simem:s7], [sflag:s8] =	dma.local @!p0 [hbm:s6], $0xF7A  }
0x23: {  	s9 =	sor.u32 $0xD0000000, s2;
	s6 =	simm.s32 $0x108;
	_ =	swait.ge @!p0 [sflag:s8], $0x0  }
0x24: {  	s3 =	sadd.s32 $0x88, s3;
	s6 =	simm.s32 @!p1 $0x1082;
	[sflag:s4] =	ssyncset.s32 $0xFFFFF086  }
0x25: {  	[simem:s6], [sflag:s4] =	dma.local [hbm:s3], $0xF7A  }
0x26: {  	[smem:$0x3F8C] =	sst s1;
	(tag) =	ssettag s2;
	_ =	strace s9  }
0x27: {  	s1 =	sld [smem:$0x3F9C]  }
0x28: {  	s2 =	sld [smem:$0x3F9D]  }
0x29: {  	s4 =	sld [smem:$0x3F9F]  }
0x2a: {  	p0 =	seq.s32 s5, $0x0;
	s5 =	sld [smem:$0x3FA0]  }
0x2b: {  	s6 =	sld [smem:$0x3FA1]  }
0x2c: {  	s7 =	sld [smem:$0x3FA2]  }
0x2d: {  	s3 =	simm.s32 $0x108;
	s8 =	sld [smem:$0x3FA3]  }
0x2e: {  	s3 =	simm.s32 @!p0 $0x1082;
	s9 =	sld [smem:$0x3FA4]  }
0x2f: {  	lr =	sadd.s32 s0, s3;
	s0 =	sld [smem:$0x3F9B]  }
0x30: {  	s3 =	sld [smem:$0x3F9E]  }
0x31: {  	[smem:$0x3FA7] =	sst s10  }
0x32: {  	s10 =	sld [smem:$0x3FA5];
	_ =	sdelay $0x3  }
0x33: {  	p0 =	seq.s32 s10, $0x1;
	s10 =	sld [smem:$0x3FA7];
	_ =	sdelay $0x3  }
0x34: {  	[smem:$0x3FA7] =	sst s10  }
0x35: {  	s10 =	sld [smem:$0x3FA6];
	_ =	sdelay $0x3  }
0x36: {  	p1 =	seq.s32 s10, $0x1;
	s10 =	sld [smem:$0x3FA7];
	_ =	sdelay $0x3  }
0x37: {  	[smem:$0x3FA7] =	sst s10  }
0x38: {  	s10 =	sld [smem:$0x3FA8]  }
0x39: {  	_ = 	snop;
	(pc) =	sbr.ind lr, $3  }
0x3a: {  	_ = 	snop  }
0x3b: {  	_ = 	snop  }
0x3c: {  	p2 =	seq.s32 s10, $0x1;
	s10 =	sld [smem:$0x3FA7]  }
0x3d: {  	_ =	shalt  }
0x3e: {  	_ =	shalt  }
0x3f: {  	_ =	shalt  }
0x40: {  	_ =	shalt  }
0x41: {  	_ =	shalt  }
0x42: {  	_ =	shalt  }
0x43: {  	_ =	shalt  }
0x44: {  	_ =	shalt  }
0x45: {  	_ =	shalt  }
0x46: {  	_ =	shalt  }
0x47: {  	_ =	shalt  }
0x48: {  	_ =	shalt  }
0x49: {  	_ =	shalt  }
0x4a: {  	_ =	shalt  }
0x4b: {  	_ =	shalt  }
0x4c: {  	_ =	shalt  }
0x4d: {  	_ =	shalt  }
0x4e: {  	_ =	shalt  }
0x4f: {  	_ =	shalt  }
0x50: {  	_ =	shalt  }
0x51: {  	_ =	shalt  }
0x52: {  	_ =	shalt  }
0x53: {  	_ =	shalt  }
0x54: {  	_ =	shalt  }
0x55: {  	_ =	shalt  }
0x56: {  	_ =	shalt  }
0x57: {  	_ =	shalt  }
0x58: {  	_ =	shalt  }
0x59: {  	_ =	shalt  }
0x5a: {  	_ =	shalt  }
0x5b: {  	_ =	shalt  }
0x5c: {  	_ =	shalt  }
0x5d: {  	_ =	shalt  }
0x5e: {  	_ =	shalt  }
0x5f: {  	_ =	shalt  }
0x60: {  	_ =	shalt  }
0x61: {  	_ =	shalt  }
0x62: {  	_ =	shalt  }
0x63: {  	_ =	shalt  }
0x64: {  	_ =	shalt  }
0x65: {  	_ =	shalt  }
0x66: {  	_ =	shalt  }
0x67: {  	_ =	shalt  }
0x68: {  	_ =	shalt  }
0x69: {  	_ =	shalt  }
0x6a: {  	_ =	shalt  }
0x6b: {  	_ =	shalt  }
0x6c: {  	_ =	shalt  }
0x6d: {  	_ =	shalt  }
0x6e: {  	_ =	shalt  }
0x6f: {  	_ =	shalt  }
0x70: {  	_ =	shalt  }
0x71: {  	_ =	shalt  }
0x72: {  	_ =	shalt  }
0x73: {  	_ =	shalt  }
0x74: {  	_ =	shalt  }
0x75: {  	_ =	shalt  }
0x76: {  	_ =	shalt  }
0x77: {  	_ =	shalt  }
0x78: {  	_ =	shalt  }
0x79: {  	_ =	shalt  }
0x7a: {  	_ =	shalt  }
0x7b: {  	_ =	shalt  }
0x7c: {  	_ =	shalt  }
0x7d: {  	_ =	shalt  }
0x7e: {  	_ =	shalt  }
0x7f: {  	_ =	shalt  }
0x80: {  	_ =	shalt  }
0x81: {  	_ =	shalt  }
0x82: {  	_ =	shalt  }
0x83: {  	_ =	shalt  }
0x84: {  	_ =	shalt  }
0x85: {  	_ =	shalt  }
0x86: {  	_ =	shalt  }
0x87: {  	_ =	shalt  }
.Lfunc_end0:
.L_simem_size_0:
called_computation.1_lowered:
.L_overlay_start_0:
0x88: {  	s2 =	sld [smem:$0x3FD9]  }
0x89: {  	s3 =	sld [smem:$0x3FFE];
	_ =	sdelay $0x1  }
0x8a: {  	s1 =	srdreg.scid  }
0x8b: {  	s0 =	sand.u32 $0x1, s1  }
0x8c: {  	s17 =	sshll.u32 s0, $0xA;
	s2 =	sadd.s32 s3, s2  }
0x8d: {  	s2 =	sadd.s32 s2, s17  }
0x8e: {  	[smem:$0x3FB3] =	sst s2  }
0x8f: {  	_ = 	snop  }
0x90: {  	s2 =	sld [smem:$0x3FD0];
	(tm) =	ssettm $0x1  }
0x91: {  	s18 =	sld [smem:$0x3FFB];
	_ =	sdelay $0x3  }
0x92: {  	_ =	strace s18  }
0x93: {  	s3 =	sld [smem:$0x3FFC];
	_ =	sdelay $0x3  }
0x94: {  	_ =	strace s3  }
0x95: {  	s3 =	sld [smem:$0x3FFD];
	_ =	sdelay $0x3  }
0x96: {  	_ =	strace s3  }
0x97: {  	_ =	strace $0x8FFFFFFF  }
0x98: {  	s19 =	sld [smem:$0x3FDB];
	_ =	sdelay $0x1  }
0x99: {  	s4 =	simm.s32 $_scs_section_size  }
0x9a: {  	s5 =	simm.s32 $_size__tile_overlayer_lowered;
	s6 =	simm.s32 $_tile_overlayer_lowered  }
0x9b: {  	s22 =	simm.s32 $0x1BFF;
	s21 =	sshll.u32 s6, $0x1;
	s3 =	sadd.s32 s4, s19  }
0x9c: {  	s7 =	simm.s32 $0x0;
	s20 =	sshll.u32 s5, $0x1;
	s5 =	sadd.s32 s21, s3  }
0x9d: {  	[timem:s7], [sflag:s22] =	dma.local [hbm:s5], s20  }
0x9e: {  	_ =	swait.ge [sflag:s22], s20  }
0x9f: {  	s4 =	ssub.s32 $0x0, s20;
	[sflag:s22] =	ssyncset.done $0x0  }
0xa0: {  	[sflag:s22] =	ssyncadd.s32 s4;
	_ =	sdelay $0x1  }
0xa1: {  	s23 =	simm.s32 $0x1B8B  }
0xa2: {  	_ =	swait.ge [sflag:s23], $0x1  }
0xa3: {  	[sflag:s23] =	ssyncset.done $0x0  }
0xa4: {  	s25 =	simm.s32 $0x1B8E;
	s24 =	sld [smem:$0x3FFE];
	[sflag:s23] =	ssyncadd.s32 $0xFFFFFFFF  }
0xa5: {  	s26 =	simm.s32 $execute0_lowered;
	[smem:$0x3FD2] =	sst s25  }
0xa6: {  	s5 =	sshll.u32 s26, $0x1;
	_ =	strace $0x80000049;
	[dreg:$0x1] =	wrdreg $0xFFFFFFFF  }
0xa7: {  	s28 =	simm.s32 $_size_execute0_lowered;
	s3 =	sadd.s32 s3, s5;
	[dreg:$0x0] =	wrdreg $0x0  }
0xa8: {  	s5 =	sshll.u32 s28, $0x1;
	[dreg:$0x2] =	wrdreg s3  }
0xa9: {  	[dreg:$0x3] =	wrdreg s5  }
0xaa: {  	[dreg:$0x4] =	wrdreg $0xC0  }
0xab: {  	_ =	task [dreg:s7], $0x5FFFF  }
0xac: {  	[dreg:$0x1] =	wrdreg $0xFFFFFFFF  }
0xad: {  	[dreg:$0x0] =	wrdreg $0x60  }
0xae: {  	[dreg:$0x2] =	wrdreg s24  }
0xaf: {  	[dreg:$0x3] =	wrdreg s2  }
0xb0: {  	[dreg:$0x4] =	wrdreg $0x84800  }
0xb1: {  	[dreg:$0x5] =	wrdreg $0x9  }
0xb2: {  	_ =	task.clear_ibuf [dreg:s7], $0x6FFFF;
	_ =	strace $0x90000049  }
0xb3: {  	s29 =	simm.s32 $0x9;
	_ =	strace $0x8000004B  }
0xb4: {  	_ =	swait.ge [sflag:s29], $0x1  }
0xb5: {  	[sflag:s29] =	ssyncadd.s32 $0xFFFFFFFF  }
0xb6: {  	_ =	strace $0x9000004B  }
0xb7: {  	_ =	sfence  }
0xb8: {  	s30 =	sld [smem:$0x0];
	_ =	sdelay $0x2  }
0xb9: {  	s31 =	sshll.u32 s1, $0xD;
	s1 =	sshrl.u32 s1, $0x2  }
0xba: {  	s3 =	sand.u32 $0x4000, s31;
	s1 =	sadd.s32 s1, s30  }
0xbb: {  	s0 =	sor.u32 s3, s0;
	s1 =	sshll.u32 s1, $0x11  }
0xbc: {  	s0 =	sor.u32 s1, s0  }
0xbd: {  	s0 =	sadd.s32 $0x8F2B, s0  }
0xbe: {  	[sflag:s0] =	ssyncadd.remote.s32 $0x1  }
0xbf: {  	_ =	sfence.sel $0xFFFF  }
0xc0: {  	[dreg:$0x0] =	wrdreg $0xFFFFFFFF;
	(pc) =	sbr.abs _section_cstart, $3  }
0xc1: {  	[dreg:$0x1] =	wrdreg $0xFFFFFFFF  }
0xc2: {  	_ =	task.clear_ibuf [dreg:s7], $0x2FFFF;
	_ =	strace $0x9FFFFFFF  }
0xc3: {  	(tm) =	ssettm $0x7FFFFFFF  }
tec
execute0_lowered:
.L_overlay_start_1:
0x0: {  	(tag) =	ssettag $0x1  }
0x1: {  	s0 =	rddreg [dreg:$0x0]  }
0x2: {  	s3 =	rddreg [dreg:$0x2];
	s4 =	simm.s32 $0x0;
	s1 =	srdreg.scid  }
0x3: {  	s11 =	stileid.u32;
	s28 =	simm.s32 $0x1;
	s29 =	simm.s32 $0x2  }
0x4: {  	s30 =	simm.s32 $0xFD8;
	s31 =	simm.s32 $0x1FB0;
	[smem:$0x7FF] =	sst s4  }
0x5: {  	s2 =	smul.u32 $0x4E000, s11;
	s5 =	sadd.s32 $0x7A800, s0;
	s7 =	sadd.s32 $0x3A00, s0  }
0x6: {  	s8 =	smul.u32 $0x5140, s11;
	s16 =	sadd.s32 $0x18000, s0;
	s0 =	sadd.s32 $0x121200, s0  }
0x7: {  	s1 =	sand.u32 $0x1, s1;
	s19 =	sadd.s32 $0x124800, s3;
	s18 =	smul.u32 $0x13800, s11  }
0x8: {  	p0 =	seq.s32 s11, $0xF;
	_ =	strace $0x8000004A;
	s6 =	smul.u32 $0x51400, s1  }
0x9: {  	s9 =	ssub.s32 $0x2, s1;
	[dreg:$0x4] =	wrdreg s19;
	s1 =	smul.u32 $0x138800, s1  }
0xa: {  	s10 =	sshrl.u32 s9, $0x1;
	s2 =	sshrl.u32 s2, $0x2;
	s6 =	sadd.s32 s8, s6  }
0xb: {  	s8 =	ssub.s32 s9, s10;
	s2 =	sadd.s32 s2, s3;
	s17 =	sadd.s32 s18, s1  }
0xc: {  	s1 =	sshrl.u32 s1, $0x3;
	s6 =	sshrl.u32 s6, $0x3;
	s26 =	sshrl.u32 s17, $0x3  }
0xd: {  	s19 =	smax.u32 s8, $0x1;
	s20 =	sadd.s32 s7, s6;
	s21 =	sadd.s32 $0x208, s6  }
0xe: {  	s22 =	sadd.s32 s16, s6;
	s12 =	sadd.s32 $0x410, s6;
	s14 =	sadd.s32 $0x618, s6  }
0xf: {  	s6 =	sadd.s32 $0x820, s6;
	s17 =	sadd.s32 s0, s26;
	[dreg:$0x5] =	wrdreg s20  }
0x10: {  	s0 =	sadd.s32 s0, s1;
	s26 =	simm.s32 $0x5280;
	[dreg:$0x6] =	wrdreg s22  }
0x11: {  	s23 =	sadd.s32 s7, s21;
	s24 =	sadd.s32 s16, s21;
	s25 =	sadd.s32 s7, s12  }
0x12: {  	s12 =	sadd.s32 s16, s12;
	s13 =	sadd.s32 s7, s14;
	s14 =	sadd.s32 s16, s14  }
0x13: {  	s15 =	sadd.s32 s7, s6;
	s16 =	sadd.s32 s16, s6;
	s6 =	sadd.s32 s18, s3  }
0x14: {  	s18 =	sadd.s32 $0x24900, s0;
	s20 =	sshrl.u32 @!p0 s2, $0x3;
	[dreg:$0x7] =	wrdreg s23  }
0x15: {  	s21 =	simm.s32 $0x3;
	s22 =	simm.s32 $0x1040;
	[dreg:$0x8] =	wrdreg s24  }
0x16: {  	s0 =	simm.s32 $0x2018;
	s2 =	simm.s32 $0x0;
	[dreg:$0x9] =	wrdreg s25  }
0x17: {  	s23 =	simm.s32 $0x64;
	s24 =	simm.s32 $0x2080;
	s25 =	sshrl.u32 @!p0 s6, $0x3  }
.LBB2_1:
0x18: {  	s1 =	rddreg [dreg:$0x4]  }
0x19: {  	s6 =	simm.s32 @p0 $0x1FC3;
	s8 =	rddreg [dreg:$0x1];
	s1 =	sshrl.u32 @p0 s1, $0x3  }
0x1a: {  	[spmem:s1], [sflag:s6] =	dma.local @p0 [hbm:s8], $0x2800  }
0x1b: {  	s6 =	simm.s32 @p0 $0x3  }
0x1c: {  	s7 =	stileid.u32;
	_ =	swait.ge @p0 [sflag:s6], $0x2800  }
0x1d: {  	s7 =	sshll.u32 @!p0 s7, $0x6;
	[sflag:s6] =	ssyncset.done @p0 $0x0  }
0x1e: {  	[sflag:s6] =	ssyncadd.s32 @p0 $0xFFFFD800;
	s6 =	sor.u32 @!p0 $0x1C03, s7;
	s7 =	simm.s32 @!p0 $0x3  }
0x1f: {  	[spmem:s20], [sflag:s6] =	dma.local @!p0 [hbm:s8], $0x2700  }
0x20: {  	_ =	swait.ge @!p0 [sflag:s7], $0x2700  }
0x21: {  	[sflag:s7] =	ssyncset.done @!p0 $0x0  }
0x22: {  	[sflag:s7] =	ssyncadd.s32 @!p0 $0xFFFFD900  }
0x23: {  	[bflag:$0x0] =	sbarrier.arrive $0xFFFF  }
0x24: {  	s10 =	rddreg [dreg:$0x5]  }
0x25: {  	[tilespmem:s4], [sflag:$0x3] =	stream.linear.gather [hbm4b:s10+s4], $0x1040, $0x38;
	[tilespmem:$0x1BD00] =	vst v63  }
0x26: {  	_ =	swait.ge [sflag:s21], $0x1040  }
0x27: {  	[sflag:s21] =	ssyncset.done $0x0  }
0x28: {  	s11 =	rddreg [dreg:$0x6];
	[sflag:s21] =	ssyncadd.s32 $0xFFFFEFC0  }
0x29: {  	[tilespmem:s22], [sflag:$0x3] =	stream.linear.gather [hbm4b:s11+s4], $0x1040, $0x38;
	[tilespmem:$0x1BD00] =	vst v63  }
0x2a: {  	_ =	swait.ge [sflag:s21], $0x1040  }
0x2b: {  	[sflag:s21] =	ssyncset.done $0x0  }
0x2c: {  	[sflag:s21] =	ssyncadd.s32 $0xFFFFEFC0  }
0x2d: {  	[tilespmem:s24], [sflag:$0x1] =	stream.indirect.gather [hbm4b:s5+s23], $0x80, s4, s23, $0xb8;
	[tilespmem:$0x1BD00] =	vst v63  }
0x2e: {  	s8 =	simm.s32 $0x68  }
0x2f: {  	[tilespmem:s26], [sflag:$0x2] =	stream.indirect.gather [hbm4b:s5+s23], $0x80, s8, s23, $0xb8;
	[tilespmem:$0x1BD00] =	vst v63  }
0x30: {  	_ =	swait.ge [sflag:s28], $0x3200  }
0x31: {  	[sflag:s28] =	ssyncset.done $0x0  }
0x32: {  	s9 =	simm.s32 $0x1040;
	[sflag:s28] =	ssyncadd.s32 $0xFFFFCE00  }
0x33: {  	[spmem:s3] =	stream.indirect.scatter.add.f32 [tilespmem:s24], [sflag:$0x3], $0x80, s9, s23, $0xb8;
	[tilespmem:$0x1BD00] =	vst v63  }
0x34: {  	_ =	swait.ge [sflag:s21], $0x3200  }
0x35: {  	[sflag:s21] =	ssyncset.done $0x0  }
0x36: {  	s10 =	simm.s32 $0xD0;
	[sflag:s21] =	ssyncadd.s32 $0xFFFFCE00  }
0x37: {  	[tilespmem:s24], [sflag:$0x1] =	stream.indirect.gather [hbm4b:s5+s23], $0x80, s10, s23, $0xb8;
	[tilespmem:$0x1BD00] =	vst v63  }
0x38: {  	_ =	swait.ge [sflag:s29], $0x3200  }
0x39: {  	[sflag:s29] =	ssyncset.done $0x0  }
0x3a: {  	s11 =	simm.s32 $0x10A8;
	[sflag:s29] =	ssyncadd.s32 $0xFFFFCE00  }
0x3b: {  	[spmem:s3] =	stream.indirect.scatter.add.f32 [tilespmem:s26], [sflag:$0x3], $0x80, s11, s23, $0xb8;
	[tilespmem:$0x1BD00] =	vst v63  }
0x3c: {  	_ =	swait.ge [sflag:s21], $0x3200  }
0x3d: {  	s7 =	simm.s32 $0xD0;
	s8 =	simm.s32 $0x680;
	[sflag:s21] =	ssyncset.done $0x0  }
.LBB2_2:
0x3e: {  	s9 =	sadd.s32 $0x68, s7  }
0x3f: {  	[sflag:s21] =	ssyncadd.s32 $0xFFFFCE00;
	s10 =	smov.u32 s8;
	s11 =	sadd.s32 $0x340, s8  }
0x40: {  	[tilespmem:s26], [sflag:$0x2] =	stream.indirect.gather [hbm4b:s5+s23], $0x80, s9, s23, $0xb8;
	[tilespmem:$0x1BD00] =	vst v63  }
0x41: {  	p1 =	sne.s32 s8, $0x3A80;
	_ =	swait.ge [sflag:s28], $0x3200  }
0x42: {  	[sflag:s28] =	ssyncset.done $0x0  }
0x43: {  	s8 =	sadd.s32 $0x1040, s7;
	[sflag:s28] =	ssyncadd.s32 $0xFFFFCE00  }
0x44: {  	[spmem:s3] =	stream.indirect.scatter.add.f32 [tilespmem:s24], [sflag:$0x3], $0x80, s8, s23, $0xb8;
	[tilespmem:$0x1BD00] =	vst v63  }
0x45: {  	_ =	swait.ge [sflag:s21], $0x3200  }
0x46: {  	[sflag:s21] =	ssyncset.done $0x0  }
0x47: {  	s8 =	sadd.s32 $0xD0, s7;
	[sflag:s21] =	ssyncadd.s32 $0xFFFFCE00  }
0x48: {  	[tilespmem:s24], [sflag:$0x1] =	stream.indirect.gather [hbm4b:s5+s23], $0x80, s8, s23, $0xb8;
	[tilespmem:$0x1BD00] =	vst v63  }
0x49: {  	_ =	swait.ge [sflag:s29], $0x3200  }
.Ltmp0:
0x4a: {  	[sflag:s29] =	ssyncset.done $0x0;
	(pc) =	sbr.rel @p1 .LBB2_2-.Ltmp0, $4  }
0x4b: {  	s7 =	sadd.s32 $0x10A8, s7;
	[sflag:s29] =	ssyncadd.s32 $0xFFFFCE00  }
0x4c: {  	[spmem:s3] =	stream.indirect.scatter.add.f32 [tilespmem:s26], [sflag:$0x3], $0x80, s7, s23, $0xb8;
	[tilespmem:$0x1BD00] =	vst v63  }
0x4d: {  	_ =	swait.ge [sflag:s21], $0x3200  }
0x4e: {  	s8 =	smov.u32 s11;
	s7 =	sshra.s32 s10, $0x2;
	[sflag:s21] =	ssyncset.done $0x0  }
0x4f: {  	s8 =	sadd.s32 $0x68, s7;
	[sflag:s21] =	ssyncadd.s32 $0xFFFFCE00  }
0x50: {  	[tilespmem:s26], [sflag:$0x2] =	stream.indirect.gather [hbm4b:s5+s23], $0x80, s8, s23, $0xb8;
	[tilespmem:$0x1BD00] =	vst v63  }
0x51: {  	_ =	swait.ge [sflag:s28], $0x3200  }
0x52: {  	[sflag:s28] =	ssyncset.done $0x0  }
0x53: {  	s10 =	sadd.s32 $0x1040, s7;
	[sflag:s28] =	ssyncadd.s32 $0xFFFFCE00  }
0x54: {  	[spmem:s3] =	stream.indirect.scatter.add.f32 [tilespmem:s24], [sflag:$0x3], $0x80, s10, s23, $0xb8;
	[tilespmem:$0x1BD00] =	vst v63  }
0x55: {  	_ =	swait.ge [sflag:s21], $0x3200  }
0x56: {  	[sflag:s21] =	ssyncset.done $0x0  }
0x57: {  	s11 =	sadd.s32 $0xD0, s7;
	[sflag:s21] =	ssyncadd.s32 $0xFFFFCE00  }
0x58: {  	[tilespmem:s24], [sflag:$0x1] =	stream.indirect.gather [hbm4b:s5+s23], $0x80, s11, s23, $0xb8;
	[tilespmem:$0x1BD00] =	vst v63  }
0x59: {  	_ =	swait.ge [sflag:s29], $0x3200  }
0x5a: {  	[sflag:s29] =	ssyncset.done $0x0  }
0x5b: {  	s8 =	sadd.s32 $0x10A8, s7;
	[sflag:s29] =	ssyncadd.s32 $0xFFFFCE00  }
0x5c: {  	[spmem:s3] =	stream.indirect.scatter.add.f32 [tilespmem:s26], [sflag:$0x3], $0x80, s8, s23, $0xb8;
	[tilespmem:$0x1BD00] =	vst v63  }
0x5d: {  	_ =	swait.ge [sflag:s21], $0x3200  }
0x5e: {  	[sflag:s21] =	ssyncset.done $0x0  }
0x5f: {  	[sflag:s21] =	ssyncadd.s32 $0xFFFFCE00  }
0x60: {  	[tilespmem:s26], [sflag:$0x2] =	stream.indirect.gather [hbm4b:s5+s23], $0x80, s30, s23, $0xb8;
	[tilespmem:$0x1BD00] =	vst v63  }
0x61: {  	_ =	swait.ge [sflag:s28], $0x3200  }
0x62: {  	[sflag:s28] =	ssyncset.done $0x0  }
0x63: {  	[sflag:s28] =	ssyncadd.s32 $0xFFFFCE00  }
0x64: {  	[spmem:s3] =	stream.indirect.scatter.add.f32 [tilespmem:s24], [sflag:$0x3], $0x80, s31, s23, $0xb8;
	[tilespmem:$0x1BD00] =	vst v63  }
0x65: {  	_ =	swait.ge [sflag:s21], $0x3200  }
0x66: {  	[sflag:s21] =	ssyncset.done $0x0  }
0x67: {  	[sflag:s21] =	ssyncadd.s32 $0xFFFFCE00  }
0x68: {  	_ =	swait.ge [sflag:s29], $0x3200  }
0x69: {  	[sflag:s29] =	ssyncset.done $0x0  }
0x6a: {  	[sflag:s29] =	ssyncadd.s32 $0xFFFFCE00  }
0x6b: {  	[spmem:s3] =	stream.indirect.scatter.add.f32 [tilespmem:s26], [sflag:$0x3], $0x80, s0, s23, $0xb8;
	[tilespmem:$0x1BD00] =	vst v63  }
0x6c: {  	_ =	swait.ge [sflag:s21], $0x3200  }
0x6d: {  	[sflag:s21] =	ssyncset.done $0x0  }
0x6e: {  	s9 =	simm.s32 $0x0;
	s10 =	rddreg [dreg:$0x7];
	[sflag:s21] =	ssyncadd.s32 $0xFFFFCE00  }
0x6f: {  	[tilespmem:s9], [sflag:$0x3] =	stream.linear.gather [hbm4b:s10+s9], $0x1040, $0x38;
	[tilespmem:$0x1BD00] =	vst v63  }
0x70: {  	_ =	swait.ge [sflag:s21], $0x1040  }
0x71: {  	[sflag:s21] =	ssyncset.done $0x0  }
0x72: {  	s11 =	rddreg [dreg:$0x8];
	[sflag:s21] =	ssyncadd.s32 $0xFFFFEFC0  }
0x73: {  	[tilespmem:s22], [sflag:$0x3] =	stream.linear.gather [hbm4b:s11+s9], $0x1040, $0x38;
	[tilespmem:$0x1BD00] =	vst v63  }
0x74: {  	_ =	swait.ge [sflag:s21], $0x1040  }
0x75: {  	[sflag:s21] =	ssyncset.done $0x0  }
0x76: {  	[sflag:s21] =	ssyncadd.s32 $0xFFFFEFC0  }
0x77: {  	[tilespmem:s24], [sflag:$0x1] =	stream.indirect.gather [hbm4b:s5+s23], $0x80, s9, s23, $0xb8;
	[tilespmem:$0x1BD00] =	vst v63  }
0x78: {  	s8 =	simm.s32 $0x68  }
0x79: {  	[tilespmem:s26], [sflag:$0x2] =	stream.indirect.gather [hbm4b:s5+s23], $0x80, s8, s23, $0xb8;
	[tilespmem:$0x1BD00] =	vst v63  }
0x7a: {  	_ =	swait.ge [sflag:s28], $0x3200  }
0x7b: {  	[sflag:s28] =	ssyncset.done $0x0  }
0x7c: {  	s9 =	simm.s32 $0x1040;
	[sflag:s28] =	ssyncadd.s32 $0xFFFFCE00  }
0x7d: {  	[spmem:s3] =	stream.indirect.scatter.add.f32 [tilespmem:s24], [sflag:$0x3], $0x80, s9, s23, $0xb8;
	[tilespmem:$0x1BD00] =	vst v63  }
0x7e: {  	_ =	swait.ge [sflag:s21], $0x3200  }
0x7f: {  	[sflag:s21] =	ssyncset.done $0x0  }
0x80: {  	s10 =	simm.s32 $0xD0;
	[sflag:s21] =	ssyncadd.s32 $0xFFFFCE00  }
0x81: {  	[tilespmem:s24], [sflag:$0x1] =	stream.indirect.gather [hbm4b:s5+s23], $0x80, s10, s23, $0xb8;
	[tilespmem:$0x1BD00] =	vst v63  }
0x82: {  	_ =	swait.ge [sflag:s29], $0x3200  }
0x83: {  	[sflag:s29] =	ssyncset.done $0x0  }
0x84: {  	s11 =	simm.s32 $0x10A8;
	[sflag:s29] =	ssyncadd.s32 $0xFFFFCE00  }
0x85: {  	[spmem:s3] =	stream.indirect.scatter.add.f32 [tilespmem:s26], [sflag:$0x3], $0x80, s11, s23, $0xb8;
	[tilespmem:$0x1BD00] =	vst v63  }
0x86: {  	_ =	swait.ge [sflag:s21], $0x3200  }
0x87: {  	s7 =	simm.s32 $0xD0;
	s8 =	simm.s32 $0x680;
	[sflag:s21] =	ssyncset.done $0x0  }
.LBB2_4:
0x88: {  	s9 =	sadd.s32 $0x68, s7  }
0x89: {  	[sflag:s21] =	ssyncadd.s32 $0xFFFFCE00;
	s10 =	smov.u32 s8;
	s11 =	sadd.s32 $0x340, s8  }
0x8a: {  	[tilespmem:s26], [sflag:$0x2] =	stream.indirect.gather [hbm4b:s5+s23], $0x80, s9, s23, $0xb8;
	[tilespmem:$0x1BD00] =	vst v63  }
0x8b: {  	p1 =	sne.s32 s8, $0x3A80;
	_ =	swait.ge [sflag:s28], $0x3200  }
0x8c: {  	[sflag:s28] =	ssyncset.done $0x0  }
0x8d: {  	s8 =	sadd.s32 $0x1040, s7;
	[sflag:s28] =	ssyncadd.s32 $0xFFFFCE00  }
0x8e: {  	[spmem:s3] =	stream.indirect.scatter.add.f32 [tilespmem:s24], [sflag:$0x3], $0x80, s8, s23, $0xb8;
	[tilespmem:$0x1BD00] =	vst v63  }
0x8f: {  	_ =	swait.ge [sflag:s21], $0x3200  }
0x90: {  	[sflag:s21] =	ssyncset.done $0x0  }
0x91: {  	s8 =	sadd.s32 $0xD0, s7;
	[sflag:s21] =	ssyncadd.s32 $0xFFFFCE00  }
0x92: {  	[tilespmem:s24], [sflag:$0x1] =	stream.indirect.gather [hbm4b:s5+s23], $0x80, s8, s23, $0xb8;
	[tilespmem:$0x1BD00] =	vst v63  }
0x93: {  	_ =	swait.ge [sflag:s29], $0x3200  }
.Ltmp1:
0x94: {  	[sflag:s29] =	ssyncset.done $0x0;
	(pc) =	sbr.rel @p1 .LBB2_4-.Ltmp1, $4  }
0x95: {  	s7 =	sadd.s32 $0x10A8, s7;
	[sflag:s29] =	ssyncadd.s32 $0xFFFFCE00  }
0x96: {  	[spmem:s3] =	stream.indirect.scatter.add.f32 [tilespmem:s26], [sflag:$0x3], $0x80, s7, s23, $0xb8;
	[tilespmem:$0x1BD00] =	vst v63  }
0x97: {  	_ =	swait.ge [sflag:s21], $0x3200  }
0x98: {  	s8 =	smov.u32 s11;
	s7 =	sshra.s32 s10, $0x2;
	[sflag:s21] =	ssyncset.done $0x0  }
0x99: {  	s8 =	sadd.s32 $0x68, s7;
	[sflag:s21] =	ssyncadd.s32 $0xFFFFCE00  }
0x9a: {  	[tilespmem:s26], [sflag:$0x2] =	stream.indirect.gather [hbm4b:s5+s23], $0x80, s8, s23, $0xb8;
	[tilespmem:$0x1BD00] =	vst v63  }
0x9b: {  	_ =	swait.ge [sflag:s28], $0x3200  }
0x9c: {  	[sflag:s28] =	ssyncset.done $0x0  }
0x9d: {  	s10 =	sadd.s32 $0x1040, s7;
	[sflag:s28] =	ssyncadd.s32 $0xFFFFCE00  }
0x9e: {  	[spmem:s3] =	stream.indirect.scatter.add.f32 [tilespmem:s24], [sflag:$0x3], $0x80, s10, s23, $0xb8;
	[tilespmem:$0x1BD00] =	vst v63  }
0x9f: {  	_ =	swait.ge [sflag:s21], $0x3200  }
0xa0: {  	[sflag:s21] =	ssyncset.done $0x0  }
0xa1: {  	s11 =	sadd.s32 $0xD0, s7;
	[sflag:s21] =	ssyncadd.s32 $0xFFFFCE00  }
0xa2: {  	[tilespmem:s24], [sflag:$0x1] =	stream.indirect.gather [hbm4b:s5+s23], $0x80, s11, s23, $0xb8;
	[tilespmem:$0x1BD00] =	vst v63  }
0xa3: {  	_ =	swait.ge [sflag:s29], $0x3200  }
0xa4: {  	[sflag:s29] =	ssyncset.done $0x0  }
0xa5: {  	s9 =	sadd.s32 $0x10A8, s7;
	[sflag:s29] =	ssyncadd.s32 $0xFFFFCE00  }
0xa6: {  	[spmem:s3] =	stream.indirect.scatter.add.f32 [tilespmem:s26], [sflag:$0x3], $0x80, s9, s23, $0xb8;
	[tilespmem:$0x1BD00] =	vst v63  }
0xa7: {  	_ =	swait.ge [sflag:s21], $0x3200  }
0xa8: {  	[sflag:s21] =	ssyncset.done $0x0  }
0xa9: {  	[sflag:s21] =	ssyncadd.s32 $0xFFFFCE00  }
0xaa: {  	[tilespmem:s26], [sflag:$0x2] =	stream.indirect.gather [hbm4b:s5+s23], $0x80, s30, s23, $0xb8;
	[tilespmem:$0x1BD00] =	vst v63  }
0xab: {  	_ =	swait.ge [sflag:s28], $0x3200  }
0xac: {  	[sflag:s28] =	ssyncset.done $0x0  }
0xad: {  	[sflag:s28] =	ssyncadd.s32 $0xFFFFCE00  }
0xae: {  	[spmem:s3] =	stream.indirect.scatter.add.f32 [tilespmem:s24], [sflag:$0x3], $0x80, s31, s23, $0xb8;
	[tilespmem:$0x1BD00] =	vst v63  }
0xaf: {  	_ =	swait.ge [sflag:s21], $0x3200  }
0xb0: {  	[sflag:s21] =	ssyncset.done $0x0  }
0xb1: {  	[sflag:s21] =	ssyncadd.s32 $0xFFFFCE00  }
0xb2: {  	_ =	swait.ge [sflag:s29], $0x3200  }
0xb3: {  	[sflag:s29] =	ssyncset.done $0x0  }
0xb4: {  	[sflag:s29] =	ssyncadd.s32 $0xFFFFCE00  }
0xb5: {  	[spmem:s3] =	stream.indirect.scatter.add.f32 [tilespmem:s26], [sflag:$0x3], $0x80, s0, s23, $0xb8;
	[tilespmem:$0x1BD00] =	vst v63  }
0xb6: {  	_ =	swait.ge [sflag:s21], $0x3200  }
0xb7: {  	[sflag:s21] =	ssyncset.done $0x0  }
0xb8: {  	s10 =	simm.s32 $0x0;
	s11 =	rddreg [dreg:$0x9];
	[sflag:s21] =	ssyncadd.s32 $0xFFFFCE00  }
0xb9: {  	[tilespmem:s10], [sflag:$0x3] =	stream.linear.gather [hbm4b:s11+s10], $0x1040, $0x38;
	[tilespmem:$0x1BD00] =	vst v63  }
0xba: {  	_ =	swait.ge [sflag:s21], $0x1040  }
0xbb: {  	[sflag:s21] =	ssyncset.done $0x0  }
0xbc: {  	[sflag:s21] =	ssyncadd.s32 $0xFFFFEFC0  }
0xbd: {  	[tilespmem:s22], [sflag:$0x3] =	stream.linear.gather [hbm4b:s12+s10], $0x1040, $0x38;
	[tilespmem:$0x1BD00] =	vst v63  }
0xbe: {  	_ =	swait.ge [sflag:s21], $0x1040  }
0xbf: {  	[sflag:s21] =	ssyncset.done $0x0  }
0xc0: {  	[sflag:s21] =	ssyncadd.s32 $0xFFFFEFC0  }
0xc1: {  	[tilespmem:s24], [sflag:$0x1] =	stream.indirect.gather [hbm4b:s5+s23], $0x80, s10, s23, $0xb8;
	[tilespmem:$0x1BD00] =	vst v63  }
0xc2: {  	s8 =	simm.s32 $0x68  }
0xc3: {  	[tilespmem:s26], [sflag:$0x2] =	stream.indirect.gather [hbm4b:s5+s23], $0x80, s8, s23, $0xb8;
	[tilespmem:$0x1BD00] =	vst v63  }
0xc4: {  	_ =	swait.ge [sflag:s28], $0x3200  }
0xc5: {  	[sflag:s28] =	ssyncset.done $0x0  }
0xc6: {  	s9 =	simm.s32 $0x1040;
	[sflag:s28] =	ssyncadd.s32 $0xFFFFCE00  }
0xc7: {  	[spmem:s3] =	stream.indirect.scatter.add.f32 [tilespmem:s24], [sflag:$0x3], $0x80, s9, s23, $0xb8;
	[tilespmem:$0x1BD00] =	vst v63  }
0xc8: {  	_ =	swait.ge [sflag:s21], $0x3200  }
0xc9: {  	[sflag:s21] =	ssyncset.done $0x0  }
0xca: {  	s10 =	simm.s32 $0xD0;
	[sflag:s21] =	ssyncadd.s32 $0xFFFFCE00  }
0xcb: {  	[tilespmem:s24], [sflag:$0x1] =	stream.indirect.gather [hbm4b:s5+s23], $0x80, s10, s23, $0xb8;
	[tilespmem:$0x1BD00] =	vst v63  }
0xcc: {  	_ =	swait.ge [sflag:s29], $0x3200  }
0xcd: {  	[sflag:s29] =	ssyncset.done $0x0  }
0xce: {  	s11 =	simm.s32 $0x10A8;
	[sflag:s29] =	ssyncadd.s32 $0xFFFFCE00  }
0xcf: {  	[spmem:s3] =	stream.indirect.scatter.add.f32 [tilespmem:s26], [sflag:$0x3], $0x80, s11, s23, $0xb8;
	[tilespmem:$0x1BD00] =	vst v63  }
0xd0: {  	_ =	swait.ge [sflag:s21], $0x3200  }
0xd1: {  	s7 =	simm.s32 $0xD0;
	s8 =	simm.s32 $0x680;
	[sflag:s21] =	ssyncset.done $0x0  }
.LBB2_6:
0xd2: {  	s9 =	sadd.s32 $0x68, s7  }
0xd3: {  	[sflag:s21] =	ssyncadd.s32 $0xFFFFCE00;
	s10 =	smov.u32 s8;
	s11 =	sadd.s32 $0x340, s8  }
0xd4: {  	[tilespmem:s26], [sflag:$0x2] =	stream.indirect.gather [hbm4b:s5+s23], $0x80, s9, s23, $0xb8;
	[tilespmem:$0x1BD00] =	vst v63  }
0xd5: {  	p1 =	sne.s32 s8, $0x3A80;
	_ =	swait.ge [sflag:s28], $0x3200  }
0xd6: {  	[sflag:s28] =	ssyncset.done $0x0  }
0xd7: {  	s8 =	sadd.s32 $0x1040, s7;
	[sflag:s28] =	ssyncadd.s32 $0xFFFFCE00  }
0xd8: {  	[spmem:s3] =	stream.indirect.scatter.add.f32 [tilespmem:s24], [sflag:$0x3], $0x80, s8, s23, $0xb8;
	[tilespmem:$0x1BD00] =	vst v63  }
0xd9: {  	_ =	swait.ge [sflag:s21], $0x3200  }
0xda: {  	[sflag:s21] =	ssyncset.done $0x0  }
0xdb: {  	s8 =	sadd.s32 $0xD0, s7;
	[sflag:s21] =	ssyncadd.s32 $0xFFFFCE00  }
0xdc: {  	[tilespmem:s24], [sflag:$0x1] =	stream.indirect.gather [hbm4b:s5+s23], $0x80, s8, s23, $0xb8;
	[tilespmem:$0x1BD00] =	vst v63  }
0xdd: {  	_ =	swait.ge [sflag:s29], $0x3200  }
.Ltmp2:
0xde: {  	[sflag:s29] =	ssyncset.done $0x0;
	(pc) =	sbr.rel @p1 .LBB2_6-.Ltmp2, $4  }
0xdf: {  	s7 =	sadd.s32 $0x10A8, s7;
	[sflag:s29] =	ssyncadd.s32 $0xFFFFCE00  }
0xe0: {  	[spmem:s3] =	stream.indirect.scatter.add.f32 [tilespmem:s26], [sflag:$0x3], $0x80, s7, s23, $0xb8;
	[tilespmem:$0x1BD00] =	vst v63  }
0xe1: {  	_ =	swait.ge [sflag:s21], $0x3200  }
0xe2: {  	s8 =	smov.u32 s11;
	s7 =	sshra.s32 s10, $0x2;
	[sflag:s21] =	ssyncset.done $0x0  }
0xe3: {  	s8 =	sadd.s32 $0x68, s7;
	[sflag:s21] =	ssyncadd.s32 $0xFFFFCE00  }
0xe4: {  	[tilespmem:s26], [sflag:$0x2] =	stream.indirect.gather [hbm4b:s5+s23], $0x80, s8, s23, $0xb8;
	[tilespmem:$0x1BD00] =	vst v63  }
0xe5: {  	_ =	swait.ge [sflag:s28], $0x3200  }
0xe6: {  	[sflag:s28] =	ssyncset.done $0x0  }
0xe7: {  	s11 =	sadd.s32 $0x1040, s7;
	[sflag:s28] =	ssyncadd.s32 $0xFFFFCE00  }
0xe8: {  	[spmem:s3] =	stream.indirect.scatter.add.f32 [tilespmem:s24], [sflag:$0x3], $0x80, s11, s23, $0xb8;
	[tilespmem:$0x1BD00] =	vst v63  }
0xe9: {  	_ =	swait.ge [sflag:s21], $0x3200  }
0xea: {  	[sflag:s21] =	ssyncset.done $0x0  }
0xeb: {  	s9 =	sadd.s32 $0xD0, s7;
	[sflag:s21] =	ssyncadd.s32 $0xFFFFCE00  }
0xec: {  	[tilespmem:s24], [sflag:$0x1] =	stream.indirect.gather [hbm4b:s5+s23], $0x80, s9, s23, $0xb8;
	[tilespmem:$0x1BD00] =	vst v63  }
0xed: {  	_ =	swait.ge [sflag:s29], $0x3200  }
0xee: {  	[sflag:s29] =	ssyncset.done $0x0  }
0xef: {  	s10 =	sadd.s32 $0x10A8, s7;
	[sflag:s29] =	ssyncadd.s32 $0xFFFFCE00  }
0xf0: {  	[spmem:s3] =	stream.indirect.scatter.add.f32 [tilespmem:s26], [sflag:$0x3], $0x80, s10, s23, $0xb8;
	[tilespmem:$0x1BD00] =	vst v63  }
0xf1: {  	_ =	swait.ge [sflag:s21], $0x3200  }
0xf2: {  	[sflag:s21] =	ssyncset.done $0x0  }
0xf3: {  	[sflag:s21] =	ssyncadd.s32 $0xFFFFCE00  }
0xf4: {  	[tilespmem:s26], [sflag:$0x2] =	stream.indirect.gather [hbm4b:s5+s23], $0x80, s30, s23, $0xb8;
	[tilespmem:$0x1BD00] =	vst v63  }
0xf5: {  	_ =	swait.ge [sflag:s28], $0x3200  }
0xf6: {  	[sflag:s28] =	ssyncset.done $0x0  }
0xf7: {  	[sflag:s28] =	ssyncadd.s32 $0xFFFFCE00  }
0xf8: {  	[spmem:s3] =	stream.indirect.scatter.add.f32 [tilespmem:s24], [sflag:$0x3], $0x80, s31, s23, $0xb8;
	[tilespmem:$0x1BD00] =	vst v63  }
0xf9: {  	_ =	swait.ge [sflag:s21], $0x3200  }
0xfa: {  	[sflag:s21] =	ssyncset.done $0x0  }
0xfb: {  	[sflag:s21] =	ssyncadd.s32 $0xFFFFCE00  }
0xfc: {  	_ =	swait.ge [sflag:s29], $0x3200  }
0xfd: {  	[sflag:s29] =	ssyncset.done $0x0  }
0xfe: {  	[sflag:s29] =	ssyncadd.s32 $0xFFFFCE00  }
0xff: {  	[spmem:s3] =	stream.indirect.scatter.add.f32 [tilespmem:s26], [sflag:$0x3], $0x80, s0, s23, $0xb8;
	[tilespmem:$0x1BD00] =	vst v63  }
0x100: {  	_ =	swait.ge [sflag:s21], $0x3200  }
0x101: {  	[sflag:s21] =	ssyncset.done $0x0  }
0x102: {  	s11 =	simm.s32 $0x0;
	[sflag:s21] =	ssyncadd.s32 $0xFFFFCE00  }
0x103: {  	[tilespmem:s11], [sflag:$0x3] =	stream.linear.gather [hbm4b:s13+s11], $0x1040, $0x38;
	[tilespmem:$0x1BD00] =	vst v63  }
0x104: {  	_ =	swait.ge [sflag:s21], $0x1040  }
0x105: {  	[sflag:s21] =	ssyncset.done $0x0  }
0x106: {  	[sflag:s21] =	ssyncadd.s32 $0xFFFFEFC0  }
0x107: {  	[tilespmem:s22], [sflag:$0x3] =	stream.linear.gather [hbm4b:s14+s11], $0x1040, $0x38;
	[tilespmem:$0x1BD00] =	vst v63  }
0x108: {  	_ =	swait.ge [sflag:s21], $0x1040  }
0x109: {  	[sflag:s21] =	ssyncset.done $0x0  }
0x10a: {  	[sflag:s21] =	ssyncadd.s32 $0xFFFFEFC0  }
0x10b: {  	[tilespmem:s24], [sflag:$0x1] =	stream.indirect.gather [hbm4b:s5+s23], $0x80, s11, s23, $0xb8;
	[tilespmem:$0x1BD00] =	vst v63  }
0x10c: {  	s8 =	simm.s32 $0x68  }
0x10d: {  	[tilespmem:s26], [sflag:$0x2] =	stream.indirect.gather [hbm4b:s5+s23], $0x80, s8, s23, $0xb8;
	[tilespmem:$0x1BD00] =	vst v63  }
0x10e: {  	_ =	swait.ge [sflag:s28], $0x3200  }
0x10f: {  	[sflag:s28] =	ssyncset.done $0x0  }
0x110: {  	s9 =	simm.s32 $0x1040;
	[sflag:s28] =	ssyncadd.s32 $0xFFFFCE00  }
0x111: {  	[spmem:s3] =	stream.indirect.scatter.add.f32 [tilespmem:s24], [sflag:$0x3], $0x80, s9, s23, $0xb8;
	[tilespmem:$0x1BD00] =	vst v63  }
0x112: {  	_ =	swait.ge [sflag:s21], $0x3200  }
0x113: {  	[sflag:s21] =	ssyncset.done $0x0  }
0x114: {  	s10 =	simm.s32 $0xD0;
	[sflag:s21] =	ssyncadd.s32 $0xFFFFCE00  }
0x115: {  	[tilespmem:s24], [sflag:$0x1] =	stream.indirect.gather [hbm4b:s5+s23], $0x80, s10, s23, $0xb8;
	[tilespmem:$0x1BD00] =	vst v63  }
0x116: {  	_ =	swait.ge [sflag:s29], $0x3200  }
0x117: {  	[sflag:s29] =	ssyncset.done $0x0  }
0x118: {  	s11 =	simm.s32 $0x10A8;
	[sflag:s29] =	ssyncadd.s32 $0xFFFFCE00  }
0x119: {  	[spmem:s3] =	stream.indirect.scatter.add.f32 [tilespmem:s26], [sflag:$0x3], $0x80, s11, s23, $0xb8;
	[tilespmem:$0x1BD00] =	vst v63  }
0x11a: {  	_ =	swait.ge [sflag:s21], $0x3200  }
0x11b: {  	s7 =	simm.s32 $0xD0;
	s8 =	simm.s32 $0x680;
	[sflag:s21] =	ssyncset.done $0x0  }
.LBB2_8:
0x11c: {  	s9 =	sadd.s32 $0x68, s7  }
0x11d: {  	[sflag:s21] =	ssyncadd.s32 $0xFFFFCE00;
	s10 =	smov.u32 s8;
	s11 =	sadd.s32 $0x340, s8  }
0x11e: {  	[tilespmem:s26], [sflag:$0x2] =	stream.indirect.gather [hbm4b:s5+s23], $0x80, s9, s23, $0xb8;
	[tilespmem:$0x1BD00] =	vst v63  }
0x11f: {  	p1 =	sne.s32 s8, $0x3A80;
	_ =	swait.ge [sflag:s28], $0x3200  }
0x120: {  	[sflag:s28] =	ssyncset.done $0x0  }
0x121: {  	s8 =	sadd.s32 $0x1040, s7;
	[sflag:s28] =	ssyncadd.s32 $0xFFFFCE00  }
0x122: {  	[spmem:s3] =	stream.indirect.scatter.add.f32 [tilespmem:s24], [sflag:$0x3], $0x80, s8, s23, $0xb8;
	[tilespmem:$0x1BD00] =	vst v63  }
0x123: {  	_ =	swait.ge [sflag:s21], $0x3200  }
0x124: {  	[sflag:s21] =	ssyncset.done $0x0  }
0x125: {  	s8 =	sadd.s32 $0xD0, s7;
	[sflag:s21] =	ssyncadd.s32 $0xFFFFCE00  }
0x126: {  	[tilespmem:s24], [sflag:$0x1] =	stream.indirect.gather [hbm4b:s5+s23], $0x80, s8, s23, $0xb8;
	[tilespmem:$0x1BD00] =	vst v63  }
0x127: {  	_ =	swait.ge [sflag:s29], $0x3200  }
.Ltmp3:
0x128: {  	[sflag:s29] =	ssyncset.done $0x0;
	(pc) =	sbr.rel @p1 .LBB2_8-.Ltmp3, $4  }
0x129: {  	s7 =	sadd.s32 $0x10A8, s7;
	[sflag:s29] =	ssyncadd.s32 $0xFFFFCE00  }
0x12a: {  	[spmem:s3] =	stream.indirect.scatter.add.f32 [tilespmem:s26], [sflag:$0x3], $0x80, s7, s23, $0xb8;
	[tilespmem:$0x1BD00] =	vst v63  }
0x12b: {  	_ =	swait.ge [sflag:s21], $0x3200  }
0x12c: {  	s8 =	smov.u32 s11;
	s7 =	sshra.s32 s10, $0x2;
	[sflag:s21] =	ssyncset.done $0x0  }
0x12d: {  	s8 =	sadd.s32 $0x68, s7;
	[sflag:s21] =	ssyncadd.s32 $0xFFFFCE00  }
0x12e: {  	[tilespmem:s26], [sflag:$0x2] =	stream.indirect.gather [hbm4b:s5+s23], $0x80, s8, s23, $0xb8;
	[tilespmem:$0x1BD00] =	vst v63  }
0x12f: {  	_ =	swait.ge [sflag:s28], $0x3200  }
0x130: {  	[sflag:s28] =	ssyncset.done $0x0  }
0x131: {  	s11 =	sadd.s32 $0x1040, s7;
	[sflag:s28] =	ssyncadd.s32 $0xFFFFCE00  }
0x132: {  	[spmem:s3] =	stream.indirect.scatter.add.f32 [tilespmem:s24], [sflag:$0x3], $0x80, s11, s23, $0xb8;
	[tilespmem:$0x1BD00] =	vst v63  }
0x133: {  	_ =	swait.ge [sflag:s21], $0x3200  }
0x134: {  	[sflag:s21] =	ssyncset.done $0x0  }
0x135: {  	s9 =	sadd.s32 $0xD0, s7;
	[sflag:s21] =	ssyncadd.s32 $0xFFFFCE00  }
0x136: {  	[tilespmem:s24], [sflag:$0x1] =	stream.indirect.gather [hbm4b:s5+s23], $0x80, s9, s23, $0xb8;
	[tilespmem:$0x1BD00] =	vst v63  }
0x137: {  	_ =	swait.ge [sflag:s29], $0x3200  }
0x138: {  	[sflag:s29] =	ssyncset.done $0x0  }
0x139: {  	s10 =	sadd.s32 $0x10A8, s7;
	[sflag:s29] =	ssyncadd.s32 $0xFFFFCE00  }
0x13a: {  	[spmem:s3] =	stream.indirect.scatter.add.f32 [tilespmem:s26], [sflag:$0x3], $0x80, s10, s23, $0xb8;
	[tilespmem:$0x1BD00] =	vst v63  }
0x13b: {  	_ =	swait.ge [sflag:s21], $0x3200  }
0x13c: {  	[sflag:s21] =	ssyncset.done $0x0  }
0x13d: {  	[sflag:s21] =	ssyncadd.s32 $0xFFFFCE00  }
0x13e: {  	[tilespmem:s26], [sflag:$0x2] =	stream.indirect.gather [hbm4b:s5+s23], $0x80, s30, s23, $0xb8;
	[tilespmem:$0x1BD00] =	vst v63  }
0x13f: {  	_ =	swait.ge [sflag:s28], $0x3200  }
0x140: {  	[sflag:s28] =	ssyncset.done $0x0  }
0x141: {  	[sflag:s28] =	ssyncadd.s32 $0xFFFFCE00  }
0x142: {  	[spmem:s3] =	stream.indirect.scatter.add.f32 [tilespmem:s24], [sflag:$0x3], $0x80, s31, s23, $0xb8;
	[tilespmem:$0x1BD00] =	vst v63  }
0x143: {  	_ =	swait.ge [sflag:s21], $0x3200  }
0x144: {  	[sflag:s21] =	ssyncset.done $0x0  }
0x145: {  	[sflag:s21] =	ssyncadd.s32 $0xFFFFCE00  }
0x146: {  	_ =	swait.ge [sflag:s29], $0x3200  }
0x147: {  	[sflag:s29] =	ssyncset.done $0x0  }
0x148: {  	[sflag:s29] =	ssyncadd.s32 $0xFFFFCE00  }
0x149: {  	[spmem:s3] =	stream.indirect.scatter.add.f32 [tilespmem:s26], [sflag:$0x3], $0x80, s0, s23, $0xb8;
	[tilespmem:$0x1BD00] =	vst v63  }
0x14a: {  	_ =	swait.ge [sflag:s21], $0x3200  }
0x14b: {  	[sflag:s21] =	ssyncset.done $0x0  }
0x14c: {  	s11 =	simm.s32 $0x0;
	[sflag:s21] =	ssyncadd.s32 $0xFFFFCE00  }
0x14d: {  	[tilespmem:s11], [sflag:$0x3] =	stream.linear.gather [hbm4b:s15+s11], $0x1040, $0x38;
	[tilespmem:$0x1BD00] =	vst v63  }
0x14e: {  	_ =	swait.ge [sflag:s21], $0x1040  }
0x14f: {  	[sflag:s21] =	ssyncset.done $0x0  }
0x150: {  	[sflag:s21] =	ssyncadd.s32 $0xFFFFEFC0  }
0x151: {  	[tilespmem:s22], [sflag:$0x3] =	stream.linear.gather [hbm4b:s16+s11], $0x1040, $0x38;
	[tilespmem:$0x1BD00] =	vst v63  }
0x152: {  	_ =	swait.ge [sflag:s21], $0x1040  }
0x153: {  	[sflag:s21] =	ssyncset.done $0x0  }
0x154: {  	[sflag:s21] =	ssyncadd.s32 $0xFFFFEFC0  }
0x155: {  	[tilespmem:s24], [sflag:$0x1] =	stream.indirect.gather [hbm4b:s5+s23], $0x80, s11, s23, $0xb8;
	[tilespmem:$0x1BD00] =	vst v63  }
0x156: {  	s8 =	simm.s32 $0x68  }
0x157: {  	[tilespmem:s26], [sflag:$0x2] =	stream.indirect.gather [hbm4b:s5+s23], $0x80, s8, s23, $0xb8;
	[tilespmem:$0x1BD00] =	vst v63  }
0x158: {  	_ =	swait.ge [sflag:s28], $0x3200  }
0x159: {  	[sflag:s28] =	ssyncset.done $0x0  }
0x15a: {  	s9 =	simm.s32 $0x1040;
	[sflag:s28] =	ssyncadd.s32 $0xFFFFCE00  }
0x15b: {  	[spmem:s3] =	stream.indirect.scatter.add.f32 [tilespmem:s24], [sflag:$0x3], $0x80, s9, s23, $0xb8;
	[tilespmem:$0x1BD00] =	vst v63  }
0x15c: {  	_ =	swait.ge [sflag:s21], $0x3200  }
0x15d: {  	[sflag:s21] =	ssyncset.done $0x0  }
0x15e: {  	s10 =	simm.s32 $0xD0;
	[sflag:s21] =	ssyncadd.s32 $0xFFFFCE00  }
0x15f: {  	[tilespmem:s24], [sflag:$0x1] =	stream.indirect.gather [hbm4b:s5+s23], $0x80, s10, s23, $0xb8;
	[tilespmem:$0x1BD00] =	vst v63  }
0x160: {  	_ =	swait.ge [sflag:s29], $0x3200  }
0x161: {  	[sflag:s29] =	ssyncset.done $0x0  }
0x162: {  	s11 =	simm.s32 $0x10A8;
	[sflag:s29] =	ssyncadd.s32 $0xFFFFCE00  }
0x163: {  	[spmem:s3] =	stream.indirect.scatter.add.f32 [tilespmem:s26], [sflag:$0x3], $0x80, s11, s23, $0xb8;
	[tilespmem:$0x1BD00] =	vst v63  }
0x164: {  	_ =	swait.ge [sflag:s21], $0x3200  }
0x165: {  	s7 =	simm.s32 $0xD0;
	s8 =	simm.s32 $0x680;
	[sflag:s21] =	ssyncset.done $0x0  }
.LBB2_10:
0x166: {  	s9 =	sadd.s32 $0x68, s7  }
0x167: {  	[sflag:s21] =	ssyncadd.s32 $0xFFFFCE00;
	s10 =	smov.u32 s8;
	s11 =	sadd.s32 $0x340, s8  }
0x168: {  	[tilespmem:s26], [sflag:$0x2] =	stream.indirect.gather [hbm4b:s5+s23], $0x80, s9, s23, $0xb8;
	[tilespmem:$0x1BD00] =	vst v63  }
0x169: {  	p1 =	sne.s32 s8, $0x3A80;
	_ =	swait.ge [sflag:s28], $0x3200  }
0x16a: {  	[sflag:s28] =	ssyncset.done $0x0  }
0x16b: {  	s8 =	sadd.s32 $0x1040, s7;
	[sflag:s28] =	ssyncadd.s32 $0xFFFFCE00  }
0x16c: {  	[spmem:s3] =	stream.indirect.scatter.add.f32 [tilespmem:s24], [sflag:$0x3], $0x80, s8, s23, $0xb8;
	[tilespmem:$0x1BD00] =	vst v63  }
0x16d: {  	_ =	swait.ge [sflag:s21], $0x3200  }
0x16e: {  	[sflag:s21] =	ssyncset.done $0x0  }
0x16f: {  	s8 =	sadd.s32 $0xD0, s7;
	[sflag:s21] =	ssyncadd.s32 $0xFFFFCE00  }
0x170: {  	[tilespmem:s24], [sflag:$0x1] =	stream.indirect.gather [hbm4b:s5+s23], $0x80, s8, s23, $0xb8;
	[tilespmem:$0x1BD00] =	vst v63  }
0x171: {  	_ =	swait.ge [sflag:s29], $0x3200  }
.Ltmp4:
0x172: {  	[sflag:s29] =	ssyncset.done $0x0;
	(pc) =	sbr.rel @p1 .LBB2_10-.Ltmp4, $4  }
0x173: {  	s7 =	sadd.s32 $0x10A8, s7;
	[sflag:s29] =	ssyncadd.s32 $0xFFFFCE00  }
0x174: {  	[spmem:s3] =	stream.indirect.scatter.add.f32 [tilespmem:s26], [sflag:$0x3], $0x80, s7, s23, $0xb8;
	[tilespmem:$0x1BD00] =	vst v63  }
0x175: {  	_ =	swait.ge [sflag:s21], $0x3200  }
0x176: {  	s8 =	smov.u32 s11;
	s7 =	sshra.s32 s10, $0x2;
	[sflag:s21] =	ssyncset.done $0x0  }
0x177: {  	s8 =	sadd.s32 $0x68, s7;
	[sflag:s21] =	ssyncadd.s32 $0xFFFFCE00  }
0x178: {  	[tilespmem:s26], [sflag:$0x2] =	stream.indirect.gather [hbm4b:s5+s23], $0x80, s8, s23, $0xb8;
	[tilespmem:$0x1BD00] =	vst v63  }
0x179: {  	_ =	swait.ge [sflag:s28], $0x3200  }
0x17a: {  	[sflag:s28] =	ssyncset.done $0x0  }
0x17b: {  	s9 =	sadd.s32 $0x1040, s7;
	[sflag:s28] =	ssyncadd.s32 $0xFFFFCE00  }
0x17c: {  	[spmem:s3] =	stream.indirect.scatter.add.f32 [tilespmem:s24], [sflag:$0x3], $0x80, s9, s23, $0xb8;
	[tilespmem:$0x1BD00] =	vst v63  }
0x17d: {  	_ =	swait.ge [sflag:s21], $0x3200  }
0x17e: {  	[sflag:s21] =	ssyncset.done $0x0  }
0x17f: {  	s10 =	sadd.s32 $0xD0, s7;
	[sflag:s21] =	ssyncadd.s32 $0xFFFFCE00  }
0x180: {  	[tilespmem:s24], [sflag:$0x1] =	stream.indirect.gather [hbm4b:s5+s23], $0x80, s10, s23, $0xb8;
	[tilespmem:$0x1BD00] =	vst v63  }
0x181: {  	_ =	swait.ge [sflag:s29], $0x3200  }
0x182: {  	[sflag:s29] =	ssyncset.done $0x0  }
0x183: {  	s11 =	sadd.s32 $0x10A8, s7;
	[sflag:s29] =	ssyncadd.s32 $0xFFFFCE00  }
0x184: {  	[spmem:s3] =	stream.indirect.scatter.add.f32 [tilespmem:s26], [sflag:$0x3], $0x80, s11, s23, $0xb8;
	[tilespmem:$0x1BD00] =	vst v63  }
0x185: {  	_ =	swait.ge [sflag:s21], $0x3200  }
0x186: {  	[sflag:s21] =	ssyncset.done $0x0  }
0x187: {  	[sflag:s21] =	ssyncadd.s32 $0xFFFFCE00  }
0x188: {  	[tilespmem:s26], [sflag:$0x2] =	stream.indirect.gather [hbm4b:s5+s23], $0x80, s30, s23, $0xb8;
	[tilespmem:$0x1BD00] =	vst v63  }
0x189: {  	_ =	swait.ge [sflag:s28], $0x3200  }
0x18a: {  	[sflag:s28] =	ssyncset.done $0x0  }
0x18b: {  	[sflag:s28] =	ssyncadd.s32 $0xFFFFCE00  }
0x18c: {  	[spmem:s3] =	stream.indirect.scatter.add.f32 [tilespmem:s24], [sflag:$0x3], $0x80, s31, s23, $0xb8;
	[tilespmem:$0x1BD00] =	vst v63  }
0x18d: {  	_ =	swait.ge [sflag:s21], $0x3200  }
0x18e: {  	[sflag:s21] =	ssyncset.done $0x0  }
0x18f: {  	[sflag:s21] =	ssyncadd.s32 $0xFFFFCE00  }
0x190: {  	_ =	swait.ge [sflag:s29], $0x3200  }
0x191: {  	[sflag:s29] =	ssyncset.done $0x0  }
0x192: {  	[sflag:s29] =	ssyncadd.s32 $0xFFFFCE00  }
0x193: {  	[spmem:s3] =	stream.indirect.scatter.add.f32 [tilespmem:s26], [sflag:$0x3], $0x80, s0, s23, $0xb8;
	[tilespmem:$0x1BD00] =	vst v63  }
0x194: {  	_ =	swait.ge [sflag:s21], $0x3200  }
0x195: {  	[sflag:s21] =	ssyncset.done $0x0  }
0x196: {  	[sflag:s21] =	ssyncadd.s32 $0xFFFFCE00  }
0x197: {  	s7 =	simm.s32 @p0 $0x1FC3;
	[bflag:$0x0] =	sbarrier.arrive $0xFFFF  }
0x198: {  	[hbm:s18], [sflag:s7] =	dma.local @p0 [spmem:s1], $0x2800  }
0x199: {  	s1 =	simm.s32 @p0 $0x3  }
0x19a: {  	s2 =	sadd.s32 $0x1, s2;
	_ =	swait.ge @p0 [sflag:s1], $0x2800  }
0x19b: {  	p1 =	sne.s32 s2, s19;
	[sflag:s1] =	ssyncset.done @p0 $0x0  }
.Ltmp5:
0x19c: {  	[sflag:s1] =	ssyncadd.s32 @p0 $0xFFFFD800;
	s1 =	simm.s32 @!p0 $0x3;
	(pc) =	sbr.rel @p1 .LBB2_1-.Ltmp5, $4  }
0x19d: {  	[hbm:s17], [sflag:s6] =	dma.local @!p0 [spmem:s25], $0x2700  }
0x19e: {  	_ =	swait.ge @!p0 [sflag:s1], $0x2700  }
0x19f: {  	[sflag:s1] =	ssyncset.done @!p0 $0x0  }
0x1a0: {  	[sflag:s1] =	ssyncadd.s32 @!p0 $0xFFFFD900  }
0x1a1: {  	_ =	sfence.sel $0x180000  }
0x1a2: {  	[bflag:$0x0] =	sbarrier.arrive $0xFFFF  }
0x1a3: {  	_ =	strace $0x9000004A  }
0x1a4: {  	s0 =	stileid.u32;
	[bflag:$0x2] =	sbarrier.arrive $0xFFFF  }
0x1a5: {  	p0 =	sne.s32 s0, $0x0;
	s0 =	rddreg [dreg:$0x3]  }
0x1a6: {  	s0 =	sadd.s32 @!p0 $0x100000, s0  }
0x1a7: {  	[sflag:s0] =	ssyncadd.tile.s32 @!p0 $0x1;
	_ =	shalt  }
.Lfunc_end2:
_tile_overlayer_lowered:
.L_overlay_start_2:
0x1a8: {  	(tag) =	ssettag $0x2  }
0x1a9: {  	s0 =	rddreg [dreg:$0x0];
	s2 =	stileid.u32  }
0x1aa: {  	s1 =	rddreg [dreg:$0x1];
	p0 =	sne.s32 s2, $0x0  }
0x1ab: {  	s3 =	rddreg [dreg:$0x2];
	[bflag:$0x3] =	sbarrier.arrive $0xFFFF;
	s2 =	simm.s32 @!p0 $0x1C03  }
0x1ac: {  	[timem:s3], [sflag:s2] =	dma.local @!p0 [hbm:s0], s1  }
0x1ad: {  	s0 =	simm.s32 @!p0 $0x3  }
0x1ae: {  	_ =	swait.ge @!p0 [sflag:s0], s1  }
0x1af: {  	s1 =	ssub.s32 @!p0 $0x0, s1;
	[sflag:s0] =	ssyncset.done @!p0 $0x0  }
0x1b0: {  	[sflag:s0] =	ssyncadd.s32 @!p0 s1  }
0x1b1: {  	[bflag:$0x3] =	sbarrier.arrive $0xFFFF  }
0x1b2: {  	_ =	shalt  }

// kernel: kernel.15.cloned.1.call-start
scs
__scs_entry_jumppad:
0x0: {  	(pc) =	sbr.rel $0x88, $3  }
0x1: {  	(tag) =	ssettag $0x0;
	lr =	simm.s32 $0x1  }
0x2: {  	[smem:$0x3F8C] =	sst lr;
	_ =	strace $0xD0000000  }
0x3: {  	_ = 	snop  }
0x4: {  	_ = 	snop  }
0x5: {  	_ = 	snop  }
0x6: {  	_ = 	snop  }
0x7: {  	_ = 	snop  }
__scs_overlays_trampoline_lowered:
0x8: {  	[smem:$0x3F9B] =	sst s0  }
0x9: {  	[smem:$0x3F9C] =	sst s1  }
0xa: {  	[smem:$0x3F9D] =	sst s2  }
0xb: {  	[smem:$0x3F9E] =	sst s3  }
0xc: {  	[smem:$0x3F9F] =	sst s4  }
0xd: {  	[smem:$0x3FA0] =	sst s5  }
0xe: {  	[smem:$0x3FA1] =	sst s6  }
0xf: {  	[smem:$0x3FA2] =	sst s7  }
0x10: {  	[smem:$0x3FA3] =	sst s8  }
0x11: {  	[smem:$0x3FA4] =	sst s9;
	s0 =	simm.s32 @!p0 $0x0  }
0x12: {  	s1 =	sld [smem:$0x3F8A];
	s0 =	simm.s32 @p0 $0x1  }
0x13: {  	[smem:$0x3FA5] =	sst s0;
	s0 =	simm.s32 @!p1 $0x0  }
0x14: {  	s2 =	sld [smem:$0x3F89];
	s0 =	simm.s32 @p1 $0x1  }
0x15: {  	[smem:$0x3FA6] =	sst s0;
	s0 =	simm.s32 @!p2 $0x0  }
0x16: {  	s3 =	sld [smem:$0x3FDB];
	s0 =	simm.s32 @p2 $0x1  }
0x17: {  	s4 =	simm.s32 $0x1BF5;
	[smem:$0x3FA8] =	sst s0  }
0x18: {  	s0 =	sld [smem:$0x3F8B];
	_ =	swait.ge [sflag:s4], $0x0  }
0x19: {  	s7 =	sld [smem:$0x3F8C]  }
0x1a: {  	s8 =	sadd.s32 $0xFFFFE003, lr  }
0x1b: {  	s9 =	sadd.s32 $0xFFFFFEF7, lr;
	s5 =	simm.s32 $0xFFFFFFFF;
	p2 =	slt.u32 s8, $0xFFFFF086  }
0x1c: {  	p1 =	slt.u32 s9, $0xF7A;
	s5 =	simm.s32 @!p2 $0x0  }
0x1d: {  	s5 =	simm.s32 @p1 $0x1;
	p0 =	seq.s32 s7, s2  }
0x1e: {  	s7 =	smul.u32 @!p0 $0xF7A, s2;
	p2 =	seq.s32 @!p0 s5, $0x0  }
0x1f: {  	s9 =	smul.u32 $0xF7A, s1;
	s8 =	simm.s32 @!p0 $0x1BF5;
	p2 =	por !p2, p0  }
0x20: {  	[sflag:s8] =	ssyncset.s32 @!p0 $0xFFFFF086;
	s6 =	sadd.s32 @!p0 s3, s7;
	s7 =	simm.s32 @!p0 $0x108  }
0x21: {  	s3 =	sadd.s32 s3, s9;
	s6 =	sadd.s32 @!p0 $0x88, s6;
	s7 =	simm.s32 @p2 $0x1082  }
0x22: {  	[simem:s7], [sflag:s8] =	dma.local @!p0 [hbm:s6], $0xF7A  }
0x23: {  	s9 =	sor.u32 $0xD0000000, s2;
	s6 =	simm.s32 $0x108;
	_ =	swait.ge @!p0 [sflag:s8], $0x0  }
0x24: {  	s3 =	sadd.s32 $0x88, s3;
	s6 =	simm.s32 @!p1 $0x1082;
	[sflag:s4] =	ssyncset.s32 $0xFFFFF086  }
0x25: {  	[simem:s6], [sflag:s4] =	dma.local [hbm:s3], $0xF7A  }
0x26: {  	[smem:$0x3F8C] =	sst s1;
	(tag) =	ssettag s2;
	_ =	strace s9  }
0x27: {  	s1 =	sld [smem:$0x3F9C]  }
0x28: {  	s2 =	sld [smem:$0x3F9D]  }
0x29: {  	s4 =	sld [smem:$0x3F9F]  }
0x2a: {  	p0 =	seq.s32 s5, $0x0;
	s5 =	sld [smem:$0x3FA0]  }
0x2b: {  	s6 =	sld [smem:$0x3FA1]  }
0x2c: {  	s7 =	sld [smem:$0x3FA2]  }
0x2d: {  	s3 =	simm.s32 $0x108;
	s8 =	sld [smem:$0x3FA3]  }
0x2e: {  	s3 =	simm.s32 @!p0 $0x1082;
	s9 =	sld [smem:$0x3FA4]  }
0x2f: {  	lr =	sadd.s32 s0, s3;
	s0 =	sld [smem:$0x3F9B]  }
0x30: {  	s3 =	sld [smem:$0x3F9E]  }
0x31: {  	[smem:$0x3FA7] =	sst s10  }
0x32: {  	s10 =	sld [smem:$0x3FA5];
	_ =	sdelay $0x3  }
0x33: {  	p0 =	seq.s32 s10, $0x1;
	s10 =	sld [smem:$0x3FA7];
	_ =	sdelay $0x3  }
0x34: {  	[smem:$0x3FA7] =	sst s10  }
0x35: {  	s10 =	sld [smem:$0x3FA6];
	_ =	sdelay $0x3  }
0x36: {  	p1 =	seq.s32 s10, $0x1;
	s10 =	sld [smem:$0x3FA7];
	_ =	sdelay $0x3  }
0x37: {  	[smem:$0x3FA7] =	sst s10  }
0x38: {  	s10 =	sld [smem:$0x3FA8]  }
0x39: {  	_ = 	snop;
	(pc) =	sbr.ind lr, $3  }
0x3a: {  	_ = 	snop  }
0x3b: {  	_ = 	snop  }
0x3c: {  	p2 =	seq.s32 s10, $0x1;
	s10 =	sld [smem:$0x3FA7]  }
0x3d: {  	_ =	shalt  }
0x3e: {  	_ =	shalt  }
0x3f: {  	_ =	shalt  }
0x40: {  	_ =	shalt  }
0x41: {  	_ =	shalt  }
0x42: {  	_ =	shalt  }
0x43: {  	_ =	shalt  }
0x44: {  	_ =	shalt  }
0x45: {  	_ =	shalt  }
0x46: {  	_ =	shalt  }
0x47: {  	_ =	shalt  }
0x48: {  	_ =	shalt  }
0x49: {  	_ =	shalt  }
0x4a: {  	_ =	shalt  }
0x4b: {  	_ =	shalt  }
0x4c: {  	_ =	shalt  }
0x4d: {  	_ =	shalt  }
0x4e: {  	_ =	shalt  }
0x4f: {  	_ =	shalt  }
0x50: {  	_ =	shalt  }
0x51: {  	_ =	shalt  }
0x52: {  	_ =	shalt  }
0x53: {  	_ =	shalt  }
0x54: {  	_ =	shalt  }
0x55: {  	_ =	shalt  }
0x56: {  	_ =	shalt  }
0x57: {  	_ =	shalt  }
0x58: {  	_ =	shalt  }
0x59: {  	_ =	shalt  }
0x5a: {  	_ =	shalt  }
0x5b: {  	_ =	shalt  }
0x5c: {  	_ =	shalt  }
0x5d: {  	_ =	shalt  }
0x5e: {  	_ =	shalt  }
0x5f: {  	_ =	shalt  }
0x60: {  	_ =	shalt  }
0x61: {  	_ =	shalt  }
0x62: {  	_ =	shalt  }
0x63: {  	_ =	shalt  }
0x64: {  	_ =	shalt  }
0x65: {  	_ =	shalt  }
0x66: {  	_ =	shalt  }
0x67: {  	_ =	shalt  }
0x68: {  	_ =	shalt  }
0x69: {  	_ =	shalt  }
0x6a: {  	_ =	shalt  }
0x6b: {  	_ =	shalt  }
0x6c: {  	_ =	shalt  }
0x6d: {  	_ =	shalt  }
0x6e: {  	_ =	shalt  }
0x6f: {  	_ =	shalt  }
0x70: {  	_ =	shalt  }
0x71: {  	_ =	shalt  }
0x72: {  	_ =	shalt  }
0x73: {  	_ =	shalt  }
0x74: {  	_ =	shalt  }
0x75: {  	_ =	shalt  }
0x76: {  	_ =	shalt  }
0x77: {  	_ =	shalt  }
0x78: {  	_ =	shalt  }
0x79: {  	_ =	shalt  }
0x7a: {  	_ =	shalt  }
0x7b: {  	_ =	shalt  }
0x7c: {  	_ =	shalt  }
0x7d: {  	_ =	shalt  }
0x7e: {  	_ =	shalt  }
0x7f: {  	_ =	shalt  }
0x80: {  	_ =	shalt  }
0x81: {  	_ =	shalt  }
0x82: {  	_ =	shalt  }
0x83: {  	_ =	shalt  }
0x84: {  	_ =	shalt  }
0x85: {  	_ =	shalt  }
0x86: {  	_ =	shalt  }
0x87: {  	_ =	shalt  }
.Lfunc_end0:
.L_simem_size_0:
called_computation.2_lowered:
.L_overlay_start_0:
0x88: {  	s2 =	sld [smem:$0x3FD9]  }
0x89: {  	s3 =	sld [smem:$0x3FFE];
	_ =	sdelay $0x1  }
0x8a: {  	s1 =	srdreg.scid  }
0x8b: {  	s0 =	sand.u32 $0x1, s1  }
0x8c: {  	s16 =	sshll.u32 s0, $0xA;
	s2 =	sadd.s32 s3, s2  }
0x8d: {  	s2 =	sadd.s32 s2, s16  }
0x8e: {  	[smem:$0x3FB3] =	sst s2  }
0x8f: {  	_ = 	snop  }
0x90: {  	(tm) =	ssettm $0x1  }
0x91: {  	s17 =	sld [smem:$0x3FFB];
	_ =	sdelay $0x3  }
0x92: {  	_ =	strace s17  }
0x93: {  	s2 =	sld [smem:$0x3FFC];
	_ =	sdelay $0x3  }
0x94: {  	_ =	strace s2  }
0x95: {  	s2 =	sld [smem:$0x3FFD];
	_ =	sdelay $0x3  }
0x96: {  	_ =	strace s2  }
0x97: {  	_ =	strace $0x8FFFFFFF  }
0x98: {  	s18 =	sld [smem:$0x3FDB];
	_ =	sdelay $0x1  }
0x99: {  	s19 =	simm.s32 $_scs_section_size  }
0x9a: {  	s4 =	simm.s32 $_size__tile_overlayer_lowered;
	s5 =	simm.s32 $_tile_overlayer_lowered  }
0x9b: {  	s22 =	simm.s32 $0x1BFF;
	s21 =	sshll.u32 s5, $0x1;
	s2 =	sadd.s32 s19, s18  }
0x9c: {  	s6 =	simm.s32 $0x0;
	s20 =	sshll.u32 s4, $0x1;
	s4 =	sadd.s32 s21, s2  }
0x9d: {  	[timem:s6], [sflag:s22] =	dma.local [hbm:s4], s20  }
0x9e: {  	_ =	swait.ge [sflag:s22], s20  }
0x9f: {  	s3 =	ssub.s32 $0x0, s20;
	[sflag:s22] =	ssyncset.done $0x0  }
0xa0: {  	[sflag:s22] =	ssyncadd.s32 s3;
	_ =	sdelay $0x1  }
0xa1: {  	s23 =	simm.s32 $0x1B8B  }
0xa2: {  	_ =	swait.ge [sflag:s23], $0x1  }
0xa3: {  	[sflag:s23] =	ssyncset.done $0x0  }
0xa4: {  	s25 =	simm.s32 $0x1B8E;
	s24 =	sld [smem:$0x3FFE];
	[sflag:s23] =	ssyncadd.s32 $0xFFFFFFFF  }
0xa5: {  	s26 =	simm.s32 $execute0_lowered;
	[smem:$0x3FD2] =	sst s25  }
0xa6: {  	s4 =	sshll.u32 s26, $0x1;
	_ =	strace $0x8000004C;
	[dreg:$0x1] =	wrdreg $0xFFFFFFFF  }
0xa7: {  	s28 =	simm.s32 $_size_execute0_lowered;
	s2 =	sadd.s32 s2, s4;
	[dreg:$0x0] =	wrdreg $0x0  }
0xa8: {  	s4 =	sshll.u32 s28, $0x1;
	[dreg:$0x2] =	wrdreg s2  }
0xa9: {  	[dreg:$0x3] =	wrdreg s4  }
0xaa: {  	[dreg:$0x4] =	wrdreg $0xC0  }
0xab: {  	_ =	task [dreg:s6], $0x5FFFF  }
0xac: {  	[dreg:$0x1] =	wrdreg $0xFFFFFFFF  }
0xad: {  	[dreg:$0x0] =	wrdreg $0x60  }
0xae: {  	[dreg:$0x2] =	wrdreg s24  }
0xaf: {  	[dreg:$0x3] =	wrdreg $0x9  }
0xb0: {  	_ =	task.clear_ibuf [dreg:s6], $0x4FFFF;
	_ =	strace $0x9000004C  }
0xb1: {  	s29 =	simm.s32 $0x9;
	_ =	strace $0x8000004E  }
0xb2: {  	_ =	swait.ge [sflag:s29], $0x1  }
0xb3: {  	[sflag:s29] =	ssyncadd.s32 $0xFFFFFFFF  }
0xb4: {  	_ =	strace $0x9000004E  }
0xb5: {  	_ =	sfence  }
0xb6: {  	s30 =	sld [smem:$0x0];
	_ =	sdelay $0x2  }
0xb7: {  	s31 =	sshll.u32 s1, $0xD;
	s1 =	sshrl.u32 s1, $0x2  }
0xb8: {  	s3 =	sand.u32 $0x4000, s31;
	s1 =	sadd.s32 s1, s30  }
0xb9: {  	s0 =	sor.u32 s3, s0;
	s1 =	sshll.u32 s1, $0x11  }
0xba: {  	s0 =	sor.u32 s1, s0  }
0xbb: {  	s0 =	sadd.s32 $0x8F2B, s0  }
0xbc: {  	[sflag:s0] =	ssyncadd.remote.s32 $0x1  }
0xbd: {  	_ =	sfence.sel $0xFFFF  }
0xbe: {  	[dreg:$0x0] =	wrdreg $0xFFFFFFFF;
	(pc) =	sbr.abs _section_cstart, $3  }
0xbf: {  	[dreg:$0x1] =	wrdreg $0xFFFFFFFF  }
0xc0: {  	_ =	task.clear_ibuf [dreg:s6], $0x2FFFF;
	_ =	strace $0x9FFFFFFF  }
0xc1: {  	(tm) =	ssettm $0x7FFFFFFF  }
tec
execute0_lowered:
.L_overlay_start_1:
0x0: {  	(tag) =	ssettag $0x1  }
0x1: {  	s1 =	srdreg.scid;
	s0 =	stileid.u32  }
0x2: {  	s6 =	rddreg [dreg:$0x0];
	s2 =	simm.s32 $0x0;
	s16 =	simm.s32 $0x1  }
0x3: {  	s17 =	simm.s32 $0x2;
	s18 =	simm.s32 $0x1380;
	s19 =	simm.s32 $0x0  }
0x4: {  	s9 =	sand.u32 $0x1, s1;
	s3 =	sshll.u32 s0, $0x1;
	s1 =	rddreg [dreg:$0x1]  }
0x5: {  	[smem:$0x7FF] =	sst s2;
	s14 =	smul.u32 $0x19000, s0;
	s5 =	sor.u32 s9, s3  }
0x6: {  	s11 =	sadd.s32 $0xD2A00, s6;
	s12 =	sadd.s32 $0x262A00, s6;
	s4 =	smul.u32 $0x1400, s5  }
0x7: {  	_ =	strace $0x8000004D;
	s7 =	ssub.s32 $0x2, s9;
	s10 =	smul.u32 $0xC800, s5  }
0x8: {  	s3 =	sadd.s32 $0x3A00, s6;
	s15 =	smul.u32 $0xC800, s9;
	s31 =	sshrl.u32 s7, $0x1  }
0x9: {  	s7 =	ssub.s32 s7, s31;
	s4 =	sshrl.u32 s4, $0x3;
	s13 =	sadd.s32 $0xBE00, s10  }
0xa: {  	s10 =	sadd.s32 $0xC300, s10;
	s8 =	sadd.s32 s4, s6;
	s6 =	smax.u32 s7, $0x1  }
0xb: {  	s7 =	sadd.s32 s11, s13;
	s9 =	sadd.s32 s13, s12;
	s13 =	simm.s32 $0x50  }
0xc: {  	s4 =	sadd.s32 $0xC8A00, s8;
	s5 =	sadd.s32 $0xCDA00, s8;
	s8 =	sadd.s32 s11, s10  }
0xd: {  	s10 =	sadd.s32 s10, s12;
	s11 =	sadd.s32 s14, s11;
	s12 =	simm.s32 $0x3  }
0xe: {  	s14 =	simm.s32 $0x1400;
	s11 =	sadd.s32 s15, s11;
	s15 =	simm.s32 $0x3C00  }
.LBB2_1:
0xf: {  	[tilespmem:s2], [sflag:$0x3] =	stream.linear.gather [hbm4b:s4+s2], $0x1400, $0x38;
	[tilespmem:$0x6400] =	vst v63  }
0x10: {  	_ =	swait.ge [sflag:s12], $0x1400  }
0x11: {  	[sflag:s12] =	ssyncset.done $0x0  }
0x12: {  	[sflag:s12] =	ssyncadd.s32 $0xFFFFEC00  }
0x13: {  	[tilespmem:s14], [sflag:$0x1] =	stream.indirect.gather [hbm4b:s3+s13], $0x80, s2, s13, $0xb8;
	[tilespmem:$0x6400] =	vst v63  }
0x14: {  	s20 =	simm.s32 $0x80  }
0x15: {  	[tilespmem:s15], [sflag:$0x2] =	stream.indirect.gather [hbm4b:s3+s13], $0x80, s20, s13, $0xb8;
	[tilespmem:$0x6400] =	vst v63  }
0x16: {  	_ =	swait.ge [sflag:s16], $0x2800  }
0x17: {  	[sflag:s16] =	ssyncset.done $0x0  }
0x18: {  	s21 =	sadd.s32 $0x0, s11;
	[sflag:s16] =	ssyncadd.s32 $0xFFFFD800  }
0x19: {  	[hbm4b:s21+s2] =	stream.linear.scatter [tilespmem:s14], [sflag:$0x3], $0x2800, $0x38;
	[tilespmem:$0x6400] =	vst v63  }
0x1a: {  	_ =	swait.ge [sflag:s12], $0x2800  }
0x1b: {  	[sflag:s12] =	ssyncset.done $0x0  }
0x1c: {  	s22 =	simm.s32 $0x100;
	[sflag:s12] =	ssyncadd.s32 $0xFFFFD800  }
0x1d: {  	[tilespmem:s14], [sflag:$0x1] =	stream.indirect.gather [hbm4b:s3+s13], $0x80, s22, s13, $0xb8;
	[tilespmem:$0x6400] =	vst v63  }
0x1e: {  	_ =	swait.ge [sflag:s17], $0x2800  }
0x1f: {  	[sflag:s17] =	ssyncset.done $0x0  }
0x20: {  	s21 =	sadd.s32 $0x500, s21;
	[sflag:s17] =	ssyncadd.s32 $0xFFFFD800  }
0x21: {  	[hbm4b:s21+s2] =	stream.linear.scatter [tilespmem:s15], [sflag:$0x3], $0x2800, $0x38;
	[tilespmem:$0x6400] =	vst v63  }
0x22: {  	_ =	swait.ge [sflag:s12], $0x2800  }
0x23: {  	s21 =	simm.s32 $0xA00;
	[sflag:s12] =	ssyncset.done $0x0  }
.LBB2_2:
0x24: {  	p0 =	sne.s32 s21, $0xB400;
	[sflag:s12] =	ssyncadd.s32 $0xFFFFD800;
	s20 =	sadd.s32 $0x100, s20  }
0x25: {  	[tilespmem:s15], [sflag:$0x2] =	stream.indirect.gather [hbm4b:s3+s13], $0x80, s20, s13, $0xb8;
	[tilespmem:$0x6400] =	vst v63  }
0x26: {  	s22 =	smov.u32 s21;
	s21 =	sadd.s32 $0xA00, s21;
	_ =	swait.ge [sflag:s16], $0x2800  }
0x27: {  	[sflag:s16] =	ssyncset.done $0x0  }
0x28: {  	s22 =	sadd.s32 s22, s11;
	[sflag:s16] =	ssyncadd.s32 $0xFFFFD800  }
0x29: {  	[hbm4b:s22+s2] =	stream.linear.scatter [tilespmem:s14], [sflag:$0x3], $0x2800, $0x38;
	[tilespmem:$0x6400] =	vst v63  }
0x2a: {  	_ =	swait.ge [sflag:s12], $0x2800  }
0x2b: {  	[sflag:s12] =	ssyncset.done $0x0  }
0x2c: {  	s23 =	sadd.s32 $0x80, s20;
	[sflag:s12] =	ssyncadd.s32 $0xFFFFD800  }
0x2d: {  	[tilespmem:s14], [sflag:$0x1] =	stream.indirect.gather [hbm4b:s3+s13], $0x80, s23, s13, $0xb8;
	[tilespmem:$0x6400] =	vst v63  }
0x2e: {  	_ =	swait.ge [sflag:s17], $0x2800  }
.Ltmp0:
0x2f: {  	[sflag:s17] =	ssyncset.done $0x0;
	(pc) =	sbr.rel @p0 .LBB2_2-.Ltmp0, $4  }
0x30: {  	s22 =	sadd.s32 $0x500, s22;
	[sflag:s17] =	ssyncadd.s32 $0xFFFFD800  }
0x31: {  	[hbm4b:s22+s2] =	stream.linear.scatter [tilespmem:s15], [sflag:$0x3], $0x2800, $0x38;
	[tilespmem:$0x6400] =	vst v63  }
0x32: {  	_ =	swait.ge [sflag:s12], $0x2800  }
0x33: {  	[sflag:s12] =	ssyncset.done $0x0  }
0x34: {  	[sflag:s12] =	ssyncadd.s32 $0xFFFFD800  }
0x35: {  	[tilespmem:s15], [sflag:$0x2] =	stream.indirect.gather [hbm4b:s3+s13], $0x80, s18, s13, $0xb8;
	[tilespmem:$0x6400] =	vst v63  }
0x36: {  	_ =	swait.ge [sflag:s16], $0x2800  }
0x37: {  	[sflag:s16] =	ssyncset.done $0x0  }
0x38: {  	s20 =	simm.s32 $0x0;
	[sflag:s16] =	ssyncadd.s32 $0xFFFFD800  }
0x39: {  	[hbm4b:s7+s20] =	stream.linear.scatter [tilespmem:s14], [sflag:$0x3], $0x2800, $0x38;
	[tilespmem:$0x6400] =	vst v63  }
0x3a: {  	_ =	swait.ge [sflag:s12], $0x2800  }
0x3b: {  	[sflag:s12] =	ssyncset.done $0x0  }
0x3c: {  	[sflag:s12] =	ssyncadd.s32 $0xFFFFD800  }
0x3d: {  	_ =	swait.ge [sflag:s17], $0x2800  }
0x3e: {  	[sflag:s17] =	ssyncset.done $0x0  }
0x3f: {  	[sflag:s17] =	ssyncadd.s32 $0xFFFFD800  }
0x40: {  	[hbm4b:s8+s20] =	stream.linear.scatter [tilespmem:s15], [sflag:$0x3], $0x2800, $0x38;
	[tilespmem:$0x6400] =	vst v63  }
0x41: {  	_ =	swait.ge [sflag:s12], $0x2800  }
0x42: {  	[sflag:s12] =	ssyncset.done $0x0  }
0x43: {  	[sflag:s12] =	ssyncadd.s32 $0xFFFFD800  }
0x44: {  	[tilespmem:s20], [sflag:$0x3] =	stream.linear.gather [hbm4b:s5+s20], $0x1400, $0x38;
	[tilespmem:$0x6400] =	vst v63  }
0x45: {  	_ =	swait.ge [sflag:s12], $0x1400  }
0x46: {  	[sflag:s12] =	ssyncset.done $0x0  }
0x47: {  	[sflag:s12] =	ssyncadd.s32 $0xFFFFEC00  }
0x48: {  	[tilespmem:s14], [sflag:$0x1] =	stream.indirect.gather [hbm4b:s3+s13], $0x80, s20, s13, $0xb8;
	[tilespmem:$0x6400] =	vst v63  }
0x49: {  	s20 =	simm.s32 $0x80  }
0x4a: {  	[tilespmem:s15], [sflag:$0x2] =	stream.indirect.gather [hbm4b:s3+s13], $0x80, s20, s13, $0xb8;
	[tilespmem:$0x6400] =	vst v63  }
0x4b: {  	_ =	swait.ge [sflag:s16], $0x2800  }
0x4c: {  	s21 =	sadd.s32 $0x0, s11;
	[sflag:s16] =	ssyncset.done $0x0  }
0x4d: {  	s22 =	sadd.s32 $0x190000, s21;
	[sflag:s16] =	ssyncadd.s32 $0xFFFFD800  }
0x4e: {  	[hbm4b:s22+s2] =	stream.linear.scatter [tilespmem:s14], [sflag:$0x3], $0x2800, $0x38;
	[tilespmem:$0x6400] =	vst v63  }
0x4f: {  	_ =	swait.ge [sflag:s12], $0x2800  }
0x50: {  	[sflag:s12] =	ssyncset.done $0x0  }
0x51: {  	s31 =	simm.s32 $0x100;
	[sflag:s12] =	ssyncadd.s32 $0xFFFFD800  }
0x52: {  	[tilespmem:s14], [sflag:$0x1] =	stream.indirect.gather [hbm4b:s3+s13], $0x80, s31, s13, $0xb8;
	[tilespmem:$0x6400] =	vst v63  }
0x53: {  	_ =	swait.ge [sflag:s17], $0x2800  }
0x54: {  	[sflag:s17] =	ssyncset.done $0x0  }
0x55: {  	s21 =	sadd.s32 $0x190500, s21;
	[sflag:s17] =	ssyncadd.s32 $0xFFFFD800  }
0x56: {  	[hbm4b:s21+s2] =	stream.linear.scatter [tilespmem:s15], [sflag:$0x3], $0x2800, $0x38;
	[tilespmem:$0x6400] =	vst v63  }
0x57: {  	_ =	swait.ge [sflag:s12], $0x2800  }
0x58: {  	s21 =	simm.s32 $0xA00;
	[sflag:s12] =	ssyncset.done $0x0  }
.LBB2_4:
0x59: {  	p0 =	sne.s32 s21, $0xB400;
	[sflag:s12] =	ssyncadd.s32 $0xFFFFD800;
	s20 =	sadd.s32 $0x100, s20  }
0x5a: {  	[tilespmem:s15], [sflag:$0x2] =	stream.indirect.gather [hbm4b:s3+s13], $0x80, s20, s13, $0xb8;
	[tilespmem:$0x6400] =	vst v63  }
0x5b: {  	s22 =	smov.u32 s21;
	s21 =	sadd.s32 $0xA00, s21;
	_ =	swait.ge [sflag:s16], $0x2800  }
0x5c: {  	s22 =	sadd.s32 s22, s11;
	[sflag:s16] =	ssyncset.done $0x0  }
0x5d: {  	s23 =	sadd.s32 $0x190000, s22;
	[sflag:s16] =	ssyncadd.s32 $0xFFFFD800  }
0x5e: {  	[hbm4b:s23+s2] =	stream.linear.scatter [tilespmem:s14], [sflag:$0x3], $0x2800, $0x38;
	[tilespmem:$0x6400] =	vst v63  }
0x5f: {  	_ =	swait.ge [sflag:s12], $0x2800  }
0x60: {  	[sflag:s12] =	ssyncset.done $0x0  }
0x61: {  	s23 =	sadd.s32 $0x80, s20;
	[sflag:s12] =	ssyncadd.s32 $0xFFFFD800  }
0x62: {  	[tilespmem:s14], [sflag:$0x1] =	stream.indirect.gather [hbm4b:s3+s13], $0x80, s23, s13, $0xb8;
	[tilespmem:$0x6400] =	vst v63  }
0x63: {  	_ =	swait.ge [sflag:s17], $0x2800  }
.Ltmp1:
0x64: {  	[sflag:s17] =	ssyncset.done $0x0;
	(pc) =	sbr.rel @p0 .LBB2_4-.Ltmp1, $4  }
0x65: {  	s22 =	sadd.s32 $0x190500, s22;
	[sflag:s17] =	ssyncadd.s32 $0xFFFFD800  }
0x66: {  	[hbm4b:s22+s2] =	stream.linear.scatter [tilespmem:s15], [sflag:$0x3], $0x2800, $0x38;
	[tilespmem:$0x6400] =	vst v63  }
0x67: {  	_ =	swait.ge [sflag:s12], $0x2800  }
0x68: {  	[sflag:s12] =	ssyncset.done $0x0  }
0x69: {  	[sflag:s12] =	ssyncadd.s32 $0xFFFFD800  }
0x6a: {  	[tilespmem:s15], [sflag:$0x2] =	stream.indirect.gather [hbm4b:s3+s13], $0x80, s18, s13, $0xb8;
	[tilespmem:$0x6400] =	vst v63  }
0x6b: {  	_ =	swait.ge [sflag:s16], $0x2800  }
0x6c: {  	[sflag:s16] =	ssyncset.done $0x0  }
0x6d: {  	[sflag:s16] =	ssyncadd.s32 $0xFFFFD800  }
0x6e: {  	[hbm4b:s9+s2] =	stream.linear.scatter [tilespmem:s14], [sflag:$0x3], $0x2800, $0x38;
	[tilespmem:$0x6400] =	vst v63  }
0x6f: {  	_ =	swait.ge [sflag:s12], $0x2800  }
0x70: {  	[sflag:s12] =	ssyncset.done $0x0  }
0x71: {  	[sflag:s12] =	ssyncadd.s32 $0xFFFFD800  }
0x72: {  	s19 =	sadd.s32 $0x1, s19;
	_ =	swait.ge [sflag:s17], $0x2800  }
0x73: {  	p0 =	sne.s32 s19, s6;
	[sflag:s17] =	ssyncset.done $0x0  }
.Ltmp2:
0x74: {  	[sflag:s17] =	ssyncadd.s32 $0xFFFFD800;
	(pc) =	sbr.rel @p0 .LBB2_1-.Ltmp2, $4  }
0x75: {  	[hbm4b:s10+s2] =	stream.linear.scatter [tilespmem:s15], [sflag:$0x3], $0x2800, $0x38;
	[tilespmem:$0x6400] =	vst v63  }
0x76: {  	_ =	swait.ge [sflag:s12], $0x2800  }
0x77: {  	[sflag:s12] =	ssyncset.done $0x0  }
0x78: {  	[sflag:s12] =	ssyncadd.s32 $0xFFFFD800  }
0x79: {  	_ =	sfence.sel $0x180000  }
0x7a: {  	[bflag:$0x0] =	sbarrier.arrive $0xFFFF  }
0x7b: {  	p0 =	sne.s32 s0, $0x0;
	_ =	strace $0x9000004D  }
0x7c: {  	s0 =	sadd.s32 @!p0 $0x100000, s1;
	[bflag:$0x2] =	sbarrier.arrive $0xFFFF  }
0x7d: {  	[sflag:s0] =	ssyncadd.tile.s32 @!p0 $0x1;
	_ =	shalt  }
.Lfunc_end2:
_tile_overlayer_lowered:
.L_overlay_start_2:
0x7e: {  	(tag) =	ssettag $0x2  }
0x7f: {  	s0 =	rddreg [dreg:$0x0];
	s2 =	stileid.u32  }
0x80: {  	s1 =	rddreg [dreg:$0x1];
	p0 =	sne.s32 s2, $0x0  }
0x81: {  	s3 =	rddreg [dreg:$0x2];
	[bflag:$0x3] =	sbarrier.arrive $0xFFFF;
	s2 =	simm.s32 @!p0 $0x1C03  }
0x82: {  	[timem:s3], [sflag:s2] =	dma.local @!p0 [hbm:s0], s1  }
0x83: {  	s0 =	simm.s32 @!p0 $0x3  }
0x84: {  	_ =	swait.ge @!p0 [sflag:s0], s1  }
0x85: {  	s1 =	ssub.s32 @!p0 $0x0, s1;
	[sflag:s0] =	ssyncset.done @!p0 $0x0  }
0x86: {  	[sflag:s0] =	ssyncadd.s32 @!p0 s1  }
0x87: {  	[bflag:$0x3] =	sbarrier.arrive $0xFFFF  }
0x88: {  	_ =	shalt  }

// kernel: kernel.9.cloned.1.call-start
scs
__scs_entry_jumppad:
0x0: {  	(pc) =	sbr.rel $0x88, $3  }
0x1: {  	(tag) =	ssettag $0x0;
	lr =	simm.s32 $0x1  }
0x2: {  	[smem:$0x3F8C] =	sst lr;
	_ =	strace $0xD0000000  }
0x3: {  	_ = 	snop  }
0x4: {  	_ = 	snop  }
0x5: {  	_ = 	snop  }
0x6: {  	_ = 	snop  }
0x7: {  	_ = 	snop  }
__scs_overlays_trampoline_lowered:
0x8: {  	[smem:$0x3F9B] =	sst s0  }
0x9: {  	[smem:$0x3F9C] =	sst s1  }
0xa: {  	[smem:$0x3F9D] =	sst s2  }
0xb: {  	[smem:$0x3F9E] =	sst s3  }
0xc: {  	[smem:$0x3F9F] =	sst s4  }
0xd: {  	[smem:$0x3FA0] =	sst s5  }
0xe: {  	[smem:$0x3FA1] =	sst s6  }
0xf: {  	[smem:$0x3FA2] =	sst s7  }
0x10: {  	[smem:$0x3FA3] =	sst s8  }
0x11: {  	[smem:$0x3FA4] =	sst s9;
	s0 =	simm.s32 @!p0 $0x0  }
0x12: {  	s1 =	sld [smem:$0x3F8A];
	s0 =	simm.s32 @p0 $0x1  }
0x13: {  	[smem:$0x3FA5] =	sst s0;
	s0 =	simm.s32 @!p1 $0x0  }
0x14: {  	s2 =	sld [smem:$0x3F89];
	s0 =	simm.s32 @p1 $0x1  }
0x15: {  	[smem:$0x3FA6] =	sst s0;
	s0 =	simm.s32 @!p2 $0x0  }
0x16: {  	s3 =	sld [smem:$0x3FDB];
	s0 =	simm.s32 @p2 $0x1  }
0x17: {  	s4 =	simm.s32 $0x1BF5;
	[smem:$0x3FA8] =	sst s0  }
0x18: {  	s0 =	sld [smem:$0x3F8B];
	_ =	swait.ge [sflag:s4], $0x0  }
0x19: {  	s7 =	sld [smem:$0x3F8C]  }
0x1a: {  	s8 =	sadd.s32 $0xFFFFE003, lr  }
0x1b: {  	s9 =	sadd.s32 $0xFFFFFEF7, lr;
	s5 =	simm.s32 $0xFFFFFFFF;
	p2 =	slt.u32 s8, $0xFFFFF086  }
0x1c: {  	p1 =	slt.u32 s9, $0xF7A;
	s5 =	simm.s32 @!p2 $0x0  }
0x1d: {  	s5 =	simm.s32 @p1 $0x1;
	p0 =	seq.s32 s7, s2  }
0x1e: {  	s7 =	smul.u32 @!p0 $0xF7A, s2;
	p2 =	seq.s32 @!p0 s5, $0x0  }
0x1f: {  	s9 =	smul.u32 $0xF7A, s1;
	s8 =	simm.s32 @!p0 $0x1BF5;
	p2 =	por !p2, p0  }
0x20: {  	[sflag:s8] =	ssyncset.s32 @!p0 $0xFFFFF086;
	s6 =	sadd.s32 @!p0 s3, s7;
	s7 =	simm.s32 @!p0 $0x108  }
0x21: {  	s3 =	sadd.s32 s3, s9;
	s6 =	sadd.s32 @!p0 $0x88, s6;
	s7 =	simm.s32 @p2 $0x1082  }
0x22: {  	[simem:s7], [sflag:s8] =	dma.local @!p0 [hbm:s6], $0xF7A  }
0x23: {  	s9 =	sor.u32 $0xD0000000, s2;
	s6 =	simm.s32 $0x108;
	_ =	swait.ge @!p0 [sflag:s8], $0x0  }
0x24: {  	s3 =	sadd.s32 $0x88, s3;
	s6 =	simm.s32 @!p1 $0x1082;
	[sflag:s4] =	ssyncset.s32 $0xFFFFF086  }
0x25: {  	[simem:s6], [sflag:s4] =	dma.local [hbm:s3], $0xF7A  }
0x26: {  	[smem:$0x3F8C] =	sst s1;
	(tag) =	ssettag s2;
	_ =	strace s9  }
0x27: {  	s1 =	sld [smem:$0x3F9C]  }
0x28: {  	s2 =	sld [smem:$0x3F9D]  }
0x29: {  	s4 =	sld [smem:$0x3F9F]  }
0x2a: {  	p0 =	seq.s32 s5, $0x0;
	s5 =	sld [smem:$0x3FA0]  }
0x2b: {  	s6 =	sld [smem:$0x3FA1]  }
0x2c: {  	s7 =	sld [smem:$0x3FA2]  }
0x2d: {  	s3 =	simm.s32 $0x108;
	s8 =	sld [smem:$0x3FA3]  }
0x2e: {  	s3 =	simm.s32 @!p0 $0x1082;
	s9 =	sld [smem:$0x3FA4]  }
0x2f: {  	lr =	sadd.s32 s0, s3;
	s0 =	sld [smem:$0x3F9B]  }
0x30: {  	s3 =	sld [smem:$0x3F9E]  }
0x31: {  	[smem:$0x3FA7] =	sst s10  }
0x32: {  	s10 =	sld [smem:$0x3FA5];
	_ =	sdelay $0x3  }
0x33: {  	p0 =	seq.s32 s10, $0x1;
	s10 =	sld [smem:$0x3FA7];
	_ =	sdelay $0x3  }
0x34: {  	[smem:$0x3FA7] =	sst s10  }
0x35: {  	s10 =	sld [smem:$0x3FA6];
	_ =	sdelay $0x3  }
0x36: {  	p1 =	seq.s32 s10, $0x1;
	s10 =	sld [smem:$0x3FA7];
	_ =	sdelay $0x3  }
0x37: {  	[smem:$0x3FA7] =	sst s10  }
0x38: {  	s10 =	sld [smem:$0x3FA8]  }
0x39: {  	_ = 	snop;
	(pc) =	sbr.ind lr, $3  }
0x3a: {  	_ = 	snop  }
0x3b: {  	_ = 	snop  }
0x3c: {  	p2 =	seq.s32 s10, $0x1;
	s10 =	sld [smem:$0x3FA7]  }
0x3d: {  	_ =	shalt  }
0x3e: {  	_ =	shalt  }
0x3f: {  	_ =	shalt  }
0x40: {  	_ =	shalt  }
0x41: {  	_ =	shalt  }
0x42: {  	_ =	shalt  }
0x43: {  	_ =	shalt  }
0x44: {  	_ =	shalt  }
0x45: {  	_ =	shalt  }
0x46: {  	_ =	shalt  }
0x47: {  	_ =	shalt  }
0x48: {  	_ =	shalt  }
0x49: {  	_ =	shalt  }
0x4a: {  	_ =	shalt  }
0x4b: {  	_ =	shalt  }
0x4c: {  	_ =	shalt  }
0x4d: {  	_ =	shalt  }
0x4e: {  	_ =	shalt  }
0x4f: {  	_ =	shalt  }
0x50: {  	_ =	shalt  }
0x51: {  	_ =	shalt  }
0x52: {  	_ =	shalt  }
0x53: {  	_ =	shalt  }
0x54: {  	_ =	shalt  }
0x55: {  	_ =	shalt  }
0x56: {  	_ =	shalt  }
0x57: {  	_ =	shalt  }
0x58: {  	_ =	shalt  }
0x59: {  	_ =	shalt  }
0x5a: {  	_ =	shalt  }
0x5b: {  	_ =	shalt  }
0x5c: {  	_ =	shalt  }
0x5d: {  	_ =	shalt  }
0x5e: {  	_ =	shalt  }
0x5f: {  	_ =	shalt  }
0x60: {  	_ =	shalt  }
0x61: {  	_ =	shalt  }
0x62: {  	_ =	shalt  }
0x63: {  	_ =	shalt  }
0x64: {  	_ =	shalt  }
0x65: {  	_ =	shalt  }
0x66: {  	_ =	shalt  }
0x67: {  	_ =	shalt  }
0x68: {  	_ =	shalt  }
0x69: {  	_ =	shalt  }
0x6a: {  	_ =	shalt  }
0x6b: {  	_ =	shalt  }
0x6c: {  	_ =	shalt  }
0x6d: {  	_ =	shalt  }
0x6e: {  	_ =	shalt  }
0x6f: {  	_ =	shalt  }
0x70: {  	_ =	shalt  }
0x71: {  	_ =	shalt  }
0x72: {  	_ =	shalt  }
0x73: {  	_ =	shalt  }
0x74: {  	_ =	shalt  }
0x75: {  	_ =	shalt  }
0x76: {  	_ =	shalt  }
0x77: {  	_ =	shalt  }
0x78: {  	_ =	shalt  }
0x79: {  	_ =	shalt  }
0x7a: {  	_ =	shalt  }
0x7b: {  	_ =	shalt  }
0x7c: {  	_ =	shalt  }
0x7d: {  	_ =	shalt  }
0x7e: {  	_ =	shalt  }
0x7f: {  	_ =	shalt  }
0x80: {  	_ =	shalt  }
0x81: {  	_ =	shalt  }
0x82: {  	_ =	shalt  }
0x83: {  	_ =	shalt  }
0x84: {  	_ =	shalt  }
0x85: {  	_ =	shalt  }
0x86: {  	_ =	shalt  }
0x87: {  	_ =	shalt  }
.Lfunc_end0:
.L_simem_size_0:
called_computation_lowered:
.L_overlay_start_0:
0x88: {  	s2 =	sld [smem:$0x3FD9]  }
0x89: {  	s3 =	sld [smem:$0x3FFE];
	_ =	sdelay $0x1  }
0x8a: {  	s1 =	srdreg.scid  }
0x8b: {  	s0 =	sand.u32 $0x1, s1  }
0x8c: {  	s17 =	sshll.u32 s0, $0xA;
	s2 =	sadd.s32 s3, s2  }
0x8d: {  	s2 =	sadd.s32 s2, s17  }
0x8e: {  	[smem:$0x3FB3] =	sst s2  }
0x8f: {  	_ = 	snop  }
0x90: {  	s2 =	sld [smem:$0x3FD0];
	(tm) =	ssettm $0x1  }
0x91: {  	s18 =	sld [smem:$0x3FFB];
	_ =	sdelay $0x3  }
0x92: {  	_ =	strace s18  }
0x93: {  	s3 =	sld [smem:$0x3FFC];
	_ =	sdelay $0x3  }
0x94: {  	_ =	strace s3  }
0x95: {  	s3 =	sld [smem:$0x3FFD];
	_ =	sdelay $0x3  }
0x96: {  	_ =	strace s3  }
0x97: {  	_ =	strace $0x8FFFFFFF  }
0x98: {  	s19 =	sld [smem:$0x3FDB];
	_ =	sdelay $0x1  }
0x99: {  	s4 =	simm.s32 $_scs_section_size  }
0x9a: {  	s5 =	simm.s32 $_size__tile_overlayer_lowered;
	s6 =	simm.s32 $_tile_overlayer_lowered  }
0x9b: {  	s22 =	simm.s32 $0x1BFF;
	s21 =	sshll.u32 s6, $0x1;
	s3 =	sadd.s32 s4, s19  }
0x9c: {  	s7 =	simm.s32 $0x0;
	s20 =	sshll.u32 s5, $0x1;
	s5 =	sadd.s32 s21, s3  }
0x9d: {  	[timem:s7], [sflag:s22] =	dma.local [hbm:s5], s20  }
0x9e: {  	_ =	swait.ge [sflag:s22], s20  }
0x9f: {  	s4 =	ssub.s32 $0x0, s20;
	[sflag:s22] =	ssyncset.done $0x0  }
0xa0: {  	[sflag:s22] =	ssyncadd.s32 s4;
	_ =	sdelay $0x1  }
0xa1: {  	s23 =	simm.s32 $0x1B8B  }
0xa2: {  	_ =	swait.ge [sflag:s23], $0x1  }
0xa3: {  	[sflag:s23] =	ssyncset.done $0x0  }
0xa4: {  	s25 =	simm.s32 $0x1B8E;
	s24 =	sld [smem:$0x3FFE];
	[sflag:s23] =	ssyncadd.s32 $0xFFFFFFFF  }
0xa5: {  	s26 =	simm.s32 $execute0_lowered;
	[smem:$0x3FD2] =	sst s25  }
0xa6: {  	s5 =	sshll.u32 s26, $0x1;
	_ =	strace $0x80000046;
	[dreg:$0x1] =	wrdreg $0xFFFFFFFF  }
0xa7: {  	s28 =	simm.s32 $_size_execute0_lowered;
	s3 =	sadd.s32 s3, s5;
	[dreg:$0x0] =	wrdreg $0x0  }
0xa8: {  	s5 =	sshll.u32 s28, $0x1;
	[dreg:$0x2] =	wrdreg s3  }
0xa9: {  	[dreg:$0x3] =	wrdreg s5  }
0xaa: {  	[dreg:$0x4] =	wrdreg $0xC0  }
0xab: {  	_ =	task [dreg:s7], $0x5FFFF  }
0xac: {  	[dreg:$0x1] =	wrdreg $0xFFFFFFFF  }
0xad: {  	[dreg:$0x0] =	wrdreg $0x60  }
0xae: {  	[dreg:$0x2] =	wrdreg s24  }
0xaf: {  	[dreg:$0x3] =	wrdreg s2  }
0xb0: {  	[dreg:$0x4] =	wrdreg $0x84800  }
0xb1: {  	[dreg:$0x5] =	wrdreg $0x1C3400  }
0xb2: {  	[dreg:$0x6] =	wrdreg $0x9  }
0xb3: {  	_ =	task.clear_ibuf [dreg:s7], $0x7FFFF;
	_ =	strace $0x90000046  }
0xb4: {  	s29 =	simm.s32 $0x9;
	_ =	strace $0x80000048  }
0xb5: {  	_ =	swait.ge [sflag:s29], $0x1  }
0xb6: {  	[sflag:s29] =	ssyncadd.s32 $0xFFFFFFFF  }
0xb7: {  	_ =	strace $0x90000048  }
0xb8: {  	_ =	sfence  }
0xb9: {  	s30 =	sld [smem:$0x0];
	_ =	sdelay $0x2  }
0xba: {  	s31 =	sshll.u32 s1, $0xD;
	s1 =	sshrl.u32 s1, $0x2  }
0xbb: {  	s3 =	sand.u32 $0x4000, s31;
	s1 =	sadd.s32 s1, s30  }
0xbc: {  	s0 =	sor.u32 s3, s0;
	s1 =	sshll.u32 s1, $0x11  }
0xbd: {  	s0 =	sor.u32 s1, s0  }
0xbe: {  	s0 =	sadd.s32 $0x8F2B, s0  }
0xbf: {  	[sflag:s0] =	ssyncadd.remote.s32 $0x1  }
0xc0: {  	_ =	sfence.sel $0xFFFF  }
0xc1: {  	[dreg:$0x0] =	wrdreg $0xFFFFFFFF;
	(pc) =	sbr.abs _section_cstart, $3  }
0xc2: {  	[dreg:$0x1] =	wrdreg $0xFFFFFFFF  }
0xc3: {  	_ =	task.clear_ibuf [dreg:s7], $0x2FFFF;
	_ =	strace $0x9FFFFFFF  }
0xc4: {  	(tm) =	ssettm $0x7FFFFFFF  }
0xc5: {  	_ =	shalt  }
tec
execute0_lowered:
.L_overlay_start_1:
0x0: {  	(tag) =	ssettag $0x1  }
0x1: {  	s0 =	rddreg [dreg:$0x0]  }
0x2: {  	s3 =	rddreg [dreg:$0x2]  }
0x3: {  	s1 =	srdreg.scid;
	s4 =	rddreg [dreg:$0x3]  }
0x4: {  	s15 =	stileid.u32;
	s5 =	simm.s32 $0x0;
	s31 =	simm.s32 $0x1BD00  }
0x5: {  	s1 =	sand.u32 $0x1, s1;
	s6 =	smul.u32 $0x5140, s15;
	[smem:$0x7FF] =	sst s5  }
0x6: {  	s7 =	sadd.s32 $0x3A00, s0;
	s8 =	sadd.s32 $0x18000, s0;
	s13 =	smul.u32 $0x13800, s15  }
0x7: {  	s9 =	sadd.s32 $0x84E00, s0;
	s19 =	sadd.s32 $0x7B000, s0;
	s17 =	smul.u32 $0x2700, s15  }
0x8: {  	s18 =	sadd.s32 $0x2C600, s0;
	p0 =	seq.s32 s15, $0xF;
	s2 =	smul.u32 $0x51400, s1  }
0x9: {  	s29 =	sadd.s32 $0x124800, s3;
	s30 =	sadd.s32 $0x24900, s4;
	s10 =	ssub.s32 $0x2, s1  }
0xa: {  	s25 =	smul.u32 $0x138800, s1;
	s11 =	sshrl.u32 s10, $0x1;
	s2 =	sadd.s32 s6, s2  }
0xb: {  	s1 =	smul.u32 $0x27100, s1;
	s10 =	ssub.s32 s10, s11;
	s2 =	sshrl.u32 s2, $0x3  }
0xc: {  	s16 =	sadd.s32 s13, s25;
	s6 =	sadd.s32 s13, s3;
	s20 =	sadd.s32 s7, s2  }
0xd: {  	s21 =	sadd.s32 $0x208, s2;
	s12 =	sadd.s32 s8, s2;
	[dreg:$0x5] =	wrdreg s20  }
0xe: {  	s13 =	simm.s32 $0x0;
	[dreg:$0x6] =	wrdreg s12;
	s22 =	sadd.s32 s7, s21  }
0xf: {  	s23 =	sadd.s32 $0x410, s2;
	s11 =	sadd.s32 s8, s21;
	[dreg:$0x7] =	wrdreg s22  }
0x10: {  	s26 =	sadd.s32 $0x618, s2;
	s24 =	sadd.s32 s7, s23;
	[dreg:$0x8] =	wrdreg s11  }
0x11: {  	s2 =	sadd.s32 $0x820, s2;
	s12 =	sadd.s32 s8, s23;
	[dreg:$0x9] =	wrdreg s24  }
0x12: {  	s14 =	sadd.s32 s7, s26;
	s7 =	sadd.s32 s7, s2;
	[dreg:$0xa] =	wrdreg s12  }
0x13: {  	s2 =	sadd.s32 s8, s2;
	s20 =	sshrl.u32 s16, $0x3;
	[dreg:$0xb] =	wrdreg s14  }
0x14: {  	s21 =	sadd.s32 s17, s1;
	s23 =	smul.u32 $0x4E000, s15;
	[dreg:$0xd] =	wrdreg s7  }
0x15: {  	s1 =	sshrl.u32 s1, $0x3;
	s12 =	sadd.s32 s8, s26;
	[dreg:$0xe] =	wrdreg s2  }
0x16: {  	s2 =	sadd.s32 s9, s20;
	s22 =	sshrl.u32 s25, $0x3;
	s24 =	smul.u32 $0x9C00, s15  }
0x17: {  	s1 =	sadd.s32 s19, s1;
	s8 =	sadd.s32 s17, s4;
	s26 =	smax.u32 s10, $0x1  }
0x18: {  	s10 =	simm.s32 $0xFD8;
	s11 =	simm.s32 $0x1FB0;
	[dreg:$0xc] =	wrdreg s12  }
0x19: {  	[dreg:$0xf] =	wrdreg s2;
	s7 =	sadd.s32 s9, s22;
	s2 =	sshrl.u32 s21, $0x3  }
0x1a: {  	s25 =	sshrl.u32 s23, $0x2;
	s1 =	sadd.s32 $0x4920, s1;
	s28 =	sshrl.u32 @!p0 s8, $0x3  }
0x1b: {  	s8 =	simm.s32 $0x1;
	s9 =	simm.s32 $0x2;
	s2 =	sadd.s32 s19, s2  }
0x1c: {  	s19 =	sadd.s32 $0x7A800, s0;
	s0 =	sadd.s32 $0x7AE00, s0;
	[dreg:$0x10] =	wrdreg s2  }
0x1d: {  	s7 =	sadd.s32 $0x24900, s7;
	_ =	strace $0x80000047;
	[dreg:$0x11] =	wrdreg s0  }
0x1e: {  	s12 =	simm.s32 $0x2018;
	s2 =	sshrl.u32 s24, $0x2;
	[dreg:$0x12] =	wrdreg s7  }
0x1f: {  	s0 =	sadd.s32 s25, s3;
	s2 =	sadd.s32 s2, s4;
	[dreg:$0x13] =	wrdreg s1  }
0x20: {  	[dreg:$0x14] =	wrdreg s26;
	s26 =	sshrl.u32 @!p0 s6, $0x3;
	s1 =	simm.s32 $0x3  }
0x21: {  	s6 =	simm.s32 $0x2080;
	s7 =	simm.s32 $0x5280;
	s24 =	sshrl.u32 @!p0 s0, $0x3  }
0x22: {  	s25 =	sshrl.u32 @!p0 s2, $0x3;
	s2 =	simm.s32 $0x1040;
	s0 =	simm.s32 $0x64  }
.LBB2_1:
0x23: {  	s15 =	sshrl.u32 @p0 s29, $0x3  }
0x24: {  	s14 =	simm.s32 @p0 $0x1FC3;
	s20 =	rddreg [dreg:$0x1];
	s17 =	simm.s32 @p0 $0x3  }
0x25: {  	[spmem:s15], [sflag:s14] =	dma.local @p0 [hbm:s20], $0x2800  }
0x26: {  	_ =	swait.ge @p0 [sflag:s17], $0x2800  }
0x27: {  	[sflag:s17] =	ssyncset.done @p0 $0x0  }
0x28: {  	s16 =	sshrl.u32 @p0 s30, $0x3;
	[sflag:s17] =	ssyncadd.s32 @p0 $0xFFFFD800  }
0x29: {  	[spmem:s16], [sflag:s14] =	dma.local @p0 [hbm:s19], $0x500  }
0x2a: {  	s14 =	stileid.u32;
	_ =	swait.ge @p0 [sflag:s17], $0x500  }
0x2b: {  	s14 =	sshll.u32 @!p0 s14, $0x6;
	[sflag:s17] =	ssyncset.done @p0 $0x0  }
0x2c: {  	s14 =	sor.u32 @!p0 $0x1C03, s14;
	[sflag:s17] =	ssyncadd.s32 @p0 $0xFFFFFB00;
	s17 =	simm.s32 @!p0 $0x3  }
0x2d: {  	[spmem:s24], [sflag:s14] =	dma.local @!p0 [hbm:s20], $0x2700  }
0x2e: {  	_ =	swait.ge @!p0 [sflag:s17], $0x2700  }
0x2f: {  	[sflag:s17] =	ssyncset.done @!p0 $0x0  }
0x30: {  	[sflag:s17] =	ssyncadd.s32 @!p0 $0xFFFFD900  }
0x31: {  	[spmem:s25], [sflag:s14] =	dma.local @!p0 [hbm:s19], $0x4E0  }
0x32: {  	_ =	swait.ge @!p0 [sflag:s17], $0x4E0  }
0x33: {  	[sflag:s17] =	ssyncset.done @!p0 $0x0  }
0x34: {  	s21 =	rddreg [dreg:$0x11];
	[sflag:s17] =	ssyncadd.s32 @!p0 $0xFFFFFB20  }
0x35: {  	[tilespmem:s31], [sflag:$0x3] =	stream.linear.gather [hbm4b:s21+s5], $0x640, $0x38;
	[tilespmem:$0x1EA50] =	vst v63  }
0x36: {  	_ =	swait.ge [sflag:s1], $0x640  }
0x37: {  	[sflag:s1] =	ssyncset.done $0x0  }
0x38: {  	[sflag:s1] =	ssyncadd.s32 $0xFFFFF9C0  }
0x39: {  	[bflag:$0x0] =	sbarrier.arrive $0xFFFF  }
0x3a: {  	s22 =	rddreg [dreg:$0x5]  }
0x3b: {  	[tilespmem:s5], [sflag:$0x3] =	stream.linear.gather [hbm4b:s22+s5], $0x1040, $0x38;
	[tilespmem:$0x1EA50] =	vst v63  }
0x3c: {  	_ =	swait.ge [sflag:s1], $0x1040  }
0x3d: {  	[sflag:s1] =	ssyncset.done $0x0  }
0x3e: {  	s23 =	rddreg [dreg:$0x6];
	[sflag:s1] =	ssyncadd.s32 $0xFFFFEFC0  }
0x3f: {  	[tilespmem:s2], [sflag:$0x3] =	stream.linear.gather [hbm4b:s23+s5], $0x1040, $0x38;
	[tilespmem:$0x1EA50] =	vst v63  }
0x40: {  	_ =	swait.ge [sflag:s1], $0x1040  }
0x41: {  	[sflag:s1] =	ssyncset.done $0x0  }
0x42: {  	[sflag:s1] =	ssyncadd.s32 $0xFFFFEFC0  }
0x43: {  	[tilespmem:s6], [sflag:$0x1] =	stream.indirect.gather [hbm4b:s18+s0], $0x80, s5, s0, $0xb8;
	[tilespmem:$0x1EA50] =	vst v63  }
0x44: {  	s20 =	simm.s32 $0x68  }
0x45: {  	[tilespmem:s7], [sflag:$0x2] =	stream.indirect.gather [hbm4b:s18+s0], $0x80, s20, s0, $0xb8;
	[tilespmem:$0x1EA50] =	vst v63  }
0x46: {  	_ =	swait.ge [sflag:s8], $0x3200  }
0x47: {  	[sflag:s8] =	ssyncset.done $0x0  }
0x48: {  	s21 =	simm.s32 $0x1040;
	[sflag:s8] =	ssyncadd.s32 $0xFFFFCE00  }
0x49: {  	[spmem:s3] =	stream.indirect.scatter.add.f32 [tilespmem:s6], [sflag:$0x3], $0x80, s21, s0, $0xb8;
	[tilespmem:$0x1EA50] =	vst v63  }
0x4a: {  	_ =	swait.ge [sflag:s1], $0x3200  }
0x4b: {  	[sflag:s1] =	ssyncset.done $0x0  }
0x4c: {  	[sflag:s1] =	ssyncadd.s32 $0xFFFFCE00  }
0x4d: {  	[spmem:s4] =	stream.indirect.scatter.add.f32 [tilespmem:s31], [sflag:$0x3], $0x10, s21, s0, $0xb8;
	[tilespmem:$0x1EA50] =	vst v63  }
0x4e: {  	_ =	swait.ge [sflag:s1], $0x640  }
0x4f: {  	[sflag:s1] =	ssyncset.done $0x0  }
0x50: {  	s22 =	simm.s32 $0xD0;
	[sflag:s1] =	ssyncadd.s32 $0xFFFFF9C0  }
0x51: {  	[tilespmem:s6], [sflag:$0x1] =	stream.indirect.gather [hbm4b:s18+s0], $0x80, s22, s0, $0xb8;
	[tilespmem:$0x1EA50] =	vst v63  }
0x52: {  	_ =	swait.ge [sflag:s9], $0x3200  }
0x53: {  	[sflag:s9] =	ssyncset.done $0x0  }
0x54: {  	s23 =	simm.s32 $0x10A8;
	[sflag:s9] =	ssyncadd.s32 $0xFFFFCE00  }
0x55: {  	[spmem:s3] =	stream.indirect.scatter.add.f32 [tilespmem:s7], [sflag:$0x3], $0x80, s23, s0, $0xb8;
	[tilespmem:$0x1EA50] =	vst v63  }
0x56: {  	_ =	swait.ge [sflag:s1], $0x3200  }
0x57: {  	[sflag:s1] =	ssyncset.done $0x0  }
0x58: {  	[sflag:s1] =	ssyncadd.s32 $0xFFFFCE00  }
0x59: {  	[spmem:s4] =	stream.indirect.scatter.add.f32 [tilespmem:s31], [sflag:$0x3], $0x10, s23, s0, $0xb8;
	[tilespmem:$0x1EA50] =	vst v63  }
0x5a: {  	_ =	swait.ge [sflag:s1], $0x640  }
0x5b: {  	s17 =	simm.s32 $0xD0;
	s20 =	simm.s32 $0x680;
	[sflag:s1] =	ssyncset.done $0x0  }
.LBB2_2:
0x5c: {  	s21 =	sadd.s32 $0x68, s17  }
0x5d: {  	[sflag:s1] =	ssyncadd.s32 $0xFFFFF9C0;
	s22 =	smov.u32 s20;
	s23 =	sadd.s32 $0x340, s20  }
0x5e: {  	[tilespmem:s7], [sflag:$0x2] =	stream.indirect.gather [hbm4b:s18+s0], $0x80, s21, s0, $0xb8;
	[tilespmem:$0x1EA50] =	vst v63  }
0x5f: {  	p1 =	sne.s32 s20, $0x3A80;
	_ =	swait.ge [sflag:s8], $0x3200  }
0x60: {  	[sflag:s8] =	ssyncset.done $0x0  }
0x61: {  	s20 =	sadd.s32 $0x1040, s17;
	[sflag:s8] =	ssyncadd.s32 $0xFFFFCE00  }
0x62: {  	[spmem:s3] =	stream.indirect.scatter.add.f32 [tilespmem:s6], [sflag:$0x3], $0x80, s20, s0, $0xb8;
	[tilespmem:$0x1EA50] =	vst v63  }
0x63: {  	_ =	swait.ge [sflag:s1], $0x3200  }
0x64: {  	[sflag:s1] =	ssyncset.done $0x0  }
0x65: {  	[sflag:s1] =	ssyncadd.s32 $0xFFFFCE00  }
0x66: {  	[spmem:s4] =	stream.indirect.scatter.add.f32 [tilespmem:s31], [sflag:$0x3], $0x10, s20, s0, $0xb8;
	[tilespmem:$0x1EA50] =	vst v63  }
0x67: {  	_ =	swait.ge [sflag:s1], $0x640  }
0x68: {  	[sflag:s1] =	ssyncset.done $0x0  }
0x69: {  	s20 =	sadd.s32 $0xD0, s17;
	[sflag:s1] =	ssyncadd.s32 $0xFFFFF9C0  }
0x6a: {  	[tilespmem:s6], [sflag:$0x1] =	stream.indirect.gather [hbm4b:s18+s0], $0x80, s20, s0, $0xb8;
	[tilespmem:$0x1EA50] =	vst v63  }
0x6b: {  	_ =	swait.ge [sflag:s9], $0x3200  }
0x6c: {  	[sflag:s9] =	ssyncset.done $0x0  }
0x6d: {  	s17 =	sadd.s32 $0x10A8, s17;
	[sflag:s9] =	ssyncadd.s32 $0xFFFFCE00  }
0x6e: {  	[spmem:s3] =	stream.indirect.scatter.add.f32 [tilespmem:s7], [sflag:$0x3], $0x80, s17, s0, $0xb8;
	[tilespmem:$0x1EA50] =	vst v63  }
0x6f: {  	_ =	swait.ge [sflag:s1], $0x3200  }
.Ltmp0:
0x70: {  	[sflag:s1] =	ssyncset.done $0x0;
	(pc) =	sbr.rel @p1 .LBB2_2-.Ltmp0, $4  }
0x71: {  	[sflag:s1] =	ssyncadd.s32 $0xFFFFCE00  }
0x72: {  	[spmem:s4] =	stream.indirect.scatter.add.f32 [tilespmem:s31], [sflag:$0x3], $0x10, s17, s0, $0xb8;
	[tilespmem:$0x1EA50] =	vst v63  }
0x73: {  	_ =	swait.ge [sflag:s1], $0x640  }
0x74: {  	s20 =	smov.u32 s23;
	s17 =	sshra.s32 s22, $0x2;
	[sflag:s1] =	ssyncset.done $0x0  }
0x75: {  	s20 =	sadd.s32 $0x68, s17;
	[sflag:s1] =	ssyncadd.s32 $0xFFFFF9C0  }
0x76: {  	[tilespmem:s7], [sflag:$0x2] =	stream.indirect.gather [hbm4b:s18+s0], $0x80, s20, s0, $0xb8;
	[tilespmem:$0x1EA50] =	vst v63  }
0x77: {  	_ =	swait.ge [sflag:s8], $0x3200  }
0x78: {  	[sflag:s8] =	ssyncset.done $0x0  }
0x79: {  	s22 =	sadd.s32 $0x1040, s17;
	[sflag:s8] =	ssyncadd.s32 $0xFFFFCE00  }
0x7a: {  	[spmem:s3] =	stream.indirect.scatter.add.f32 [tilespmem:s6], [sflag:$0x3], $0x80, s22, s0, $0xb8;
	[tilespmem:$0x1EA50] =	vst v63  }
0x7b: {  	_ =	swait.ge [sflag:s1], $0x3200  }
0x7c: {  	[sflag:s1] =	ssyncset.done $0x0  }
0x7d: {  	[sflag:s1] =	ssyncadd.s32 $0xFFFFCE00  }
0x7e: {  	[spmem:s4] =	stream.indirect.scatter.add.f32 [tilespmem:s31], [sflag:$0x3], $0x10, s22, s0, $0xb8;
	[tilespmem:$0x1EA50] =	vst v63  }
0x7f: {  	_ =	swait.ge [sflag:s1], $0x640  }
0x80: {  	[sflag:s1] =	ssyncset.done $0x0  }
0x81: {  	s23 =	sadd.s32 $0xD0, s17;
	[sflag:s1] =	ssyncadd.s32 $0xFFFFF9C0  }
0x82: {  	[tilespmem:s6], [sflag:$0x1] =	stream.indirect.gather [hbm4b:s18+s0], $0x80, s23, s0, $0xb8;
	[tilespmem:$0x1EA50] =	vst v63  }
0x83: {  	_ =	swait.ge [sflag:s9], $0x3200  }
0x84: {  	[sflag:s9] =	ssyncset.done $0x0  }
0x85: {  	s20 =	sadd.s32 $0x10A8, s17;
	[sflag:s9] =	ssyncadd.s32 $0xFFFFCE00  }
0x86: {  	[spmem:s3] =	stream.indirect.scatter.add.f32 [tilespmem:s7], [sflag:$0x3], $0x80, s20, s0, $0xb8;
	[tilespmem:$0x1EA50] =	vst v63  }
0x87: {  	_ =	swait.ge [sflag:s1], $0x3200  }
0x88: {  	[sflag:s1] =	ssyncset.done $0x0  }
0x89: {  	[sflag:s1] =	ssyncadd.s32 $0xFFFFCE00  }
0x8a: {  	[spmem:s4] =	stream.indirect.scatter.add.f32 [tilespmem:s31], [sflag:$0x3], $0x10, s20, s0, $0xb8;
	[tilespmem:$0x1EA50] =	vst v63  }
0x8b: {  	_ =	swait.ge [sflag:s1], $0x640  }
0x8c: {  	[sflag:s1] =	ssyncset.done $0x0  }
0x8d: {  	[sflag:s1] =	ssyncadd.s32 $0xFFFFF9C0  }
0x8e: {  	[tilespmem:s7], [sflag:$0x2] =	stream.indirect.gather [hbm4b:s18+s0], $0x80, s10, s0, $0xb8;
	[tilespmem:$0x1EA50] =	vst v63  }
0x8f: {  	_ =	swait.ge [sflag:s8], $0x3200  }
0x90: {  	[sflag:s8] =	ssyncset.done $0x0  }
0x91: {  	[sflag:s8] =	ssyncadd.s32 $0xFFFFCE00  }
0x92: {  	[spmem:s3] =	stream.indirect.scatter.add.f32 [tilespmem:s6], [sflag:$0x3], $0x80, s11, s0, $0xb8;
	[tilespmem:$0x1EA50] =	vst v63  }
0x93: {  	_ =	swait.ge [sflag:s1], $0x3200  }
0x94: {  	[sflag:s1] =	ssyncset.done $0x0  }
0x95: {  	[sflag:s1] =	ssyncadd.s32 $0xFFFFCE00  }
0x96: {  	[spmem:s4] =	stream.indirect.scatter.add.f32 [tilespmem:s31], [sflag:$0x3], $0x10, s11, s0, $0xb8;
	[tilespmem:$0x1EA50] =	vst v63  }
0x97: {  	_ =	swait.ge [sflag:s1], $0x640  }
0x98: {  	[sflag:s1] =	ssyncset.done $0x0  }
0x99: {  	[sflag:s1] =	ssyncadd.s32 $0xFFFFF9C0  }
0x9a: {  	_ =	swait.ge [sflag:s9], $0x3200  }
0x9b: {  	[sflag:s9] =	ssyncset.done $0x0  }
0x9c: {  	[sflag:s9] =	ssyncadd.s32 $0xFFFFCE00  }
0x9d: {  	[spmem:s3] =	stream.indirect.scatter.add.f32 [tilespmem:s7], [sflag:$0x3], $0x80, s12, s0, $0xb8;
	[tilespmem:$0x1EA50] =	vst v63  }
0x9e: {  	_ =	swait.ge [sflag:s1], $0x3200  }
0x9f: {  	[sflag:s1] =	ssyncset.done $0x0  }
0xa0: {  	[sflag:s1] =	ssyncadd.s32 $0xFFFFCE00  }
0xa1: {  	[spmem:s4] =	stream.indirect.scatter.add.f32 [tilespmem:s31], [sflag:$0x3], $0x10, s12, s0, $0xb8;
	[tilespmem:$0x1EA50] =	vst v63  }
0xa2: {  	_ =	swait.ge [sflag:s1], $0x640  }
0xa3: {  	[sflag:s1] =	ssyncset.done $0x0  }
0xa4: {  	s21 =	simm.s32 $0x0;
	s22 =	rddreg [dreg:$0x7];
	[sflag:s1] =	ssyncadd.s32 $0xFFFFF9C0  }
0xa5: {  	[tilespmem:s21], [sflag:$0x3] =	stream.linear.gather [hbm4b:s22+s21], $0x1040, $0x38;
	[tilespmem:$0x1EA50] =	vst v63  }
0xa6: {  	_ =	swait.ge [sflag:s1], $0x1040  }
0xa7: {  	[sflag:s1] =	ssyncset.done $0x0  }
0xa8: {  	s23 =	rddreg [dreg:$0x8];
	[sflag:s1] =	ssyncadd.s32 $0xFFFFEFC0  }
0xa9: {  	[tilespmem:s2], [sflag:$0x3] =	stream.linear.gather [hbm4b:s23+s21], $0x1040, $0x38;
	[tilespmem:$0x1EA50] =	vst v63  }
0xaa: {  	_ =	swait.ge [sflag:s1], $0x1040  }
0xab: {  	[sflag:s1] =	ssyncset.done $0x0  }
0xac: {  	[sflag:s1] =	ssyncadd.s32 $0xFFFFEFC0  }
0xad: {  	[tilespmem:s6], [sflag:$0x1] =	stream.indirect.gather [hbm4b:s18+s0], $0x80, s21, s0, $0xb8;
	[tilespmem:$0x1EA50] =	vst v63  }
0xae: {  	s20 =	simm.s32 $0x68  }
0xaf: {  	[tilespmem:s7], [sflag:$0x2] =	stream.indirect.gather [hbm4b:s18+s0], $0x80, s20, s0, $0xb8;
	[tilespmem:$0x1EA50] =	vst v63  }
0xb0: {  	_ =	swait.ge [sflag:s8], $0x3200  }
0xb1: {  	[sflag:s8] =	ssyncset.done $0x0  }
0xb2: {  	s21 =	simm.s32 $0x1040;
	[sflag:s8] =	ssyncadd.s32 $0xFFFFCE00  }
0xb3: {  	[spmem:s3] =	stream.indirect.scatter.add.f32 [tilespmem:s6], [sflag:$0x3], $0x80, s21, s0, $0xb8;
	[tilespmem:$0x1EA50] =	vst v63  }
0xb4: {  	_ =	swait.ge [sflag:s1], $0x3200  }
0xb5: {  	[sflag:s1] =	ssyncset.done $0x0  }
0xb6: {  	[sflag:s1] =	ssyncadd.s32 $0xFFFFCE00  }
0xb7: {  	[spmem:s4] =	stream.indirect.scatter.add.f32 [tilespmem:s31], [sflag:$0x3], $0x10, s21, s0, $0xb8;
	[tilespmem:$0x1EA50] =	vst v63  }
0xb8: {  	_ =	swait.ge [sflag:s1], $0x640  }
0xb9: {  	[sflag:s1] =	ssyncset.done $0x0  }
0xba: {  	s22 =	simm.s32 $0xD0;
	[sflag:s1] =	ssyncadd.s32 $0xFFFFF9C0  }
0xbb: {  	[tilespmem:s6], [sflag:$0x1] =	stream.indirect.gather [hbm4b:s18+s0], $0x80, s22, s0, $0xb8;
	[tilespmem:$0x1EA50] =	vst v63  }
0xbc: {  	_ =	swait.ge [sflag:s9], $0x3200  }
0xbd: {  	[sflag:s9] =	ssyncset.done $0x0  }
0xbe: {  	s23 =	simm.s32 $0x10A8;
	[sflag:s9] =	ssyncadd.s32 $0xFFFFCE00  }
0xbf: {  	[spmem:s3] =	stream.indirect.scatter.add.f32 [tilespmem:s7], [sflag:$0x3], $0x80, s23, s0, $0xb8;
	[tilespmem:$0x1EA50] =	vst v63  }
0xc0: {  	_ =	swait.ge [sflag:s1], $0x3200  }
0xc1: {  	[sflag:s1] =	ssyncset.done $0x0  }
0xc2: {  	[sflag:s1] =	ssyncadd.s32 $0xFFFFCE00  }
0xc3: {  	[spmem:s4] =	stream.indirect.scatter.add.f32 [tilespmem:s31], [sflag:$0x3], $0x10, s23, s0, $0xb8;
	[tilespmem:$0x1EA50] =	vst v63  }
0xc4: {  	_ =	swait.ge [sflag:s1], $0x640  }
0xc5: {  	s17 =	simm.s32 $0xD0;
	s20 =	simm.s32 $0x680;
	[sflag:s1] =	ssyncset.done $0x0  }
.LBB2_4:
0xc6: {  	s21 =	sadd.s32 $0x68, s17  }
0xc7: {  	[sflag:s1] =	ssyncadd.s32 $0xFFFFF9C0;
	s22 =	smov.u32 s20;
	s23 =	sadd.s32 $0x340, s20  }
0xc8: {  	[tilespmem:s7], [sflag:$0x2] =	stream.indirect.gather [hbm4b:s18+s0], $0x80, s21, s0, $0xb8;
	[tilespmem:$0x1EA50] =	vst v63  }
0xc9: {  	p1 =	sne.s32 s20, $0x3A80;
	_ =	swait.ge [sflag:s8], $0x3200  }
0xca: {  	[sflag:s8] =	ssyncset.done $0x0  }
0xcb: {  	s20 =	sadd.s32 $0x1040, s17;
	[sflag:s8] =	ssyncadd.s32 $0xFFFFCE00  }
0xcc: {  	[spmem:s3] =	stream.indirect.scatter.add.f32 [tilespmem:s6], [sflag:$0x3], $0x80, s20, s0, $0xb8;
	[tilespmem:$0x1EA50] =	vst v63  }
0xcd: {  	_ =	swait.ge [sflag:s1], $0x3200  }
0xce: {  	[sflag:s1] =	ssyncset.done $0x0  }
0xcf: {  	[sflag:s1] =	ssyncadd.s32 $0xFFFFCE00  }
0xd0: {  	[spmem:s4] =	stream.indirect.scatter.add.f32 [tilespmem:s31], [sflag:$0x3], $0x10, s20, s0, $0xb8;
	[tilespmem:$0x1EA50] =	vst v63  }
0xd1: {  	_ =	swait.ge [sflag:s1], $0x640  }
0xd2: {  	[sflag:s1] =	ssyncset.done $0x0  }
0xd3: {  	s20 =	sadd.s32 $0xD0, s17;
	[sflag:s1] =	ssyncadd.s32 $0xFFFFF9C0  }
0xd4: {  	[tilespmem:s6], [sflag:$0x1] =	stream.indirect.gather [hbm4b:s18+s0], $0x80, s20, s0, $0xb8;
	[tilespmem:$0x1EA50] =	vst v63  }
0xd5: {  	_ =	swait.ge [sflag:s9], $0x3200  }
0xd6: {  	[sflag:s9] =	ssyncset.done $0x0  }
0xd7: {  	s17 =	sadd.s32 $0x10A8, s17;
	[sflag:s9] =	ssyncadd.s32 $0xFFFFCE00  }
0xd8: {  	[spmem:s3] =	stream.indirect.scatter.add.f32 [tilespmem:s7], [sflag:$0x3], $0x80, s17, s0, $0xb8;
	[tilespmem:$0x1EA50] =	vst v63  }
0xd9: {  	_ =	swait.ge [sflag:s1], $0x3200  }
.Ltmp1:
0xda: {  	[sflag:s1] =	ssyncset.done $0x0;
	(pc) =	sbr.rel @p1 .LBB2_4-.Ltmp1, $4  }
0xdb: {  	[sflag:s1] =	ssyncadd.s32 $0xFFFFCE00  }
0xdc: {  	[spmem:s4] =	stream.indirect.scatter.add.f32 [tilespmem:s31], [sflag:$0x3], $0x10, s17, s0, $0xb8;
	[tilespmem:$0x1EA50] =	vst v63  }
0xdd: {  	_ =	swait.ge [sflag:s1], $0x640  }
0xde: {  	s20 =	smov.u32 s23;
	s17 =	sshra.s32 s22, $0x2;
	[sflag:s1] =	ssyncset.done $0x0  }
0xdf: {  	s20 =	sadd.s32 $0x68, s17;
	[sflag:s1] =	ssyncadd.s32 $0xFFFFF9C0  }
0xe0: {  	[tilespmem:s7], [sflag:$0x2] =	stream.indirect.gather [hbm4b:s18+s0], $0x80, s20, s0, $0xb8;
	[tilespmem:$0x1EA50] =	vst v63  }
0xe1: {  	_ =	swait.ge [sflag:s8], $0x3200  }
0xe2: {  	[sflag:s8] =	ssyncset.done $0x0  }
0xe3: {  	s22 =	sadd.s32 $0x1040, s17;
	[sflag:s8] =	ssyncadd.s32 $0xFFFFCE00  }
0xe4: {  	[spmem:s3] =	stream.indirect.scatter.add.f32 [tilespmem:s6], [sflag:$0x3], $0x80, s22, s0, $0xb8;
	[tilespmem:$0x1EA50] =	vst v63  }
0xe5: {  	_ =	swait.ge [sflag:s1], $0x3200  }
0xe6: {  	[sflag:s1] =	ssyncset.done $0x0  }
0xe7: {  	[sflag:s1] =	ssyncadd.s32 $0xFFFFCE00  }
0xe8: {  	[spmem:s4] =	stream.indirect.scatter.add.f32 [tilespmem:s31], [sflag:$0x3], $0x10, s22, s0, $0xb8;
	[tilespmem:$0x1EA50] =	vst v63  }
0xe9: {  	_ =	swait.ge [sflag:s1], $0x640  }
0xea: {  	[sflag:s1] =	ssyncset.done $0x0  }
0xeb: {  	s23 =	sadd.s32 $0xD0, s17;
	[sflag:s1] =	ssyncadd.s32 $0xFFFFF9C0  }
0xec: {  	[tilespmem:s6], [sflag:$0x1] =	stream.indirect.gather [hbm4b:s18+s0], $0x80, s23, s0, $0xb8;
	[tilespmem:$0x1EA50] =	vst v63  }
0xed: {  	_ =	swait.ge [sflag:s9], $0x3200  }
0xee: {  	[sflag:s9] =	ssyncset.done $0x0  }
0xef: {  	s20 =	sadd.s32 $0x10A8, s17;
	[sflag:s9] =	ssyncadd.s32 $0xFFFFCE00  }
0xf0: {  	[spmem:s3] =	stream.indirect.scatter.add.f32 [tilespmem:s7], [sflag:$0x3], $0x80, s20, s0, $0xb8;
	[tilespmem:$0x1EA50] =	vst v63  }
0xf1: {  	_ =	swait.ge [sflag:s1], $0x3200  }
0xf2: {  	[sflag:s1] =	ssyncset.done $0x0  }
0xf3: {  	[sflag:s1] =	ssyncadd.s32 $0xFFFFCE00  }
0xf4: {  	[spmem:s4] =	stream.indirect.scatter.add.f32 [tilespmem:s31], [sflag:$0x3], $0x10, s20, s0, $0xb8;
	[tilespmem:$0x1EA50] =	vst v63  }
0xf5: {  	_ =	swait.ge [sflag:s1], $0x640  }
0xf6: {  	[sflag:s1] =	ssyncset.done $0x0  }
0xf7: {  	[sflag:s1] =	ssyncadd.s32 $0xFFFFF9C0  }
0xf8: {  	[tilespmem:s7], [sflag:$0x2] =	stream.indirect.gather [hbm4b:s18+s0], $0x80, s10, s0, $0xb8;
	[tilespmem:$0x1EA50] =	vst v63  }
0xf9: {  	_ =	swait.ge [sflag:s8], $0x3200  }
0xfa: {  	[sflag:s8] =	ssyncset.done $0x0  }
0xfb: {  	[sflag:s8] =	ssyncadd.s32 $0xFFFFCE00  }
0xfc: {  	[spmem:s3] =	stream.indirect.scatter.add.f32 [tilespmem:s6], [sflag:$0x3], $0x80, s11, s0, $0xb8;
	[tilespmem:$0x1EA50] =	vst v63  }
0xfd: {  	_ =	swait.ge [sflag:s1], $0x3200  }
0xfe: {  	[sflag:s1] =	ssyncset.done $0x0  }
0xff: {  	[sflag:s1] =	ssyncadd.s32 $0xFFFFCE00  }
0x100: {  	[spmem:s4] =	stream.indirect.scatter.add.f32 [tilespmem:s31], [sflag:$0x3], $0x10, s11, s0, $0xb8;
	[tilespmem:$0x1EA50] =	vst v63  }
0x101: {  	_ =	swait.ge [sflag:s1], $0x640  }
0x102: {  	[sflag:s1] =	ssyncset.done $0x0  }
0x103: {  	[sflag:s1] =	ssyncadd.s32 $0xFFFFF9C0  }
0x104: {  	_ =	swait.ge [sflag:s9], $0x3200  }
0x105: {  	[sflag:s9] =	ssyncset.done $0x0  }
0x106: {  	[sflag:s9] =	ssyncadd.s32 $0xFFFFCE00  }
0x107: {  	[spmem:s3] =	stream.indirect.scatter.add.f32 [tilespmem:s7], [sflag:$0x3], $0x80, s12, s0, $0xb8;
	[tilespmem:$0x1EA50] =	vst v63  }
0x108: {  	_ =	swait.ge [sflag:s1], $0x3200  }
0x109: {  	[sflag:s1] =	ssyncset.done $0x0  }
0x10a: {  	[sflag:s1] =	ssyncadd.s32 $0xFFFFCE00  }
0x10b: {  	[spmem:s4] =	stream.indirect.scatter.add.f32 [tilespmem:s31], [sflag:$0x3], $0x10, s12, s0, $0xb8;
	[tilespmem:$0x1EA50] =	vst v63  }
0x10c: {  	_ =	swait.ge [sflag:s1], $0x640  }
0x10d: {  	[sflag:s1] =	ssyncset.done $0x0  }
0x10e: {  	s21 =	simm.s32 $0x0;
	s22 =	rddreg [dreg:$0x9];
	[sflag:s1] =	ssyncadd.s32 $0xFFFFF9C0  }
0x10f: {  	[tilespmem:s21], [sflag:$0x3] =	stream.linear.gather [hbm4b:s22+s21], $0x1040, $0x38;
	[tilespmem:$0x1EA50] =	vst v63  }
0x110: {  	_ =	swait.ge [sflag:s1], $0x1040  }
0x111: {  	[sflag:s1] =	ssyncset.done $0x0  }
0x112: {  	s23 =	rddreg [dreg:$0xa];
	[sflag:s1] =	ssyncadd.s32 $0xFFFFEFC0  }
0x113: {  	[tilespmem:s2], [sflag:$0x3] =	stream.linear.gather [hbm4b:s23+s21], $0x1040, $0x38;
	[tilespmem:$0x1EA50] =	vst v63  }
0x114: {  	_ =	swait.ge [sflag:s1], $0x1040  }
0x115: {  	[sflag:s1] =	ssyncset.done $0x0  }
0x116: {  	[sflag:s1] =	ssyncadd.s32 $0xFFFFEFC0  }
0x117: {  	[tilespmem:s6], [sflag:$0x1] =	stream.indirect.gather [hbm4b:s18+s0], $0x80, s21, s0, $0xb8;
	[tilespmem:$0x1EA50] =	vst v63  }
0x118: {  	s20 =	simm.s32 $0x68  }
0x119: {  	[tilespmem:s7], [sflag:$0x2] =	stream.indirect.gather [hbm4b:s18+s0], $0x80, s20, s0, $0xb8;
	[tilespmem:$0x1EA50] =	vst v63  }
0x11a: {  	_ =	swait.ge [sflag:s8], $0x3200  }
0x11b: {  	[sflag:s8] =	ssyncset.done $0x0  }
0x11c: {  	s21 =	simm.s32 $0x1040;
	[sflag:s8] =	ssyncadd.s32 $0xFFFFCE00  }
0x11d: {  	[spmem:s3] =	stream.indirect.scatter.add.f32 [tilespmem:s6], [sflag:$0x3], $0x80, s21, s0, $0xb8;
	[tilespmem:$0x1EA50] =	vst v63  }
0x11e: {  	_ =	swait.ge [sflag:s1], $0x3200  }
0x11f: {  	[sflag:s1] =	ssyncset.done $0x0  }
0x120: {  	[sflag:s1] =	ssyncadd.s32 $0xFFFFCE00  }
0x121: {  	[spmem:s4] =	stream.indirect.scatter.add.f32 [tilespmem:s31], [sflag:$0x3], $0x10, s21, s0, $0xb8;
	[tilespmem:$0x1EA50] =	vst v63  }
0x122: {  	_ =	swait.ge [sflag:s1], $0x640  }
0x123: {  	[sflag:s1] =	ssyncset.done $0x0  }
0x124: {  	s22 =	simm.s32 $0xD0;
	[sflag:s1] =	ssyncadd.s32 $0xFFFFF9C0  }
0x125: {  	[tilespmem:s6], [sflag:$0x1] =	stream.indirect.gather [hbm4b:s18+s0], $0x80, s22, s0, $0xb8;
	[tilespmem:$0x1EA50] =	vst v63  }
0x126: {  	_ =	swait.ge [sflag:s9], $0x3200  }
0x127: {  	[sflag:s9] =	ssyncset.done $0x0  }
0x128: {  	s23 =	simm.s32 $0x10A8;
	[sflag:s9] =	ssyncadd.s32 $0xFFFFCE00  }
0x129: {  	[spmem:s3] =	stream.indirect.scatter.add.f32 [tilespmem:s7], [sflag:$0x3], $0x80, s23, s0, $0xb8;
	[tilespmem:$0x1EA50] =	vst v63  }
0x12a: {  	_ =	swait.ge [sflag:s1], $0x3200  }
0x12b: {  	[sflag:s1] =	ssyncset.done $0x0  }
0x12c: {  	[sflag:s1] =	ssyncadd.s32 $0xFFFFCE00  }
0x12d: {  	[spmem:s4] =	stream.indirect.scatter.add.f32 [tilespmem:s31], [sflag:$0x3], $0x10, s23, s0, $0xb8;
	[tilespmem:$0x1EA50] =	vst v63  }
0x12e: {  	_ =	swait.ge [sflag:s1], $0x640  }
0x12f: {  	s17 =	simm.s32 $0xD0;
	s20 =	simm.s32 $0x680;
	[sflag:s1] =	ssyncset.done $0x0  }
.LBB2_6:
0x130: {  	s21 =	sadd.s32 $0x68, s17  }
0x131: {  	[sflag:s1] =	ssyncadd.s32 $0xFFFFF9C0;
	s22 =	smov.u32 s20;
	s23 =	sadd.s32 $0x340, s20  }
0x132: {  	[tilespmem:s7], [sflag:$0x2] =	stream.indirect.gather [hbm4b:s18+s0], $0x80, s21, s0, $0xb8;
	[tilespmem:$0x1EA50] =	vst v63  }
0x133: {  	p1 =	sne.s32 s20, $0x3A80;
	_ =	swait.ge [sflag:s8], $0x3200  }
0x134: {  	[sflag:s8] =	ssyncset.done $0x0  }
0x135: {  	s20 =	sadd.s32 $0x1040, s17;
	[sflag:s8] =	ssyncadd.s32 $0xFFFFCE00  }
0x136: {  	[spmem:s3] =	stream.indirect.scatter.add.f32 [tilespmem:s6], [sflag:$0x3], $0x80, s20, s0, $0xb8;
	[tilespmem:$0x1EA50] =	vst v63  }
0x137: {  	_ =	swait.ge [sflag:s1], $0x3200  }
0x138: {  	[sflag:s1] =	ssyncset.done $0x0  }
0x139: {  	[sflag:s1] =	ssyncadd.s32 $0xFFFFCE00  }
0x13a: {  	[spmem:s4] =	stream.indirect.scatter.add.f32 [tilespmem:s31], [sflag:$0x3], $0x10, s20, s0, $0xb8;
	[tilespmem:$0x1EA50] =	vst v63  }
0x13b: {  	_ =	swait.ge [sflag:s1], $0x640  }
0x13c: {  	[sflag:s1] =	ssyncset.done $0x0  }
0x13d: {  	s20 =	sadd.s32 $0xD0, s17;
	[sflag:s1] =	ssyncadd.s32 $0xFFFFF9C0  }
0x13e: {  	[tilespmem:s6], [sflag:$0x1] =	stream.indirect.gather [hbm4b:s18+s0], $0x80, s20, s0, $0xb8;
	[tilespmem:$0x1EA50] =	vst v63  }
0x13f: {  	_ =	swait.ge [sflag:s9], $0x3200  }
0x140: {  	[sflag:s9] =	ssyncset.done $0x0  }
0x141: {  	s17 =	sadd.s32 $0x10A8, s17;
	[sflag:s9] =	ssyncadd.s32 $0xFFFFCE00  }
0x142: {  	[spmem:s3] =	stream.indirect.scatter.add.f32 [tilespmem:s7], [sflag:$0x3], $0x80, s17, s0, $0xb8;
	[tilespmem:$0x1EA50] =	vst v63  }
0x143: {  	_ =	swait.ge [sflag:s1], $0x3200  }
.Ltmp2:
0x144: {  	[sflag:s1] =	ssyncset.done $0x0;
	(pc) =	sbr.rel @p1 .LBB2_6-.Ltmp2, $4  }
0x145: {  	[sflag:s1] =	ssyncadd.s32 $0xFFFFCE00  }
0x146: {  	[spmem:s4] =	stream.indirect.scatter.add.f32 [tilespmem:s31], [sflag:$0x3], $0x10, s17, s0, $0xb8;
	[tilespmem:$0x1EA50] =	vst v63  }
0x147: {  	_ =	swait.ge [sflag:s1], $0x640  }
0x148: {  	s20 =	smov.u32 s23;
	s17 =	sshra.s32 s22, $0x2;
	[sflag:s1] =	ssyncset.done $0x0  }
0x149: {  	s20 =	sadd.s32 $0x68, s17;
	[sflag:s1] =	ssyncadd.s32 $0xFFFFF9C0  }
0x14a: {  	[tilespmem:s7], [sflag:$0x2] =	stream.indirect.gather [hbm4b:s18+s0], $0x80, s20, s0, $0xb8;
	[tilespmem:$0x1EA50] =	vst v63  }
0x14b: {  	_ =	swait.ge [sflag:s8], $0x3200  }
0x14c: {  	[sflag:s8] =	ssyncset.done $0x0  }
0x14d: {  	s22 =	sadd.s32 $0x1040, s17;
	[sflag:s8] =	ssyncadd.s32 $0xFFFFCE00  }
0x14e: {  	[spmem:s3] =	stream.indirect.scatter.add.f32 [tilespmem:s6], [sflag:$0x3], $0x80, s22, s0, $0xb8;
	[tilespmem:$0x1EA50] =	vst v63  }
0x14f: {  	_ =	swait.ge [sflag:s1], $0x3200  }
0x150: {  	[sflag:s1] =	ssyncset.done $0x0  }
0x151: {  	[sflag:s1] =	ssyncadd.s32 $0xFFFFCE00  }
0x152: {  	[spmem:s4] =	stream.indirect.scatter.add.f32 [tilespmem:s31], [sflag:$0x3], $0x10, s22, s0, $0xb8;
	[tilespmem:$0x1EA50] =	vst v63  }
0x153: {  	_ =	swait.ge [sflag:s1], $0x640  }
0x154: {  	[sflag:s1] =	ssyncset.done $0x0  }
0x155: {  	s23 =	sadd.s32 $0xD0, s17;
	[sflag:s1] =	ssyncadd.s32 $0xFFFFF9C0  }
0x156: {  	[tilespmem:s6], [sflag:$0x1] =	stream.indirect.gather [hbm4b:s18+s0], $0x80, s23, s0, $0xb8;
	[tilespmem:$0x1EA50] =	vst v63  }
0x157: {  	_ =	swait.ge [sflag:s9], $0x3200  }
0x158: {  	[sflag:s9] =	ssyncset.done $0x0  }
0x159: {  	s20 =	sadd.s32 $0x10A8, s17;
	[sflag:s9] =	ssyncadd.s32 $0xFFFFCE00  }
0x15a: {  	[spmem:s3] =	stream.indirect.scatter.add.f32 [tilespmem:s7], [sflag:$0x3], $0x80, s20, s0, $0xb8;
	[tilespmem:$0x1EA50] =	vst v63  }
0x15b: {  	_ =	swait.ge [sflag:s1], $0x3200  }
0x15c: {  	[sflag:s1] =	ssyncset.done $0x0  }
0x15d: {  	[sflag:s1] =	ssyncadd.s32 $0xFFFFCE00  }
0x15e: {  	[spmem:s4] =	stream.indirect.scatter.add.f32 [tilespmem:s31], [sflag:$0x3], $0x10, s20, s0, $0xb8;
	[tilespmem:$0x1EA50] =	vst v63  }
0x15f: {  	_ =	swait.ge [sflag:s1], $0x640  }
0x160: {  	[sflag:s1] =	ssyncset.done $0x0  }
0x161: {  	[sflag:s1] =	ssyncadd.s32 $0xFFFFF9C0  }
0x162: {  	[tilespmem:s7], [sflag:$0x2] =	stream.indirect.gather [hbm4b:s18+s0], $0x80, s10, s0, $0xb8;
	[tilespmem:$0x1EA50] =	vst v63  }
0x163: {  	_ =	swait.ge [sflag:s8], $0x3200  }
0x164: {  	[sflag:s8] =	ssyncset.done $0x0  }
0x165: {  	[sflag:s8] =	ssyncadd.s32 $0xFFFFCE00  }
0x166: {  	[spmem:s3] =	stream.indirect.scatter.add.f32 [tilespmem:s6], [sflag:$0x3], $0x80, s11, s0, $0xb8;
	[tilespmem:$0x1EA50] =	vst v63  }
0x167: {  	_ =	swait.ge [sflag:s1], $0x3200  }
0x168: {  	[sflag:s1] =	ssyncset.done $0x0  }
0x169: {  	[sflag:s1] =	ssyncadd.s32 $0xFFFFCE00  }
0x16a: {  	[spmem:s4] =	stream.indirect.scatter.add.f32 [tilespmem:s31], [sflag:$0x3], $0x10, s11, s0, $0xb8;
	[tilespmem:$0x1EA50] =	vst v63  }
0x16b: {  	_ =	swait.ge [sflag:s1], $0x640  }
0x16c: {  	[sflag:s1] =	ssyncset.done $0x0  }
0x16d: {  	[sflag:s1] =	ssyncadd.s32 $0xFFFFF9C0  }
0x16e: {  	_ =	swait.ge [sflag:s9], $0x3200  }
0x16f: {  	[sflag:s9] =	ssyncset.done $0x0  }
0x170: {  	[sflag:s9] =	ssyncadd.s32 $0xFFFFCE00  }
0x171: {  	[spmem:s3] =	stream.indirect.scatter.add.f32 [tilespmem:s7], [sflag:$0x3], $0x80, s12, s0, $0xb8;
	[tilespmem:$0x1EA50] =	vst v63  }
0x172: {  	_ =	swait.ge [sflag:s1], $0x3200  }
0x173: {  	[sflag:s1] =	ssyncset.done $0x0  }
0x174: {  	[sflag:s1] =	ssyncadd.s32 $0xFFFFCE00  }
0x175: {  	[spmem:s4] =	stream.indirect.scatter.add.f32 [tilespmem:s31], [sflag:$0x3], $0x10, s12, s0, $0xb8;
	[tilespmem:$0x1EA50] =	vst v63  }
0x176: {  	_ =	swait.ge [sflag:s1], $0x640  }
0x177: {  	[sflag:s1] =	ssyncset.done $0x0  }
0x178: {  	s21 =	simm.s32 $0x0;
	s22 =	rddreg [dreg:$0xb];
	[sflag:s1] =	ssyncadd.s32 $0xFFFFF9C0  }
0x179: {  	[tilespmem:s21], [sflag:$0x3] =	stream.linear.gather [hbm4b:s22+s21], $0x1040, $0x38;
	[tilespmem:$0x1EA50] =	vst v63  }
0x17a: {  	_ =	swait.ge [sflag:s1], $0x1040  }
0x17b: {  	[sflag:s1] =	ssyncset.done $0x0  }
0x17c: {  	s23 =	rddreg [dreg:$0xc];
	[sflag:s1] =	ssyncadd.s32 $0xFFFFEFC0  }
0x17d: {  	[tilespmem:s2], [sflag:$0x3] =	stream.linear.gather [hbm4b:s23+s21], $0x1040, $0x38;
	[tilespmem:$0x1EA50] =	vst v63  }
0x17e: {  	_ =	swait.ge [sflag:s1], $0x1040  }
0x17f: {  	[sflag:s1] =	ssyncset.done $0x0  }
0x180: {  	[sflag:s1] =	ssyncadd.s32 $0xFFFFEFC0  }
0x181: {  	[tilespmem:s6], [sflag:$0x1] =	stream.indirect.gather [hbm4b:s18+s0], $0x80, s21, s0, $0xb8;
	[tilespmem:$0x1EA50] =	vst v63  }
0x182: {  	s20 =	simm.s32 $0x68  }
0x183: {  	[tilespmem:s7], [sflag:$0x2] =	stream.indirect.gather [hbm4b:s18+s0], $0x80, s20, s0, $0xb8;
	[tilespmem:$0x1EA50] =	vst v63  }
0x184: {  	_ =	swait.ge [sflag:s8], $0x3200  }
0x185: {  	[sflag:s8] =	ssyncset.done $0x0  }
0x186: {  	s21 =	simm.s32 $0x1040;
	[sflag:s8] =	ssyncadd.s32 $0xFFFFCE00  }
0x187: {  	[spmem:s3] =	stream.indirect.scatter.add.f32 [tilespmem:s6], [sflag:$0x3], $0x80, s21, s0, $0xb8;
	[tilespmem:$0x1EA50] =	vst v63  }
0x188: {  	_ =	swait.ge [sflag:s1], $0x3200  }
0x189: {  	[sflag:s1] =	ssyncset.done $0x0  }
0x18a: {  	[sflag:s1] =	ssyncadd.s32 $0xFFFFCE00  }
0x18b: {  	[spmem:s4] =	stream.indirect.scatter.add.f32 [tilespmem:s31], [sflag:$0x3], $0x10, s21, s0, $0xb8;
	[tilespmem:$0x1EA50] =	vst v63  }
0x18c: {  	_ =	swait.ge [sflag:s1], $0x640  }
0x18d: {  	[sflag:s1] =	ssyncset.done $0x0  }
0x18e: {  	s22 =	simm.s32 $0xD0;
	[sflag:s1] =	ssyncadd.s32 $0xFFFFF9C0  }
0x18f: {  	[tilespmem:s6], [sflag:$0x1] =	stream.indirect.gather [hbm4b:s18+s0], $0x80, s22, s0, $0xb8;
	[tilespmem:$0x1EA50] =	vst v63  }
0x190: {  	_ =	swait.ge [sflag:s9], $0x3200  }
0x191: {  	[sflag:s9] =	ssyncset.done $0x0  }
0x192: {  	s23 =	simm.s32 $0x10A8;
	[sflag:s9] =	ssyncadd.s32 $0xFFFFCE00  }
0x193: {  	[spmem:s3] =	stream.indirect.scatter.add.f32 [tilespmem:s7], [sflag:$0x3], $0x80, s23, s0, $0xb8;
	[tilespmem:$0x1EA50] =	vst v63  }
0x194: {  	_ =	swait.ge [sflag:s1], $0x3200  }
0x195: {  	[sflag:s1] =	ssyncset.done $0x0  }
0x196: {  	[sflag:s1] =	ssyncadd.s32 $0xFFFFCE00  }
0x197: {  	[spmem:s4] =	stream.indirect.scatter.add.f32 [tilespmem:s31], [sflag:$0x3], $0x10, s23, s0, $0xb8;
	[tilespmem:$0x1EA50] =	vst v63  }
0x198: {  	_ =	swait.ge [sflag:s1], $0x640  }
0x199: {  	s17 =	simm.s32 $0xD0;
	s20 =	simm.s32 $0x680;
	[sflag:s1] =	ssyncset.done $0x0  }
.LBB2_8:
0x19a: {  	s21 =	sadd.s32 $0x68, s17  }
0x19b: {  	[sflag:s1] =	ssyncadd.s32 $0xFFFFF9C0;
	s22 =	smov.u32 s20;
	s23 =	sadd.s32 $0x340, s20  }
0x19c: {  	[tilespmem:s7], [sflag:$0x2] =	stream.indirect.gather [hbm4b:s18+s0], $0x80, s21, s0, $0xb8;
	[tilespmem:$0x1EA50] =	vst v63  }
0x19d: {  	p1 =	sne.s32 s20, $0x3A80;
	_ =	swait.ge [sflag:s8], $0x3200  }
0x19e: {  	[sflag:s8] =	ssyncset.done $0x0  }
0x19f: {  	s20 =	sadd.s32 $0x1040, s17;
	[sflag:s8] =	ssyncadd.s32 $0xFFFFCE00  }
0x1a0: {  	[spmem:s3] =	stream.indirect.scatter.add.f32 [tilespmem:s6], [sflag:$0x3], $0x80, s20, s0, $0xb8;
	[tilespmem:$0x1EA50] =	vst v63  }
0x1a1: {  	_ =	swait.ge [sflag:s1], $0x3200  }
0x1a2: {  	[sflag:s1] =	ssyncset.done $0x0  }
0x1a3: {  	[sflag:s1] =	ssyncadd.s32 $0xFFFFCE00  }
0x1a4: {  	[spmem:s4] =	stream.indirect.scatter.add.f32 [tilespmem:s31], [sflag:$0x3], $0x10, s20, s0, $0xb8;
	[tilespmem:$0x1EA50] =	vst v63  }
0x1a5: {  	_ =	swait.ge [sflag:s1], $0x640  }
0x1a6: {  	[sflag:s1] =	ssyncset.done $0x0  }
0x1a7: {  	s20 =	sadd.s32 $0xD0, s17;
	[sflag:s1] =	ssyncadd.s32 $0xFFFFF9C0  }
0x1a8: {  	[tilespmem:s6], [sflag:$0x1] =	stream.indirect.gather [hbm4b:s18+s0], $0x80, s20, s0, $0xb8;
	[tilespmem:$0x1EA50] =	vst v63  }
0x1a9: {  	_ =	swait.ge [sflag:s9], $0x3200  }
0x1aa: {  	[sflag:s9] =	ssyncset.done $0x0  }
0x1ab: {  	s17 =	sadd.s32 $0x10A8, s17;
	[sflag:s9] =	ssyncadd.s32 $0xFFFFCE00  }
0x1ac: {  	[spmem:s3] =	stream.indirect.scatter.add.f32 [tilespmem:s7], [sflag:$0x3], $0x80, s17, s0, $0xb8;
	[tilespmem:$0x1EA50] =	vst v63  }
0x1ad: {  	_ =	swait.ge [sflag:s1], $0x3200  }
.Ltmp3:
0x1ae: {  	[sflag:s1] =	ssyncset.done $0x0;
	(pc) =	sbr.rel @p1 .LBB2_8-.Ltmp3, $4  }
0x1af: {  	[sflag:s1] =	ssyncadd.s32 $0xFFFFCE00  }
0x1b0: {  	[spmem:s4] =	stream.indirect.scatter.add.f32 [tilespmem:s31], [sflag:$0x3], $0x10, s17, s0, $0xb8;
	[tilespmem:$0x1EA50] =	vst v63  }
0x1b1: {  	_ =	swait.ge [sflag:s1], $0x640  }
0x1b2: {  	s20 =	smov.u32 s23;
	s17 =	sshra.s32 s22, $0x2;
	[sflag:s1] =	ssyncset.done $0x0  }
0x1b3: {  	s20 =	sadd.s32 $0x68, s17;
	[sflag:s1] =	ssyncadd.s32 $0xFFFFF9C0  }
0x1b4: {  	[tilespmem:s7], [sflag:$0x2] =	stream.indirect.gather [hbm4b:s18+s0], $0x80, s20, s0, $0xb8;
	[tilespmem:$0x1EA50] =	vst v63  }
0x1b5: {  	_ =	swait.ge [sflag:s8], $0x3200  }
0x1b6: {  	[sflag:s8] =	ssyncset.done $0x0  }
0x1b7: {  	s22 =	sadd.s32 $0x1040, s17;
	[sflag:s8] =	ssyncadd.s32 $0xFFFFCE00  }
0x1b8: {  	[spmem:s3] =	stream.indirect.scatter.add.f32 [tilespmem:s6], [sflag:$0x3], $0x80, s22, s0, $0xb8;
	[tilespmem:$0x1EA50] =	vst v63  }
0x1b9: {  	_ =	swait.ge [sflag:s1], $0x3200  }
0x1ba: {  	[sflag:s1] =	ssyncset.done $0x0  }
0x1bb: {  	[sflag:s1] =	ssyncadd.s32 $0xFFFFCE00  }
0x1bc: {  	[spmem:s4] =	stream.indirect.scatter.add.f32 [tilespmem:s31], [sflag:$0x3], $0x10, s22, s0, $0xb8;
	[tilespmem:$0x1EA50] =	vst v63  }
0x1bd: {  	_ =	swait.ge [sflag:s1], $0x640  }
0x1be: {  	[sflag:s1] =	ssyncset.done $0x0  }
0x1bf: {  	s23 =	sadd.s32 $0xD0, s17;
	[sflag:s1] =	ssyncadd.s32 $0xFFFFF9C0  }
0x1c0: {  	[tilespmem:s6], [sflag:$0x1] =	stream.indirect.gather [hbm4b:s18+s0], $0x80, s23, s0, $0xb8;
	[tilespmem:$0x1EA50] =	vst v63  }
0x1c1: {  	_ =	swait.ge [sflag:s9], $0x3200  }
0x1c2: {  	[sflag:s9] =	ssyncset.done $0x0  }
0x1c3: {  	s20 =	sadd.s32 $0x10A8, s17;
	[sflag:s9] =	ssyncadd.s32 $0xFFFFCE00  }
0x1c4: {  	[spmem:s3] =	stream.indirect.scatter.add.f32 [tilespmem:s7], [sflag:$0x3], $0x80, s20, s0, $0xb8;
	[tilespmem:$0x1EA50] =	vst v63  }
0x1c5: {  	_ =	swait.ge [sflag:s1], $0x3200  }
0x1c6: {  	[sflag:s1] =	ssyncset.done $0x0  }
0x1c7: {  	[sflag:s1] =	ssyncadd.s32 $0xFFFFCE00  }
0x1c8: {  	[spmem:s4] =	stream.indirect.scatter.add.f32 [tilespmem:s31], [sflag:$0x3], $0x10, s20, s0, $0xb8;
	[tilespmem:$0x1EA50] =	vst v63  }
0x1c9: {  	_ =	swait.ge [sflag:s1], $0x640  }
0x1ca: {  	[sflag:s1] =	ssyncset.done $0x0  }
0x1cb: {  	[sflag:s1] =	ssyncadd.s32 $0xFFFFF9C0  }
0x1cc: {  	[tilespmem:s7], [sflag:$0x2] =	stream.indirect.gather [hbm4b:s18+s0], $0x80, s10, s0, $0xb8;
	[tilespmem:$0x1EA50] =	vst v63  }
0x1cd: {  	_ =	swait.ge [sflag:s8], $0x3200  }
0x1ce: {  	[sflag:s8] =	ssyncset.done $0x0  }
0x1cf: {  	[sflag:s8] =	ssyncadd.s32 $0xFFFFCE00  }
0x1d0: {  	[spmem:s3] =	stream.indirect.scatter.add.f32 [tilespmem:s6], [sflag:$0x3], $0x80, s11, s0, $0xb8;
	[tilespmem:$0x1EA50] =	vst v63  }
0x1d1: {  	_ =	swait.ge [sflag:s1], $0x3200  }
0x1d2: {  	[sflag:s1] =	ssyncset.done $0x0  }
0x1d3: {  	[sflag:s1] =	ssyncadd.s32 $0xFFFFCE00  }
0x1d4: {  	[spmem:s4] =	stream.indirect.scatter.add.f32 [tilespmem:s31], [sflag:$0x3], $0x10, s11, s0, $0xb8;
	[tilespmem:$0x1EA50] =	vst v63  }
0x1d5: {  	_ =	swait.ge [sflag:s1], $0x640  }
0x1d6: {  	[sflag:s1] =	ssyncset.done $0x0  }
0x1d7: {  	[sflag:s1] =	ssyncadd.s32 $0xFFFFF9C0  }
0x1d8: {  	_ =	swait.ge [sflag:s9], $0x3200  }
0x1d9: {  	[sflag:s9] =	ssyncset.done $0x0  }
0x1da: {  	[sflag:s9] =	ssyncadd.s32 $0xFFFFCE00  }
0x1db: {  	[spmem:s3] =	stream.indirect.scatter.add.f32 [tilespmem:s7], [sflag:$0x3], $0x80, s12, s0, $0xb8;
	[tilespmem:$0x1EA50] =	vst v63  }
0x1dc: {  	_ =	swait.ge [sflag:s1], $0x3200  }
0x1dd: {  	[sflag:s1] =	ssyncset.done $0x0  }
0x1de: {  	[sflag:s1] =	ssyncadd.s32 $0xFFFFCE00  }
0x1df: {  	[spmem:s4] =	stream.indirect.scatter.add.f32 [tilespmem:s31], [sflag:$0x3], $0x10, s12, s0, $0xb8;
	[tilespmem:$0x1EA50] =	vst v63  }
0x1e0: {  	_ =	swait.ge [sflag:s1], $0x640  }
0x1e1: {  	[sflag:s1] =	ssyncset.done $0x0  }
0x1e2: {  	s21 =	simm.s32 $0x0;
	s22 =	rddreg [dreg:$0xd];
	[sflag:s1] =	ssyncadd.s32 $0xFFFFF9C0  }
0x1e3: {  	[tilespmem:s21], [sflag:$0x3] =	stream.linear.gather [hbm4b:s22+s21], $0x1040, $0x38;
	[tilespmem:$0x1EA50] =	vst v63  }
0x1e4: {  	_ =	swait.ge [sflag:s1], $0x1040  }
0x1e5: {  	[sflag:s1] =	ssyncset.done $0x0  }
0x1e6: {  	s23 =	rddreg [dreg:$0xe];
	[sflag:s1] =	ssyncadd.s32 $0xFFFFEFC0  }
0x1e7: {  	[tilespmem:s2], [sflag:$0x3] =	stream.linear.gather [hbm4b:s23+s21], $0x1040, $0x38;
	[tilespmem:$0x1EA50] =	vst v63  }
0x1e8: {  	_ =	swait.ge [sflag:s1], $0x1040  }
0x1e9: {  	[sflag:s1] =	ssyncset.done $0x0  }
0x1ea: {  	[sflag:s1] =	ssyncadd.s32 $0xFFFFEFC0  }
0x1eb: {  	[tilespmem:s6], [sflag:$0x1] =	stream.indirect.gather [hbm4b:s18+s0], $0x80, s21, s0, $0xb8;
	[tilespmem:$0x1EA50] =	vst v63  }
0x1ec: {  	s20 =	simm.s32 $0x68  }
0x1ed: {  	[tilespmem:s7], [sflag:$0x2] =	stream.indirect.gather [hbm4b:s18+s0], $0x80, s20, s0, $0xb8;
	[tilespmem:$0x1EA50] =	vst v63  }
0x1ee: {  	_ =	swait.ge [sflag:s8], $0x3200  }
0x1ef: {  	[sflag:s8] =	ssyncset.done $0x0  }
0x1f0: {  	s21 =	simm.s32 $0x1040;
	[sflag:s8] =	ssyncadd.s32 $0xFFFFCE00  }
0x1f1: {  	[spmem:s3] =	stream.indirect.scatter.add.f32 [tilespmem:s6], [sflag:$0x3], $0x80, s21, s0, $0xb8;
	[tilespmem:$0x1EA50] =	vst v63  }
0x1f2: {  	_ =	swait.ge [sflag:s1], $0x3200  }
0x1f3: {  	[sflag:s1] =	ssyncset.done $0x0  }
0x1f4: {  	[sflag:s1] =	ssyncadd.s32 $0xFFFFCE00  }
0x1f5: {  	[spmem:s4] =	stream.indirect.scatter.add.f32 [tilespmem:s31], [sflag:$0x3], $0x10, s21, s0, $0xb8;
	[tilespmem:$0x1EA50] =	vst v63  }
0x1f6: {  	_ =	swait.ge [sflag:s1], $0x640  }
0x1f7: {  	[sflag:s1] =	ssyncset.done $0x0  }
0x1f8: {  	s22 =	simm.s32 $0xD0;
	[sflag:s1] =	ssyncadd.s32 $0xFFFFF9C0  }
0x1f9: {  	[tilespmem:s6], [sflag:$0x1] =	stream.indirect.gather [hbm4b:s18+s0], $0x80, s22, s0, $0xb8;
	[tilespmem:$0x1EA50] =	vst v63  }
0x1fa: {  	_ =	swait.ge [sflag:s9], $0x3200  }
0x1fb: {  	[sflag:s9] =	ssyncset.done $0x0  }
0x1fc: {  	s23 =	simm.s32 $0x10A8;
	[sflag:s9] =	ssyncadd.s32 $0xFFFFCE00  }
0x1fd: {  	[spmem:s3] =	stream.indirect.scatter.add.f32 [tilespmem:s7], [sflag:$0x3], $0x80, s23, s0, $0xb8;
	[tilespmem:$0x1EA50] =	vst v63  }
0x1fe: {  	_ =	swait.ge [sflag:s1], $0x3200  }
0x1ff: {  	[sflag:s1] =	ssyncset.done $0x0  }
0x200: {  	[sflag:s1] =	ssyncadd.s32 $0xFFFFCE00  }
0x201: {  	[spmem:s4] =	stream.indirect.scatter.add.f32 [tilespmem:s31], [sflag:$0x3], $0x10, s23, s0, $0xb8;
	[tilespmem:$0x1EA50] =	vst v63  }
0x202: {  	_ =	swait.ge [sflag:s1], $0x640  }
0x203: {  	s17 =	simm.s32 $0xD0;
	s20 =	simm.s32 $0x680;
	[sflag:s1] =	ssyncset.done $0x0  }
.LBB2_10:
0x204: {  	s21 =	sadd.s32 $0x68, s17  }
0x205: {  	[sflag:s1] =	ssyncadd.s32 $0xFFFFF9C0;
	s22 =	smov.u32 s20;
	s23 =	sadd.s32 $0x340, s20  }
0x206: {  	[tilespmem:s7], [sflag:$0x2] =	stream.indirect.gather [hbm4b:s18+s0], $0x80, s21, s0, $0xb8;
	[tilespmem:$0x1EA50] =	vst v63  }
0x207: {  	p1 =	sne.s32 s20, $0x3A80;
	_ =	swait.ge [sflag:s8], $0x3200  }
0x208: {  	[sflag:s8] =	ssyncset.done $0x0  }
0x209: {  	s20 =	sadd.s32 $0x1040, s17;
	[sflag:s8] =	ssyncadd.s32 $0xFFFFCE00  }
0x20a: {  	[spmem:s3] =	stream.indirect.scatter.add.f32 [tilespmem:s6], [sflag:$0x3], $0x80, s20, s0, $0xb8;
	[tilespmem:$0x1EA50] =	vst v63  }
0x20b: {  	_ =	swait.ge [sflag:s1], $0x3200  }
0x20c: {  	[sflag:s1] =	ssyncset.done $0x0  }
0x20d: {  	[sflag:s1] =	ssyncadd.s32 $0xFFFFCE00  }
0x20e: {  	[spmem:s4] =	stream.indirect.scatter.add.f32 [tilespmem:s31], [sflag:$0x3], $0x10, s20, s0, $0xb8;
	[tilespmem:$0x1EA50] =	vst v63  }
0x20f: {  	_ =	swait.ge [sflag:s1], $0x640  }
0x210: {  	[sflag:s1] =	ssyncset.done $0x0  }
0x211: {  	s20 =	sadd.s32 $0xD0, s17;
	[sflag:s1] =	ssyncadd.s32 $0xFFFFF9C0  }
0x212: {  	[tilespmem:s6], [sflag:$0x1] =	stream.indirect.gather [hbm4b:s18+s0], $0x80, s20, s0, $0xb8;
	[tilespmem:$0x1EA50] =	vst v63  }
0x213: {  	_ =	swait.ge [sflag:s9], $0x3200  }
0x214: {  	[sflag:s9] =	ssyncset.done $0x0  }
0x215: {  	s17 =	sadd.s32 $0x10A8, s17;
	[sflag:s9] =	ssyncadd.s32 $0xFFFFCE00  }
0x216: {  	[spmem:s3] =	stream.indirect.scatter.add.f32 [tilespmem:s7], [sflag:$0x3], $0x80, s17, s0, $0xb8;
	[tilespmem:$0x1EA50] =	vst v63  }
0x217: {  	_ =	swait.ge [sflag:s1], $0x3200  }
.Ltmp4:
0x218: {  	[sflag:s1] =	ssyncset.done $0x0;
	(pc) =	sbr.rel @p1 .LBB2_10-.Ltmp4, $4  }
0x219: {  	[sflag:s1] =	ssyncadd.s32 $0xFFFFCE00  }
0x21a: {  	[spmem:s4] =	stream.indirect.scatter.add.f32 [tilespmem:s31], [sflag:$0x3], $0x10, s17, s0, $0xb8;
	[tilespmem:$0x1EA50] =	vst v63  }
0x21b: {  	_ =	swait.ge [sflag:s1], $0x640  }
0x21c: {  	s20 =	smov.u32 s23;
	s17 =	sshra.s32 s22, $0x2;
	[sflag:s1] =	ssyncset.done $0x0  }
0x21d: {  	s20 =	sadd.s32 $0x68, s17;
	[sflag:s1] =	ssyncadd.s32 $0xFFFFF9C0  }
0x21e: {  	[tilespmem:s7], [sflag:$0x2] =	stream.indirect.gather [hbm4b:s18+s0], $0x80, s20, s0, $0xb8;
	[tilespmem:$0x1EA50] =	vst v63  }
0x21f: {  	_ =	swait.ge [sflag:s8], $0x3200  }
0x220: {  	[sflag:s8] =	ssyncset.done $0x0  }
0x221: {  	s23 =	sadd.s32 $0x1040, s17;
	[sflag:s8] =	ssyncadd.s32 $0xFFFFCE00  }
0x222: {  	[spmem:s3] =	stream.indirect.scatter.add.f32 [tilespmem:s6], [sflag:$0x3], $0x80, s23, s0, $0xb8;
	[tilespmem:$0x1EA50] =	vst v63  }
0x223: {  	_ =	swait.ge [sflag:s1], $0x3200  }
0x224: {  	[sflag:s1] =	ssyncset.done $0x0  }
0x225: {  	[sflag:s1] =	ssyncadd.s32 $0xFFFFCE00  }
0x226: {  	[spmem:s4] =	stream.indirect.scatter.add.f32 [tilespmem:s31], [sflag:$0x3], $0x10, s23, s0, $0xb8;
	[tilespmem:$0x1EA50] =	vst v63  }
0x227: {  	_ =	swait.ge [sflag:s1], $0x640  }
0x228: {  	[sflag:s1] =	ssyncset.done $0x0  }
0x229: {  	s21 =	sadd.s32 $0xD0, s17;
	[sflag:s1] =	ssyncadd.s32 $0xFFFFF9C0  }
0x22a: {  	[tilespmem:s6], [sflag:$0x1] =	stream.indirect.gather [hbm4b:s18+s0], $0x80, s21, s0, $0xb8;
	[tilespmem:$0x1EA50] =	vst v63  }
0x22b: {  	_ =	swait.ge [sflag:s9], $0x3200  }
0x22c: {  	[sflag:s9] =	ssyncset.done $0x0  }
0x22d: {  	s22 =	sadd.s32 $0x10A8, s17;
	[sflag:s9] =	ssyncadd.s32 $0xFFFFCE00  }
0x22e: {  	[spmem:s3] =	stream.indirect.scatter.add.f32 [tilespmem:s7], [sflag:$0x3], $0x80, s22, s0, $0xb8;
	[tilespmem:$0x1EA50] =	vst v63  }
0x22f: {  	_ =	swait.ge [sflag:s1], $0x3200  }
0x230: {  	[sflag:s1] =	ssyncset.done $0x0  }
0x231: {  	[sflag:s1] =	ssyncadd.s32 $0xFFFFCE00  }
0x232: {  	[spmem:s4] =	stream.indirect.scatter.add.f32 [tilespmem:s31], [sflag:$0x3], $0x10, s22, s0, $0xb8;
	[tilespmem:$0x1EA50] =	vst v63  }
0x233: {  	_ =	swait.ge [sflag:s1], $0x640  }
0x234: {  	[sflag:s1] =	ssyncset.done $0x0  }
0x235: {  	[sflag:s1] =	ssyncadd.s32 $0xFFFFF9C0  }
0x236: {  	[tilespmem:s7], [sflag:$0x2] =	stream.indirect.gather [hbm4b:s18+s0], $0x80, s10, s0, $0xb8;
	[tilespmem:$0x1EA50] =	vst v63  }
0x237: {  	_ =	swait.ge [sflag:s8], $0x3200  }
0x238: {  	[sflag:s8] =	ssyncset.done $0x0  }
0x239: {  	[sflag:s8] =	ssyncadd.s32 $0xFFFFCE00  }
0x23a: {  	[spmem:s3] =	stream.indirect.scatter.add.f32 [tilespmem:s6], [sflag:$0x3], $0x80, s11, s0, $0xb8;
	[tilespmem:$0x1EA50] =	vst v63  }
0x23b: {  	_ =	swait.ge [sflag:s1], $0x3200  }
0x23c: {  	[sflag:s1] =	ssyncset.done $0x0  }
0x23d: {  	[sflag:s1] =	ssyncadd.s32 $0xFFFFCE00  }
0x23e: {  	[spmem:s4] =	stream.indirect.scatter.add.f32 [tilespmem:s31], [sflag:$0x3], $0x10, s11, s0, $0xb8;
	[tilespmem:$0x1EA50] =	vst v63  }
0x23f: {  	_ =	swait.ge [sflag:s1], $0x640  }
0x240: {  	[sflag:s1] =	ssyncset.done $0x0  }
0x241: {  	[sflag:s1] =	ssyncadd.s32 $0xFFFFF9C0  }
0x242: {  	_ =	swait.ge [sflag:s9], $0x3200  }
0x243: {  	[sflag:s9] =	ssyncset.done $0x0  }
0x244: {  	[sflag:s9] =	ssyncadd.s32 $0xFFFFCE00  }
0x245: {  	[spmem:s3] =	stream.indirect.scatter.add.f32 [tilespmem:s7], [sflag:$0x3], $0x80, s12, s0, $0xb8;
	[tilespmem:$0x1EA50] =	vst v63  }
0x246: {  	_ =	swait.ge [sflag:s1], $0x3200  }
0x247: {  	[sflag:s1] =	ssyncset.done $0x0  }
0x248: {  	[sflag:s1] =	ssyncadd.s32 $0xFFFFCE00  }
0x249: {  	[spmem:s4] =	stream.indirect.scatter.add.f32 [tilespmem:s31], [sflag:$0x3], $0x10, s12, s0, $0xb8;
	[tilespmem:$0x1EA50] =	vst v63  }
0x24a: {  	_ =	swait.ge [sflag:s1], $0x640  }
0x24b: {  	[sflag:s1] =	ssyncset.done $0x0  }
0x24c: {  	[sflag:s1] =	ssyncadd.s32 $0xFFFFF9C0  }
0x24d: {  	[bflag:$0x0] =	sbarrier.arrive $0xFFFF  }
0x24e: {  	s17 =	simm.s32 @p0 $0x1FC3;
	s20 =	rddreg [dreg:$0x12]  }
0x24f: {  	[hbm:s20], [sflag:s17] =	dma.local @p0 [spmem:s15], $0x2800  }
0x250: {  	s15 =	simm.s32 @p0 $0x3  }
0x251: {  	_ =	swait.ge @p0 [sflag:s15], $0x2800  }
0x252: {  	[sflag:s15] =	ssyncset.done @p0 $0x0  }
0x253: {  	s20 =	rddreg [dreg:$0x13];
	[sflag:s15] =	ssyncadd.s32 @p0 $0xFFFFD800  }
0x254: {  	[hbm:s20], [sflag:s17] =	dma.local @p0 [spmem:s16], $0x500  }
0x255: {  	_ =	swait.ge @p0 [sflag:s15], $0x500  }
0x256: {  	[sflag:s15] =	ssyncset.done @p0 $0x0  }
0x257: {  	[sflag:s15] =	ssyncadd.s32 @p0 $0xFFFFFB00;
	s15 =	rddreg [dreg:$0xf]  }
0x258: {  	[hbm:s15], [sflag:s14] =	dma.local @!p0 [spmem:s26], $0x2700  }
0x259: {  	s15 =	simm.s32 @!p0 $0x3  }
0x25a: {  	_ =	swait.ge @!p0 [sflag:s15], $0x2700  }
0x25b: {  	[sflag:s15] =	ssyncset.done @!p0 $0x0  }
0x25c: {  	s16 =	rddreg [dreg:$0x10];
	[sflag:s15] =	ssyncadd.s32 @!p0 $0xFFFFD900  }
0x25d: {  	[hbm:s16], [sflag:s14] =	dma.local @!p0 [spmem:s28], $0x4E0  }
0x25e: {  	_ =	swait.ge @!p0 [sflag:s15], $0x4E0  }
0x25f: {  	s13 =	sadd.s32 $0x1, s13;
	s23 =	rddreg [dreg:$0x14]  }
0x260: {  	p1 =	sne.s32 s13, s23  }
.Ltmp5:
0x261: {  	_ = 	snop;
	(pc) =	sbr.rel @p1 .LBB2_1-.Ltmp5, $3  }
0x262: {  	_ =	sdelay $0x1  }
0x263: {  	[sflag:s15] =	ssyncset.done @!p0 $0x0  }
0x264: {  	[sflag:s15] =	ssyncadd.s32 @!p0 $0xFFFFFB20  }
0x265: {  	_ =	sfence.sel $0x180000  }
0x266: {  	[bflag:$0x0] =	sbarrier.arrive $0xFFFF  }
0x267: {  	_ =	strace $0x90000047  }
0x268: {  	s0 =	stileid.u32;
	[bflag:$0x2] =	sbarrier.arrive $0xFFFF  }
0x269: {  	p0 =	sne.s32 s0, $0x0;
	s0 =	rddreg [dreg:$0x4]  }
0x26a: {  	s0 =	sadd.s32 @!p0 $0x100000, s0  }
0x26b: {  	[sflag:s0] =	ssyncadd.tile.s32 @!p0 $0x1;
	_ =	shalt  }
.Lfunc_end2:
_tile_overlayer_lowered:
.L_overlay_start_2:
0x26c: {  	(tag) =	ssettag $0x2  }
0x26d: {  	s0 =	rddreg [dreg:$0x0];
	s2 =	stileid.u32  }
0x26e: {  	s1 =	rddreg [dreg:$0x1];
	p0 =	sne.s32 s2, $0x0  }
0x26f: {  	s3 =	rddreg [dreg:$0x2];
	[bflag:$0x3] =	sbarrier.arrive $0xFFFF;
	s2 =	simm.s32 @!p0 $0x1C03  }
0x270: {  	[timem:s3], [sflag:s2] =	dma.local @!p0 [hbm:s0], s1  }
0x271: {  	s0 =	simm.s32 @!p0 $0x3  }
0x272: {  	_ =	swait.ge @!p0 [sflag:s0], s1  }
0x273: {  	s1 =	ssub.s32 @!p0 $0x0, s1;
	[sflag:s0] =	ssyncset.done @!p0 $0x0  }
0x274: {  	[sflag:s0] =	ssyncadd.s32 @!p0 s1  }
0x275: {  	[bflag:$0x3] =	sbarrier.arrive $0xFFFF  }
0x276: {  	_ =	shalt  }

</sc_bundles>
